<compile_context>
chip_gen: v7x
topology: tpu7x:2x2x1
jax: 0.10.2.dev20260603
libtpu: 0.0.44.dev20260713+nightly
codegen_flags: <defaults>
</compile_context>

<pallas_src>
import functools

import jax
import jax.numpy as jnp
from jax import lax
from jax.experimental import pallas as pl
from jax.experimental.pallas import tpu as pltpu
from jax.experimental.pallas import tpu_sc as plsc

_B = 16384
_L = 50
_D = 64
_NC = 2
_NS = 16
_NW = _NC * _NS
_BAGS_W = _B // _NW
_CHUNK = 16
_NCHUNK = _BAGS_W // _CHUNK
_ROWS = _CHUNK * _L
_NSTREAM = 8
_RPS = _ROWS // _NSTREAM


def _sc_embedding_bag(idx4, weight):
    mesh = plsc.VectorSubcoreMesh(core_axis_name="c", subcore_axis_name="s")

    @functools.partial(
        pl.kernel,
        out_type=jax.ShapeDtypeStruct((_B, _D), jnp.float32),
        mesh=mesh,
        compiler_params=pltpu.CompilerParams(use_tc_tiling_on_sc=False),
        scratch_types=[
            pltpu.VMEM((_NCHUNK, _NSTREAM, _RPS), jnp.int32),
            pltpu.VMEM((2, _ROWS, _D), jnp.float32),
            pltpu.VMEM((2, _CHUNK, _D), jnp.float32),
            pltpu.SemaphoreType.DMA,
            pltpu.SemaphoreType.DMA,
            pltpu.SemaphoreType.DMA,
            pltpu.SemaphoreType.DMA,
        ],
    )
    def body(idx_hbm, w_hbm, out_hbm, idx_v, rows_v, out_v,
             gsem0, gsem1, osem0, osem1):
        gsems = (gsem0, gsem1)
        osems = (osem0, osem1)
        wid = lax.axis_index("s") * _NC + lax.axis_index("c")
        bag0 = wid * _BAGS_W

        pltpu.sync_copy(idx_hbm.at[wid], idx_v)

        def issue(g, slot):
            for j in range(_NSTREAM):
                pltpu.make_async_copy(
                    w_hbm.at[idx_v.at[g, j]],
                    rows_v.at[slot, pl.ds(j * _RPS, _RPS), :],
                    gsems[slot],
                ).start()

        def drain_gather(slot):
            pltpu.make_async_copy(
                w_hbm.at[pl.ds(0, _ROWS), :], rows_v.at[slot], gsems[slot]
            ).wait()

        def drain_out(slot):
            pltpu.make_async_copy(
                out_v.at[slot], out_hbm.at[pl.ds(0, _CHUNK), :], osems[slot]
            ).wait()

        def compute(g, slot):
            def bag_body(i, c2):
                r0 = i * _L
                for d in range(_D // 16):
                    sl = pl.ds(d * 16, 16)
                    acc = rows_v[slot, r0, sl]
                    for l in range(1, _L):
                        acc = acc + rows_v[slot, r0 + l, sl]
                    out_v[slot, i, sl] = acc * jnp.float32(1.0 / _L)
                return c2

            lax.fori_loop(0, _CHUNK, bag_body, 0)
            pltpu.make_async_copy(
                out_v.at[slot],
                out_hbm.at[pl.ds(bag0 + g * _CHUNK, _CHUNK), :],
                osems[slot],
            ).start()

        issue(0, 0)

        def pair_body(p, carry):
            for b in range(2):
                g = 2 * p + b

                @pl.when(g + 1 < _NCHUNK)
                def _():
                    issue(g + 1, 1 - b)

                drain_gather(b)

                @pl.when(g >= 2)
                def _():
                    drain_out(b)

                compute(g, b)
            return carry

        lax.fori_loop(0, _NCHUNK // 2, pair_body, 0)
        drain_out(0)
        drain_out(1)

    return body(idx4, weight)


def kernel(input, weight):
    idx4 = input.astype(jnp.int32).reshape(_NW, _NCHUNK, _NSTREAM, _RPS)
    return _sc_embedding_bag(idx4, weight)

# --- scband reference (transcript-rebuilt; emitter-appended) ---
"""Pipeline reference for scband-custom-model-embedding-bag-12704513261890 (READ-ONLY COPY).

The authoritative reference and input builder live on the scoring server;
editing this copy changes nothing except your own understanding.
"""

import jax, jax.numpy as jnp
import numpy as np

NUM_EMBEDDINGS = 1000000
EMBEDDING_DIM = 64
BATCH = 16384
HIST_LEN = 50


def setup_inputs(seed: int = 0) -> dict:
    key = jax.random.key(seed)
    k1, k2 = jax.random.split(key)
    input_idx = jax.random.randint(k1, (BATCH, HIST_LEN), 0, NUM_EMBEDDINGS, dtype=jnp.int64 if jax.config.jax_enable_x64 else jnp.int32)
    weight = jax.random.normal(k2, (NUM_EMBEDDINGS, EMBEDDING_DIM), dtype=jnp.float32) * 0.02
    return {"input": input_idx, "weight": weight}


def reference(input, weight):
    # nn.EmbeddingBag default mode='mean': gather rows then mean-pool over bag dim
    gathered = jnp.take(weight, input, axis=0)  # [B, L, D]
    embed = jnp.mean(gathered, axis=1)          # [B, D]
    return embed

if __name__ == "__main__":
    import jax
    _d = setup_inputs()
    print(jax.jit(kernel)(*tuple(_d.values())))

</pallas_src>

<mosaic_0001>
#map = affine_map<(d0, d1) -> (0, 0, 0, 0)>
#map1 = affine_map<(d0, d1) -> (0, 0)>
module attributes {stable_mosaic.version = 14 : i64} {
  func.func @body(%arg0: i32, %arg1: i32, %arg2: memref<32x32x8x100xi32, #tpu.memory_space<hbm>>, %arg3: memref<1000000x64xf32, #tpu.memory_space<hbm>>, %arg4: memref<16384x64xf32, #tpu.memory_space<hbm>>, %arg5: memref<32x8x100xi32, #tpu.memory_space<vmem>>, %arg6: memref<2x800x64xf32, #tpu.memory_space<vmem>>, %arg7: memref<2x16x64xf32, #tpu.memory_space<vmem>>, %arg8: memref<!tpu.dma_semaphore, #tpu.memory_space<semaphore_mem>>, %arg9: memref<!tpu.dma_semaphore, #tpu.memory_space<semaphore_mem>>, %arg10: memref<!tpu.dma_semaphore, #tpu.memory_space<semaphore_mem>>, %arg11: memref<!tpu.dma_semaphore, #tpu.memory_space<semaphore_mem>>) attributes {dimension_semantics = [#tpu.dimension_semantics<core_parallel>, #tpu.dimension_semantics<subcore_parallel>], iteration_bounds = array<i64: 2, 16>, scalar_prefetch = 0 : i64, scratch_operands = 7 : i64, tpu.core_type = #tpu.core_type<sc_vector_subcore>, window_params = [{transform_indices = #map}, {transform_indices = #map1}, {transform_indices = #map1}]} {
    %mul3A = arith.constant 2 : i32
    %mul3A_0 = arith.muli %arg1, %mul3A : i32
    %add3A = arith.addi %mul3A_0, %arg0 : i32
    %mul3A_1 = arith.constant 512 : i32
    %mul3A_2 = arith.muli %add3A, %mul3A_1 : i32
    "tpu.region"() ({
      %run_scoped3A = tpu.sem_alloc : memref<!tpu.dma_semaphore, #tpu.memory_space<semaphore_mem>>
      %dma_start3A_140 = arith.constant 0 : i32
      %dma_start3A_141 = arith.constant 0 : i32
      %dma_start3A_142 = arith.constant 0 : i32
      %dma_start3A_143 = tpu.memref_slice %arg2[%add3A, %dma_start3A_140, %dma_start3A_141, %dma_start3A_142] : memref<32x32x8x100xi32, #tpu.memory_space<hbm>> -> memref<1x32x8x100xi32, #tpu.memory_space<hbm>>
      %dma_start3A_144 = tpu.memref_squeeze %dma_start3A_143 : memref<1x32x8x100xi32, #tpu.memory_space<hbm>> -> memref<32x8x100xi32, #tpu.memory_space<hbm>>
      %dma_start3A_145 = arith.constant 0 : i32
      %dma_start3A_146 = arith.constant 0 : i32
      %dma_start3A_147 = arith.constant 0 : i32
      %dma_start3A_148 = tpu.memref_slice %arg2[%add3A, %dma_start3A_145, %dma_start3A_146, %dma_start3A_147] : memref<32x32x8x100xi32, #tpu.memory_space<hbm>> -> memref<1x32x8x100xi32, #tpu.memory_space<hbm>>
      %dma_start3A_149 = tpu.memref_squeeze %dma_start3A_148 : memref<1x32x8x100xi32, #tpu.memory_space<hbm>> -> memref<32x8x100xi32, #tpu.memory_space<hbm>>
      tpu.enqueue_dma source(%dma_start3A_149 : memref<32x8x100xi32, #tpu.memory_space<hbm>>) target(%arg5 : memref<32x8x100xi32, #tpu.memory_space<vmem>>) target_semaphore(%run_scoped3A : memref<!tpu.dma_semaphore, #tpu.memory_space<semaphore_mem>>)
      %dma_wait3A_150 = arith.constant 0 : i32
      %dma_wait3A_151 = arith.constant 0 : i32
      %dma_wait3A_152 = arith.constant 0 : i32
      %dma_wait3A_153 = tpu.memref_slice %arg2[%add3A, %dma_wait3A_150, %dma_wait3A_151, %dma_wait3A_152] : memref<32x32x8x100xi32, #tpu.memory_space<hbm>> -> memref<1x32x8x100xi32, #tpu.memory_space<hbm>>
      %dma_wait3A_154 = tpu.memref_squeeze %dma_wait3A_153 : memref<1x32x8x100xi32, #tpu.memory_space<hbm>> -> memref<32x8x100xi32, #tpu.memory_space<hbm>>
      %dma_wait3A_155 = arith.constant 0 : i32
      %dma_wait3A_156 = arith.constant 0 : i32
      %dma_wait3A_157 = arith.constant 0 : i32
      %dma_wait3A_158 = tpu.memref_slice %arg2[%add3A, %dma_wait3A_155, %dma_wait3A_156, %dma_wait3A_157] : memref<32x32x8x100xi32, #tpu.memory_space<hbm>> -> memref<1x32x8x100xi32, #tpu.memory_space<hbm>>
      %dma_wait3A_159 = tpu.memref_squeeze %dma_wait3A_158 : memref<1x32x8x100xi32, #tpu.memory_space<hbm>> -> memref<32x8x100xi32, #tpu.memory_space<hbm>>
      tpu.wait_dma2 semaphore(%run_scoped3A : memref<!tpu.dma_semaphore, #tpu.memory_space<semaphore_mem>>) src(%dma_wait3A_159 : memref<32x8x100xi32, #tpu.memory_space<hbm>>) dst(%arg5 : memref<32x8x100xi32, #tpu.memory_space<vmem>>)
      tpu.yield
    }) : () -> ()
    %dma_start3A = arith.constant 0 : i32
    %dma_start3A_3 = arith.constant 0 : i32
    %dma_start3A_4 = arith.constant 0 : i32
    %dma_start3A_5 = arith.constant 0 : i32
    %dma_start3A_6 = arith.constant 0 : i32
    %dma_start3A_7 = tpu.memref_slice %arg6[%dma_start3A_4, %dma_start3A_5, %dma_start3A_6] : memref<2x800x64xf32, #tpu.memory_space<vmem>> -> memref<1x100x64xf32, #tpu.memory_space<vmem>>
    %dma_start3A_8 = tpu.memref_squeeze %dma_start3A_7 : memref<1x100x64xf32, #tpu.memory_space<vmem>> -> memref<100x64xf32, #tpu.memory_space<vmem>>
    %dma_start3A_9 = arith.constant 0 : i32
    %dma_start3A_10 = tpu.memref_slice %arg5[%dma_start3A, %dma_start3A_3, %dma_start3A_9] : memref<32x8x100xi32, #tpu.memory_space<vmem>> -> memref<1x1x100xi32, #tpu.memory_space<vmem>>
    %dma_start3A_11 = tpu.memref_squeeze %dma_start3A_10 : memref<1x1x100xi32, #tpu.memory_space<vmem>> -> memref<100xi32, #tpu.memory_space<vmem>>
    %dma_start3A_12 = arith.constant 0 : i32
    %dma_start3A_13 = arith.constant 0 : i32
    %dma_start3A_14 = tpu.memref_slice %arg3[%dma_start3A_12, %dma_start3A_13] : memref<1000000x64xf32, #tpu.memory_space<hbm>> -> memref<1000000x64xf32, #tpu.memory_space<hbm>>
    tpu.enqueue_indirect_dma source(%dma_start3A_14 : memref<1000000x64xf32, #tpu.memory_space<hbm>>) target(%dma_start3A_8 : memref<100x64xf32, #tpu.memory_space<vmem>>) offsets(%dma_start3A_11 : memref<100xi32, #tpu.memory_space<vmem>>) semaphore(%arg8 : memref<!tpu.dma_semaphore, #tpu.memory_space<semaphore_mem>>)
    %dma_start3A_15 = arith.constant 0 : i32
    %dma_start3A_16 = arith.constant 1 : i32
    %dma_start3A_17 = arith.constant 0 : i32
    %dma_start3A_18 = arith.constant 100 : i32
    %dma_start3A_19 = arith.constant 0 : i32
    %dma_start3A_20 = tpu.memref_slice %arg6[%dma_start3A_17, %dma_start3A_18, %dma_start3A_19] : memref<2x800x64xf32, #tpu.memory_space<vmem>> -> memref<1x100x64xf32, #tpu.memory_space<vmem>>
    %dma_start3A_21 = tpu.memref_squeeze %dma_start3A_20 : memref<1x100x64xf32, #tpu.memory_space<vmem>> -> memref<100x64xf32, #tpu.memory_space<vmem>>
    %dma_start3A_22 = arith.constant 0 : i32
    %dma_start3A_23 = tpu.memref_slice %arg5[%dma_start3A_15, %dma_start3A_16, %dma_start3A_22] : memref<32x8x100xi32, #tpu.memory_space<vmem>> -> memref<1x1x100xi32, #tpu.memory_space<vmem>>
    %dma_start3A_24 = tpu.memref_squeeze %dma_start3A_23 : memref<1x1x100xi32, #tpu.memory_space<vmem>> -> memref<100xi32, #tpu.memory_space<vmem>>
    %dma_start3A_25 = arith.constant 0 : i32
    %dma_start3A_26 = arith.constant 0 : i32
    %dma_start3A_27 = tpu.memref_slice %arg3[%dma_start3A_25, %dma_start3A_26] : memref<1000000x64xf32, #tpu.memory_space<hbm>> -> memref<1000000x64xf32, #tpu.memory_space<hbm>>
    tpu.enqueue_indirect_dma source(%dma_start3A_27 : memref<1000000x64xf32, #tpu.memory_space<hbm>>) target(%dma_start3A_21 : memref<100x64xf32, #tpu.memory_space<vmem>>) offsets(%dma_start3A_24 : memref<100xi32, #tpu.memory_space<vmem>>) semaphore(%arg8 : memref<!tpu.dma_semaphore, #tpu.memory_space<semaphore_mem>>)
    %dma_start3A_28 = arith.constant 0 : i32
    %dma_start3A_29 = arith.constant 2 : i32
    %dma_start3A_30 = arith.constant 0 : i32
    %dma_start3A_31 = arith.constant 200 : i32
    %dma_start3A_32 = arith.constant 0 : i32
    %dma_start3A_33 = tpu.memref_slice %arg6[%dma_start3A_30, %dma_start3A_31, %dma_start3A_32] : memref<2x800x64xf32, #tpu.memory_space<vmem>> -> memref<1x100x64xf32, #tpu.memory_space<vmem>>
    %dma_start3A_34 = tpu.memref_squeeze %dma_start3A_33 : memref<1x100x64xf32, #tpu.memory_space<vmem>> -> memref<100x64xf32, #tpu.memory_space<vmem>>
    %dma_start3A_35 = arith.constant 0 : i32
    %dma_start3A_36 = tpu.memref_slice %arg5[%dma_start3A_28, %dma_start3A_29, %dma_start3A_35] : memref<32x8x100xi32, #tpu.memory_space<vmem>> -> memref<1x1x100xi32, #tpu.memory_space<vmem>>
    %dma_start3A_37 = tpu.memref_squeeze %dma_start3A_36 : memref<1x1x100xi32, #tpu.memory_space<vmem>> -> memref<100xi32, #tpu.memory_space<vmem>>
    %dma_start3A_38 = arith.constant 0 : i32
    %dma_start3A_39 = arith.constant 0 : i32
    %dma_start3A_40 = tpu.memref_slice %arg3[%dma_start3A_38, %dma_start3A_39] : memref<1000000x64xf32, #tpu.memory_space<hbm>> -> memref<1000000x64xf32, #tpu.memory_space<hbm>>
    tpu.enqueue_indirect_dma source(%dma_start3A_40 : memref<1000000x64xf32, #tpu.memory_space<hbm>>) target(%dma_start3A_34 : memref<100x64xf32, #tpu.memory_space<vmem>>) offsets(%dma_start3A_37 : memref<100xi32, #tpu.memory_space<vmem>>) semaphore(%arg8 : memref<!tpu.dma_semaphore, #tpu.memory_space<semaphore_mem>>)
    %dma_start3A_41 = arith.constant 0 : i32
    %dma_start3A_42 = arith.constant 3 : i32
    %dma_start3A_43 = arith.constant 0 : i32
    %dma_start3A_44 = arith.constant 300 : i32
    %dma_start3A_45 = arith.constant 0 : i32
    %dma_start3A_46 = tpu.memref_slice %arg6[%dma_start3A_43, %dma_start3A_44, %dma_start3A_45] : memref<2x800x64xf32, #tpu.memory_space<vmem>> -> memref<1x100x64xf32, #tpu.memory_space<vmem>>
    %dma_start3A_47 = tpu.memref_squeeze %dma_start3A_46 : memref<1x100x64xf32, #tpu.memory_space<vmem>> -> memref<100x64xf32, #tpu.memory_space<vmem>>
    %dma_start3A_48 = arith.constant 0 : i32
    %dma_start3A_49 = tpu.memref_slice %arg5[%dma_start3A_41, %dma_start3A_42, %dma_start3A_48] : memref<32x8x100xi32, #tpu.memory_space<vmem>> -> memref<1x1x100xi32, #tpu.memory_space<vmem>>
    %dma_start3A_50 = tpu.memref_squeeze %dma_start3A_49 : memref<1x1x100xi32, #tpu.memory_space<vmem>> -> memref<100xi32, #tpu.memory_space<vmem>>
    %dma_start3A_51 = arith.constant 0 : i32
    %dma_start3A_52 = arith.constant 0 : i32
    %dma_start3A_53 = tpu.memref_slice %arg3[%dma_start3A_51, %dma_start3A_52] : memref<1000000x64xf32, #tpu.memory_space<hbm>> -> memref<1000000x64xf32, #tpu.memory_space<hbm>>
    tpu.enqueue_indirect_dma source(%dma_start3A_53 : memref<1000000x64xf32, #tpu.memory_space<hbm>>) target(%dma_start3A_47 : memref<100x64xf32, #tpu.memory_space<vmem>>) offsets(%dma_start3A_50 : memref<100xi32, #tpu.memory_space<vmem>>) semaphore(%arg8 : memref<!tpu.dma_semaphore, #tpu.memory_space<semaphore_mem>>)
    %dma_start3A_54 = arith.constant 0 : i32
    %dma_start3A_55 = arith.constant 4 : i32
    %dma_start3A_56 = arith.constant 0 : i32
    %dma_start3A_57 = arith.constant 400 : i32
    %dma_start3A_58 = arith.constant 0 : i32
    %dma_start3A_59 = tpu.memref_slice %arg6[%dma_start3A_56, %dma_start3A_57, %dma_start3A_58] : memref<2x800x64xf32, #tpu.memory_space<vmem>> -> memref<1x100x64xf32, #tpu.memory_space<vmem>>
    %dma_start3A_60 = tpu.memref_squeeze %dma_start3A_59 : memref<1x100x64xf32, #tpu.memory_space<vmem>> -> memref<100x64xf32, #tpu.memory_space<vmem>>
    %dma_start3A_61 = arith.constant 0 : i32
    %dma_start3A_62 = tpu.memref_slice %arg5[%dma_start3A_54, %dma_start3A_55, %dma_start3A_61] : memref<32x8x100xi32, #tpu.memory_space<vmem>> -> memref<1x1x100xi32, #tpu.memory_space<vmem>>
    %dma_start3A_63 = tpu.memref_squeeze %dma_start3A_62 : memref<1x1x100xi32, #tpu.memory_space<vmem>> -> memref<100xi32, #tpu.memory_space<vmem>>
    %dma_start3A_64 = arith.constant 0 : i32
    %dma_start3A_65 = arith.constant 0 : i32
    %dma_start3A_66 = tpu.memref_slice %arg3[%dma_start3A_64, %dma_start3A_65] : memref<1000000x64xf32, #tpu.memory_space<hbm>> -> memref<1000000x64xf32, #tpu.memory_space<hbm>>
    tpu.enqueue_indirect_dma source(%dma_start3A_66 : memref<1000000x64xf32, #tpu.memory_space<hbm>>) target(%dma_start3A_60 : memref<100x64xf32, #tpu.memory_space<vmem>>) offsets(%dma_start3A_63 : memref<100xi32, #tpu.memory_space<vmem>>) semaphore(%arg8 : memref<!tpu.dma_semaphore, #tpu.memory_space<semaphore_mem>>)
    %dma_start3A_67 = arith.constant 0 : i32
    %dma_start3A_68 = arith.constant 5 : i32
    %dma_start3A_69 = arith.constant 0 : i32
    %dma_start3A_70 = arith.constant 500 : i32
    %dma_start3A_71 = arith.constant 0 : i32
    %dma_start3A_72 = tpu.memref_slice %arg6[%dma_start3A_69, %dma_start3A_70, %dma_start3A_71] : memref<2x800x64xf32, #tpu.memory_space<vmem>> -> memref<1x100x64xf32, #tpu.memory_space<vmem>>
    %dma_start3A_73 = tpu.memref_squeeze %dma_start3A_72 : memref<1x100x64xf32, #tpu.memory_space<vmem>> -> memref<100x64xf32, #tpu.memory_space<vmem>>
    %dma_start3A_74 = arith.constant 0 : i32
    %dma_start3A_75 = tpu.memref_slice %arg5[%dma_start3A_67, %dma_start3A_68, %dma_start3A_74] : memref<32x8x100xi32, #tpu.memory_space<vmem>> -> memref<1x1x100xi32, #tpu.memory_space<vmem>>
    %dma_start3A_76 = tpu.memref_squeeze %dma_start3A_75 : memref<1x1x100xi32, #tpu.memory_space<vmem>> -> memref<100xi32, #tpu.memory_space<vmem>>
    %dma_start3A_77 = arith.constant 0 : i32
    %dma_start3A_78 = arith.constant 0 : i32
    %dma_start3A_79 = tpu.memref_slice %arg3[%dma_start3A_77, %dma_start3A_78] : memref<1000000x64xf32, #tpu.memory_space<hbm>> -> memref<1000000x64xf32, #tpu.memory_space<hbm>>
    tpu.enqueue_indirect_dma source(%dma_start3A_79 : memref<1000000x64xf32, #tpu.memory_space<hbm>>) target(%dma_start3A_73 : memref<100x64xf32, #tpu.memory_space<vmem>>) offsets(%dma_start3A_76 : memref<100xi32, #tpu.memory_space<vmem>>) semaphore(%arg8 : memref<!tpu.dma_semaphore, #tpu.memory_space<semaphore_mem>>)
    %dma_start3A_80 = arith.constant 0 : i32
    %dma_start3A_81 = arith.constant 6 : i32
    %dma_start3A_82 = arith.constant 0 : i32
    %dma_start3A_83 = arith.constant 600 : i32
    %dma_start3A_84 = arith.constant 0 : i32
    %dma_start3A_85 = tpu.memref_slice %arg6[%dma_start3A_82, %dma_start3A_83, %dma_start3A_84] : memref<2x800x64xf32, #tpu.memory_space<vmem>> -> memref<1x100x64xf32, #tpu.memory_space<vmem>>
    %dma_start3A_86 = tpu.memref_squeeze %dma_start3A_85 : memref<1x100x64xf32, #tpu.memory_space<vmem>> -> memref<100x64xf32, #tpu.memory_space<vmem>>
    %dma_start3A_87 = arith.constant 0 : i32
    %dma_start3A_88 = tpu.memref_slice %arg5[%dma_start3A_80, %dma_start3A_81, %dma_start3A_87] : memref<32x8x100xi32, #tpu.memory_space<vmem>> -> memref<1x1x100xi32, #tpu.memory_space<vmem>>
    %dma_start3A_89 = tpu.memref_squeeze %dma_start3A_88 : memref<1x1x100xi32, #tpu.memory_space<vmem>> -> memref<100xi32, #tpu.memory_space<vmem>>
    %dma_start3A_90 = arith.constant 0 : i32
    %dma_start3A_91 = arith.constant 0 : i32
    %dma_start3A_92 = tpu.memref_slice %arg3[%dma_start3A_90, %dma_start3A_91] : memref<1000000x64xf32, #tpu.memory_space<hbm>> -> memref<1000000x64xf32, #tpu.memory_space<hbm>>
    tpu.enqueue_indirect_dma source(%dma_start3A_92 : memref<1000000x64xf32, #tpu.memory_space<hbm>>) target(%dma_start3A_86 : memref<100x64xf32, #tpu.memory_space<vmem>>) offsets(%dma_start3A_89 : memref<100xi32, #tpu.memory_space<vmem>>) semaphore(%arg8 : memref<!tpu.dma_semaphore, #tpu.memory_space<semaphore_mem>>)
    %dma_start3A_93 = arith.constant 0 : i32
    %dma_start3A_94 = arith.constant 7 : i32
    %dma_start3A_95 = arith.constant 0 : i32
    %dma_start3A_96 = arith.constant 700 : i32
    %dma_start3A_97 = arith.constant 0 : i32
    %dma_start3A_98 = tpu.memref_slice %arg6[%dma_start3A_95, %dma_start3A_96, %dma_start3A_97] : memref<2x800x64xf32, #tpu.memory_space<vmem>> -> memref<1x100x64xf32, #tpu.memory_space<vmem>>
    %dma_start3A_99 = tpu.memref_squeeze %dma_start3A_98 : memref<1x100x64xf32, #tpu.memory_space<vmem>> -> memref<100x64xf32, #tpu.memory_space<vmem>>
    %dma_start3A_100 = arith.constant 0 : i32
    %dma_start3A_101 = tpu.memref_slice %arg5[%dma_start3A_93, %dma_start3A_94, %dma_start3A_100] : memref<32x8x100xi32, #tpu.memory_space<vmem>> -> memref<1x1x100xi32, #tpu.memory_space<vmem>>
    %dma_start3A_102 = tpu.memref_squeeze %dma_start3A_101 : memref<1x1x100xi32, #tpu.memory_space<vmem>> -> memref<100xi32, #tpu.memory_space<vmem>>
    %dma_start3A_103 = arith.constant 0 : i32
    %dma_start3A_104 = arith.constant 0 : i32
    %dma_start3A_105 = tpu.memref_slice %arg3[%dma_start3A_103, %dma_start3A_104] : memref<1000000x64xf32, #tpu.memory_space<hbm>> -> memref<1000000x64xf32, #tpu.memory_space<hbm>>
    tpu.enqueue_indirect_dma source(%dma_start3A_105 : memref<1000000x64xf32, #tpu.memory_space<hbm>>) target(%dma_start3A_99 : memref<100x64xf32, #tpu.memory_space<vmem>>) offsets(%dma_start3A_102 : memref<100xi32, #tpu.memory_space<vmem>>) semaphore(%arg8 : memref<!tpu.dma_semaphore, #tpu.memory_space<semaphore_mem>>)
    %scan3A = arith.constant 0 : i32
    %scan3A_106 = arith.constant 0 : i32
    %scan3A_107 = arith.constant 16 : i32
    %scan3A_108 = arith.addi %scan3A_106, %scan3A_107 : i32
    %scan3A_109 = arith.constant 1 : i32
    scf.for %scan3A_140 = %scan3A_106 to %scan3A_108 step %scan3A_109  : i32 {
      %mul3A_141 = arith.constant 2 : i32
      %mul3A_142 = arith.muli %mul3A_141, %scan3A_140 : i32
      %add3A_143 = arith.constant 0 : i32
      %add3A_144 = arith.addi %mul3A_142, %add3A_143 : i32
      %add3A_145 = arith.constant 1 : i32
      %add3A_146 = arith.addi %add3A_144, %add3A_145 : i32
      %lt3A = arith.constant 32 : i32
      %lt3A_147 = arith.cmpi slt, %add3A_146, %lt3A : i32
      %convert_element_type3A = arith.extui %lt3A_147 : i1 to i32
      %cond3A = arith.constant 0 : i32
      %cond3A_148 = arith.cmpi ne, %convert_element_type3A, %cond3A : i32
      scf.if %cond3A_148 {
        %add3A_243 = arith.constant 1 : i32
        %add3A_244 = arith.addi %add3A_144, %add3A_243 : i32
        %dma_start3A_245 = arith.constant 0 : i32
        %dma_start3A_246 = arith.constant 1 : i32
        %dma_start3A_247 = arith.constant 0 : i32
        %dma_start3A_248 = arith.constant 0 : i32
        %dma_start3A_249 = tpu.memref_slice %arg6[%dma_start3A_246, %dma_start3A_247, %dma_start3A_248] : memref<2x800x64xf32, #tpu.memory_space<vmem>> -> memref<1x100x64xf32, #tpu.memory_space<vmem>>
        %dma_start3A_250 = tpu.memref_squeeze %dma_start3A_249 : memref<1x100x64xf32, #tpu.memory_space<vmem>> -> memref<100x64xf32, #tpu.memory_space<vmem>>
        %dma_start3A_251 = arith.constant 0 : i32
        %dma_start3A_252 = tpu.memref_slice %arg5[%add3A_244, %dma_start3A_245, %dma_start3A_251] : memref<32x8x100xi32, #tpu.memory_space<vmem>> -> memref<1x1x100xi32, #tpu.memory_space<vmem>>
        %dma_start3A_253 = tpu.memref_squeeze %dma_start3A_252 : memref<1x1x100xi32, #tpu.memory_space<vmem>> -> memref<100xi32, #tpu.memory_space<vmem>>
        %dma_start3A_254 = arith.constant 0 : i32
        %dma_start3A_255 = arith.constant 0 : i32
        %dma_start3A_256 = tpu.memref_slice %arg3[%dma_start3A_254, %dma_start3A_255] : memref<1000000x64xf32, #tpu.memory_space<hbm>> -> memref<1000000x64xf32, #tpu.memory_space<hbm>>
        tpu.enqueue_indirect_dma source(%dma_start3A_256 : memref<1000000x64xf32, #tpu.memory_space<hbm>>) target(%dma_start3A_250 : memref<100x64xf32, #tpu.memory_space<vmem>>) offsets(%dma_start3A_253 : memref<100xi32, #tpu.memory_space<vmem>>) semaphore(%arg9 : memref<!tpu.dma_semaphore, #tpu.memory_space<semaphore_mem>>)
        %dma_start3A_257 = arith.constant 1 : i32
        %dma_start3A_258 = arith.constant 1 : i32
        %dma_start3A_259 = arith.constant 100 : i32
        %dma_start3A_260 = arith.constant 0 : i32
        %dma_start3A_261 = tpu.memref_slice %arg6[%dma_start3A_258, %dma_start3A_259, %dma_start3A_260] : memref<2x800x64xf32, #tpu.memory_space<vmem>> -> memref<1x100x64xf32, #tpu.memory_space<vmem>>
        %dma_start3A_262 = tpu.memref_squeeze %dma_start3A_261 : memref<1x100x64xf32, #tpu.memory_space<vmem>> -> memref<100x64xf32, #tpu.memory_space<vmem>>
        %dma_start3A_263 = arith.constant 0 : i32
        %dma_start3A_264 = tpu.memref_slice %arg5[%add3A_244, %dma_start3A_257, %dma_start3A_263] : memref<32x8x100xi32, #tpu.memory_space<vmem>> -> memref<1x1x100xi32, #tpu.memory_space<vmem>>
        %dma_start3A_265 = tpu.memref_squeeze %dma_start3A_264 : memref<1x1x100xi32, #tpu.memory_space<vmem>> -> memref<100xi32, #tpu.memory_space<vmem>>
        %dma_start3A_266 = arith.constant 0 : i32
        %dma_start3A_267 = arith.constant 0 : i32
        %dma_start3A_268 = tpu.memref_slice %arg3[%dma_start3A_266, %dma_start3A_267] : memref<1000000x64xf32, #tpu.memory_space<hbm>> -> memref<1000000x64xf32, #tpu.memory_space<hbm>>
        tpu.enqueue_indirect_dma source(%dma_start3A_268 : memref<1000000x64xf32, #tpu.memory_space<hbm>>) target(%dma_start3A_262 : memref<100x64xf32, #tpu.memory_space<vmem>>) offsets(%dma_start3A_265 : memref<100xi32, #tpu.memory_space<vmem>>) semaphore(%arg9 : memref<!tpu.dma_semaphore, #tpu.memory_space<semaphore_mem>>)
        %dma_start3A_269 = arith.constant 2 : i32
        %dma_start3A_270 = arith.constant 1 : i32
        %dma_start3A_271 = arith.constant 200 : i32
        %dma_start3A_272 = arith.constant 0 : i32
        %dma_start3A_273 = tpu.memref_slice %arg6[%dma_start3A_270, %dma_start3A_271, %dma_start3A_272] : memref<2x800x64xf32, #tpu.memory_space<vmem>> -> memref<1x100x64xf32, #tpu.memory_space<vmem>>
        %dma_start3A_274 = tpu.memref_squeeze %dma_start3A_273 : memref<1x100x64xf32, #tpu.memory_space<vmem>> -> memref<100x64xf32, #tpu.memory_space<vmem>>
        %dma_start3A_275 = arith.constant 0 : i32
        %dma_start3A_276 = tpu.memref_slice %arg5[%add3A_244, %dma_start3A_269, %dma_start3A_275] : memref<32x8x100xi32, #tpu.memory_space<vmem>> -> memref<1x1x100xi32, #tpu.memory_space<vmem>>
        %dma_start3A_277 = tpu.memref_squeeze %dma_start3A_276 : memref<1x1x100xi32, #tpu.memory_space<vmem>> -> memref<100xi32, #tpu.memory_space<vmem>>
        %dma_start3A_278 = arith.constant 0 : i32
        %dma_start3A_279 = arith.constant 0 : i32
        %dma_start3A_280 = tpu.memref_slice %arg3[%dma_start3A_278, %dma_start3A_279] : memref<1000000x64xf32, #tpu.memory_space<hbm>> -> memref<1000000x64xf32, #tpu.memory_space<hbm>>
        tpu.enqueue_indirect_dma source(%dma_start3A_280 : memref<1000000x64xf32, #tpu.memory_space<hbm>>) target(%dma_start3A_274 : memref<100x64xf32, #tpu.memory_space<vmem>>) offsets(%dma_start3A_277 : memref<100xi32, #tpu.memory_space<vmem>>) semaphore(%arg9 : memref<!tpu.dma_semaphore, #tpu.memory_space<semaphore_mem>>)
        %dma_start3A_281 = arith.constant 3 : i32
        %dma_start3A_282 = arith.constant 1 : i32
        %dma_start3A_283 = arith.constant 300 : i32
        %dma_start3A_284 = arith.constant 0 : i32
        %dma_start3A_285 = tpu.memref_slice %arg6[%dma_start3A_282, %dma_start3A_283, %dma_start3A_284] : memref<2x800x64xf32, #tpu.memory_space<vmem>> -> memref<1x100x64xf32, #tpu.memory_space<vmem>>
        %dma_start3A_286 = tpu.memref_squeeze %dma_start3A_285 : memref<1x100x64xf32, #tpu.memory_space<vmem>> -> memref<100x64xf32, #tpu.memory_space<vmem>>
        %dma_start3A_287 = arith.constant 0 : i32
        %dma_start3A_288 = tpu.memref_slice %arg5[%add3A_244, %dma_start3A_281, %dma_start3A_287] : memref<32x8x100xi32, #tpu.memory_space<vmem>> -> memref<1x1x100xi32, #tpu.memory_space<vmem>>
        %dma_start3A_289 = tpu.memref_squeeze %dma_start3A_288 : memref<1x1x100xi32, #tpu.memory_space<vmem>> -> memref<100xi32, #tpu.memory_space<vmem>>
        %dma_start3A_290 = arith.constant 0 : i32
        %dma_start3A_291 = arith.constant 0 : i32
        %dma_start3A_292 = tpu.memref_slice %arg3[%dma_start3A_290, %dma_start3A_291] : memref<1000000x64xf32, #tpu.memory_space<hbm>> -> memref<1000000x64xf32, #tpu.memory_space<hbm>>
        tpu.enqueue_indirect_dma source(%dma_start3A_292 : memref<1000000x64xf32, #tpu.memory_space<hbm>>) target(%dma_start3A_286 : memref<100x64xf32, #tpu.memory_space<vmem>>) offsets(%dma_start3A_289 : memref<100xi32, #tpu.memory_space<vmem>>) semaphore(%arg9 : memref<!tpu.dma_semaphore, #tpu.memory_space<semaphore_mem>>)
        %dma_start3A_293 = arith.constant 4 : i32
        %dma_start3A_294 = arith.constant 1 : i32
        %dma_start3A_295 = arith.constant 400 : i32
        %dma_start3A_296 = arith.constant 0 : i32
        %dma_start3A_297 = tpu.memref_slice %arg6[%dma_start3A_294, %dma_start3A_295, %dma_start3A_296] : memref<2x800x64xf32, #tpu.memory_space<vmem>> -> memref<1x100x64xf32, #tpu.memory_space<vmem>>
        %dma_start3A_298 = tpu.memref_squeeze %dma_start3A_297 : memref<1x100x64xf32, #tpu.memory_space<vmem>> -> memref<100x64xf32, #tpu.memory_space<vmem>>
        %dma_start3A_299 = arith.constant 0 : i32
        %dma_start3A_300 = tpu.memref_slice %arg5[%add3A_244, %dma_start3A_293, %dma_start3A_299] : memref<32x8x100xi32, #tpu.memory_space<vmem>> -> memref<1x1x100xi32, #tpu.memory_space<vmem>>
        %dma_start3A_301 = tpu.memref_squeeze %dma_start3A_300 : memref<1x1x100xi32, #tpu.memory_space<vmem>> -> memref<100xi32, #tpu.memory_space<vmem>>
        %dma_start3A_302 = arith.constant 0 : i32
        %dma_start3A_303 = arith.constant 0 : i32
        %dma_start3A_304 = tpu.memref_slice %arg3[%dma_start3A_302, %dma_start3A_303] : memref<1000000x64xf32, #tpu.memory_space<hbm>> -> memref<1000000x64xf32, #tpu.memory_space<hbm>>
        tpu.enqueue_indirect_dma source(%dma_start3A_304 : memref<1000000x64xf32, #tpu.memory_space<hbm>>) target(%dma_start3A_298 : memref<100x64xf32, #tpu.memory_space<vmem>>) offsets(%dma_start3A_301 : memref<100xi32, #tpu.memory_space<vmem>>) semaphore(%arg9 : memref<!tpu.dma_semaphore, #tpu.memory_space<semaphore_mem>>)
        %dma_start3A_305 = arith.constant 5 : i32
        %dma_start3A_306 = arith.constant 1 : i32
        %dma_start3A_307 = arith.constant 500 : i32
        %dma_start3A_308 = arith.constant 0 : i32
        %dma_start3A_309 = tpu.memref_slice %arg6[%dma_start3A_306, %dma_start3A_307, %dma_start3A_308] : memref<2x800x64xf32, #tpu.memory_space<vmem>> -> memref<1x100x64xf32, #tpu.memory_space<vmem>>
        %dma_start3A_310 = tpu.memref_squeeze %dma_start3A_309 : memref<1x100x64xf32, #tpu.memory_space<vmem>> -> memref<100x64xf32, #tpu.memory_space<vmem>>
        %dma_start3A_311 = arith.constant 0 : i32
        %dma_start3A_312 = tpu.memref_slice %arg5[%add3A_244, %dma_start3A_305, %dma_start3A_311] : memref<32x8x100xi32, #tpu.memory_space<vmem>> -> memref<1x1x100xi32, #tpu.memory_space<vmem>>
        %dma_start3A_313 = tpu.memref_squeeze %dma_start3A_312 : memref<1x1x100xi32, #tpu.memory_space<vmem>> -> memref<100xi32, #tpu.memory_space<vmem>>
        %dma_start3A_314 = arith.constant 0 : i32
        %dma_start3A_315 = arith.constant 0 : i32
        %dma_start3A_316 = tpu.memref_slice %arg3[%dma_start3A_314, %dma_start3A_315] : memref<1000000x64xf32, #tpu.memory_space<hbm>> -> memref<1000000x64xf32, #tpu.memory_space<hbm>>
        tpu.enqueue_indirect_dma source(%dma_start3A_316 : memref<1000000x64xf32, #tpu.memory_space<hbm>>) target(%dma_start3A_310 : memref<100x64xf32, #tpu.memory_space<vmem>>) offsets(%dma_start3A_313 : memref<100xi32, #tpu.memory_space<vmem>>) semaphore(%arg9 : memref<!tpu.dma_semaphore, #tpu.memory_space<semaphore_mem>>)
        %dma_start3A_317 = arith.constant 6 : i32
        %dma_start3A_318 = arith.constant 1 : i32
        %dma_start3A_319 = arith.constant 600 : i32
        %dma_start3A_320 = arith.constant 0 : i32
        %dma_start3A_321 = tpu.memref_slice %arg6[%dma_start3A_318, %dma_start3A_319, %dma_start3A_320] : memref<2x800x64xf32, #tpu.memory_space<vmem>> -> memref<1x100x64xf32, #tpu.memory_space<vmem>>
        %dma_start3A_322 = tpu.memref_squeeze %dma_start3A_321 : memref<1x100x64xf32, #tpu.memory_space<vmem>> -> memref<100x64xf32, #tpu.memory_space<vmem>>
        %dma_start3A_323 = arith.constant 0 : i32
        %dma_start3A_324 = tpu.memref_slice %arg5[%add3A_244, %dma_start3A_317, %dma_start3A_323] : memref<32x8x100xi32, #tpu.memory_space<vmem>> -> memref<1x1x100xi32, #tpu.memory_space<vmem>>
        %dma_start3A_325 = tpu.memref_squeeze %dma_start3A_324 : memref<1x1x100xi32, #tpu.memory_space<vmem>> -> memref<100xi32, #tpu.memory_space<vmem>>
        %dma_start3A_326 = arith.constant 0 : i32
        %dma_start3A_327 = arith.constant 0 : i32
        %dma_start3A_328 = tpu.memref_slice %arg3[%dma_start3A_326, %dma_start3A_327] : memref<1000000x64xf32, #tpu.memory_space<hbm>> -> memref<1000000x64xf32, #tpu.memory_space<hbm>>
        tpu.enqueue_indirect_dma source(%dma_start3A_328 : memref<1000000x64xf32, #tpu.memory_space<hbm>>) target(%dma_start3A_322 : memref<100x64xf32, #tpu.memory_space<vmem>>) offsets(%dma_start3A_325 : memref<100xi32, #tpu.memory_space<vmem>>) semaphore(%arg9 : memref<!tpu.dma_semaphore, #tpu.memory_space<semaphore_mem>>)
        %dma_start3A_329 = arith.constant 7 : i32
        %dma_start3A_330 = arith.constant 1 : i32
        %dma_start3A_331 = arith.constant 700 : i32
        %dma_start3A_332 = arith.constant 0 : i32
        %dma_start3A_333 = tpu.memref_slice %arg6[%dma_start3A_330, %dma_start3A_331, %dma_start3A_332] : memref<2x800x64xf32, #tpu.memory_space<vmem>> -> memref<1x100x64xf32, #tpu.memory_space<vmem>>
        %dma_start3A_334 = tpu.memref_squeeze %dma_start3A_333 : memref<1x100x64xf32, #tpu.memory_space<vmem>> -> memref<100x64xf32, #tpu.memory_space<vmem>>
        %dma_start3A_335 = arith.constant 0 : i32
        %dma_start3A_336 = tpu.memref_slice %arg5[%add3A_244, %dma_start3A_329, %dma_start3A_335] : memref<32x8x100xi32, #tpu.memory_space<vmem>> -> memref<1x1x100xi32, #tpu.memory_space<vmem>>
        %dma_start3A_337 = tpu.memref_squeeze %dma_start3A_336 : memref<1x1x100xi32, #tpu.memory_space<vmem>> -> memref<100xi32, #tpu.memory_space<vmem>>
        %dma_start3A_338 = arith.constant 0 : i32
        %dma_start3A_339 = arith.constant 0 : i32
        %dma_start3A_340 = tpu.memref_slice %arg3[%dma_start3A_338, %dma_start3A_339] : memref<1000000x64xf32, #tpu.memory_space<hbm>> -> memref<1000000x64xf32, #tpu.memory_space<hbm>>
        tpu.enqueue_indirect_dma source(%dma_start3A_340 : memref<1000000x64xf32, #tpu.memory_space<hbm>>) target(%dma_start3A_334 : memref<100x64xf32, #tpu.memory_space<vmem>>) offsets(%dma_start3A_337 : memref<100xi32, #tpu.memory_space<vmem>>) semaphore(%arg9 : memref<!tpu.dma_semaphore, #tpu.memory_space<semaphore_mem>>)
      } else {
      }
      %dma_wait3A_149 = arith.constant 0 : i32
      %dma_wait3A_150 = arith.constant 0 : i32
      %dma_wait3A_151 = arith.constant 0 : i32
      %dma_wait3A_152 = tpu.memref_slice %arg6[%dma_wait3A_149, %dma_wait3A_150, %dma_wait3A_151] : memref<2x800x64xf32, #tpu.memory_space<vmem>> -> memref<1x800x64xf32, #tpu.memory_space<vmem>>
      %dma_wait3A_153 = tpu.memref_squeeze %dma_wait3A_152 : memref<1x800x64xf32, #tpu.memory_space<vmem>> -> memref<800x64xf32, #tpu.memory_space<vmem>>
      %dma_wait3A_154 = arith.constant 0 : i32
      %dma_wait3A_155 = arith.constant 0 : i32
      %dma_wait3A_156 = tpu.memref_slice %arg3[%dma_wait3A_154, %dma_wait3A_155] : memref<1000000x64xf32, #tpu.memory_space<hbm>> -> memref<800x64xf32, #tpu.memory_space<hbm>>
      %dma_wait3A_157 = arith.constant 0 : i32
      %dma_wait3A_158 = arith.constant 0 : i32
      %dma_wait3A_159 = tpu.memref_slice %arg6[%dma_wait3A_149, %dma_wait3A_157, %dma_wait3A_158] : memref<2x800x64xf32, #tpu.memory_space<vmem>> -> memref<1x800x64xf32, #tpu.memory_space<vmem>>
      %dma_wait3A_160 = tpu.memref_squeeze %dma_wait3A_159 : memref<1x800x64xf32, #tpu.memory_space<vmem>> -> memref<800x64xf32, #tpu.memory_space<vmem>>
      %dma_wait3A_161 = arith.constant 0 : i32
      %dma_wait3A_162 = arith.constant 0 : i32
      %dma_wait3A_163 = tpu.memref_slice %arg3[%dma_wait3A_161, %dma_wait3A_162] : memref<1000000x64xf32, #tpu.memory_space<hbm>> -> memref<800x64xf32, #tpu.memory_space<hbm>>
      tpu.wait_dma2 semaphore(%arg8 : memref<!tpu.dma_semaphore, #tpu.memory_space<semaphore_mem>>) src(%dma_wait3A_163 : memref<800x64xf32, #tpu.memory_space<hbm>>) dst(%dma_wait3A_160 : memref<800x64xf32, #tpu.memory_space<vmem>>)
      %ge3A = arith.constant 2 : i32
      %ge3A_164 = arith.cmpi sge, %add3A_144, %ge3A : i32
      %convert_element_type3A_165 = arith.extui %ge3A_164 : i1 to i32
      %cond3A_166 = arith.constant 0 : i32
      %cond3A_167 = arith.cmpi ne, %convert_element_type3A_165, %cond3A_166 : i32
      scf.if %cond3A_167 {
        %dma_wait3A_243 = arith.constant 0 : i32
        %dma_wait3A_244 = arith.constant 0 : i32
        %dma_wait3A_245 = arith.constant 0 : i32
        %dma_wait3A_246 = tpu.memref_slice %arg7[%dma_wait3A_243, %dma_wait3A_244, %dma_wait3A_245] : memref<2x16x64xf32, #tpu.memory_space<vmem>> -> memref<1x16x64xf32, #tpu.memory_space<vmem>>
        %dma_wait3A_247 = tpu.memref_squeeze %dma_wait3A_246 : memref<1x16x64xf32, #tpu.memory_space<vmem>> -> memref<16x64xf32, #tpu.memory_space<vmem>>
        %dma_wait3A_248 = arith.constant 0 : i32
        %dma_wait3A_249 = arith.constant 0 : i32
        %dma_wait3A_250 = tpu.memref_slice %arg4[%dma_wait3A_248, %dma_wait3A_249] : memref<16384x64xf32, #tpu.memory_space<hbm>> -> memref<16x64xf32, #tpu.memory_space<hbm>>
        %dma_wait3A_251 = arith.constant 0 : i32
        %dma_wait3A_252 = arith.constant 0 : i32
        %dma_wait3A_253 = tpu.memref_slice %arg4[%dma_wait3A_251, %dma_wait3A_252] : memref<16384x64xf32, #tpu.memory_space<hbm>> -> memref<16x64xf32, #tpu.memory_space<hbm>>
        %dma_wait3A_254 = arith.constant 0 : i32
        %dma_wait3A_255 = arith.constant 0 : i32
        %dma_wait3A_256 = tpu.memref_slice %arg7[%dma_wait3A_243, %dma_wait3A_254, %dma_wait3A_255] : memref<2x16x64xf32, #tpu.memory_space<vmem>> -> memref<1x16x64xf32, #tpu.memory_space<vmem>>
        %dma_wait3A_257 = tpu.memref_squeeze %dma_wait3A_256 : memref<1x16x64xf32, #tpu.memory_space<vmem>> -> memref<16x64xf32, #tpu.memory_space<vmem>>
        tpu.wait_dma2 semaphore(%arg10 : memref<!tpu.dma_semaphore, #tpu.memory_space<semaphore_mem>>) src(%dma_wait3A_257 : memref<16x64xf32, #tpu.memory_space<vmem>>) dst(%dma_wait3A_253 : memref<16x64xf32, #tpu.memory_space<hbm>>)
      } else {
      }
      %scan3A_168 = arith.constant 0 : i32
      %scan3A_169 = arith.constant 0 : i32
      %scan3A_170 = arith.constant 16 : i32
      %scan3A_171 = arith.addi %scan3A_169, %scan3A_170 : i32
      %scan3A_172 = arith.constant 1 : i32
      scf.for %scan3A_243 = %scan3A_169 to %scan3A_171 step %scan3A_172  : i32 {
        %mul3A_244 = arith.constant 50 : i32
        %mul3A_245 = arith.muli %scan3A_243, %mul3A_244 : i32
        %get3A = arith.constant 0 : i32
        %get3A_246 = arith.index_cast %get3A : i32 to index
        %get3A_247 = arith.index_cast %mul3A_245 : i32 to index
        %get3A_248 = arith.constant 0 : index
        %get3A_249 = tpu.vector_load %arg6[%get3A_246, %get3A_247, %get3A_248] {strides = array<i32>} : memref<2x800x64xf32, #tpu.memory_space<vmem>>, vector<1x1x16xf32>,
        %get3A_250 = vector.shape_cast %get3A_249 : vector<1x1x16xf32> to vector<16xf32>
        %add3A_251 = arith.constant 1 : i32
        %add3A_252 = arith.addi %mul3A_245, %add3A_251 : i32
        %get3A_253 = arith.constant 0 : i32
        %get3A_254 = arith.index_cast %get3A_253 : i32 to index
        %get3A_255 = arith.index_cast %add3A_252 : i32 to index
        %get3A_256 = arith.constant 0 : index
        %get3A_257 = tpu.vector_load %arg6[%get3A_254, %get3A_255, %get3A_256] {strides = array<i32>} : memref<2x800x64xf32, #tpu.memory_space<vmem>>, vector<1x1x16xf32>,
        %get3A_258 = vector.shape_cast %get3A_257 : vector<1x1x16xf32> to vector<16xf32>
        %add3A_259 = arith.addf %get3A_250, %get3A_258 : vector<16xf32>
        %add3A_260 = arith.constant 2 : i32
        %add3A_261 = arith.addi %mul3A_245, %add3A_260 : i32
        %get3A_262 = arith.constant 0 : i32
        %get3A_263 = arith.index_cast %get3A_262 : i32 to index
        %get3A_264 = arith.index_cast %add3A_261 : i32 to index
        %get3A_265 = arith.constant 0 : index
        %get3A_266 = tpu.vector_load %arg6[%get3A_263, %get3A_264, %get3A_265] {strides = array<i32>} : memref<2x800x64xf32, #tpu.memory_space<vmem>>, vector<1x1x16xf32>,
        %get3A_267 = vector.shape_cast %get3A_266 : vector<1x1x16xf32> to vector<16xf32>
        %add3A_268 = arith.addf %add3A_259, %get3A_267 : vector<16xf32>
        %add3A_269 = arith.constant 3 : i32
        %add3A_270 = arith.addi %mul3A_245, %add3A_269 : i32
        %get3A_271 = arith.constant 0 : i32
        %get3A_272 = arith.index_cast %get3A_271 : i32 to index
        %get3A_273 = arith.index_cast %add3A_270 : i32 to index
        %get3A_274 = arith.constant 0 : index
        %get3A_275 = tpu.vector_load %arg6[%get3A_272, %get3A_273, %get3A_274] {strides = array<i32>} : memref<2x800x64xf32, #tpu.memory_space<vmem>>, vector<1x1x16xf32>,
        %get3A_276 = vector.shape_cast %get3A_275 : vector<1x1x16xf32> to vector<16xf32>
        %add3A_277 = arith.addf %add3A_268, %get3A_276 : vector<16xf32>
        %add3A_278 = arith.constant 4 : i32
        %add3A_279 = arith.addi %mul3A_245, %add3A_278 : i32
        %get3A_280 = arith.constant 0 : i32
        %get3A_281 = arith.index_cast %get3A_280 : i32 to index
        %get3A_282 = arith.index_cast %add3A_279 : i32 to index
        %get3A_283 = arith.constant 0 : index
        %get3A_284 = tpu.vector_load %arg6[%get3A_281, %get3A_282, %get3A_283] {strides = array<i32>} : memref<2x800x64xf32, #tpu.memory_space<vmem>>, vector<1x1x16xf32>,
        %get3A_285 = vector.shape_cast %get3A_284 : vector<1x1x16xf32> to vector<16xf32>
        %add3A_286 = arith.addf %add3A_277, %get3A_285 : vector<16xf32>
        %add3A_287 = arith.constant 5 : i32
        %add3A_288 = arith.addi %mul3A_245, %add3A_287 : i32
        %get3A_289 = arith.constant 0 : i32
        %get3A_290 = arith.index_cast %get3A_289 : i32 to index
        %get3A_291 = arith.index_cast %add3A_288 : i32 to index
        %get3A_292 = arith.constant 0 : index
        %get3A_293 = tpu.vector_load %arg6[%get3A_290, %get3A_291, %get3A_292] {strides = array<i32>} : memref<2x800x64xf32, #tpu.memory_space<vmem>>, vector<1x1x16xf32>,
        %get3A_294 = vector.shape_cast %get3A_293 : vector<1x1x16xf32> to vector<16xf32>
        %add3A_295 = arith.addf %add3A_286, %get3A_294 : vector<16xf32>
        %add3A_296 = arith.constant 6 : i32
        %add3A_297 = arith.addi %mul3A_245, %add3A_296 : i32
        %get3A_298 = arith.constant 0 : i32
        %get3A_299 = arith.index_cast %get3A_298 : i32 to index
        %get3A_300 = arith.index_cast %add3A_297 : i32 to index
        %get3A_301 = arith.constant 0 : index
        %get3A_302 = tpu.vector_load %arg6[%get3A_299, %get3A_300, %get3A_301] {strides = array<i32>} : memref<2x800x64xf32, #tpu.memory_space<vmem>>, vector<1x1x16xf32>,
        %get3A_303 = vector.shape_cast %get3A_302 : vector<1x1x16xf32> to vector<16xf32>
        %add3A_304 = arith.addf %add3A_295, %get3A_303 : vector<16xf32>
        %add3A_305 = arith.constant 7 : i32
        %add3A_306 = arith.addi %mul3A_245, %add3A_305 : i32
        %get3A_307 = arith.constant 0 : i32
        %get3A_308 = arith.index_cast %get3A_307 : i32 to index
        %get3A_309 = arith.index_cast %add3A_306 : i32 to index
        %get3A_310 = arith.constant 0 : index
        %get3A_311 = tpu.vector_load %arg6[%get3A_308, %get3A_309, %get3A_310] {strides = array<i32>} : memref<2x800x64xf32, #tpu.memory_space<vmem>>, vector<1x1x16xf32>,
        %get3A_312 = vector.shape_cast %get3A_311 : vector<1x1x16xf32> to vector<16xf32>
        %add3A_313 = arith.addf %add3A_304, %get3A_312 : vector<16xf32>
        %add3A_314 = arith.constant 8 : i32
        %add3A_315 = arith.addi %mul3A_245, %add3A_314 : i32
        %get3A_316 = arith.constant 0 : i32
        %get3A_317 = arith.index_cast %get3A_316 : i32 to index
        %get3A_318 = arith.index_cast %add3A_315 : i32 to index
        %get3A_319 = arith.constant 0 : index
        %get3A_320 = tpu.vector_load %arg6[%get3A_317, %get3A_318, %get3A_319] {strides = array<i32>} : memref<2x800x64xf32, #tpu.memory_space<vmem>>, vector<1x1x16xf32>,
        %get3A_321 = vector.shape_cast %get3A_320 : vector<1x1x16xf32> to vector<16xf32>
        %add3A_322 = arith.addf %add3A_313, %get3A_321 : vector<16xf32>
        %add3A_323 = arith.constant 9 : i32
        %add3A_324 = arith.addi %mul3A_245, %add3A_323 : i32
        %get3A_325 = arith.constant 0 : i32
        %get3A_326 = arith.index_cast %get3A_325 : i32 to index
        %get3A_327 = arith.index_cast %add3A_324 : i32 to index
        %get3A_328 = arith.constant 0 : index
        %get3A_329 = tpu.vector_load %arg6[%get3A_326, %get3A_327, %get3A_328] {strides = array<i32>} : memref<2x800x64xf32, #tpu.memory_space<vmem>>, vector<1x1x16xf32>,
        %get3A_330 = vector.shape_cast %get3A_329 : vector<1x1x16xf32> to vector<16xf32>
        %add3A_331 = arith.addf %add3A_322, %get3A_330 : vector<16xf32>
        %add3A_332 = arith.constant 10 : i32
        %add3A_333 = arith.addi %mul3A_245, %add3A_332 : i32
        %get3A_334 = arith.constant 0 : i32
        %get3A_335 = arith.index_cast %get3A_334 : i32 to index
        %get3A_336 = arith.index_cast %add3A_333 : i32 to index
        %get3A_337 = arith.constant 0 : index
        %get3A_338 = tpu.vector_load %arg6[%get3A_335, %get3A_336, %get3A_337] {strides = array<i32>} : memref<2x800x64xf32, #tpu.memory_space<vmem>>, vector<1x1x16xf32>,
        %get3A_339 = vector.shape_cast %get3A_338 : vector<1x1x16xf32> to vector<16xf32>
        %add3A_340 = arith.addf %add3A_331, %get3A_339 : vector<16xf32>
        %add3A_341 = arith.constant 11 : i32
        %add3A_342 = arith.addi %mul3A_245, %add3A_341 : i32
        %get3A_343 = arith.constant 0 : i32
        %get3A_344 = arith.index_cast %get3A_343 : i32 to index
        %get3A_345 = arith.index_cast %add3A_342 : i32 to index
        %get3A_346 = arith.constant 0 : index
        %get3A_347 = tpu.vector_load %arg6[%get3A_344, %get3A_345, %get3A_346] {strides = array<i32>} : memref<2x800x64xf32, #tpu.memory_space<vmem>>, vector<1x1x16xf32>,
        %get3A_348 = vector.shape_cast %get3A_347 : vector<1x1x16xf32> to vector<16xf32>
        %add3A_349 = arith.addf %add3A_340, %get3A_348 : vector<16xf32>
        %add3A_350 = arith.constant 12 : i32
        %add3A_351 = arith.addi %mul3A_245, %add3A_350 : i32
        %get3A_352 = arith.constant 0 : i32
        %get3A_353 = arith.index_cast %get3A_352 : i32 to index
        %get3A_354 = arith.index_cast %add3A_351 : i32 to index
        %get3A_355 = arith.constant 0 : index
        %get3A_356 = tpu.vector_load %arg6[%get3A_353, %get3A_354, %get3A_355] {strides = array<i32>} : memref<2x800x64xf32, #tpu.memory_space<vmem>>, vector<1x1x16xf32>,
        %get3A_357 = vector.shape_cast %get3A_356 : vector<1x1x16xf32> to vector<16xf32>
        %add3A_358 = arith.addf %add3A_349, %get3A_357 : vector<16xf32>
        %add3A_359 = arith.constant 13 : i32
        %add3A_360 = arith.addi %mul3A_245, %add3A_359 : i32
        %get3A_361 = arith.constant 0 : i32
        %get3A_362 = arith.index_cast %get3A_361 : i32 to index
        %get3A_363 = arith.index_cast %add3A_360 : i32 to index
        %get3A_364 = arith.constant 0 : index
        %get3A_365 = tpu.vector_load %arg6[%get3A_362, %get3A_363, %get3A_364] {strides = array<i32>} : memref<2x800x64xf32, #tpu.memory_space<vmem>>, vector<1x1x16xf32>,
        %get3A_366 = vector.shape_cast %get3A_365 : vector<1x1x16xf32> to vector<16xf32>
        %add3A_367 = arith.addf %add3A_358, %get3A_366 : vector<16xf32>
        %add3A_368 = arith.constant 14 : i32
        %add3A_369 = arith.addi %mul3A_245, %add3A_368 : i32
        %get3A_370 = arith.constant 0 : i32
        %get3A_371 = arith.index_cast %get3A_370 : i32 to index
        %get3A_372 = arith.index_cast %add3A_369 : i32 to index
        %get3A_373 = arith.constant 0 : index
        %get3A_374 = tpu.vector_load %arg6[%get3A_371, %get3A_372, %get3A_373] {strides = array<i32>} : memref<2x800x64xf32, #tpu.memory_space<vmem>>, vector<1x1x16xf32>,
        %get3A_375 = vector.shape_cast %get3A_374 : vector<1x1x16xf32> to vector<16xf32>
        %add3A_376 = arith.addf %add3A_367, %get3A_375 : vector<16xf32>
        %add3A_377 = arith.constant 15 : i32
        %add3A_378 = arith.addi %mul3A_245, %add3A_377 : i32
        %get3A_379 = arith.constant 0 : i32
        %get3A_380 = arith.index_cast %get3A_379 : i32 to index
        %get3A_381 = arith.index_cast %add3A_378 : i32 to index
        %get3A_382 = arith.constant 0 : index
        %get3A_383 = tpu.vector_load %arg6[%get3A_380, %get3A_381, %get3A_382] {strides = array<i32>} : memref<2x800x64xf32, #tpu.memory_space<vmem>>, vector<1x1x16xf32>,
        %get3A_384 = vector.shape_cast %get3A_383 : vector<1x1x16xf32> to vector<16xf32>
        %add3A_385 = arith.addf %add3A_376, %get3A_384 : vector<16xf32>
        %add3A_386 = arith.constant 16 : i32
        %add3A_387 = arith.addi %mul3A_245, %add3A_386 : i32
        %get3A_388 = arith.constant 0 : i32
        %get3A_389 = arith.index_cast %get3A_388 : i32 to index
        %get3A_390 = arith.index_cast %add3A_387 : i32 to index
        %get3A_391 = arith.constant 0 : index
        %get3A_392 = tpu.vector_load %arg6[%get3A_389, %get3A_390, %get3A_391] {strides = array<i32>} : memref<2x800x64xf32, #tpu.memory_space<vmem>>, vector<1x1x16xf32>,
        %get3A_393 = vector.shape_cast %get3A_392 : vector<1x1x16xf32> to vector<16xf32>
        %add3A_394 = arith.addf %add3A_385, %get3A_393 : vector<16xf32>
        %add3A_395 = arith.constant 17 : i32
        %add3A_396 = arith.addi %mul3A_245, %add3A_395 : i32
        %get3A_397 = arith.constant 0 : i32
        %get3A_398 = arith.index_cast %get3A_397 : i32 to index
        %get3A_399 = arith.index_cast %add3A_396 : i32 to index
        %get3A_400 = arith.constant 0 : index
        %get3A_401 = tpu.vector_load %arg6[%get3A_398, %get3A_399, %get3A_400] {strides = array<i32>} : memref<2x800x64xf32, #tpu.memory_space<vmem>>, vector<1x1x16xf32>,
        %get3A_402 = vector.shape_cast %get3A_401 : vector<1x1x16xf32> to vector<16xf32>
        %add3A_403 = arith.addf %add3A_394, %get3A_402 : vector<16xf32>
        %add3A_404 = arith.constant 18 : i32
        %add3A_405 = arith.addi %mul3A_245, %add3A_404 : i32
        %get3A_406 = arith.constant 0 : i32
        %get3A_407 = arith.index_cast %get3A_406 : i32 to index
        %get3A_408 = arith.index_cast %add3A_405 : i32 to index
        %get3A_409 = arith.constant 0 : index
        %get3A_410 = tpu.vector_load %arg6[%get3A_407, %get3A_408, %get3A_409] {strides = array<i32>} : memref<2x800x64xf32, #tpu.memory_space<vmem>>, vector<1x1x16xf32>,
        %get3A_411 = vector.shape_cast %get3A_410 : vector<1x1x16xf32> to vector<16xf32>
        %add3A_412 = arith.addf %add3A_403, %get3A_411 : vector<16xf32>
        %add3A_413 = arith.constant 19 : i32
        %add3A_414 = arith.addi %mul3A_245, %add3A_413 : i32
        %get3A_415 = arith.constant 0 : i32
        %get3A_416 = arith.index_cast %get3A_415 : i32 to index
        %get3A_417 = arith.index_cast %add3A_414 : i32 to index
        %get3A_418 = arith.constant 0 : index
        %get3A_419 = tpu.vector_load %arg6[%get3A_416, %get3A_417, %get3A_418] {strides = array<i32>} : memref<2x800x64xf32, #tpu.memory_space<vmem>>, vector<1x1x16xf32>,
        %get3A_420 = vector.shape_cast %get3A_419 : vector<1x1x16xf32> to vector<16xf32>
        %add3A_421 = arith.addf %add3A_412, %get3A_420 : vector<16xf32>
        %add3A_422 = arith.constant 20 : i32
        %add3A_423 = arith.addi %mul3A_245, %add3A_422 : i32
        %get3A_424 = arith.constant 0 : i32
        %get3A_425 = arith.index_cast %get3A_424 : i32 to index
        %get3A_426 = arith.index_cast %add3A_423 : i32 to index
        %get3A_427 = arith.constant 0 : index
        %get3A_428 = tpu.vector_load %arg6[%get3A_425, %get3A_426, %get3A_427] {strides = array<i32>} : memref<2x800x64xf32, #tpu.memory_space<vmem>>, vector<1x1x16xf32>,
        %get3A_429 = vector.shape_cast %get3A_428 : vector<1x1x16xf32> to vector<16xf32>
        %add3A_430 = arith.addf %add3A_421, %get3A_429 : vector<16xf32>
        %add3A_431 = arith.constant 21 : i32
        %add3A_432 = arith.addi %mul3A_245, %add3A_431 : i32
        %get3A_433 = arith.constant 0 : i32
        %get3A_434 = arith.index_cast %get3A_433 : i32 to index
        %get3A_435 = arith.index_cast %add3A_432 : i32 to index
        %get3A_436 = arith.constant 0 : index
        %get3A_437 = tpu.vector_load %arg6[%get3A_434, %get3A_435, %get3A_436] {strides = array<i32>} : memref<2x800x64xf32, #tpu.memory_space<vmem>>, vector<1x1x16xf32>,
        %get3A_438 = vector.shape_cast %get3A_437 : vector<1x1x16xf32> to vector<16xf32>
        %add3A_439 = arith.addf %add3A_430, %get3A_438 : vector<16xf32>
        %add3A_440 = arith.constant 22 : i32
        %add3A_441 = arith.addi %mul3A_245, %add3A_440 : i32
        %get3A_442 = arith.constant 0 : i32
        %get3A_443 = arith.index_cast %get3A_442 : i32 to index
        %get3A_444 = arith.index_cast %add3A_441 : i32 to index
        %get3A_445 = arith.constant 0 : index
        %get3A_446 = tpu.vector_load %arg6[%get3A_443, %get3A_444, %get3A_445] {strides = array<i32>} : memref<2x800x64xf32, #tpu.memory_space<vmem>>, vector<1x1x16xf32>,
        %get3A_447 = vector.shape_cast %get3A_446 : vector<1x1x16xf32> to vector<16xf32>
        %add3A_448 = arith.addf %add3A_439, %get3A_447 : vector<16xf32>
        %add3A_449 = arith.constant 23 : i32
        %add3A_450 = arith.addi %mul3A_245, %add3A_449 : i32
        %get3A_451 = arith.constant 0 : i32
        %get3A_452 = arith.index_cast %get3A_451 : i32 to index
        %get3A_453 = arith.index_cast %add3A_450 : i32 to index
        %get3A_454 = arith.constant 0 : index
        %get3A_455 = tpu.vector_load %arg6[%get3A_452, %get3A_453, %get3A_454] {strides = array<i32>} : memref<2x800x64xf32, #tpu.memory_space<vmem>>, vector<1x1x16xf32>,
        %get3A_456 = vector.shape_cast %get3A_455 : vector<1x1x16xf32> to vector<16xf32>
        %add3A_457 = arith.addf %add3A_448, %get3A_456 : vector<16xf32>
        %add3A_458 = arith.constant 24 : i32
        %add3A_459 = arith.addi %mul3A_245, %add3A_458 : i32
        %get3A_460 = arith.constant 0 : i32
        %get3A_461 = arith.index_cast %get3A_460 : i32 to index
        %get3A_462 = arith.index_cast %add3A_459 : i32 to index
        %get3A_463 = arith.constant 0 : index
        %get3A_464 = tpu.vector_load %arg6[%get3A_461, %get3A_462, %get3A_463] {strides = array<i32>} : memref<2x800x64xf32, #tpu.memory_space<vmem>>, vector<1x1x16xf32>,
        %get3A_465 = vector.shape_cast %get3A_464 : vector<1x1x16xf32> to vector<16xf32>
        %add3A_466 = arith.addf %add3A_457, %get3A_465 : vector<16xf32>
        %add3A_467 = arith.constant 25 : i32
        %add3A_468 = arith.addi %mul3A_245, %add3A_467 : i32
        %get3A_469 = arith.constant 0 : i32
        %get3A_470 = arith.index_cast %get3A_469 : i32 to index
        %get3A_471 = arith.index_cast %add3A_468 : i32 to index
        %get3A_472 = arith.constant 0 : index
        %get3A_473 = tpu.vector_load %arg6[%get3A_470, %get3A_471, %get3A_472] {strides = array<i32>} : memref<2x800x64xf32, #tpu.memory_space<vmem>>, vector<1x1x16xf32>,
        %get3A_474 = vector.shape_cast %get3A_473 : vector<1x1x16xf32> to vector<16xf32>
        %add3A_475 = arith.addf %add3A_466, %get3A_474 : vector<16xf32>
        %add3A_476 = arith.constant 26 : i32
        %add3A_477 = arith.addi %mul3A_245, %add3A_476 : i32
        %get3A_478 = arith.constant 0 : i32
        %get3A_479 = arith.index_cast %get3A_478 : i32 to index
        %get3A_480 = arith.index_cast %add3A_477 : i32 to index
        %get3A_481 = arith.constant 0 : index
        %get3A_482 = tpu.vector_load %arg6[%get3A_479, %get3A_480, %get3A_481] {strides = array<i32>} : memref<2x800x64xf32, #tpu.memory_space<vmem>>, vector<1x1x16xf32>,
        %get3A_483 = vector.shape_cast %get3A_482 : vector<1x1x16xf32> to vector<16xf32>
        %add3A_484 = arith.addf %add3A_475, %get3A_483 : vector<16xf32>
        %add3A_485 = arith.constant 27 : i32
        %add3A_486 = arith.addi %mul3A_245, %add3A_485 : i32
        %get3A_487 = arith.constant 0 : i32
        %get3A_488 = arith.index_cast %get3A_487 : i32 to index
        %get3A_489 = arith.index_cast %add3A_486 : i32 to index
        %get3A_490 = arith.constant 0 : index
        %get3A_491 = tpu.vector_load %arg6[%get3A_488, %get3A_489, %get3A_490] {strides = array<i32>} : memref<2x800x64xf32, #tpu.memory_space<vmem>>, vector<1x1x16xf32>,
        %get3A_492 = vector.shape_cast %get3A_491 : vector<1x1x16xf32> to vector<16xf32>
        %add3A_493 = arith.addf %add3A_484, %get3A_492 : vector<16xf32>
        %add3A_494 = arith.constant 28 : i32
        %add3A_495 = arith.addi %mul3A_245, %add3A_494 : i32
        %get3A_496 = arith.constant 0 : i32
        %get3A_497 = arith.index_cast %get3A_496 : i32 to index
        %get3A_498 = arith.index_cast %add3A_495 : i32 to index
        %get3A_499 = arith.constant 0 : index
        %get3A_500 = tpu.vector_load %arg6[%get3A_497, %get3A_498, %get3A_499] {strides = array<i32>} : memref<2x800x64xf32, #tpu.memory_space<vmem>>, vector<1x1x16xf32>,
        %get3A_501 = vector.shape_cast %get3A_500 : vector<1x1x16xf32> to vector<16xf32>
        %add3A_502 = arith.addf %add3A_493, %get3A_501 : vector<16xf32>
        %add3A_503 = arith.constant 29 : i32
        %add3A_504 = arith.addi %mul3A_245, %add3A_503 : i32
        %get3A_505 = arith.constant 0 : i32
        %get3A_506 = arith.index_cast %get3A_505 : i32 to index
        %get3A_507 = arith.index_cast %add3A_504 : i32 to index
        %get3A_508 = arith.constant 0 : index
        %get3A_509 = tpu.vector_load %arg6[%get3A_506, %get3A_507, %get3A_508] {strides = array<i32>} : memref<2x800x64xf32, #tpu.memory_space<vmem>>, vector<1x1x16xf32>,
        %get3A_510 = vector.shape_cast %get3A_509 : vector<1x1x16xf32> to vector<16xf32>
        %add3A_511 = arith.addf %add3A_502, %get3A_510 : vector<16xf32>
        %add3A_512 = arith.constant 30 : i32
        %add3A_513 = arith.addi %mul3A_245, %add3A_512 : i32
        %get3A_514 = arith.constant 0 : i32
        %get3A_515 = arith.index_cast %get3A_514 : i32 to index
        %get3A_516 = arith.index_cast %add3A_513 : i32 to index
        %get3A_517 = arith.constant 0 : index
        %get3A_518 = tpu.vector_load %arg6[%get3A_515, %get3A_516, %get3A_517] {strides = array<i32>} : memref<2x800x64xf32, #tpu.memory_space<vmem>>, vector<1x1x16xf32>,
        %get3A_519 = vector.shape_cast %get3A_518 : vector<1x1x16xf32> to vector<16xf32>
        %add3A_520 = arith.addf %add3A_511, %get3A_519 : vector<16xf32>
        %add3A_521 = arith.constant 31 : i32
        %add3A_522 = arith.addi %mul3A_245, %add3A_521 : i32
        %get3A_523 = arith.constant 0 : i32
        %get3A_524 = arith.index_cast %get3A_523 : i32 to index
        %get3A_525 = arith.index_cast %add3A_522 : i32 to index
        %get3A_526 = arith.constant 0 : index
        %get3A_527 = tpu.vector_load %arg6[%get3A_524, %get3A_525, %get3A_526] {strides = array<i32>} : memref<2x800x64xf32, #tpu.memory_space<vmem>>, vector<1x1x16xf32>,
        %get3A_528 = vector.shape_cast %get3A_527 : vector<1x1x16xf32> to vector<16xf32>
        %add3A_529 = arith.addf %add3A_520, %get3A_528 : vector<16xf32>
        %add3A_530 = arith.constant 32 : i32
        %add3A_531 = arith.addi %mul3A_245, %add3A_530 : i32
        %get3A_532 = arith.constant 0 : i32
        %get3A_533 = arith.index_cast %get3A_532 : i32 to index
        %get3A_534 = arith.index_cast %add3A_531 : i32 to index
        %get3A_535 = arith.constant 0 : index
        %get3A_536 = tpu.vector_load %arg6[%get3A_533, %get3A_534, %get3A_535] {strides = array<i32>} : memref<2x800x64xf32, #tpu.memory_space<vmem>>, vector<1x1x16xf32>,
        %get3A_537 = vector.shape_cast %get3A_536 : vector<1x1x16xf32> to vector<16xf32>
        %add3A_538 = arith.addf %add3A_529, %get3A_537 : vector<16xf32>
        %add3A_539 = arith.constant 33 : i32
        %add3A_540 = arith.addi %mul3A_245, %add3A_539 : i32
        %get3A_541 = arith.constant 0 : i32
        %get3A_542 = arith.index_cast %get3A_541 : i32 to index
        %get3A_543 = arith.index_cast %add3A_540 : i32 to index
        %get3A_544 = arith.constant 0 : index
        %get3A_545 = tpu.vector_load %arg6[%get3A_542, %get3A_543, %get3A_544] {strides = array<i32>} : memref<2x800x64xf32, #tpu.memory_space<vmem>>, vector<1x1x16xf32>,
        %get3A_546 = vector.shape_cast %get3A_545 : vector<1x1x16xf32> to vector<16xf32>
        %add3A_547 = arith.addf %add3A_538, %get3A_546 : vector<16xf32>
        %add3A_548 = arith.constant 34 : i32
        %add3A_549 = arith.addi %mul3A_245, %add3A_548 : i32
        %get3A_550 = arith.constant 0 : i32
        %get3A_551 = arith.index_cast %get3A_550 : i32 to index
        %get3A_552 = arith.index_cast %add3A_549 : i32 to index
        %get3A_553 = arith.constant 0 : index
        %get3A_554 = tpu.vector_load %arg6[%get3A_551, %get3A_552, %get3A_553] {strides = array<i32>} : memref<2x800x64xf32, #tpu.memory_space<vmem>>, vector<1x1x16xf32>,
        %get3A_555 = vector.shape_cast %get3A_554 : vector<1x1x16xf32> to vector<16xf32>
        %add3A_556 = arith.addf %add3A_547, %get3A_555 : vector<16xf32>
        %add3A_557 = arith.constant 35 : i32
        %add3A_558 = arith.addi %mul3A_245, %add3A_557 : i32
        %get3A_559 = arith.constant 0 : i32
        %get3A_560 = arith.index_cast %get3A_559 : i32 to index
        %get3A_561 = arith.index_cast %add3A_558 : i32 to index
        %get3A_562 = arith.constant 0 : index
        %get3A_563 = tpu.vector_load %arg6[%get3A_560, %get3A_561, %get3A_562] {strides = array<i32>} : memref<2x800x64xf32, #tpu.memory_space<vmem>>, vector<1x1x16xf32>,
        %get3A_564 = vector.shape_cast %get3A_563 : vector<1x1x16xf32> to vector<16xf32>
        %add3A_565 = arith.addf %add3A_556, %get3A_564 : vector<16xf32>
        %add3A_566 = arith.constant 36 : i32
        %add3A_567 = arith.addi %mul3A_245, %add3A_566 : i32
        %get3A_568 = arith.constant 0 : i32
        %get3A_569 = arith.index_cast %get3A_568 : i32 to index
        %get3A_570 = arith.index_cast %add3A_567 : i32 to index
        %get3A_571 = arith.constant 0 : index
        %get3A_572 = tpu.vector_load %arg6[%get3A_569, %get3A_570, %get3A_571] {strides = array<i32>} : memref<2x800x64xf32, #tpu.memory_space<vmem>>, vector<1x1x16xf32>,
        %get3A_573 = vector.shape_cast %get3A_572 : vector<1x1x16xf32> to vector<16xf32>
        %add3A_574 = arith.addf %add3A_565, %get3A_573 : vector<16xf32>
        %add3A_575 = arith.constant 37 : i32
        %add3A_576 = arith.addi %mul3A_245, %add3A_575 : i32
        %get3A_577 = arith.constant 0 : i32
        %get3A_578 = arith.index_cast %get3A_577 : i32 to index
        %get3A_579 = arith.index_cast %add3A_576 : i32 to index
        %get3A_580 = arith.constant 0 : index
        %get3A_581 = tpu.vector_load %arg6[%get3A_578, %get3A_579, %get3A_580] {strides = array<i32>} : memref<2x800x64xf32, #tpu.memory_space<vmem>>, vector<1x1x16xf32>,
        %get3A_582 = vector.shape_cast %get3A_581 : vector<1x1x16xf32> to vector<16xf32>
        %add3A_583 = arith.addf %add3A_574, %get3A_582 : vector<16xf32>
        %add3A_584 = arith.constant 38 : i32
        %add3A_585 = arith.addi %mul3A_245, %add3A_584 : i32
        %get3A_586 = arith.constant 0 : i32
        %get3A_587 = arith.index_cast %get3A_586 : i32 to index
        %get3A_588 = arith.index_cast %add3A_585 : i32 to index
        %get3A_589 = arith.constant 0 : index
        %get3A_590 = tpu.vector_load %arg6[%get3A_587, %get3A_588, %get3A_589] {strides = array<i32>} : memref<2x800x64xf32, #tpu.memory_space<vmem>>, vector<1x1x16xf32>,
        %get3A_591 = vector.shape_cast %get3A_590 : vector<1x1x16xf32> to vector<16xf32>
        %add3A_592 = arith.addf %add3A_583, %get3A_591 : vector<16xf32>
        %add3A_593 = arith.constant 39 : i32
        %add3A_594 = arith.addi %mul3A_245, %add3A_593 : i32
        %get3A_595 = arith.constant 0 : i32
        %get3A_596 = arith.index_cast %get3A_595 : i32 to index
        %get3A_597 = arith.index_cast %add3A_594 : i32 to index
        %get3A_598 = arith.constant 0 : index
        %get3A_599 = tpu.vector_load %arg6[%get3A_596, %get3A_597, %get3A_598] {strides = array<i32>} : memref<2x800x64xf32, #tpu.memory_space<vmem>>, vector<1x1x16xf32>,
        %get3A_600 = vector.shape_cast %get3A_599 : vector<1x1x16xf32> to vector<16xf32>
        %add3A_601 = arith.addf %add3A_592, %get3A_600 : vector<16xf32>
        %add3A_602 = arith.constant 40 : i32
        %add3A_603 = arith.addi %mul3A_245, %add3A_602 : i32
        %get3A_604 = arith.constant 0 : i32
        %get3A_605 = arith.index_cast %get3A_604 : i32 to index
        %get3A_606 = arith.index_cast %add3A_603 : i32 to index
        %get3A_607 = arith.constant 0 : index
        %get3A_608 = tpu.vector_load %arg6[%get3A_605, %get3A_606, %get3A_607] {strides = array<i32>} : memref<2x800x64xf32, #tpu.memory_space<vmem>>, vector<1x1x16xf32>,
        %get3A_609 = vector.shape_cast %get3A_608 : vector<1x1x16xf32> to vector<16xf32>
        %add3A_610 = arith.addf %add3A_601, %get3A_609 : vector<16xf32>
        %add3A_611 = arith.constant 41 : i32
        %add3A_612 = arith.addi %mul3A_245, %add3A_611 : i32
        %get3A_613 = arith.constant 0 : i32
        %get3A_614 = arith.index_cast %get3A_613 : i32 to index
        %get3A_615 = arith.index_cast %add3A_612 : i32 to index
        %get3A_616 = arith.constant 0 : index
        %get3A_617 = tpu.vector_load %arg6[%get3A_614, %get3A_615, %get3A_616] {strides = array<i32>} : memref<2x800x64xf32, #tpu.memory_space<vmem>>, vector<1x1x16xf32>,
        %get3A_618 = vector.shape_cast %get3A_617 : vector<1x1x16xf32> to vector<16xf32>
        %add3A_619 = arith.addf %add3A_610, %get3A_618 : vector<16xf32>
        %add3A_620 = arith.constant 42 : i32
        %add3A_621 = arith.addi %mul3A_245, %add3A_620 : i32
        %get3A_622 = arith.constant 0 : i32
        %get3A_623 = arith.index_cast %get3A_622 : i32 to index
        %get3A_624 = arith.index_cast %add3A_621 : i32 to index
        %get3A_625 = arith.constant 0 : index
        %get3A_626 = tpu.vector_load %arg6[%get3A_623, %get3A_624, %get3A_625] {strides = array<i32>} : memref<2x800x64xf32, #tpu.memory_space<vmem>>, vector<1x1x16xf32>,
        %get3A_627 = vector.shape_cast %get3A_626 : vector<1x1x16xf32> to vector<16xf32>
        %add3A_628 = arith.addf %add3A_619, %get3A_627 : vector<16xf32>
        %add3A_629 = arith.constant 43 : i32
        %add3A_630 = arith.addi %mul3A_245, %add3A_629 : i32
        %get3A_631 = arith.constant 0 : i32
        %get3A_632 = arith.index_cast %get3A_631 : i32 to index
        %get3A_633 = arith.index_cast %add3A_630 : i32 to index
        %get3A_634 = arith.constant 0 : index
        %get3A_635 = tpu.vector_load %arg6[%get3A_632, %get3A_633, %get3A_634] {strides = array<i32>} : memref<2x800x64xf32, #tpu.memory_space<vmem>>, vector<1x1x16xf32>,
        %get3A_636 = vector.shape_cast %get3A_635 : vector<1x1x16xf32> to vector<16xf32>
        %add3A_637 = arith.addf %add3A_628, %get3A_636 : vector<16xf32>
        %add3A_638 = arith.constant 44 : i32
        %add3A_639 = arith.addi %mul3A_245, %add3A_638 : i32
        %get3A_640 = arith.constant 0 : i32
        %get3A_641 = arith.index_cast %get3A_640 : i32 to index
        %get3A_642 = arith.index_cast %add3A_639 : i32 to index
        %get3A_643 = arith.constant 0 : index
        %get3A_644 = tpu.vector_load %arg6[%get3A_641, %get3A_642, %get3A_643] {strides = array<i32>} : memref<2x800x64xf32, #tpu.memory_space<vmem>>, vector<1x1x16xf32>,
        %get3A_645 = vector.shape_cast %get3A_644 : vector<1x1x16xf32> to vector<16xf32>
        %add3A_646 = arith.addf %add3A_637, %get3A_645 : vector<16xf32>
        %add3A_647 = arith.constant 45 : i32
        %add3A_648 = arith.addi %mul3A_245, %add3A_647 : i32
        %get3A_649 = arith.constant 0 : i32
        %get3A_650 = arith.index_cast %get3A_649 : i32 to index
        %get3A_651 = arith.index_cast %add3A_648 : i32 to index
        %get3A_652 = arith.constant 0 : index
        %get3A_653 = tpu.vector_load %arg6[%get3A_650, %get3A_651, %get3A_652] {strides = array<i32>} : memref<2x800x64xf32, #tpu.memory_space<vmem>>, vector<1x1x16xf32>,
        %get3A_654 = vector.shape_cast %get3A_653 : vector<1x1x16xf32> to vector<16xf32>
        %add3A_655 = arith.addf %add3A_646, %get3A_654 : vector<16xf32>
        %add3A_656 = arith.constant 46 : i32
        %add3A_657 = arith.addi %mul3A_245, %add3A_656 : i32
        %get3A_658 = arith.constant 0 : i32
        %get3A_659 = arith.index_cast %get3A_658 : i32 to index
        %get3A_660 = arith.index_cast %add3A_657 : i32 to index
        %get3A_661 = arith.constant 0 : index
        %get3A_662 = tpu.vector_load %arg6[%get3A_659, %get3A_660, %get3A_661] {strides = array<i32>} : memref<2x800x64xf32, #tpu.memory_space<vmem>>, vector<1x1x16xf32>,
        %get3A_663 = vector.shape_cast %get3A_662 : vector<1x1x16xf32> to vector<16xf32>
        %add3A_664 = arith.addf %add3A_655, %get3A_663 : vector<16xf32>
        %add3A_665 = arith.constant 47 : i32
        %add3A_666 = arith.addi %mul3A_245, %add3A_665 : i32
        %get3A_667 = arith.constant 0 : i32
        %get3A_668 = arith.index_cast %get3A_667 : i32 to index
        %get3A_669 = arith.index_cast %add3A_666 : i32 to index
        %get3A_670 = arith.constant 0 : index
        %get3A_671 = tpu.vector_load %arg6[%get3A_668, %get3A_669, %get3A_670] {strides = array<i32>} : memref<2x800x64xf32, #tpu.memory_space<vmem>>, vector<1x1x16xf32>,
        %get3A_672 = vector.shape_cast %get3A_671 : vector<1x1x16xf32> to vector<16xf32>
        %add3A_673 = arith.addf %add3A_664, %get3A_672 : vector<16xf32>
        %add3A_674 = arith.constant 48 : i32
        %add3A_675 = arith.addi %mul3A_245, %add3A_674 : i32
        %get3A_676 = arith.constant 0 : i32
        %get3A_677 = arith.index_cast %get3A_676 : i32 to index
        %get3A_678 = arith.index_cast %add3A_675 : i32 to index
        %get3A_679 = arith.constant 0 : index
        %get3A_680 = tpu.vector_load %arg6[%get3A_677, %get3A_678, %get3A_679] {strides = array<i32>} : memref<2x800x64xf32, #tpu.memory_space<vmem>>, vector<1x1x16xf32>,
        %get3A_681 = vector.shape_cast %get3A_680 : vector<1x1x16xf32> to vector<16xf32>
        %add3A_682 = arith.addf %add3A_673, %get3A_681 : vector<16xf32>
        %add3A_683 = arith.constant 49 : i32
        %add3A_684 = arith.addi %mul3A_245, %add3A_683 : i32
        %get3A_685 = arith.constant 0 : i32
        %get3A_686 = arith.index_cast %get3A_685 : i32 to index
        %get3A_687 = arith.index_cast %add3A_684 : i32 to index
        %get3A_688 = arith.constant 0 : index
        %get3A_689 = tpu.vector_load %arg6[%get3A_686, %get3A_687, %get3A_688] {strides = array<i32>} : memref<2x800x64xf32, #tpu.memory_space<vmem>>, vector<1x1x16xf32>,
        %get3A_690 = vector.shape_cast %get3A_689 : vector<1x1x16xf32> to vector<16xf32>
        %add3A_691 = arith.addf %add3A_682, %get3A_690 : vector<16xf32>
        %mul3A_692 = arith.constant 2.000000e-02 : f32
        %mul3A_693 = vector.broadcast %mul3A_692 : f32 to vector<16xf32>
        %mul3A_694 = arith.mulf %add3A_691, %mul3A_693 : vector<16xf32>
        %swap3A = arith.constant 0 : i32
        %swap3A_695 = arith.index_cast %swap3A : i32 to index
        %swap3A_696 = arith.index_cast %scan3A_243 : i32 to index
        %swap3A_697 = arith.constant 0 : index
        %swap3A_698 = tpu.vector_load %arg7[%swap3A_695, %swap3A_696, %swap3A_697] {strides = array<i32>} : memref<2x16x64xf32, #tpu.memory_space<vmem>>, vector<1x1x16xf32>,
        %swap3A_699 = vector.shape_cast %swap3A_698 : vector<1x1x16xf32> to vector<16xf32>
        %swap3A_700 = vector.shape_cast %mul3A_694 : vector<16xf32> to vector<1x1x16xf32>
        tpu.vector_store %arg7[%swap3A_695, %swap3A_696, %swap3A_697], %swap3A_700 {strides = array<i32>} : memref<2x16x64xf32, #tpu.memory_space<vmem>>, vector<1x1x16xf32>,
        %get3A_701 = arith.constant 0 : i32
        %get3A_702 = arith.index_cast %get3A_701 : i32 to index
        %get3A_703 = arith.index_cast %mul3A_245 : i32 to index
        %get3A_704 = arith.constant 16 : index
        %get3A_705 = tpu.vector_load %arg6[%get3A_702, %get3A_703, %get3A_704] {strides = array<i32>} : memref<2x800x64xf32, #tpu.memory_space<vmem>>, vector<1x1x16xf32>,
        %get3A_706 = vector.shape_cast %get3A_705 : vector<1x1x16xf32> to vector<16xf32>
        %add3A_707 = arith.constant 1 : i32
        %add3A_708 = arith.addi %mul3A_245, %add3A_707 : i32
        %get3A_709 = arith.constant 0 : i32
        %get3A_710 = arith.index_cast %get3A_709 : i32 to index
        %get3A_711 = arith.index_cast %add3A_708 : i32 to index
        %get3A_712 = arith.constant 16 : index
        %get3A_713 = tpu.vector_load %arg6[%get3A_710, %get3A_711, %get3A_712] {strides = array<i32>} : memref<2x800x64xf32, #tpu.memory_space<vmem>>, vector<1x1x16xf32>,
        %get3A_714 = vector.shape_cast %get3A_713 : vector<1x1x16xf32> to vector<16xf32>
        %add3A_715 = arith.addf %get3A_706, %get3A_714 : vector<16xf32>
        %add3A_716 = arith.constant 2 : i32
        %add3A_717 = arith.addi %mul3A_245, %add3A_716 : i32
        %get3A_718 = arith.constant 0 : i32
        %get3A_719 = arith.index_cast %get3A_718 : i32 to index
        %get3A_720 = arith.index_cast %add3A_717 : i32 to index
        %get3A_721 = arith.constant 16 : index
        %get3A_722 = tpu.vector_load %arg6[%get3A_719, %get3A_720, %get3A_721] {strides = array<i32>} : memref<2x800x64xf32, #tpu.memory_space<vmem>>, vector<1x1x16xf32>,
        %get3A_723 = vector.shape_cast %get3A_722 : vector<1x1x16xf32> to vector<16xf32>
        %add3A_724 = arith.addf %add3A_715, %get3A_723 : vector<16xf32>
        %add3A_725 = arith.constant 3 : i32
        %add3A_726 = arith.addi %mul3A_245, %add3A_725 : i32
        %get3A_727 = arith.constant 0 : i32
        %get3A_728 = arith.index_cast %get3A_727 : i32 to index
        %get3A_729 = arith.index_cast %add3A_726 : i32 to index
        %get3A_730 = arith.constant 16 : index
        %get3A_731 = tpu.vector_load %arg6[%get3A_728, %get3A_729, %get3A_730] {strides = array<i32>} : memref<2x800x64xf32, #tpu.memory_space<vmem>>, vector<1x1x16xf32>,
        %get3A_732 = vector.shape_cast %get3A_731 : vector<1x1x16xf32> to vector<16xf32>
        %add3A_733 = arith.addf %add3A_724, %get3A_732 : vector<16xf32>
        %add3A_734 = arith.constant 4 : i32
        %add3A_735 = arith.addi %mul3A_245, %add3A_734 : i32
        %get3A_736 = arith.constant 0 : i32
        %get3A_737 = arith.index_cast %get3A_736 : i32 to index
        %get3A_738 = arith.index_cast %add3A_735 : i32 to index
        %get3A_739 = arith.constant 16 : index
        %get3A_740 = tpu.vector_load %arg6[%get3A_737, %get3A_738, %get3A_739] {strides = array<i32>} : memref<2x800x64xf32, #tpu.memory_space<vmem>>, vector<1x1x16xf32>,
        %get3A_741 = vector.shape_cast %get3A_740 : vector<1x1x16xf32> to vector<16xf32>
        %add3A_742 = arith.addf %add3A_733, %get3A_741 : vector<16xf32>
        %add3A_743 = arith.constant 5 : i32
        %add3A_744 = arith.addi %mul3A_245, %add3A_743 : i32
        %get3A_745 = arith.constant 0 : i32
        %get3A_746 = arith.index_cast %get3A_745 : i32 to index
        %get3A_747 = arith.index_cast %add3A_744 : i32 to index
        %get3A_748 = arith.constant 16 : index
        %get3A_749 = tpu.vector_load %arg6[%get3A_746, %get3A_747, %get3A_748] {strides = array<i32>} : memref<2x800x64xf32, #tpu.memory_space<vmem>>, vector<1x1x16xf32>,
        %get3A_750 = vector.shape_cast %get3A_749 : vector<1x1x16xf32> to vector<16xf32>
        %add3A_751 = arith.addf %add3A_742, %get3A_750 : vector<16xf32>
        %add3A_752 = arith.constant 6 : i32
        %add3A_753 = arith.addi %mul3A_245, %add3A_752 : i32
        %get3A_754 = arith.constant 0 : i32
        %get3A_755 = arith.index_cast %get3A_754 : i32 to index
        %get3A_756 = arith.index_cast %add3A_753 : i32 to index
        %get3A_757 = arith.constant 16 : index
        %get3A_758 = tpu.vector_load %arg6[%get3A_755, %get3A_756, %get3A_757] {strides = array<i32>} : memref<2x800x64xf32, #tpu.memory_space<vmem>>, vector<1x1x16xf32>,
        %get3A_759 = vector.shape_cast %get3A_758 : vector<1x1x16xf32> to vector<16xf32>
        %add3A_760 = arith.addf %add3A_751, %get3A_759 : vector<16xf32>
        %add3A_761 = arith.constant 7 : i32
        %add3A_762 = arith.addi %mul3A_245, %add3A_761 : i32
        %get3A_763 = arith.constant 0 : i32
        %get3A_764 = arith.index_cast %get3A_763 : i32 to index
        %get3A_765 = arith.index_cast %add3A_762 : i32 to index
        %get3A_766 = arith.constant 16 : index
        %get3A_767 = tpu.vector_load %arg6[%get3A_764, %get3A_765, %get3A_766] {strides = array<i32>} : memref<2x800x64xf32, #tpu.memory_space<vmem>>, vector<1x1x16xf32>,
        %get3A_768 = vector.shape_cast %get3A_767 : vector<1x1x16xf32> to vector<16xf32>
        %add3A_769 = arith.addf %add3A_760, %get3A_768 : vector<16xf32>
        %add3A_770 = arith.constant 8 : i32
        %add3A_771 = arith.addi %mul3A_245, %add3A_770 : i32
        %get3A_772 = arith.constant 0 : i32
        %get3A_773 = arith.index_cast %get3A_772 : i32 to index
        %get3A_774 = arith.index_cast %add3A_771 : i32 to index
        %get3A_775 = arith.constant 16 : index
        %get3A_776 = tpu.vector_load %arg6[%get3A_773, %get3A_774, %get3A_775] {strides = array<i32>} : memref<2x800x64xf32, #tpu.memory_space<vmem>>, vector<1x1x16xf32>,
        %get3A_777 = vector.shape_cast %get3A_776 : vector<1x1x16xf32> to vector<16xf32>
        %add3A_778 = arith.addf %add3A_769, %get3A_777 : vector<16xf32>
        %add3A_779 = arith.constant 9 : i32
        %add3A_780 = arith.addi %mul3A_245, %add3A_779 : i32
        %get3A_781 = arith.constant 0 : i32
        %get3A_782 = arith.index_cast %get3A_781 : i32 to index
        %get3A_783 = arith.index_cast %add3A_780 : i32 to index
        %get3A_784 = arith.constant 16 : index
        %get3A_785 = tpu.vector_load %arg6[%get3A_782, %get3A_783, %get3A_784] {strides = array<i32>} : memref<2x800x64xf32, #tpu.memory_space<vmem>>, vector<1x1x16xf32>,
        %get3A_786 = vector.shape_cast %get3A_785 : vector<1x1x16xf32> to vector<16xf32>
        %add3A_787 = arith.addf %add3A_778, %get3A_786 : vector<16xf32>
        %add3A_788 = arith.constant 10 : i32
        %add3A_789 = arith.addi %mul3A_245, %add3A_788 : i32
        %get3A_790 = arith.constant 0 : i32
        %get3A_791 = arith.index_cast %get3A_790 : i32 to index
        %get3A_792 = arith.index_cast %add3A_789 : i32 to index
        %get3A_793 = arith.constant 16 : index
        %get3A_794 = tpu.vector_load %arg6[%get3A_791, %get3A_792, %get3A_793] {strides = array<i32>} : memref<2x800x64xf32, #tpu.memory_space<vmem>>, vector<1x1x16xf32>,
        %get3A_795 = vector.shape_cast %get3A_794 : vector<1x1x16xf32> to vector<16xf32>
        %add3A_796 = arith.addf %add3A_787, %get3A_795 : vector<16xf32>
        %add3A_797 = arith.constant 11 : i32
        %add3A_798 = arith.addi %mul3A_245, %add3A_797 : i32
        %get3A_799 = arith.constant 0 : i32
        %get3A_800 = arith.index_cast %get3A_799 : i32 to index
        %get3A_801 = arith.index_cast %add3A_798 : i32 to index
        %get3A_802 = arith.constant 16 : index
        %get3A_803 = tpu.vector_load %arg6[%get3A_800, %get3A_801, %get3A_802] {strides = array<i32>} : memref<2x800x64xf32, #tpu.memory_space<vmem>>, vector<1x1x16xf32>,
        %get3A_804 = vector.shape_cast %get3A_803 : vector<1x1x16xf32> to vector<16xf32>
        %add3A_805 = arith.addf %add3A_796, %get3A_804 : vector<16xf32>
        %add3A_806 = arith.constant 12 : i32
        %add3A_807 = arith.addi %mul3A_245, %add3A_806 : i32
        %get3A_808 = arith.constant 0 : i32
        %get3A_809 = arith.index_cast %get3A_808 : i32 to index
        %get3A_810 = arith.index_cast %add3A_807 : i32 to index
        %get3A_811 = arith.constant 16 : index
        %get3A_812 = tpu.vector_load %arg6[%get3A_809, %get3A_810, %get3A_811] {strides = array<i32>} : memref<2x800x64xf32, #tpu.memory_space<vmem>>, vector<1x1x16xf32>,
        %get3A_813 = vector.shape_cast %get3A_812 : vector<1x1x16xf32> to vector<16xf32>
        %add3A_814 = arith.addf %add3A_805, %get3A_813 : vector<16xf32>
        %add3A_815 = arith.constant 13 : i32
        %add3A_816 = arith.addi %mul3A_245, %add3A_815 : i32
        %get3A_817 = arith.constant 0 : i32
        %get3A_818 = arith.index_cast %get3A_817 : i32 to index
        %get3A_819 = arith.index_cast %add3A_816 : i32 to index
        %get3A_820 = arith.constant 16 : index
        %get3A_821 = tpu.vector_load %arg6[%get3A_818, %get3A_819, %get3A_820] {strides = array<i32>} : memref<2x800x64xf32, #tpu.memory_space<vmem>>, vector<1x1x16xf32>,
        %get3A_822 = vector.shape_cast %get3A_821 : vector<1x1x16xf32> to vector<16xf32>
        %add3A_823 = arith.addf %add3A_814, %get3A_822 : vector<16xf32>
        %add3A_824 = arith.constant 14 : i32
        %add3A_825 = arith.addi %mul3A_245, %add3A_824 : i32
        %get3A_826 = arith.constant 0 : i32
        %get3A_827 = arith.index_cast %get3A_826 : i32 to index
        %get3A_828 = arith.index_cast %add3A_825 : i32 to index
        %get3A_829 = arith.constant 16 : index
        %get3A_830 = tpu.vector_load %arg6[%get3A_827, %get3A_828, %get3A_829] {strides = array<i32>} : memref<2x800x64xf32, #tpu.memory_space<vmem>>, vector<1x1x16xf32>,
        %get3A_831 = vector.shape_cast %get3A_830 : vector<1x1x16xf32> to vector<16xf32>
        %add3A_832 = arith.addf %add3A_823, %get3A_831 : vector<16xf32>
        %add3A_833 = arith.constant 15 : i32
        %add3A_834 = arith.addi %mul3A_245, %add3A_833 : i32
        %get3A_835 = arith.constant 0 : i32
        %get3A_836 = arith.index_cast %get3A_835 : i32 to index
        %get3A_837 = arith.index_cast %add3A_834 : i32 to index
        %get3A_838 = arith.constant 16 : index
        %get3A_839 = tpu.vector_load %arg6[%get3A_836, %get3A_837, %get3A_838] {strides = array<i32>} : memref<2x800x64xf32, #tpu.memory_space<vmem>>, vector<1x1x16xf32>,
        %get3A_840 = vector.shape_cast %get3A_839 : vector<1x1x16xf32> to vector<16xf32>
        %add3A_841 = arith.addf %add3A_832, %get3A_840 : vector<16xf32>
        %add3A_842 = arith.constant 16 : i32
        %add3A_843 = arith.addi %mul3A_245, %add3A_842 : i32
        %get3A_844 = arith.constant 0 : i32
        %get3A_845 = arith.index_cast %get3A_844 : i32 to index
        %get3A_846 = arith.index_cast %add3A_843 : i32 to index
        %get3A_847 = arith.constant 16 : index
        %get3A_848 = tpu.vector_load %arg6[%get3A_845, %get3A_846, %get3A_847] {strides = array<i32>} : memref<2x800x64xf32, #tpu.memory_space<vmem>>, vector<1x1x16xf32>,
        %get3A_849 = vector.shape_cast %get3A_848 : vector<1x1x16xf32> to vector<16xf32>
        %add3A_850 = arith.addf %add3A_841, %get3A_849 : vector<16xf32>
        %add3A_851 = arith.constant 17 : i32
        %add3A_852 = arith.addi %mul3A_245, %add3A_851 : i32
        %get3A_853 = arith.constant 0 : i32
        %get3A_854 = arith.index_cast %get3A_853 : i32 to index
        %get3A_855 = arith.index_cast %add3A_852 : i32 to index
        %get3A_856 = arith.constant 16 : index
        %get3A_857 = tpu.vector_load %arg6[%get3A_854, %get3A_855, %get3A_856] {strides = array<i32>} : memref<2x800x64xf32, #tpu.memory_space<vmem>>, vector<1x1x16xf32>,
        %get3A_858 = vector.shape_cast %get3A_857 : vector<1x1x16xf32> to vector<16xf32>
        %add3A_859 = arith.addf %add3A_850, %get3A_858 : vector<16xf32>
        %add3A_860 = arith.constant 18 : i32
        %add3A_861 = arith.addi %mul3A_245, %add3A_860 : i32
        %get3A_862 = arith.constant 0 : i32
        %get3A_863 = arith.index_cast %get3A_862 : i32 to index
        %get3A_864 = arith.index_cast %add3A_861 : i32 to index
        %get3A_865 = arith.constant 16 : index
        %get3A_866 = tpu.vector_load %arg6[%get3A_863, %get3A_864, %get3A_865] {strides = array<i32>} : memref<2x800x64xf32, #tpu.memory_space<vmem>>, vector<1x1x16xf32>,
        %get3A_867 = vector.shape_cast %get3A_866 : vector<1x1x16xf32> to vector<16xf32>
        %add3A_868 = arith.addf %add3A_859, %get3A_867 : vector<16xf32>
        %add3A_869 = arith.constant 19 : i32
        %add3A_870 = arith.addi %mul3A_245, %add3A_869 : i32
        %get3A_871 = arith.constant 0 : i32
        %get3A_872 = arith.index_cast %get3A_871 : i32 to index
        %get3A_873 = arith.index_cast %add3A_870 : i32 to index
        %get3A_874 = arith.constant 16 : index
        %get3A_875 = tpu.vector_load %arg6[%get3A_872, %get3A_873, %get3A_874] {strides = array<i32>} : memref<2x800x64xf32, #tpu.memory_space<vmem>>, vector<1x1x16xf32>,
        %get3A_876 = vector.shape_cast %get3A_875 : vector<1x1x16xf32> to vector<16xf32>
        %add3A_877 = arith.addf %add3A_868, %get3A_876 : vector<16xf32>
        %add3A_878 = arith.constant 20 : i32
        %add3A_879 = arith.addi %mul3A_245, %add3A_878 : i32
        %get3A_880 = arith.constant 0 : i32
        %get3A_881 = arith.index_cast %get3A_880 : i32 to index
        %get3A_882 = arith.index_cast %add3A_879 : i32 to index
        %get3A_883 = arith.constant 16 : index
        %get3A_884 = tpu.vector_load %arg6[%get3A_881, %get3A_882, %get3A_883] {strides = array<i32>} : memref<2x800x64xf32, #tpu.memory_space<vmem>>, vector<1x1x16xf32>,
        %get3A_885 = vector.shape_cast %get3A_884 : vector<1x1x16xf32> to vector<16xf32>
        %add3A_886 = arith.addf %add3A_877, %get3A_885 : vector<16xf32>
        %add3A_887 = arith.constant 21 : i32
        %add3A_888 = arith.addi %mul3A_245, %add3A_887 : i32
        %get3A_889 = arith.constant 0 : i32
        %get3A_890 = arith.index_cast %get3A_889 : i32 to index
        %get3A_891 = arith.index_cast %add3A_888 : i32 to index
        %get3A_892 = arith.constant 16 : index
        %get3A_893 = tpu.vector_load %arg6[%get3A_890, %get3A_891, %get3A_892] {strides = array<i32>} : memref<2x800x64xf32, #tpu.memory_space<vmem>>, vector<1x1x16xf32>,
        %get3A_894 = vector.shape_cast %get3A_893 : vector<1x1x16xf32> to vector<16xf32>
        %add3A_895 = arith.addf %add3A_886, %get3A_894 : vector<16xf32>
        %add3A_896 = arith.constant 22 : i32
        %add3A_897 = arith.addi %mul3A_245, %add3A_896 : i32
        %get3A_898 = arith.constant 0 : i32
        %get3A_899 = arith.index_cast %get3A_898 : i32 to index
        %get3A_900 = arith.index_cast %add3A_897 : i32 to index
        %get3A_901 = arith.constant 16 : index
        %get3A_902 = tpu.vector_load %arg6[%get3A_899, %get3A_900, %get3A_901] {strides = array<i32>} : memref<2x800x64xf32, #tpu.memory_space<vmem>>, vector<1x1x16xf32>,
        %get3A_903 = vector.shape_cast %get3A_902 : vector<1x1x16xf32> to vector<16xf32>
        %add3A_904 = arith.addf %add3A_895, %get3A_903 : vector<16xf32>
        %add3A_905 = arith.constant 23 : i32
        %add3A_906 = arith.addi %mul3A_245, %add3A_905 : i32
        %get3A_907 = arith.constant 0 : i32
        %get3A_908 = arith.index_cast %get3A_907 : i32 to index
        %get3A_909 = arith.index_cast %add3A_906 : i32 to index
        %get3A_910 = arith.constant 16 : index
        %get3A_911 = tpu.vector_load %arg6[%get3A_908, %get3A_909, %get3A_910] {strides = array<i32>} : memref<2x800x64xf32, #tpu.memory_space<vmem>>, vector<1x1x16xf32>,
        %get3A_912 = vector.shape_cast %get3A_911 : vector<1x1x16xf32> to vector<16xf32>
        %add3A_913 = arith.addf %add3A_904, %get3A_912 : vector<16xf32>
        %add3A_914 = arith.constant 24 : i32
        %add3A_915 = arith.addi %mul3A_245, %add3A_914 : i32
        %get3A_916 = arith.constant 0 : i32
        %get3A_917 = arith.index_cast %get3A_916 : i32 to index
        %get3A_918 = arith.index_cast %add3A_915 : i32 to index
        %get3A_919 = arith.constant 16 : index
        %get3A_920 = tpu.vector_load %arg6[%get3A_917, %get3A_918, %get3A_919] {strides = array<i32>} : memref<2x800x64xf32, #tpu.memory_space<vmem>>, vector<1x1x16xf32>,
        %get3A_921 = vector.shape_cast %get3A_920 : vector<1x1x16xf32> to vector<16xf32>
        %add3A_922 = arith.addf %add3A_913, %get3A_921 : vector<16xf32>
        %add3A_923 = arith.constant 25 : i32
        %add3A_924 = arith.addi %mul3A_245, %add3A_923 : i32
        %get3A_925 = arith.constant 0 : i32
        %get3A_926 = arith.index_cast %get3A_925 : i32 to index
        %get3A_927 = arith.index_cast %add3A_924 : i32 to index
        %get3A_928 = arith.constant 16 : index
        %get3A_929 = tpu.vector_load %arg6[%get3A_926, %get3A_927, %get3A_928] {strides = array<i32>} : memref<2x800x64xf32, #tpu.memory_space<vmem>>, vector<1x1x16xf32>,
        %get3A_930 = vector.shape_cast %get3A_929 : vector<1x1x16xf32> to vector<16xf32>
        %add3A_931 = arith.addf %add3A_922, %get3A_930 : vector<16xf32>
        %add3A_932 = arith.constant 26 : i32
        %add3A_933 = arith.addi %mul3A_245, %add3A_932 : i32
        %get3A_934 = arith.constant 0 : i32
        %get3A_935 = arith.index_cast %get3A_934 : i32 to index
        %get3A_936 = arith.index_cast %add3A_933 : i32 to index
        %get3A_937 = arith.constant 16 : index
        %get3A_938 = tpu.vector_load %arg6[%get3A_935, %get3A_936, %get3A_937] {strides = array<i32>} : memref<2x800x64xf32, #tpu.memory_space<vmem>>, vector<1x1x16xf32>,
        %get3A_939 = vector.shape_cast %get3A_938 : vector<1x1x16xf32> to vector<16xf32>
        %add3A_940 = arith.addf %add3A_931, %get3A_939 : vector<16xf32>
        %add3A_941 = arith.constant 27 : i32
        %add3A_942 = arith.addi %mul3A_245, %add3A_941 : i32
        %get3A_943 = arith.constant 0 : i32
        %get3A_944 = arith.index_cast %get3A_943 : i32 to index
        %get3A_945 = arith.index_cast %add3A_942 : i32 to index
        %get3A_946 = arith.constant 16 : index
        %get3A_947 = tpu.vector_load %arg6[%get3A_944, %get3A_945, %get3A_946] {strides = array<i32>} : memref<2x800x64xf32, #tpu.memory_space<vmem>>, vector<1x1x16xf32>,
        %get3A_948 = vector.shape_cast %get3A_947 : vector<1x1x16xf32> to vector<16xf32>
        %add3A_949 = arith.addf %add3A_940, %get3A_948 : vector<16xf32>
        %add3A_950 = arith.constant 28 : i32
        %add3A_951 = arith.addi %mul3A_245, %add3A_950 : i32
        %get3A_952 = arith.constant 0 : i32
        %get3A_953 = arith.index_cast %get3A_952 : i32 to index
        %get3A_954 = arith.index_cast %add3A_951 : i32 to index
        %get3A_955 = arith.constant 16 : index
        %get3A_956 = tpu.vector_load %arg6[%get3A_953, %get3A_954, %get3A_955] {strides = array<i32>} : memref<2x800x64xf32, #tpu.memory_space<vmem>>, vector<1x1x16xf32>,
        %get3A_957 = vector.shape_cast %get3A_956 : vector<1x1x16xf32> to vector<16xf32>
        %add3A_958 = arith.addf %add3A_949, %get3A_957 : vector<16xf32>
        %add3A_959 = arith.constant 29 : i32
        %add3A_960 = arith.addi %mul3A_245, %add3A_959 : i32
        %get3A_961 = arith.constant 0 : i32
        %get3A_962 = arith.index_cast %get3A_961 : i32 to index
        %get3A_963 = arith.index_cast %add3A_960 : i32 to index
        %get3A_964 = arith.constant 16 : index
        %get3A_965 = tpu.vector_load %arg6[%get3A_962, %get3A_963, %get3A_964] {strides = array<i32>} : memref<2x800x64xf32, #tpu.memory_space<vmem>>, vector<1x1x16xf32>,
        %get3A_966 = vector.shape_cast %get3A_965 : vector<1x1x16xf32> to vector<16xf32>
        %add3A_967 = arith.addf %add3A_958, %get3A_966 : vector<16xf32>
        %add3A_968 = arith.constant 30 : i32
        %add3A_969 = arith.addi %mul3A_245, %add3A_968 : i32
        %get3A_970 = arith.constant 0 : i32
        %get3A_971 = arith.index_cast %get3A_970 : i32 to index
        %get3A_972 = arith.index_cast %add3A_969 : i32 to index
        %get3A_973 = arith.constant 16 : index
        %get3A_974 = tpu.vector_load %arg6[%get3A_971, %get3A_972, %get3A_973] {strides = array<i32>} : memref<2x800x64xf32, #tpu.memory_space<vmem>>, vector<1x1x16xf32>,
        %get3A_975 = vector.shape_cast %get3A_974 : vector<1x1x16xf32> to vector<16xf32>
        %add3A_976 = arith.addf %add3A_967, %get3A_975 : vector<16xf32>
        %add3A_977 = arith.constant 31 : i32
        %add3A_978 = arith.addi %mul3A_245, %add3A_977 : i32
        %get3A_979 = arith.constant 0 : i32
        %get3A_980 = arith.index_cast %get3A_979 : i32 to index
        %get3A_981 = arith.index_cast %add3A_978 : i32 to index
        %get3A_982 = arith.constant 16 : index
        %get3A_983 = tpu.vector_load %arg6[%get3A_980, %get3A_981, %get3A_982] {strides = array<i32>} : memref<2x800x64xf32, #tpu.memory_space<vmem>>, vector<1x1x16xf32>,
        %get3A_984 = vector.shape_cast %get3A_983 : vector<1x1x16xf32> to vector<16xf32>
        %add3A_985 = arith.addf %add3A_976, %get3A_984 : vector<16xf32>
        %add3A_986 = arith.constant 32 : i32
        %add3A_987 = arith.addi %mul3A_245, %add3A_986 : i32
        %get3A_988 = arith.constant 0 : i32
        %get3A_989 = arith.index_cast %get3A_988 : i32 to index
        %get3A_990 = arith.index_cast %add3A_987 : i32 to index
        %get3A_991 = arith.constant 16 : index
        %get3A_992 = tpu.vector_load %arg6[%get3A_989, %get3A_990, %get3A_991] {strides = array<i32>} : memref<2x800x64xf32, #tpu.memory_space<vmem>>, vector<1x1x16xf32>,
        %get3A_993 = vector.shape_cast %get3A_992 : vector<1x1x16xf32> to vector<16xf32>
        %add3A_994 = arith.addf %add3A_985, %get3A_993 : vector<16xf32>
        %add3A_995 = arith.constant 33 : i32
        %add3A_996 = arith.addi %mul3A_245, %add3A_995 : i32
        %get3A_997 = arith.constant 0 : i32
        %get3A_998 = arith.index_cast %get3A_997 : i32 to index
        %get3A_999 = arith.index_cast %add3A_996 : i32 to index
        %get3A_1000 = arith.constant 16 : index
        %get3A_1001 = tpu.vector_load %arg6[%get3A_998, %get3A_999, %get3A_1000] {strides = array<i32>} : memref<2x800x64xf32, #tpu.memory_space<vmem>>, vector<1x1x16xf32>,
        %get3A_1002 = vector.shape_cast %get3A_1001 : vector<1x1x16xf32> to vector<16xf32>
        %add3A_1003 = arith.addf %add3A_994, %get3A_1002 : vector<16xf32>
        %add3A_1004 = arith.constant 34 : i32
        %add3A_1005 = arith.addi %mul3A_245, %add3A_1004 : i32
        %get3A_1006 = arith.constant 0 : i32
        %get3A_1007 = arith.index_cast %get3A_1006 : i32 to index
        %get3A_1008 = arith.index_cast %add3A_1005 : i32 to index
        %get3A_1009 = arith.constant 16 : index
        %get3A_1010 = tpu.vector_load %arg6[%get3A_1007, %get3A_1008, %get3A_1009] {strides = array<i32>} : memref<2x800x64xf32, #tpu.memory_space<vmem>>, vector<1x1x16xf32>,
        %get3A_1011 = vector.shape_cast %get3A_1010 : vector<1x1x16xf32> to vector<16xf32>
        %add3A_1012 = arith.addf %add3A_1003, %get3A_1011 : vector<16xf32>
        %add3A_1013 = arith.constant 35 : i32
        %add3A_1014 = arith.addi %mul3A_245, %add3A_1013 : i32
        %get3A_1015 = arith.constant 0 : i32
        %get3A_1016 = arith.index_cast %get3A_1015 : i32 to index
        %get3A_1017 = arith.index_cast %add3A_1014 : i32 to index
        %get3A_1018 = arith.constant 16 : index
        %get3A_1019 = tpu.vector_load %arg6[%get3A_1016, %get3A_1017, %get3A_1018] {strides = array<i32>} : memref<2x800x64xf32, #tpu.memory_space<vmem>>, vector<1x1x16xf32>,
        %get3A_1020 = vector.shape_cast %get3A_1019 : vector<1x1x16xf32> to vector<16xf32>
        %add3A_1021 = arith.addf %add3A_1012, %get3A_1020 : vector<16xf32>
        %add3A_1022 = arith.constant 36 : i32
        %add3A_1023 = arith.addi %mul3A_245, %add3A_1022 : i32
        %get3A_1024 = arith.constant 0 : i32
        %get3A_1025 = arith.index_cast %get3A_1024 : i32 to index
        %get3A_1026 = arith.index_cast %add3A_1023 : i32 to index
        %get3A_1027 = arith.constant 16 : index
        %get3A_1028 = tpu.vector_load %arg6[%get3A_1025, %get3A_1026, %get3A_1027] {strides = array<i32>} : memref<2x800x64xf32, #tpu.memory_space<vmem>>, vector<1x1x16xf32>,
        %get3A_1029 = vector.shape_cast %get3A_1028 : vector<1x1x16xf32> to vector<16xf32>
        %add3A_1030 = arith.addf %add3A_1021, %get3A_1029 : vector<16xf32>
        %add3A_1031 = arith.constant 37 : i32
        %add3A_1032 = arith.addi %mul3A_245, %add3A_1031 : i32
        %get3A_1033 = arith.constant 0 : i32
        %get3A_1034 = arith.index_cast %get3A_1033 : i32 to index
        %get3A_1035 = arith.index_cast %add3A_1032 : i32 to index
        %get3A_1036 = arith.constant 16 : index
        %get3A_1037 = tpu.vector_load %arg6[%get3A_1034, %get3A_1035, %get3A_1036] {strides = array<i32>} : memref<2x800x64xf32, #tpu.memory_space<vmem>>, vector<1x1x16xf32>,
        %get3A_1038 = vector.shape_cast %get3A_1037 : vector<1x1x16xf32> to vector<16xf32>
        %add3A_1039 = arith.addf %add3A_1030, %get3A_1038 : vector<16xf32>
        %add3A_1040 = arith.constant 38 : i32
        %add3A_1041 = arith.addi %mul3A_245, %add3A_1040 : i32
        %get3A_1042 = arith.constant 0 : i32
        %get3A_1043 = arith.index_cast %get3A_1042 : i32 to index
        %get3A_1044 = arith.index_cast %add3A_1041 : i32 to index
        %get3A_1045 = arith.constant 16 : index
        %get3A_1046 = tpu.vector_load %arg6[%get3A_1043, %get3A_1044, %get3A_1045] {strides = array<i32>} : memref<2x800x64xf32, #tpu.memory_space<vmem>>, vector<1x1x16xf32>,
        %get3A_1047 = vector.shape_cast %get3A_1046 : vector<1x1x16xf32> to vector<16xf32>
        %add3A_1048 = arith.addf %add3A_1039, %get3A_1047 : vector<16xf32>
        %add3A_1049 = arith.constant 39 : i32
        %add3A_1050 = arith.addi %mul3A_245, %add3A_1049 : i32
        %get3A_1051 = arith.constant 0 : i32
        %get3A_1052 = arith.index_cast %get3A_1051 : i32 to index
        %get3A_1053 = arith.index_cast %add3A_1050 : i32 to index
        %get3A_1054 = arith.constant 16 : index
        %get3A_1055 = tpu.vector_load %arg6[%get3A_1052, %get3A_1053, %get3A_1054] {strides = array<i32>} : memref<2x800x64xf32, #tpu.memory_space<vmem>>, vector<1x1x16xf32>,
        %get3A_1056 = vector.shape_cast %get3A_1055 : vector<1x1x16xf32> to vector<16xf32>
        %add3A_1057 = arith.addf %add3A_1048, %get3A_1056 : vector<16xf32>
        %add3A_1058 = arith.constant 40 : i32
        %add3A_1059 = arith.addi %mul3A_245, %add3A_1058 : i32
        %get3A_1060 = arith.constant 0 : i32
        %get3A_1061 = arith.index_cast %get3A_1060 : i32 to index
        %get3A_1062 = arith.index_cast %add3A_1059 : i32 to index
        %get3A_1063 = arith.constant 16 : index
        %get3A_1064 = tpu.vector_load %arg6[%get3A_1061, %get3A_1062, %get3A_1063] {strides = array<i32>} : memref<2x800x64xf32, #tpu.memory_space<vmem>>, vector<1x1x16xf32>,
        %get3A_1065 = vector.shape_cast %get3A_1064 : vector<1x1x16xf32> to vector<16xf32>
        %add3A_1066 = arith.addf %add3A_1057, %get3A_1065 : vector<16xf32>
        %add3A_1067 = arith.constant 41 : i32
        %add3A_1068 = arith.addi %mul3A_245, %add3A_1067 : i32
        %get3A_1069 = arith.constant 0 : i32
        %get3A_1070 = arith.index_cast %get3A_1069 : i32 to index
        %get3A_1071 = arith.index_cast %add3A_1068 : i32 to index
        %get3A_1072 = arith.constant 16 : index
        %get3A_1073 = tpu.vector_load %arg6[%get3A_1070, %get3A_1071, %get3A_1072] {strides = array<i32>} : memref<2x800x64xf32, #tpu.memory_space<vmem>>, vector<1x1x16xf32>,
        %get3A_1074 = vector.shape_cast %get3A_1073 : vector<1x1x16xf32> to vector<16xf32>
        %add3A_1075 = arith.addf %add3A_1066, %get3A_1074 : vector<16xf32>
        %add3A_1076 = arith.constant 42 : i32
        %add3A_1077 = arith.addi %mul3A_245, %add3A_1076 : i32
        %get3A_1078 = arith.constant 0 : i32
        %get3A_1079 = arith.index_cast %get3A_1078 : i32 to index
        %get3A_1080 = arith.index_cast %add3A_1077 : i32 to index
        %get3A_1081 = arith.constant 16 : index
        %get3A_1082 = tpu.vector_load %arg6[%get3A_1079, %get3A_1080, %get3A_1081] {strides = array<i32>} : memref<2x800x64xf32, #tpu.memory_space<vmem>>, vector<1x1x16xf32>,
        %get3A_1083 = vector.shape_cast %get3A_1082 : vector<1x1x16xf32> to vector<16xf32>
        %add3A_1084 = arith.addf %add3A_1075, %get3A_1083 : vector<16xf32>
        %add3A_1085 = arith.constant 43 : i32
        %add3A_1086 = arith.addi %mul3A_245, %add3A_1085 : i32
        %get3A_1087 = arith.constant 0 : i32
        %get3A_1088 = arith.index_cast %get3A_1087 : i32 to index
        %get3A_1089 = arith.index_cast %add3A_1086 : i32 to index
        %get3A_1090 = arith.constant 16 : index
        %get3A_1091 = tpu.vector_load %arg6[%get3A_1088, %get3A_1089, %get3A_1090] {strides = array<i32>} : memref<2x800x64xf32, #tpu.memory_space<vmem>>, vector<1x1x16xf32>,
        %get3A_1092 = vector.shape_cast %get3A_1091 : vector<1x1x16xf32> to vector<16xf32>
        %add3A_1093 = arith.addf %add3A_1084, %get3A_1092 : vector<16xf32>
        %add3A_1094 = arith.constant 44 : i32
        %add3A_1095 = arith.addi %mul3A_245, %add3A_1094 : i32
        %get3A_1096 = arith.constant 0 : i32
        %get3A_1097 = arith.index_cast %get3A_1096 : i32 to index
        %get3A_1098 = arith.index_cast %add3A_1095 : i32 to index
        %get3A_1099 = arith.constant 16 : index
        %get3A_1100 = tpu.vector_load %arg6[%get3A_1097, %get3A_1098, %get3A_1099] {strides = array<i32>} : memref<2x800x64xf32, #tpu.memory_space<vmem>>, vector<1x1x16xf32>,
        %get3A_1101 = vector.shape_cast %get3A_1100 : vector<1x1x16xf32> to vector<16xf32>
        %add3A_1102 = arith.addf %add3A_1093, %get3A_1101 : vector<16xf32>
        %add3A_1103 = arith.constant 45 : i32
        %add3A_1104 = arith.addi %mul3A_245, %add3A_1103 : i32
        %get3A_1105 = arith.constant 0 : i32
        %get3A_1106 = arith.index_cast %get3A_1105 : i32 to index
        %get3A_1107 = arith.index_cast %add3A_1104 : i32 to index
        %get3A_1108 = arith.constant 16 : index
        %get3A_1109 = tpu.vector_load %arg6[%get3A_1106, %get3A_1107, %get3A_1108] {strides = array<i32>} : memref<2x800x64xf32, #tpu.memory_space<vmem>>, vector<1x1x16xf32>,
        %get3A_1110 = vector.shape_cast %get3A_1109 : vector<1x1x16xf32> to vector<16xf32>
        %add3A_1111 = arith.addf %add3A_1102, %get3A_1110 : vector<16xf32>
        %add3A_1112 = arith.constant 46 : i32
        %add3A_1113 = arith.addi %mul3A_245, %add3A_1112 : i32
        %get3A_1114 = arith.constant 0 : i32
        %get3A_1115 = arith.index_cast %get3A_1114 : i32 to index
        %get3A_1116 = arith.index_cast %add3A_1113 : i32 to index
        %get3A_1117 = arith.constant 16 : index
        %get3A_1118 = tpu.vector_load %arg6[%get3A_1115, %get3A_1116, %get3A_1117] {strides = array<i32>} : memref<2x800x64xf32, #tpu.memory_space<vmem>>, vector<1x1x16xf32>,
        %get3A_1119 = vector.shape_cast %get3A_1118 : vector<1x1x16xf32> to vector<16xf32>
        %add3A_1120 = arith.addf %add3A_1111, %get3A_1119 : vector<16xf32>
        %add3A_1121 = arith.constant 47 : i32
        %add3A_1122 = arith.addi %mul3A_245, %add3A_1121 : i32
        %get3A_1123 = arith.constant 0 : i32
        %get3A_1124 = arith.index_cast %get3A_1123 : i32 to index
        %get3A_1125 = arith.index_cast %add3A_1122 : i32 to index
        %get3A_1126 = arith.constant 16 : index
        %get3A_1127 = tpu.vector_load %arg6[%get3A_1124, %get3A_1125, %get3A_1126] {strides = array<i32>} : memref<2x800x64xf32, #tpu.memory_space<vmem>>, vector<1x1x16xf32>,
        %get3A_1128 = vector.shape_cast %get3A_1127 : vector<1x1x16xf32> to vector<16xf32>
        %add3A_1129 = arith.addf %add3A_1120, %get3A_1128 : vector<16xf32>
        %add3A_1130 = arith.constant 48 : i32
        %add3A_1131 = arith.addi %mul3A_245, %add3A_1130 : i32
        %get3A_1132 = arith.constant 0 : i32
        %get3A_1133 = arith.index_cast %get3A_1132 : i32 to index
        %get3A_1134 = arith.index_cast %add3A_1131 : i32 to index
        %get3A_1135 = arith.constant 16 : index
        %get3A_1136 = tpu.vector_load %arg6[%get3A_1133, %get3A_1134, %get3A_1135] {strides = array<i32>} : memref<2x800x64xf32, #tpu.memory_space<vmem>>, vector<1x1x16xf32>,
        %get3A_1137 = vector.shape_cast %get3A_1136 : vector<1x1x16xf32> to vector<16xf32>
        %add3A_1138 = arith.addf %add3A_1129, %get3A_1137 : vector<16xf32>
        %add3A_1139 = arith.constant 49 : i32
        %add3A_1140 = arith.addi %mul3A_245, %add3A_1139 : i32
        %get3A_1141 = arith.constant 0 : i32
        %get3A_1142 = arith.index_cast %get3A_1141 : i32 to index
        %get3A_1143 = arith.index_cast %add3A_1140 : i32 to index
        %get3A_1144 = arith.constant 16 : index
        %get3A_1145 = tpu.vector_load %arg6[%get3A_1142, %get3A_1143, %get3A_1144] {strides = array<i32>} : memref<2x800x64xf32, #tpu.memory_space<vmem>>, vector<1x1x16xf32>,
        %get3A_1146 = vector.shape_cast %get3A_1145 : vector<1x1x16xf32> to vector<16xf32>
        %add3A_1147 = arith.addf %add3A_1138, %get3A_1146 : vector<16xf32>
        %mul3A_1148 = arith.constant 2.000000e-02 : f32
        %mul3A_1149 = vector.broadcast %mul3A_1148 : f32 to vector<16xf32>
        %mul3A_1150 = arith.mulf %add3A_1147, %mul3A_1149 : vector<16xf32>
        %swap3A_1151 = arith.constant 0 : i32
        %swap3A_1152 = arith.index_cast %swap3A_1151 : i32 to index
        %swap3A_1153 = arith.index_cast %scan3A_243 : i32 to index
        %swap3A_1154 = arith.constant 16 : index
        %swap3A_1155 = tpu.vector_load %arg7[%swap3A_1152, %swap3A_1153, %swap3A_1154] {strides = array<i32>} : memref<2x16x64xf32, #tpu.memory_space<vmem>>, vector<1x1x16xf32>,
        %swap3A_1156 = vector.shape_cast %swap3A_1155 : vector<1x1x16xf32> to vector<16xf32>
        %swap3A_1157 = vector.shape_cast %mul3A_1150 : vector<16xf32> to vector<1x1x16xf32>
        tpu.vector_store %arg7[%swap3A_1152, %swap3A_1153, %swap3A_1154], %swap3A_1157 {strides = array<i32>} : memref<2x16x64xf32, #tpu.memory_space<vmem>>, vector<1x1x16xf32>,
        %get3A_1158 = arith.constant 0 : i32
        %get3A_1159 = arith.index_cast %get3A_1158 : i32 to index
        %get3A_1160 = arith.index_cast %mul3A_245 : i32 to index
        %get3A_1161 = arith.constant 32 : index
        %get3A_1162 = tpu.vector_load %arg6[%get3A_1159, %get3A_1160, %get3A_1161] {strides = array<i32>} : memref<2x800x64xf32, #tpu.memory_space<vmem>>, vector<1x1x16xf32>,
        %get3A_1163 = vector.shape_cast %get3A_1162 : vector<1x1x16xf32> to vector<16xf32>
        %add3A_1164 = arith.constant 1 : i32
        %add3A_1165 = arith.addi %mul3A_245, %add3A_1164 : i32
        %get3A_1166 = arith.constant 0 : i32
        %get3A_1167 = arith.index_cast %get3A_1166 : i32 to index
        %get3A_1168 = arith.index_cast %add3A_1165 : i32 to index
        %get3A_1169 = arith.constant 32 : index
        %get3A_1170 = tpu.vector_load %arg6[%get3A_1167, %get3A_1168, %get3A_1169] {strides = array<i32>} : memref<2x800x64xf32, #tpu.memory_space<vmem>>, vector<1x1x16xf32>,
        %get3A_1171 = vector.shape_cast %get3A_1170 : vector<1x1x16xf32> to vector<16xf32>
        %add3A_1172 = arith.addf %get3A_1163, %get3A_1171 : vector<16xf32>
        %add3A_1173 = arith.constant 2 : i32
        %add3A_1174 = arith.addi %mul3A_245, %add3A_1173 : i32
        %get3A_1175 = arith.constant 0 : i32
        %get3A_1176 = arith.index_cast %get3A_1175 : i32 to index
        %get3A_1177 = arith.index_cast %add3A_1174 : i32 to index
        %get3A_1178 = arith.constant 32 : index
        %get3A_1179 = tpu.vector_load %arg6[%get3A_1176, %get3A_1177, %get3A_1178] {strides = array<i32>} : memref<2x800x64xf32, #tpu.memory_space<vmem>>, vector<1x1x16xf32>,
        %get3A_1180 = vector.shape_cast %get3A_1179 : vector<1x1x16xf32> to vector<16xf32>
        %add3A_1181 = arith.addf %add3A_1172, %get3A_1180 : vector<16xf32>
        %add3A_1182 = arith.constant 3 : i32
        %add3A_1183 = arith.addi %mul3A_245, %add3A_1182 : i32
        %get3A_1184 = arith.constant 0 : i32
        %get3A_1185 = arith.index_cast %get3A_1184 : i32 to index
        %get3A_1186 = arith.index_cast %add3A_1183 : i32 to index
        %get3A_1187 = arith.constant 32 : index
        %get3A_1188 = tpu.vector_load %arg6[%get3A_1185, %get3A_1186, %get3A_1187] {strides = array<i32>} : memref<2x800x64xf32, #tpu.memory_space<vmem>>, vector<1x1x16xf32>,
        %get3A_1189 = vector.shape_cast %get3A_1188 : vector<1x1x16xf32> to vector<16xf32>
        %add3A_1190 = arith.addf %add3A_1181, %get3A_1189 : vector<16xf32>
        %add3A_1191 = arith.constant 4 : i32
        %add3A_1192 = arith.addi %mul3A_245, %add3A_1191 : i32
        %get3A_1193 = arith.constant 0 : i32
        %get3A_1194 = arith.index_cast %get3A_1193 : i32 to index
        %get3A_1195 = arith.index_cast %add3A_1192 : i32 to index
        %get3A_1196 = arith.constant 32 : index
        %get3A_1197 = tpu.vector_load %arg6[%get3A_1194, %get3A_1195, %get3A_1196] {strides = array<i32>} : memref<2x800x64xf32, #tpu.memory_space<vmem>>, vector<1x1x16xf32>,
        %get3A_1198 = vector.shape_cast %get3A_1197 : vector<1x1x16xf32> to vector<16xf32>
        %add3A_1199 = arith.addf %add3A_1190, %get3A_1198 : vector<16xf32>
        %add3A_1200 = arith.constant 5 : i32
        %add3A_1201 = arith.addi %mul3A_245, %add3A_1200 : i32
        %get3A_1202 = arith.constant 0 : i32
        %get3A_1203 = arith.index_cast %get3A_1202 : i32 to index
        %get3A_1204 = arith.index_cast %add3A_1201 : i32 to index
        %get3A_1205 = arith.constant 32 : index
        %get3A_1206 = tpu.vector_load %arg6[%get3A_1203, %get3A_1204, %get3A_1205] {strides = array<i32>} : memref<2x800x64xf32, #tpu.memory_space<vmem>>, vector<1x1x16xf32>,
        %get3A_1207 = vector.shape_cast %get3A_1206 : vector<1x1x16xf32> to vector<16xf32>
        %add3A_1208 = arith.addf %add3A_1199, %get3A_1207 : vector<16xf32>
        %add3A_1209 = arith.constant 6 : i32
        %add3A_1210 = arith.addi %mul3A_245, %add3A_1209 : i32
        %get3A_1211 = arith.constant 0 : i32
        %get3A_1212 = arith.index_cast %get3A_1211 : i32 to index
        %get3A_1213 = arith.index_cast %add3A_1210 : i32 to index
        %get3A_1214 = arith.constant 32 : index
        %get3A_1215 = tpu.vector_load %arg6[%get3A_1212, %get3A_1213, %get3A_1214] {strides = array<i32>} : memref<2x800x64xf32, #tpu.memory_space<vmem>>, vector<1x1x16xf32>,
        %get3A_1216 = vector.shape_cast %get3A_1215 : vector<1x1x16xf32> to vector<16xf32>
        %add3A_1217 = arith.addf %add3A_1208, %get3A_1216 : vector<16xf32>
        %add3A_1218 = arith.constant 7 : i32
        %add3A_1219 = arith.addi %mul3A_245, %add3A_1218 : i32
        %get3A_1220 = arith.constant 0 : i32
        %get3A_1221 = arith.index_cast %get3A_1220 : i32 to index
        %get3A_1222 = arith.index_cast %add3A_1219 : i32 to index
        %get3A_1223 = arith.constant 32 : index
        %get3A_1224 = tpu.vector_load %arg6[%get3A_1221, %get3A_1222, %get3A_1223] {strides = array<i32>} : memref<2x800x64xf32, #tpu.memory_space<vmem>>, vector<1x1x16xf32>,
        %get3A_1225 = vector.shape_cast %get3A_1224 : vector<1x1x16xf32> to vector<16xf32>
        %add3A_1226 = arith.addf %add3A_1217, %get3A_1225 : vector<16xf32>
        %add3A_1227 = arith.constant 8 : i32
        %add3A_1228 = arith.addi %mul3A_245, %add3A_1227 : i32
        %get3A_1229 = arith.constant 0 : i32
        %get3A_1230 = arith.index_cast %get3A_1229 : i32 to index
        %get3A_1231 = arith.index_cast %add3A_1228 : i32 to index
        %get3A_1232 = arith.constant 32 : index
        %get3A_1233 = tpu.vector_load %arg6[%get3A_1230, %get3A_1231, %get3A_1232] {strides = array<i32>} : memref<2x800x64xf32, #tpu.memory_space<vmem>>, vector<1x1x16xf32>,
        %get3A_1234 = vector.shape_cast %get3A_1233 : vector<1x1x16xf32> to vector<16xf32>
        %add3A_1235 = arith.addf %add3A_1226, %get3A_1234 : vector<16xf32>
        %add3A_1236 = arith.constant 9 : i32
        %add3A_1237 = arith.addi %mul3A_245, %add3A_1236 : i32
        %get3A_1238 = arith.constant 0 : i32
        %get3A_1239 = arith.index_cast %get3A_1238 : i32 to index
        %get3A_1240 = arith.index_cast %add3A_1237 : i32 to index
        %get3A_1241 = arith.constant 32 : index
        %get3A_1242 = tpu.vector_load %arg6[%get3A_1239, %get3A_1240, %get3A_1241] {strides = array<i32>} : memref<2x800x64xf32, #tpu.memory_space<vmem>>, vector<1x1x16xf32>,
        %get3A_1243 = vector.shape_cast %get3A_1242 : vector<1x1x16xf32> to vector<16xf32>
        %add3A_1244 = arith.addf %add3A_1235, %get3A_1243 : vector<16xf32>
        %add3A_1245 = arith.constant 10 : i32
        %add3A_1246 = arith.addi %mul3A_245, %add3A_1245 : i32
        %get3A_1247 = arith.constant 0 : i32
        %get3A_1248 = arith.index_cast %get3A_1247 : i32 to index
        %get3A_1249 = arith.index_cast %add3A_1246 : i32 to index
        %get3A_1250 = arith.constant 32 : index
        %get3A_1251 = tpu.vector_load %arg6[%get3A_1248, %get3A_1249, %get3A_1250] {strides = array<i32>} : memref<2x800x64xf32, #tpu.memory_space<vmem>>, vector<1x1x16xf32>,
        %get3A_1252 = vector.shape_cast %get3A_1251 : vector<1x1x16xf32> to vector<16xf32>
        %add3A_1253 = arith.addf %add3A_1244, %get3A_1252 : vector<16xf32>
        %add3A_1254 = arith.constant 11 : i32
        %add3A_1255 = arith.addi %mul3A_245, %add3A_1254 : i32
        %get3A_1256 = arith.constant 0 : i32
        %get3A_1257 = arith.index_cast %get3A_1256 : i32 to index
        %get3A_1258 = arith.index_cast %add3A_1255 : i32 to index
        %get3A_1259 = arith.constant 32 : index
        %get3A_1260 = tpu.vector_load %arg6[%get3A_1257, %get3A_1258, %get3A_1259] {strides = array<i32>} : memref<2x800x64xf32, #tpu.memory_space<vmem>>, vector<1x1x16xf32>,
        %get3A_1261 = vector.shape_cast %get3A_1260 : vector<1x1x16xf32> to vector<16xf32>
        %add3A_1262 = arith.addf %add3A_1253, %get3A_1261 : vector<16xf32>
        %add3A_1263 = arith.constant 12 : i32
        %add3A_1264 = arith.addi %mul3A_245, %add3A_1263 : i32
        %get3A_1265 = arith.constant 0 : i32
        %get3A_1266 = arith.index_cast %get3A_1265 : i32 to index
        %get3A_1267 = arith.index_cast %add3A_1264 : i32 to index
        %get3A_1268 = arith.constant 32 : index
        %get3A_1269 = tpu.vector_load %arg6[%get3A_1266, %get3A_1267, %get3A_1268] {strides = array<i32>} : memref<2x800x64xf32, #tpu.memory_space<vmem>>, vector<1x1x16xf32>,
        %get3A_1270 = vector.shape_cast %get3A_1269 : vector<1x1x16xf32> to vector<16xf32>
        %add3A_1271 = arith.addf %add3A_1262, %get3A_1270 : vector<16xf32>
        %add3A_1272 = arith.constant 13 : i32
        %add3A_1273 = arith.addi %mul3A_245, %add3A_1272 : i32
        %get3A_1274 = arith.constant 0 : i32
        %get3A_1275 = arith.index_cast %get3A_1274 : i32 to index
        %get3A_1276 = arith.index_cast %add3A_1273 : i32 to index
        %get3A_1277 = arith.constant 32 : index
        %get3A_1278 = tpu.vector_load %arg6[%get3A_1275, %get3A_1276, %get3A_1277] {strides = array<i32>} : memref<2x800x64xf32, #tpu.memory_space<vmem>>, vector<1x1x16xf32>,
        %get3A_1279 = vector.shape_cast %get3A_1278 : vector<1x1x16xf32> to vector<16xf32>
        %add3A_1280 = arith.addf %add3A_1271, %get3A_1279 : vector<16xf32>
        %add3A_1281 = arith.constant 14 : i32
        %add3A_1282 = arith.addi %mul3A_245, %add3A_1281 : i32
        %get3A_1283 = arith.constant 0 : i32
        %get3A_1284 = arith.index_cast %get3A_1283 : i32 to index
        %get3A_1285 = arith.index_cast %add3A_1282 : i32 to index
        %get3A_1286 = arith.constant 32 : index
        %get3A_1287 = tpu.vector_load %arg6[%get3A_1284, %get3A_1285, %get3A_1286] {strides = array<i32>} : memref<2x800x64xf32, #tpu.memory_space<vmem>>, vector<1x1x16xf32>,
        %get3A_1288 = vector.shape_cast %get3A_1287 : vector<1x1x16xf32> to vector<16xf32>
        %add3A_1289 = arith.addf %add3A_1280, %get3A_1288 : vector<16xf32>
        %add3A_1290 = arith.constant 15 : i32
        %add3A_1291 = arith.addi %mul3A_245, %add3A_1290 : i32
        %get3A_1292 = arith.constant 0 : i32
        %get3A_1293 = arith.index_cast %get3A_1292 : i32 to index
        %get3A_1294 = arith.index_cast %add3A_1291 : i32 to index
        %get3A_1295 = arith.constant 32 : index
        %get3A_1296 = tpu.vector_load %arg6[%get3A_1293, %get3A_1294, %get3A_1295] {strides = array<i32>} : memref<2x800x64xf32, #tpu.memory_space<vmem>>, vector<1x1x16xf32>,
        %get3A_1297 = vector.shape_cast %get3A_1296 : vector<1x1x16xf32> to vector<16xf32>
        %add3A_1298 = arith.addf %add3A_1289, %get3A_1297 : vector<16xf32>
        %add3A_1299 = arith.constant 16 : i32
        %add3A_1300 = arith.addi %mul3A_245, %add3A_1299 : i32
        %get3A_1301 = arith.constant 0 : i32
        %get3A_1302 = arith.index_cast %get3A_1301 : i32 to index
        %get3A_1303 = arith.index_cast %add3A_1300 : i32 to index
        %get3A_1304 = arith.constant 32 : index
        %get3A_1305 = tpu.vector_load %arg6[%get3A_1302, %get3A_1303, %get3A_1304] {strides = array<i32>} : memref<2x800x64xf32, #tpu.memory_space<vmem>>, vector<1x1x16xf32>,
        %get3A_1306 = vector.shape_cast %get3A_1305 : vector<1x1x16xf32> to vector<16xf32>
        %add3A_1307 = arith.addf %add3A_1298, %get3A_1306 : vector<16xf32>
        %add3A_1308 = arith.constant 17 : i32
        %add3A_1309 = arith.addi %mul3A_245, %add3A_1308 : i32
        %get3A_1310 = arith.constant 0 : i32
        %get3A_1311 = arith.index_cast %get3A_1310 : i32 to index
        %get3A_1312 = arith.index_cast %add3A_1309 : i32 to index
        %get3A_1313 = arith.constant 32 : index
        %get3A_1314 = tpu.vector_load %arg6[%get3A_1311, %get3A_1312, %get3A_1313] {strides = array<i32>} : memref<2x800x64xf32, #tpu.memory_space<vmem>>, vector<1x1x16xf32>,
        %get3A_1315 = vector.shape_cast %get3A_1314 : vector<1x1x16xf32> to vector<16xf32>
        %add3A_1316 = arith.addf %add3A_1307, %get3A_1315 : vector<16xf32>
        %add3A_1317 = arith.constant 18 : i32
        %add3A_1318 = arith.addi %mul3A_245, %add3A_1317 : i32
        %get3A_1319 = arith.constant 0 : i32
        %get3A_1320 = arith.index_cast %get3A_1319 : i32 to index
        %get3A_1321 = arith.index_cast %add3A_1318 : i32 to index
        %get3A_1322 = arith.constant 32 : index
        %get3A_1323 = tpu.vector_load %arg6[%get3A_1320, %get3A_1321, %get3A_1322] {strides = array<i32>} : memref<2x800x64xf32, #tpu.memory_space<vmem>>, vector<1x1x16xf32>,
        %get3A_1324 = vector.shape_cast %get3A_1323 : vector<1x1x16xf32> to vector<16xf32>
        %add3A_1325 = arith.addf %add3A_1316, %get3A_1324 : vector<16xf32>
        %add3A_1326 = arith.constant 19 : i32
        %add3A_1327 = arith.addi %mul3A_245, %add3A_1326 : i32
        %get3A_1328 = arith.constant 0 : i32
        %get3A_1329 = arith.index_cast %get3A_1328 : i32 to index
        %get3A_1330 = arith.index_cast %add3A_1327 : i32 to index
        %get3A_1331 = arith.constant 32 : index
        %get3A_1332 = tpu.vector_load %arg6[%get3A_1329, %get3A_1330, %get3A_1331] {strides = array<i32>} : memref<2x800x64xf32, #tpu.memory_space<vmem>>, vector<1x1x16xf32>,
        %get3A_1333 = vector.shape_cast %get3A_1332 : vector<1x1x16xf32> to vector<16xf32>
        %add3A_1334 = arith.addf %add3A_1325, %get3A_1333 : vector<16xf32>
        %add3A_1335 = arith.constant 20 : i32
        %add3A_1336 = arith.addi %mul3A_245, %add3A_1335 : i32
        %get3A_1337 = arith.constant 0 : i32
        %get3A_1338 = arith.index_cast %get3A_1337 : i32 to index
        %get3A_1339 = arith.index_cast %add3A_1336 : i32 to index
        %get3A_1340 = arith.constant 32 : index
        %get3A_1341 = tpu.vector_load %arg6[%get3A_1338, %get3A_1339, %get3A_1340] {strides = array<i32>} : memref<2x800x64xf32, #tpu.memory_space<vmem>>, vector<1x1x16xf32>,
        %get3A_1342 = vector.shape_cast %get3A_1341 : vector<1x1x16xf32> to vector<16xf32>
        %add3A_1343 = arith.addf %add3A_1334, %get3A_1342 : vector<16xf32>
        %add3A_1344 = arith.constant 21 : i32
        %add3A_1345 = arith.addi %mul3A_245, %add3A_1344 : i32
        %get3A_1346 = arith.constant 0 : i32
        %get3A_1347 = arith.index_cast %get3A_1346 : i32 to index
        %get3A_1348 = arith.index_cast %add3A_1345 : i32 to index
        %get3A_1349 = arith.constant 32 : index
        %get3A_1350 = tpu.vector_load %arg6[%get3A_1347, %get3A_1348, %get3A_1349] {strides = array<i32>} : memref<2x800x64xf32, #tpu.memory_space<vmem>>, vector<1x1x16xf32>,
        %get3A_1351 = vector.shape_cast %get3A_1350 : vector<1x1x16xf32> to vector<16xf32>
        %add3A_1352 = arith.addf %add3A_1343, %get3A_1351 : vector<16xf32>
        %add3A_1353 = arith.constant 22 : i32
        %add3A_1354 = arith.addi %mul3A_245, %add3A_1353 : i32
        %get3A_1355 = arith.constant 0 : i32
        %get3A_1356 = arith.index_cast %get3A_1355 : i32 to index
        %get3A_1357 = arith.index_cast %add3A_1354 : i32 to index
        %get3A_1358 = arith.constant 32 : index
        %get3A_1359 = tpu.vector_load %arg6[%get3A_1356, %get3A_1357, %get3A_1358] {strides = array<i32>} : memref<2x800x64xf32, #tpu.memory_space<vmem>>, vector<1x1x16xf32>,
        %get3A_1360 = vector.shape_cast %get3A_1359 : vector<1x1x16xf32> to vector<16xf32>
        %add3A_1361 = arith.addf %add3A_1352, %get3A_1360 : vector<16xf32>
        %add3A_1362 = arith.constant 23 : i32
        %add3A_1363 = arith.addi %mul3A_245, %add3A_1362 : i32
        %get3A_1364 = arith.constant 0 : i32
        %get3A_1365 = arith.index_cast %get3A_1364 : i32 to index
        %get3A_1366 = arith.index_cast %add3A_1363 : i32 to index
        %get3A_1367 = arith.constant 32 : index
        %get3A_1368 = tpu.vector_load %arg6[%get3A_1365, %get3A_1366, %get3A_1367] {strides = array<i32>} : memref<2x800x64xf32, #tpu.memory_space<vmem>>, vector<1x1x16xf32>,
        %get3A_1369 = vector.shape_cast %get3A_1368 : vector<1x1x16xf32> to vector<16xf32>
        %add3A_1370 = arith.addf %add3A_1361, %get3A_1369 : vector<16xf32>
        %add3A_1371 = arith.constant 24 : i32
        %add3A_1372 = arith.addi %mul3A_245, %add3A_1371 : i32
        %get3A_1373 = arith.constant 0 : i32
        %get3A_1374 = arith.index_cast %get3A_1373 : i32 to index
        %get3A_1375 = arith.index_cast %add3A_1372 : i32 to index
        %get3A_1376 = arith.constant 32 : index
        %get3A_1377 = tpu.vector_load %arg6[%get3A_1374, %get3A_1375, %get3A_1376] {strides = array<i32>} : memref<2x800x64xf32, #tpu.memory_space<vmem>>, vector<1x1x16xf32>,
        %get3A_1378 = vector.shape_cast %get3A_1377 : vector<1x1x16xf32> to vector<16xf32>
        %add3A_1379 = arith.addf %add3A_1370, %get3A_1378 : vector<16xf32>
        %add3A_1380 = arith.constant 25 : i32
        %add3A_1381 = arith.addi %mul3A_245, %add3A_1380 : i32
        %get3A_1382 = arith.constant 0 : i32
        %get3A_1383 = arith.index_cast %get3A_1382 : i32 to index
        %get3A_1384 = arith.index_cast %add3A_1381 : i32 to index
        %get3A_1385 = arith.constant 32 : index
        %get3A_1386 = tpu.vector_load %arg6[%get3A_1383, %get3A_1384, %get3A_1385] {strides = array<i32>} : memref<2x800x64xf32, #tpu.memory_space<vmem>>, vector<1x1x16xf32>,
        %get3A_1387 = vector.shape_cast %get3A_1386 : vector<1x1x16xf32> to vector<16xf32>
        %add3A_1388 = arith.addf %add3A_1379, %get3A_1387 : vector<16xf32>
        %add3A_1389 = arith.constant 26 : i32
        %add3A_1390 = arith.addi %mul3A_245, %add3A_1389 : i32
        %get3A_1391 = arith.constant 0 : i32
        %get3A_1392 = arith.index_cast %get3A_1391 : i32 to index
        %get3A_1393 = arith.index_cast %add3A_1390 : i32 to index
        %get3A_1394 = arith.constant 32 : index
        %get3A_1395 = tpu.vector_load %arg6[%get3A_1392, %get3A_1393, %get3A_1394] {strides = array<i32>} : memref<2x800x64xf32, #tpu.memory_space<vmem>>, vector<1x1x16xf32>,
        %get3A_1396 = vector.shape_cast %get3A_1395 : vector<1x1x16xf32> to vector<16xf32>
        %add3A_1397 = arith.addf %add3A_1388, %get3A_1396 : vector<16xf32>
        %add3A_1398 = arith.constant 27 : i32
        %add3A_1399 = arith.addi %mul3A_245, %add3A_1398 : i32
        %get3A_1400 = arith.constant 0 : i32
        %get3A_1401 = arith.index_cast %get3A_1400 : i32 to index
        %get3A_1402 = arith.index_cast %add3A_1399 : i32 to index
        %get3A_1403 = arith.constant 32 : index
        %get3A_1404 = tpu.vector_load %arg6[%get3A_1401, %get3A_1402, %get3A_1403] {strides = array<i32>} : memref<2x800x64xf32, #tpu.memory_space<vmem>>, vector<1x1x16xf32>,
        %get3A_1405 = vector.shape_cast %get3A_1404 : vector<1x1x16xf32> to vector<16xf32>
        %add3A_1406 = arith.addf %add3A_1397, %get3A_1405 : vector<16xf32>
        %add3A_1407 = arith.constant 28 : i32
        %add3A_1408 = arith.addi %mul3A_245, %add3A_1407 : i32
        %get3A_1409 = arith.constant 0 : i32
        %get3A_1410 = arith.index_cast %get3A_1409 : i32 to index
        %get3A_1411 = arith.index_cast %add3A_1408 : i32 to index
        %get3A_1412 = arith.constant 32 : index
        %get3A_1413 = tpu.vector_load %arg6[%get3A_1410, %get3A_1411, %get3A_1412] {strides = array<i32>} : memref<2x800x64xf32, #tpu.memory_space<vmem>>, vector<1x1x16xf32>,
        %get3A_1414 = vector.shape_cast %get3A_1413 : vector<1x1x16xf32> to vector<16xf32>
        %add3A_1415 = arith.addf %add3A_1406, %get3A_1414 : vector<16xf32>
        %add3A_1416 = arith.constant 29 : i32
        %add3A_1417 = arith.addi %mul3A_245, %add3A_1416 : i32
        %get3A_1418 = arith.constant 0 : i32
        %get3A_1419 = arith.index_cast %get3A_1418 : i32 to index
        %get3A_1420 = arith.index_cast %add3A_1417 : i32 to index
        %get3A_1421 = arith.constant 32 : index
        %get3A_1422 = tpu.vector_load %arg6[%get3A_1419, %get3A_1420, %get3A_1421] {strides = array<i32>} : memref<2x800x64xf32, #tpu.memory_space<vmem>>, vector<1x1x16xf32>,
        %get3A_1423 = vector.shape_cast %get3A_1422 : vector<1x1x16xf32> to vector<16xf32>
        %add3A_1424 = arith.addf %add3A_1415, %get3A_1423 : vector<16xf32>
        %add3A_1425 = arith.constant 30 : i32
        %add3A_1426 = arith.addi %mul3A_245, %add3A_1425 : i32
        %get3A_1427 = arith.constant 0 : i32
        %get3A_1428 = arith.index_cast %get3A_1427 : i32 to index
        %get3A_1429 = arith.index_cast %add3A_1426 : i32 to index
        %get3A_1430 = arith.constant 32 : index
        %get3A_1431 = tpu.vector_load %arg6[%get3A_1428, %get3A_1429, %get3A_1430] {strides = array<i32>} : memref<2x800x64xf32, #tpu.memory_space<vmem>>, vector<1x1x16xf32>,
        %get3A_1432 = vector.shape_cast %get3A_1431 : vector<1x1x16xf32> to vector<16xf32>
        %add3A_1433 = arith.addf %add3A_1424, %get3A_1432 : vector<16xf32>
        %add3A_1434 = arith.constant 31 : i32
        %add3A_1435 = arith.addi %mul3A_245, %add3A_1434 : i32
        %get3A_1436 = arith.constant 0 : i32
        %get3A_1437 = arith.index_cast %get3A_1436 : i32 to index
        %get3A_1438 = arith.index_cast %add3A_1435 : i32 to index
        %get3A_1439 = arith.constant 32 : index
        %get3A_1440 = tpu.vector_load %arg6[%get3A_1437, %get3A_1438, %get3A_1439] {strides = array<i32>} : memref<2x800x64xf32, #tpu.memory_space<vmem>>, vector<1x1x16xf32>,
        %get3A_1441 = vector.shape_cast %get3A_1440 : vector<1x1x16xf32> to vector<16xf32>
        %add3A_1442 = arith.addf %add3A_1433, %get3A_1441 : vector<16xf32>
        %add3A_1443 = arith.constant 32 : i32
        %add3A_1444 = arith.addi %mul3A_245, %add3A_1443 : i32
        %get3A_1445 = arith.constant 0 : i32
        %get3A_1446 = arith.index_cast %get3A_1445 : i32 to index
        %get3A_1447 = arith.index_cast %add3A_1444 : i32 to index
        %get3A_1448 = arith.constant 32 : index
        %get3A_1449 = tpu.vector_load %arg6[%get3A_1446, %get3A_1447, %get3A_1448] {strides = array<i32>} : memref<2x800x64xf32, #tpu.memory_space<vmem>>, vector<1x1x16xf32>,
        %get3A_1450 = vector.shape_cast %get3A_1449 : vector<1x1x16xf32> to vector<16xf32>
        %add3A_1451 = arith.addf %add3A_1442, %get3A_1450 : vector<16xf32>
        %add3A_1452 = arith.constant 33 : i32
        %add3A_1453 = arith.addi %mul3A_245, %add3A_1452 : i32
        %get3A_1454 = arith.constant 0 : i32
        %get3A_1455 = arith.index_cast %get3A_1454 : i32 to index
        %get3A_1456 = arith.index_cast %add3A_1453 : i32 to index
        %get3A_1457 = arith.constant 32 : index
        %get3A_1458 = tpu.vector_load %arg6[%get3A_1455, %get3A_1456, %get3A_1457] {strides = array<i32>} : memref<2x800x64xf32, #tpu.memory_space<vmem>>, vector<1x1x16xf32>,
        %get3A_1459 = vector.shape_cast %get3A_1458 : vector<1x1x16xf32> to vector<16xf32>
        %add3A_1460 = arith.addf %add3A_1451, %get3A_1459 : vector<16xf32>
        %add3A_1461 = arith.constant 34 : i32
        %add3A_1462 = arith.addi %mul3A_245, %add3A_1461 : i32
        %get3A_1463 = arith.constant 0 : i32
        %get3A_1464 = arith.index_cast %get3A_1463 : i32 to index
        %get3A_1465 = arith.index_cast %add3A_1462 : i32 to index
        %get3A_1466 = arith.constant 32 : index
        %get3A_1467 = tpu.vector_load %arg6[%get3A_1464, %get3A_1465, %get3A_1466] {strides = array<i32>} : memref<2x800x64xf32, #tpu.memory_space<vmem>>, vector<1x1x16xf32>,
        %get3A_1468 = vector.shape_cast %get3A_1467 : vector<1x1x16xf32> to vector<16xf32>
        %add3A_1469 = arith.addf %add3A_1460, %get3A_1468 : vector<16xf32>
        %add3A_1470 = arith.constant 35 : i32
        %add3A_1471 = arith.addi %mul3A_245, %add3A_1470 : i32
        %get3A_1472 = arith.constant 0 : i32
        %get3A_1473 = arith.index_cast %get3A_1472 : i32 to index
        %get3A_1474 = arith.index_cast %add3A_1471 : i32 to index
        %get3A_1475 = arith.constant 32 : index
        %get3A_1476 = tpu.vector_load %arg6[%get3A_1473, %get3A_1474, %get3A_1475] {strides = array<i32>} : memref<2x800x64xf32, #tpu.memory_space<vmem>>, vector<1x1x16xf32>,
        %get3A_1477 = vector.shape_cast %get3A_1476 : vector<1x1x16xf32> to vector<16xf32>
        %add3A_1478 = arith.addf %add3A_1469, %get3A_1477 : vector<16xf32>
        %add3A_1479 = arith.constant 36 : i32
        %add3A_1480 = arith.addi %mul3A_245, %add3A_1479 : i32
        %get3A_1481 = arith.constant 0 : i32
        %get3A_1482 = arith.index_cast %get3A_1481 : i32 to index
        %get3A_1483 = arith.index_cast %add3A_1480 : i32 to index
        %get3A_1484 = arith.constant 32 : index
        %get3A_1485 = tpu.vector_load %arg6[%get3A_1482, %get3A_1483, %get3A_1484] {strides = array<i32>} : memref<2x800x64xf32, #tpu.memory_space<vmem>>, vector<1x1x16xf32>,
        %get3A_1486 = vector.shape_cast %get3A_1485 : vector<1x1x16xf32> to vector<16xf32>
        %add3A_1487 = arith.addf %add3A_1478, %get3A_1486 : vector<16xf32>
        %add3A_1488 = arith.constant 37 : i32
        %add3A_1489 = arith.addi %mul3A_245, %add3A_1488 : i32
        %get3A_1490 = arith.constant 0 : i32
        %get3A_1491 = arith.index_cast %get3A_1490 : i32 to index
        %get3A_1492 = arith.index_cast %add3A_1489 : i32 to index
        %get3A_1493 = arith.constant 32 : index
        %get3A_1494 = tpu.vector_load %arg6[%get3A_1491, %get3A_1492, %get3A_1493] {strides = array<i32>} : memref<2x800x64xf32, #tpu.memory_space<vmem>>, vector<1x1x16xf32>,
        %get3A_1495 = vector.shape_cast %get3A_1494 : vector<1x1x16xf32> to vector<16xf32>
        %add3A_1496 = arith.addf %add3A_1487, %get3A_1495 : vector<16xf32>
        %add3A_1497 = arith.constant 38 : i32
        %add3A_1498 = arith.addi %mul3A_245, %add3A_1497 : i32
        %get3A_1499 = arith.constant 0 : i32
        %get3A_1500 = arith.index_cast %get3A_1499 : i32 to index
        %get3A_1501 = arith.index_cast %add3A_1498 : i32 to index
        %get3A_1502 = arith.constant 32 : index
        %get3A_1503 = tpu.vector_load %arg6[%get3A_1500, %get3A_1501, %get3A_1502] {strides = array<i32>} : memref<2x800x64xf32, #tpu.memory_space<vmem>>, vector<1x1x16xf32>,
        %get3A_1504 = vector.shape_cast %get3A_1503 : vector<1x1x16xf32> to vector<16xf32>
        %add3A_1505 = arith.addf %add3A_1496, %get3A_1504 : vector<16xf32>
        %add3A_1506 = arith.constant 39 : i32
        %add3A_1507 = arith.addi %mul3A_245, %add3A_1506 : i32
        %get3A_1508 = arith.constant 0 : i32
        %get3A_1509 = arith.index_cast %get3A_1508 : i32 to index
        %get3A_1510 = arith.index_cast %add3A_1507 : i32 to index
        %get3A_1511 = arith.constant 32 : index
        %get3A_1512 = tpu.vector_load %arg6[%get3A_1509, %get3A_1510, %get3A_1511] {strides = array<i32>} : memref<2x800x64xf32, #tpu.memory_space<vmem>>, vector<1x1x16xf32>,
        %get3A_1513 = vector.shape_cast %get3A_1512 : vector<1x1x16xf32> to vector<16xf32>
        %add3A_1514 = arith.addf %add3A_1505, %get3A_1513 : vector<16xf32>
        %add3A_1515 = arith.constant 40 : i32
        %add3A_1516 = arith.addi %mul3A_245, %add3A_1515 : i32
        %get3A_1517 = arith.constant 0 : i32
        %get3A_1518 = arith.index_cast %get3A_1517 : i32 to index
        %get3A_1519 = arith.index_cast %add3A_1516 : i32 to index
        %get3A_1520 = arith.constant 32 : index
        %get3A_1521 = tpu.vector_load %arg6[%get3A_1518, %get3A_1519, %get3A_1520] {strides = array<i32>} : memref<2x800x64xf32, #tpu.memory_space<vmem>>, vector<1x1x16xf32>,
        %get3A_1522 = vector.shape_cast %get3A_1521 : vector<1x1x16xf32> to vector<16xf32>
        %add3A_1523 = arith.addf %add3A_1514, %get3A_1522 : vector<16xf32>
        %add3A_1524 = arith.constant 41 : i32
        %add3A_1525 = arith.addi %mul3A_245, %add3A_1524 : i32
        %get3A_1526 = arith.constant 0 : i32
        %get3A_1527 = arith.index_cast %get3A_1526 : i32 to index
        %get3A_1528 = arith.index_cast %add3A_1525 : i32 to index
        %get3A_1529 = arith.constant 32 : index
        %get3A_1530 = tpu.vector_load %arg6[%get3A_1527, %get3A_1528, %get3A_1529] {strides = array<i32>} : memref<2x800x64xf32, #tpu.memory_space<vmem>>, vector<1x1x16xf32>,
        %get3A_1531 = vector.shape_cast %get3A_1530 : vector<1x1x16xf32> to vector<16xf32>
        %add3A_1532 = arith.addf %add3A_1523, %get3A_1531 : vector<16xf32>
        %add3A_1533 = arith.constant 42 : i32
        %add3A_1534 = arith.addi %mul3A_245, %add3A_1533 : i32
        %get3A_1535 = arith.constant 0 : i32
        %get3A_1536 = arith.index_cast %get3A_1535 : i32 to index
        %get3A_1537 = arith.index_cast %add3A_1534 : i32 to index
        %get3A_1538 = arith.constant 32 : index
        %get3A_1539 = tpu.vector_load %arg6[%get3A_1536, %get3A_1537, %get3A_1538] {strides = array<i32>} : memref<2x800x64xf32, #tpu.memory_space<vmem>>, vector<1x1x16xf32>,
        %get3A_1540 = vector.shape_cast %get3A_1539 : vector<1x1x16xf32> to vector<16xf32>
        %add3A_1541 = arith.addf %add3A_1532, %get3A_1540 : vector<16xf32>
        %add3A_1542 = arith.constant 43 : i32
        %add3A_1543 = arith.addi %mul3A_245, %add3A_1542 : i32
        %get3A_1544 = arith.constant 0 : i32
        %get3A_1545 = arith.index_cast %get3A_1544 : i32 to index
        %get3A_1546 = arith.index_cast %add3A_1543 : i32 to index
        %get3A_1547 = arith.constant 32 : index
        %get3A_1548 = tpu.vector_load %arg6[%get3A_1545, %get3A_1546, %get3A_1547] {strides = array<i32>} : memref<2x800x64xf32, #tpu.memory_space<vmem>>, vector<1x1x16xf32>,
        %get3A_1549 = vector.shape_cast %get3A_1548 : vector<1x1x16xf32> to vector<16xf32>
        %add3A_1550 = arith.addf %add3A_1541, %get3A_1549 : vector<16xf32>
        %add3A_1551 = arith.constant 44 : i32
        %add3A_1552 = arith.addi %mul3A_245, %add3A_1551 : i32
        %get3A_1553 = arith.constant 0 : i32
        %get3A_1554 = arith.index_cast %get3A_1553 : i32 to index
        %get3A_1555 = arith.index_cast %add3A_1552 : i32 to index
        %get3A_1556 = arith.constant 32 : index
        %get3A_1557 = tpu.vector_load %arg6[%get3A_1554, %get3A_1555, %get3A_1556] {strides = array<i32>} : memref<2x800x64xf32, #tpu.memory_space<vmem>>, vector<1x1x16xf32>,
        %get3A_1558 = vector.shape_cast %get3A_1557 : vector<1x1x16xf32> to vector<16xf32>
        %add3A_1559 = arith.addf %add3A_1550, %get3A_1558 : vector<16xf32>
        %add3A_1560 = arith.constant 45 : i32
        %add3A_1561 = arith.addi %mul3A_245, %add3A_1560 : i32
        %get3A_1562 = arith.constant 0 : i32
        %get3A_1563 = arith.index_cast %get3A_1562 : i32 to index
        %get3A_1564 = arith.index_cast %add3A_1561 : i32 to index
        %get3A_1565 = arith.constant 32 : index
        %get3A_1566 = tpu.vector_load %arg6[%get3A_1563, %get3A_1564, %get3A_1565] {strides = array<i32>} : memref<2x800x64xf32, #tpu.memory_space<vmem>>, vector<1x1x16xf32>,
        %get3A_1567 = vector.shape_cast %get3A_1566 : vector<1x1x16xf32> to vector<16xf32>
        %add3A_1568 = arith.addf %add3A_1559, %get3A_1567 : vector<16xf32>
        %add3A_1569 = arith.constant 46 : i32
        %add3A_1570 = arith.addi %mul3A_245, %add3A_1569 : i32
        %get3A_1571 = arith.constant 0 : i32
        %get3A_1572 = arith.index_cast %get3A_1571 : i32 to index
        %get3A_1573 = arith.index_cast %add3A_1570 : i32 to index
        %get3A_1574 = arith.constant 32 : index
        %get3A_1575 = tpu.vector_load %arg6[%get3A_1572, %get3A_1573, %get3A_1574] {strides = array<i32>} : memref<2x800x64xf32, #tpu.memory_space<vmem>>, vector<1x1x16xf32>,
        %get3A_1576 = vector.shape_cast %get3A_1575 : vector<1x1x16xf32> to vector<16xf32>
        %add3A_1577 = arith.addf %add3A_1568, %get3A_1576 : vector<16xf32>
        %add3A_1578 = arith.constant 47 : i32
        %add3A_1579 = arith.addi %mul3A_245, %add3A_1578 : i32
        %get3A_1580 = arith.constant 0 : i32
        %get3A_1581 = arith.index_cast %get3A_1580 : i32 to index
        %get3A_1582 = arith.index_cast %add3A_1579 : i32 to index
        %get3A_1583 = arith.constant 32 : index
        %get3A_1584 = tpu.vector_load %arg6[%get3A_1581, %get3A_1582, %get3A_1583] {strides = array<i32>} : memref<2x800x64xf32, #tpu.memory_space<vmem>>, vector<1x1x16xf32>,
        %get3A_1585 = vector.shape_cast %get3A_1584 : vector<1x1x16xf32> to vector<16xf32>
        %add3A_1586 = arith.addf %add3A_1577, %get3A_1585 : vector<16xf32>
        %add3A_1587 = arith.constant 48 : i32
        %add3A_1588 = arith.addi %mul3A_245, %add3A_1587 : i32
        %get3A_1589 = arith.constant 0 : i32
        %get3A_1590 = arith.index_cast %get3A_1589 : i32 to index
        %get3A_1591 = arith.index_cast %add3A_1588 : i32 to index
        %get3A_1592 = arith.constant 32 : index
        %get3A_1593 = tpu.vector_load %arg6[%get3A_1590, %get3A_1591, %get3A_1592] {strides = array<i32>} : memref<2x800x64xf32, #tpu.memory_space<vmem>>, vector<1x1x16xf32>,
        %get3A_1594 = vector.shape_cast %get3A_1593 : vector<1x1x16xf32> to vector<16xf32>
        %add3A_1595 = arith.addf %add3A_1586, %get3A_1594 : vector<16xf32>
        %add3A_1596 = arith.constant 49 : i32
        %add3A_1597 = arith.addi %mul3A_245, %add3A_1596 : i32
        %get3A_1598 = arith.constant 0 : i32
        %get3A_1599 = arith.index_cast %get3A_1598 : i32 to index
        %get3A_1600 = arith.index_cast %add3A_1597 : i32 to index
        %get3A_1601 = arith.constant 32 : index
        %get3A_1602 = tpu.vector_load %arg6[%get3A_1599, %get3A_1600, %get3A_1601] {strides = array<i32>} : memref<2x800x64xf32, #tpu.memory_space<vmem>>, vector<1x1x16xf32>,
        %get3A_1603 = vector.shape_cast %get3A_1602 : vector<1x1x16xf32> to vector<16xf32>
        %add3A_1604 = arith.addf %add3A_1595, %get3A_1603 : vector<16xf32>
        %mul3A_1605 = arith.constant 2.000000e-02 : f32
        %mul3A_1606 = vector.broadcast %mul3A_1605 : f32 to vector<16xf32>
        %mul3A_1607 = arith.mulf %add3A_1604, %mul3A_1606 : vector<16xf32>
        %swap3A_1608 = arith.constant 0 : i32
        %swap3A_1609 = arith.index_cast %swap3A_1608 : i32 to index
        %swap3A_1610 = arith.index_cast %scan3A_243 : i32 to index
        %swap3A_1611 = arith.constant 32 : index
        %swap3A_1612 = tpu.vector_load %arg7[%swap3A_1609, %swap3A_1610, %swap3A_1611] {strides = array<i32>} : memref<2x16x64xf32, #tpu.memory_space<vmem>>, vector<1x1x16xf32>,
        %swap3A_1613 = vector.shape_cast %swap3A_1612 : vector<1x1x16xf32> to vector<16xf32>
        %swap3A_1614 = vector.shape_cast %mul3A_1607 : vector<16xf32> to vector<1x1x16xf32>
        tpu.vector_store %arg7[%swap3A_1609, %swap3A_1610, %swap3A_1611], %swap3A_1614 {strides = array<i32>} : memref<2x16x64xf32, #tpu.memory_space<vmem>>, vector<1x1x16xf32>,
        %get3A_1615 = arith.constant 0 : i32
        %get3A_1616 = arith.index_cast %get3A_1615 : i32 to index
        %get3A_1617 = arith.index_cast %mul3A_245 : i32 to index
        %get3A_1618 = arith.constant 48 : index
        %get3A_1619 = tpu.vector_load %arg6[%get3A_1616, %get3A_1617, %get3A_1618] {strides = array<i32>} : memref<2x800x64xf32, #tpu.memory_space<vmem>>, vector<1x1x16xf32>,
        %get3A_1620 = vector.shape_cast %get3A_1619 : vector<1x1x16xf32> to vector<16xf32>
        %add3A_1621 = arith.constant 1 : i32
        %add3A_1622 = arith.addi %mul3A_245, %add3A_1621 : i32
        %get3A_1623 = arith.constant 0 : i32
        %get3A_1624 = arith.index_cast %get3A_1623 : i32 to index
        %get3A_1625 = arith.index_cast %add3A_1622 : i32 to index
        %get3A_1626 = arith.constant 48 : index
        %get3A_1627 = tpu.vector_load %arg6[%get3A_1624, %get3A_1625, %get3A_1626] {strides = array<i32>} : memref<2x800x64xf32, #tpu.memory_space<vmem>>, vector<1x1x16xf32>,
        %get3A_1628 = vector.shape_cast %get3A_1627 : vector<1x1x16xf32> to vector<16xf32>
        %add3A_1629 = arith.addf %get3A_1620, %get3A_1628 : vector<16xf32>
        %add3A_1630 = arith.constant 2 : i32
        %add3A_1631 = arith.addi %mul3A_245, %add3A_1630 : i32
        %get3A_1632 = arith.constant 0 : i32
        %get3A_1633 = arith.index_cast %get3A_1632 : i32 to index
        %get3A_1634 = arith.index_cast %add3A_1631 : i32 to index
        %get3A_1635 = arith.constant 48 : index
        %get3A_1636 = tpu.vector_load %arg6[%get3A_1633, %get3A_1634, %get3A_1635] {strides = array<i32>} : memref<2x800x64xf32, #tpu.memory_space<vmem>>, vector<1x1x16xf32>,
        %get3A_1637 = vector.shape_cast %get3A_1636 : vector<1x1x16xf32> to vector<16xf32>
        %add3A_1638 = arith.addf %add3A_1629, %get3A_1637 : vector<16xf32>
        %add3A_1639 = arith.constant 3 : i32
        %add3A_1640 = arith.addi %mul3A_245, %add3A_1639 : i32
        %get3A_1641 = arith.constant 0 : i32
        %get3A_1642 = arith.index_cast %get3A_1641 : i32 to index
        %get3A_1643 = arith.index_cast %add3A_1640 : i32 to index
        %get3A_1644 = arith.constant 48 : index
        %get3A_1645 = tpu.vector_load %arg6[%get3A_1642, %get3A_1643, %get3A_1644] {strides = array<i32>} : memref<2x800x64xf32, #tpu.memory_space<vmem>>, vector<1x1x16xf32>,
        %get3A_1646 = vector.shape_cast %get3A_1645 : vector<1x1x16xf32> to vector<16xf32>
        %add3A_1647 = arith.addf %add3A_1638, %get3A_1646 : vector<16xf32>
        %add3A_1648 = arith.constant 4 : i32
        %add3A_1649 = arith.addi %mul3A_245, %add3A_1648 : i32
        %get3A_1650 = arith.constant 0 : i32
        %get3A_1651 = arith.index_cast %get3A_1650 : i32 to index
        %get3A_1652 = arith.index_cast %add3A_1649 : i32 to index
        %get3A_1653 = arith.constant 48 : index
        %get3A_1654 = tpu.vector_load %arg6[%get3A_1651, %get3A_1652, %get3A_1653] {strides = array<i32>} : memref<2x800x64xf32, #tpu.memory_space<vmem>>, vector<1x1x16xf32>,
        %get3A_1655 = vector.shape_cast %get3A_1654 : vector<1x1x16xf32> to vector<16xf32>
        %add3A_1656 = arith.addf %add3A_1647, %get3A_1655 : vector<16xf32>
        %add3A_1657 = arith.constant 5 : i32
        %add3A_1658 = arith.addi %mul3A_245, %add3A_1657 : i32
        %get3A_1659 = arith.constant 0 : i32
        %get3A_1660 = arith.index_cast %get3A_1659 : i32 to index
        %get3A_1661 = arith.index_cast %add3A_1658 : i32 to index
        %get3A_1662 = arith.constant 48 : index
        %get3A_1663 = tpu.vector_load %arg6[%get3A_1660, %get3A_1661, %get3A_1662] {strides = array<i32>} : memref<2x800x64xf32, #tpu.memory_space<vmem>>, vector<1x1x16xf32>,
        %get3A_1664 = vector.shape_cast %get3A_1663 : vector<1x1x16xf32> to vector<16xf32>
        %add3A_1665 = arith.addf %add3A_1656, %get3A_1664 : vector<16xf32>
        %add3A_1666 = arith.constant 6 : i32
        %add3A_1667 = arith.addi %mul3A_245, %add3A_1666 : i32
        %get3A_1668 = arith.constant 0 : i32
        %get3A_1669 = arith.index_cast %get3A_1668 : i32 to index
        %get3A_1670 = arith.index_cast %add3A_1667 : i32 to index
        %get3A_1671 = arith.constant 48 : index
        %get3A_1672 = tpu.vector_load %arg6[%get3A_1669, %get3A_1670, %get3A_1671] {strides = array<i32>} : memref<2x800x64xf32, #tpu.memory_space<vmem>>, vector<1x1x16xf32>,
        %get3A_1673 = vector.shape_cast %get3A_1672 : vector<1x1x16xf32> to vector<16xf32>
        %add3A_1674 = arith.addf %add3A_1665, %get3A_1673 : vector<16xf32>
        %add3A_1675 = arith.constant 7 : i32
        %add3A_1676 = arith.addi %mul3A_245, %add3A_1675 : i32
        %get3A_1677 = arith.constant 0 : i32
        %get3A_1678 = arith.index_cast %get3A_1677 : i32 to index
        %get3A_1679 = arith.index_cast %add3A_1676 : i32 to index
        %get3A_1680 = arith.constant 48 : index
        %get3A_1681 = tpu.vector_load %arg6[%get3A_1678, %get3A_1679, %get3A_1680] {strides = array<i32>} : memref<2x800x64xf32, #tpu.memory_space<vmem>>, vector<1x1x16xf32>,
        %get3A_1682 = vector.shape_cast %get3A_1681 : vector<1x1x16xf32> to vector<16xf32>
        %add3A_1683 = arith.addf %add3A_1674, %get3A_1682 : vector<16xf32>
        %add3A_1684 = arith.constant 8 : i32
        %add3A_1685 = arith.addi %mul3A_245, %add3A_1684 : i32
        %get3A_1686 = arith.constant 0 : i32
        %get3A_1687 = arith.index_cast %get3A_1686 : i32 to index
        %get3A_1688 = arith.index_cast %add3A_1685 : i32 to index
        %get3A_1689 = arith.constant 48 : index
        %get3A_1690 = tpu.vector_load %arg6[%get3A_1687, %get3A_1688, %get3A_1689] {strides = array<i32>} : memref<2x800x64xf32, #tpu.memory_space<vmem>>, vector<1x1x16xf32>,
        %get3A_1691 = vector.shape_cast %get3A_1690 : vector<1x1x16xf32> to vector<16xf32>
        %add3A_1692 = arith.addf %add3A_1683, %get3A_1691 : vector<16xf32>
        %add3A_1693 = arith.constant 9 : i32
        %add3A_1694 = arith.addi %mul3A_245, %add3A_1693 : i32
        %get3A_1695 = arith.constant 0 : i32
        %get3A_1696 = arith.index_cast %get3A_1695 : i32 to index
        %get3A_1697 = arith.index_cast %add3A_1694 : i32 to index
        %get3A_1698 = arith.constant 48 : index
        %get3A_1699 = tpu.vector_load %arg6[%get3A_1696, %get3A_1697, %get3A_1698] {strides = array<i32>} : memref<2x800x64xf32, #tpu.memory_space<vmem>>, vector<1x1x16xf32>,
        %get3A_1700 = vector.shape_cast %get3A_1699 : vector<1x1x16xf32> to vector<16xf32>
        %add3A_1701 = arith.addf %add3A_1692, %get3A_1700 : vector<16xf32>
        %add3A_1702 = arith.constant 10 : i32
        %add3A_1703 = arith.addi %mul3A_245, %add3A_1702 : i32
        %get3A_1704 = arith.constant 0 : i32
        %get3A_1705 = arith.index_cast %get3A_1704 : i32 to index
        %get3A_1706 = arith.index_cast %add3A_1703 : i32 to index
        %get3A_1707 = arith.constant 48 : index
        %get3A_1708 = tpu.vector_load %arg6[%get3A_1705, %get3A_1706, %get3A_1707] {strides = array<i32>} : memref<2x800x64xf32, #tpu.memory_space<vmem>>, vector<1x1x16xf32>,
        %get3A_1709 = vector.shape_cast %get3A_1708 : vector<1x1x16xf32> to vector<16xf32>
        %add3A_1710 = arith.addf %add3A_1701, %get3A_1709 : vector<16xf32>
        %add3A_1711 = arith.constant 11 : i32
        %add3A_1712 = arith.addi %mul3A_245, %add3A_1711 : i32
        %get3A_1713 = arith.constant 0 : i32
        %get3A_1714 = arith.index_cast %get3A_1713 : i32 to index
        %get3A_1715 = arith.index_cast %add3A_1712 : i32 to index
        %get3A_1716 = arith.constant 48 : index
        %get3A_1717 = tpu.vector_load %arg6[%get3A_1714, %get3A_1715, %get3A_1716] {strides = array<i32>} : memref<2x800x64xf32, #tpu.memory_space<vmem>>, vector<1x1x16xf32>,
        %get3A_1718 = vector.shape_cast %get3A_1717 : vector<1x1x16xf32> to vector<16xf32>
        %add3A_1719 = arith.addf %add3A_1710, %get3A_1718 : vector<16xf32>
        %add3A_1720 = arith.constant 12 : i32
        %add3A_1721 = arith.addi %mul3A_245, %add3A_1720 : i32
        %get3A_1722 = arith.constant 0 : i32
        %get3A_1723 = arith.index_cast %get3A_1722 : i32 to index
        %get3A_1724 = arith.index_cast %add3A_1721 : i32 to index
        %get3A_1725 = arith.constant 48 : index
        %get3A_1726 = tpu.vector_load %arg6[%get3A_1723, %get3A_1724, %get3A_1725] {strides = array<i32>} : memref<2x800x64xf32, #tpu.memory_space<vmem>>, vector<1x1x16xf32>,
        %get3A_1727 = vector.shape_cast %get3A_1726 : vector<1x1x16xf32> to vector<16xf32>
        %add3A_1728 = arith.addf %add3A_1719, %get3A_1727 : vector<16xf32>
        %add3A_1729 = arith.constant 13 : i32
        %add3A_1730 = arith.addi %mul3A_245, %add3A_1729 : i32
        %get3A_1731 = arith.constant 0 : i32
        %get3A_1732 = arith.index_cast %get3A_1731 : i32 to index
        %get3A_1733 = arith.index_cast %add3A_1730 : i32 to index
        %get3A_1734 = arith.constant 48 : index
        %get3A_1735 = tpu.vector_load %arg6[%get3A_1732, %get3A_1733, %get3A_1734] {strides = array<i32>} : memref<2x800x64xf32, #tpu.memory_space<vmem>>, vector<1x1x16xf32>,
        %get3A_1736 = vector.shape_cast %get3A_1735 : vector<1x1x16xf32> to vector<16xf32>
        %add3A_1737 = arith.addf %add3A_1728, %get3A_1736 : vector<16xf32>
        %add3A_1738 = arith.constant 14 : i32
        %add3A_1739 = arith.addi %mul3A_245, %add3A_1738 : i32
        %get3A_1740 = arith.constant 0 : i32
        %get3A_1741 = arith.index_cast %get3A_1740 : i32 to index
        %get3A_1742 = arith.index_cast %add3A_1739 : i32 to index
        %get3A_1743 = arith.constant 48 : index
        %get3A_1744 = tpu.vector_load %arg6[%get3A_1741, %get3A_1742, %get3A_1743] {strides = array<i32>} : memref<2x800x64xf32, #tpu.memory_space<vmem>>, vector<1x1x16xf32>,
        %get3A_1745 = vector.shape_cast %get3A_1744 : vector<1x1x16xf32> to vector<16xf32>
        %add3A_1746 = arith.addf %add3A_1737, %get3A_1745 : vector<16xf32>
        %add3A_1747 = arith.constant 15 : i32
        %add3A_1748 = arith.addi %mul3A_245, %add3A_1747 : i32
        %get3A_1749 = arith.constant 0 : i32
        %get3A_1750 = arith.index_cast %get3A_1749 : i32 to index
        %get3A_1751 = arith.index_cast %add3A_1748 : i32 to index
        %get3A_1752 = arith.constant 48 : index
        %get3A_1753 = tpu.vector_load %arg6[%get3A_1750, %get3A_1751, %get3A_1752] {strides = array<i32>} : memref<2x800x64xf32, #tpu.memory_space<vmem>>, vector<1x1x16xf32>,
        %get3A_1754 = vector.shape_cast %get3A_1753 : vector<1x1x16xf32> to vector<16xf32>
        %add3A_1755 = arith.addf %add3A_1746, %get3A_1754 : vector<16xf32>
        %add3A_1756 = arith.constant 16 : i32
        %add3A_1757 = arith.addi %mul3A_245, %add3A_1756 : i32
        %get3A_1758 = arith.constant 0 : i32
        %get3A_1759 = arith.index_cast %get3A_1758 : i32 to index
        %get3A_1760 = arith.index_cast %add3A_1757 : i32 to index
        %get3A_1761 = arith.constant 48 : index
        %get3A_1762 = tpu.vector_load %arg6[%get3A_1759, %get3A_1760, %get3A_1761] {strides = array<i32>} : memref<2x800x64xf32, #tpu.memory_space<vmem>>, vector<1x1x16xf32>,
        %get3A_1763 = vector.shape_cast %get3A_1762 : vector<1x1x16xf32> to vector<16xf32>
        %add3A_1764 = arith.addf %add3A_1755, %get3A_1763 : vector<16xf32>
        %add3A_1765 = arith.constant 17 : i32
        %add3A_1766 = arith.addi %mul3A_245, %add3A_1765 : i32
        %get3A_1767 = arith.constant 0 : i32
        %get3A_1768 = arith.index_cast %get3A_1767 : i32 to index
        %get3A_1769 = arith.index_cast %add3A_1766 : i32 to index
        %get3A_1770 = arith.constant 48 : index
        %get3A_1771 = tpu.vector_load %arg6[%get3A_1768, %get3A_1769, %get3A_1770] {strides = array<i32>} : memref<2x800x64xf32, #tpu.memory_space<vmem>>, vector<1x1x16xf32>,
        %get3A_1772 = vector.shape_cast %get3A_1771 : vector<1x1x16xf32> to vector<16xf32>
        %add3A_1773 = arith.addf %add3A_1764, %get3A_1772 : vector<16xf32>
        %add3A_1774 = arith.constant 18 : i32
        %add3A_1775 = arith.addi %mul3A_245, %add3A_1774 : i32
        %get3A_1776 = arith.constant 0 : i32
        %get3A_1777 = arith.index_cast %get3A_1776 : i32 to index
        %get3A_1778 = arith.index_cast %add3A_1775 : i32 to index
        %get3A_1779 = arith.constant 48 : index
        %get3A_1780 = tpu.vector_load %arg6[%get3A_1777, %get3A_1778, %get3A_1779] {strides = array<i32>} : memref<2x800x64xf32, #tpu.memory_space<vmem>>, vector<1x1x16xf32>,
        %get3A_1781 = vector.shape_cast %get3A_1780 : vector<1x1x16xf32> to vector<16xf32>
        %add3A_1782 = arith.addf %add3A_1773, %get3A_1781 : vector<16xf32>
        %add3A_1783 = arith.constant 19 : i32
        %add3A_1784 = arith.addi %mul3A_245, %add3A_1783 : i32
        %get3A_1785 = arith.constant 0 : i32
        %get3A_1786 = arith.index_cast %get3A_1785 : i32 to index
        %get3A_1787 = arith.index_cast %add3A_1784 : i32 to index
        %get3A_1788 = arith.constant 48 : index
        %get3A_1789 = tpu.vector_load %arg6[%get3A_1786, %get3A_1787, %get3A_1788] {strides = array<i32>} : memref<2x800x64xf32, #tpu.memory_space<vmem>>, vector<1x1x16xf32>,
        %get3A_1790 = vector.shape_cast %get3A_1789 : vector<1x1x16xf32> to vector<16xf32>
        %add3A_1791 = arith.addf %add3A_1782, %get3A_1790 : vector<16xf32>
        %add3A_1792 = arith.constant 20 : i32
        %add3A_1793 = arith.addi %mul3A_245, %add3A_1792 : i32
        %get3A_1794 = arith.constant 0 : i32
        %get3A_1795 = arith.index_cast %get3A_1794 : i32 to index
        %get3A_1796 = arith.index_cast %add3A_1793 : i32 to index
        %get3A_1797 = arith.constant 48 : index
        %get3A_1798 = tpu.vector_load %arg6[%get3A_1795, %get3A_1796, %get3A_1797] {strides = array<i32>} : memref<2x800x64xf32, #tpu.memory_space<vmem>>, vector<1x1x16xf32>,
        %get3A_1799 = vector.shape_cast %get3A_1798 : vector<1x1x16xf32> to vector<16xf32>
        %add3A_1800 = arith.addf %add3A_1791, %get3A_1799 : vector<16xf32>
        %add3A_1801 = arith.constant 21 : i32
        %add3A_1802 = arith.addi %mul3A_245, %add3A_1801 : i32
        %get3A_1803 = arith.constant 0 : i32
        %get3A_1804 = arith.index_cast %get3A_1803 : i32 to index
        %get3A_1805 = arith.index_cast %add3A_1802 : i32 to index
        %get3A_1806 = arith.constant 48 : index
        %get3A_1807 = tpu.vector_load %arg6[%get3A_1804, %get3A_1805, %get3A_1806] {strides = array<i32>} : memref<2x800x64xf32, #tpu.memory_space<vmem>>, vector<1x1x16xf32>,
        %get3A_1808 = vector.shape_cast %get3A_1807 : vector<1x1x16xf32> to vector<16xf32>
        %add3A_1809 = arith.addf %add3A_1800, %get3A_1808 : vector<16xf32>
        %add3A_1810 = arith.constant 22 : i32
        %add3A_1811 = arith.addi %mul3A_245, %add3A_1810 : i32
        %get3A_1812 = arith.constant 0 : i32
        %get3A_1813 = arith.index_cast %get3A_1812 : i32 to index
        %get3A_1814 = arith.index_cast %add3A_1811 : i32 to index
        %get3A_1815 = arith.constant 48 : index
        %get3A_1816 = tpu.vector_load %arg6[%get3A_1813, %get3A_1814, %get3A_1815] {strides = array<i32>} : memref<2x800x64xf32, #tpu.memory_space<vmem>>, vector<1x1x16xf32>,
        %get3A_1817 = vector.shape_cast %get3A_1816 : vector<1x1x16xf32> to vector<16xf32>
        %add3A_1818 = arith.addf %add3A_1809, %get3A_1817 : vector<16xf32>
        %add3A_1819 = arith.constant 23 : i32
        %add3A_1820 = arith.addi %mul3A_245, %add3A_1819 : i32
        %get3A_1821 = arith.constant 0 : i32
        %get3A_1822 = arith.index_cast %get3A_1821 : i32 to index
        %get3A_1823 = arith.index_cast %add3A_1820 : i32 to index
        %get3A_1824 = arith.constant 48 : index
        %get3A_1825 = tpu.vector_load %arg6[%get3A_1822, %get3A_1823, %get3A_1824] {strides = array<i32>} : memref<2x800x64xf32, #tpu.memory_space<vmem>>, vector<1x1x16xf32>,
        %get3A_1826 = vector.shape_cast %get3A_1825 : vector<1x1x16xf32> to vector<16xf32>
        %add3A_1827 = arith.addf %add3A_1818, %get3A_1826 : vector<16xf32>
        %add3A_1828 = arith.constant 24 : i32
        %add3A_1829 = arith.addi %mul3A_245, %add3A_1828 : i32
        %get3A_1830 = arith.constant 0 : i32
        %get3A_1831 = arith.index_cast %get3A_1830 : i32 to index
        %get3A_1832 = arith.index_cast %add3A_1829 : i32 to index
        %get3A_1833 = arith.constant 48 : index
        %get3A_1834 = tpu.vector_load %arg6[%get3A_1831, %get3A_1832, %get3A_1833] {strides = array<i32>} : memref<2x800x64xf32, #tpu.memory_space<vmem>>, vector<1x1x16xf32>,
        %get3A_1835 = vector.shape_cast %get3A_1834 : vector<1x1x16xf32> to vector<16xf32>
        %add3A_1836 = arith.addf %add3A_1827, %get3A_1835 : vector<16xf32>
        %add3A_1837 = arith.constant 25 : i32
        %add3A_1838 = arith.addi %mul3A_245, %add3A_1837 : i32
        %get3A_1839 = arith.constant 0 : i32
        %get3A_1840 = arith.index_cast %get3A_1839 : i32 to index
        %get3A_1841 = arith.index_cast %add3A_1838 : i32 to index
        %get3A_1842 = arith.constant 48 : index
        %get3A_1843 = tpu.vector_load %arg6[%get3A_1840, %get3A_1841, %get3A_1842] {strides = array<i32>} : memref<2x800x64xf32, #tpu.memory_space<vmem>>, vector<1x1x16xf32>,
        %get3A_1844 = vector.shape_cast %get3A_1843 : vector<1x1x16xf32> to vector<16xf32>
        %add3A_1845 = arith.addf %add3A_1836, %get3A_1844 : vector<16xf32>
        %add3A_1846 = arith.constant 26 : i32
        %add3A_1847 = arith.addi %mul3A_245, %add3A_1846 : i32
        %get3A_1848 = arith.constant 0 : i32
        %get3A_1849 = arith.index_cast %get3A_1848 : i32 to index
        %get3A_1850 = arith.index_cast %add3A_1847 : i32 to index
        %get3A_1851 = arith.constant 48 : index
        %get3A_1852 = tpu.vector_load %arg6[%get3A_1849, %get3A_1850, %get3A_1851] {strides = array<i32>} : memref<2x800x64xf32, #tpu.memory_space<vmem>>, vector<1x1x16xf32>,
        %get3A_1853 = vector.shape_cast %get3A_1852 : vector<1x1x16xf32> to vector<16xf32>
        %add3A_1854 = arith.addf %add3A_1845, %get3A_1853 : vector<16xf32>
        %add3A_1855 = arith.constant 27 : i32
        %add3A_1856 = arith.addi %mul3A_245, %add3A_1855 : i32
        %get3A_1857 = arith.constant 0 : i32
        %get3A_1858 = arith.index_cast %get3A_1857 : i32 to index
        %get3A_1859 = arith.index_cast %add3A_1856 : i32 to index
        %get3A_1860 = arith.constant 48 : index
        %get3A_1861 = tpu.vector_load %arg6[%get3A_1858, %get3A_1859, %get3A_1860] {strides = array<i32>} : memref<2x800x64xf32, #tpu.memory_space<vmem>>, vector<1x1x16xf32>,
        %get3A_1862 = vector.shape_cast %get3A_1861 : vector<1x1x16xf32> to vector<16xf32>
        %add3A_1863 = arith.addf %add3A_1854, %get3A_1862 : vector<16xf32>
        %add3A_1864 = arith.constant 28 : i32
        %add3A_1865 = arith.addi %mul3A_245, %add3A_1864 : i32
        %get3A_1866 = arith.constant 0 : i32
        %get3A_1867 = arith.index_cast %get3A_1866 : i32 to index
        %get3A_1868 = arith.index_cast %add3A_1865 : i32 to index
        %get3A_1869 = arith.constant 48 : index
        %get3A_1870 = tpu.vector_load %arg6[%get3A_1867, %get3A_1868, %get3A_1869] {strides = array<i32>} : memref<2x800x64xf32, #tpu.memory_space<vmem>>, vector<1x1x16xf32>,
        %get3A_1871 = vector.shape_cast %get3A_1870 : vector<1x1x16xf32> to vector<16xf32>
        %add3A_1872 = arith.addf %add3A_1863, %get3A_1871 : vector<16xf32>
        %add3A_1873 = arith.constant 29 : i32
        %add3A_1874 = arith.addi %mul3A_245, %add3A_1873 : i32
        %get3A_1875 = arith.constant 0 : i32
        %get3A_1876 = arith.index_cast %get3A_1875 : i32 to index
        %get3A_1877 = arith.index_cast %add3A_1874 : i32 to index
        %get3A_1878 = arith.constant 48 : index
        %get3A_1879 = tpu.vector_load %arg6[%get3A_1876, %get3A_1877, %get3A_1878] {strides = array<i32>} : memref<2x800x64xf32, #tpu.memory_space<vmem>>, vector<1x1x16xf32>,
        %get3A_1880 = vector.shape_cast %get3A_1879 : vector<1x1x16xf32> to vector<16xf32>
        %add3A_1881 = arith.addf %add3A_1872, %get3A_1880 : vector<16xf32>
        %add3A_1882 = arith.constant 30 : i32
        %add3A_1883 = arith.addi %mul3A_245, %add3A_1882 : i32
        %get3A_1884 = arith.constant 0 : i32
        %get3A_1885 = arith.index_cast %get3A_1884 : i32 to index
        %get3A_1886 = arith.index_cast %add3A_1883 : i32 to index
        %get3A_1887 = arith.constant 48 : index
        %get3A_1888 = tpu.vector_load %arg6[%get3A_1885, %get3A_1886, %get3A_1887] {strides = array<i32>} : memref<2x800x64xf32, #tpu.memory_space<vmem>>, vector<1x1x16xf32>,
        %get3A_1889 = vector.shape_cast %get3A_1888 : vector<1x1x16xf32> to vector<16xf32>
        %add3A_1890 = arith.addf %add3A_1881, %get3A_1889 : vector<16xf32>
        %add3A_1891 = arith.constant 31 : i32
        %add3A_1892 = arith.addi %mul3A_245, %add3A_1891 : i32
        %get3A_1893 = arith.constant 0 : i32
        %get3A_1894 = arith.index_cast %get3A_1893 : i32 to index
        %get3A_1895 = arith.index_cast %add3A_1892 : i32 to index
        %get3A_1896 = arith.constant 48 : index
        %get3A_1897 = tpu.vector_load %arg6[%get3A_1894, %get3A_1895, %get3A_1896] {strides = array<i32>} : memref<2x800x64xf32, #tpu.memory_space<vmem>>, vector<1x1x16xf32>,
        %get3A_1898 = vector.shape_cast %get3A_1897 : vector<1x1x16xf32> to vector<16xf32>
        %add3A_1899 = arith.addf %add3A_1890, %get3A_1898 : vector<16xf32>
        %add3A_1900 = arith.constant 32 : i32
        %add3A_1901 = arith.addi %mul3A_245, %add3A_1900 : i32
        %get3A_1902 = arith.constant 0 : i32
        %get3A_1903 = arith.index_cast %get3A_1902 : i32 to index
        %get3A_1904 = arith.index_cast %add3A_1901 : i32 to index
        %get3A_1905 = arith.constant 48 : index
        %get3A_1906 = tpu.vector_load %arg6[%get3A_1903, %get3A_1904, %get3A_1905] {strides = array<i32>} : memref<2x800x64xf32, #tpu.memory_space<vmem>>, vector<1x1x16xf32>,
        %get3A_1907 = vector.shape_cast %get3A_1906 : vector<1x1x16xf32> to vector<16xf32>
        %add3A_1908 = arith.addf %add3A_1899, %get3A_1907 : vector<16xf32>
        %add3A_1909 = arith.constant 33 : i32
        %add3A_1910 = arith.addi %mul3A_245, %add3A_1909 : i32
        %get3A_1911 = arith.constant 0 : i32
        %get3A_1912 = arith.index_cast %get3A_1911 : i32 to index
        %get3A_1913 = arith.index_cast %add3A_1910 : i32 to index
        %get3A_1914 = arith.constant 48 : index
        %get3A_1915 = tpu.vector_load %arg6[%get3A_1912, %get3A_1913, %get3A_1914] {strides = array<i32>} : memref<2x800x64xf32, #tpu.memory_space<vmem>>, vector<1x1x16xf32>,
        %get3A_1916 = vector.shape_cast %get3A_1915 : vector<1x1x16xf32> to vector<16xf32>
        %add3A_1917 = arith.addf %add3A_1908, %get3A_1916 : vector<16xf32>
        %add3A_1918 = arith.constant 34 : i32
        %add3A_1919 = arith.addi %mul3A_245, %add3A_1918 : i32
        %get3A_1920 = arith.constant 0 : i32
        %get3A_1921 = arith.index_cast %get3A_1920 : i32 to index
        %get3A_1922 = arith.index_cast %add3A_1919 : i32 to index
        %get3A_1923 = arith.constant 48 : index
        %get3A_1924 = tpu.vector_load %arg6[%get3A_1921, %get3A_1922, %get3A_1923] {strides = array<i32>} : memref<2x800x64xf32, #tpu.memory_space<vmem>>, vector<1x1x16xf32>,
        %get3A_1925 = vector.shape_cast %get3A_1924 : vector<1x1x16xf32> to vector<16xf32>
        %add3A_1926 = arith.addf %add3A_1917, %get3A_1925 : vector<16xf32>
        %add3A_1927 = arith.constant 35 : i32
        %add3A_1928 = arith.addi %mul3A_245, %add3A_1927 : i32
        %get3A_1929 = arith.constant 0 : i32
        %get3A_1930 = arith.index_cast %get3A_1929 : i32 to index
        %get3A_1931 = arith.index_cast %add3A_1928 : i32 to index
        %get3A_1932 = arith.constant 48 : index
        %get3A_1933 = tpu.vector_load %arg6[%get3A_1930, %get3A_1931, %get3A_1932] {strides = array<i32>} : memref<2x800x64xf32, #tpu.memory_space<vmem>>, vector<1x1x16xf32>,
        %get3A_1934 = vector.shape_cast %get3A_1933 : vector<1x1x16xf32> to vector<16xf32>
        %add3A_1935 = arith.addf %add3A_1926, %get3A_1934 : vector<16xf32>
        %add3A_1936 = arith.constant 36 : i32
        %add3A_1937 = arith.addi %mul3A_245, %add3A_1936 : i32
        %get3A_1938 = arith.constant 0 : i32
        %get3A_1939 = arith.index_cast %get3A_1938 : i32 to index
        %get3A_1940 = arith.index_cast %add3A_1937 : i32 to index
        %get3A_1941 = arith.constant 48 : index
        %get3A_1942 = tpu.vector_load %arg6[%get3A_1939, %get3A_1940, %get3A_1941] {strides = array<i32>} : memref<2x800x64xf32, #tpu.memory_space<vmem>>, vector<1x1x16xf32>,
        %get3A_1943 = vector.shape_cast %get3A_1942 : vector<1x1x16xf32> to vector<16xf32>
        %add3A_1944 = arith.addf %add3A_1935, %get3A_1943 : vector<16xf32>
        %add3A_1945 = arith.constant 37 : i32
        %add3A_1946 = arith.addi %mul3A_245, %add3A_1945 : i32
        %get3A_1947 = arith.constant 0 : i32
        %get3A_1948 = arith.index_cast %get3A_1947 : i32 to index
        %get3A_1949 = arith.index_cast %add3A_1946 : i32 to index
        %get3A_1950 = arith.constant 48 : index
        %get3A_1951 = tpu.vector_load %arg6[%get3A_1948, %get3A_1949, %get3A_1950] {strides = array<i32>} : memref<2x800x64xf32, #tpu.memory_space<vmem>>, vector<1x1x16xf32>,
        %get3A_1952 = vector.shape_cast %get3A_1951 : vector<1x1x16xf32> to vector<16xf32>
        %add3A_1953 = arith.addf %add3A_1944, %get3A_1952 : vector<16xf32>
        %add3A_1954 = arith.constant 38 : i32
        %add3A_1955 = arith.addi %mul3A_245, %add3A_1954 : i32
        %get3A_1956 = arith.constant 0 : i32
        %get3A_1957 = arith.index_cast %get3A_1956 : i32 to index
        %get3A_1958 = arith.index_cast %add3A_1955 : i32 to index
        %get3A_1959 = arith.constant 48 : index
        %get3A_1960 = tpu.vector_load %arg6[%get3A_1957, %get3A_1958, %get3A_1959] {strides = array<i32>} : memref<2x800x64xf32, #tpu.memory_space<vmem>>, vector<1x1x16xf32>,
        %get3A_1961 = vector.shape_cast %get3A_1960 : vector<1x1x16xf32> to vector<16xf32>
        %add3A_1962 = arith.addf %add3A_1953, %get3A_1961 : vector<16xf32>
        %add3A_1963 = arith.constant 39 : i32
        %add3A_1964 = arith.addi %mul3A_245, %add3A_1963 : i32
        %get3A_1965 = arith.constant 0 : i32
        %get3A_1966 = arith.index_cast %get3A_1965 : i32 to index
        %get3A_1967 = arith.index_cast %add3A_1964 : i32 to index
        %get3A_1968 = arith.constant 48 : index
        %get3A_1969 = tpu.vector_load %arg6[%get3A_1966, %get3A_1967, %get3A_1968] {strides = array<i32>} : memref<2x800x64xf32, #tpu.memory_space<vmem>>, vector<1x1x16xf32>,
        %get3A_1970 = vector.shape_cast %get3A_1969 : vector<1x1x16xf32> to vector<16xf32>
        %add3A_1971 = arith.addf %add3A_1962, %get3A_1970 : vector<16xf32>
        %add3A_1972 = arith.constant 40 : i32
        %add3A_1973 = arith.addi %mul3A_245, %add3A_1972 : i32
        %get3A_1974 = arith.constant 0 : i32
        %get3A_1975 = arith.index_cast %get3A_1974 : i32 to index
        %get3A_1976 = arith.index_cast %add3A_1973 : i32 to index
        %get3A_1977 = arith.constant 48 : index
        %get3A_1978 = tpu.vector_load %arg6[%get3A_1975, %get3A_1976, %get3A_1977] {strides = array<i32>} : memref<2x800x64xf32, #tpu.memory_space<vmem>>, vector<1x1x16xf32>,
        %get3A_1979 = vector.shape_cast %get3A_1978 : vector<1x1x16xf32> to vector<16xf32>
        %add3A_1980 = arith.addf %add3A_1971, %get3A_1979 : vector<16xf32>
        %add3A_1981 = arith.constant 41 : i32
        %add3A_1982 = arith.addi %mul3A_245, %add3A_1981 : i32
        %get3A_1983 = arith.constant 0 : i32
        %get3A_1984 = arith.index_cast %get3A_1983 : i32 to index
        %get3A_1985 = arith.index_cast %add3A_1982 : i32 to index
        %get3A_1986 = arith.constant 48 : index
        %get3A_1987 = tpu.vector_load %arg6[%get3A_1984, %get3A_1985, %get3A_1986] {strides = array<i32>} : memref<2x800x64xf32, #tpu.memory_space<vmem>>, vector<1x1x16xf32>,
        %get3A_1988 = vector.shape_cast %get3A_1987 : vector<1x1x16xf32> to vector<16xf32>
        %add3A_1989 = arith.addf %add3A_1980, %get3A_1988 : vector<16xf32>
        %add3A_1990 = arith.constant 42 : i32
        %add3A_1991 = arith.addi %mul3A_245, %add3A_1990 : i32
        %get3A_1992 = arith.constant 0 : i32
        %get3A_1993 = arith.index_cast %get3A_1992 : i32 to index
        %get3A_1994 = arith.index_cast %add3A_1991 : i32 to index
        %get3A_1995 = arith.constant 48 : index
        %get3A_1996 = tpu.vector_load %arg6[%get3A_1993, %get3A_1994, %get3A_1995] {strides = array<i32>} : memref<2x800x64xf32, #tpu.memory_space<vmem>>, vector<1x1x16xf32>,
        %get3A_1997 = vector.shape_cast %get3A_1996 : vector<1x1x16xf32> to vector<16xf32>
        %add3A_1998 = arith.addf %add3A_1989, %get3A_1997 : vector<16xf32>
        %add3A_1999 = arith.constant 43 : i32
        %add3A_2000 = arith.addi %mul3A_245, %add3A_1999 : i32
        %get3A_2001 = arith.constant 0 : i32
        %get3A_2002 = arith.index_cast %get3A_2001 : i32 to index
        %get3A_2003 = arith.index_cast %add3A_2000 : i32 to index
        %get3A_2004 = arith.constant 48 : index
        %get3A_2005 = tpu.vector_load %arg6[%get3A_2002, %get3A_2003, %get3A_2004] {strides = array<i32>} : memref<2x800x64xf32, #tpu.memory_space<vmem>>, vector<1x1x16xf32>,
        %get3A_2006 = vector.shape_cast %get3A_2005 : vector<1x1x16xf32> to vector<16xf32>
        %add3A_2007 = arith.addf %add3A_1998, %get3A_2006 : vector<16xf32>
        %add3A_2008 = arith.constant 44 : i32
        %add3A_2009 = arith.addi %mul3A_245, %add3A_2008 : i32
        %get3A_2010 = arith.constant 0 : i32
        %get3A_2011 = arith.index_cast %get3A_2010 : i32 to index
        %get3A_2012 = arith.index_cast %add3A_2009 : i32 to index
        %get3A_2013 = arith.constant 48 : index
        %get3A_2014 = tpu.vector_load %arg6[%get3A_2011, %get3A_2012, %get3A_2013] {strides = array<i32>} : memref<2x800x64xf32, #tpu.memory_space<vmem>>, vector<1x1x16xf32>,
        %get3A_2015 = vector.shape_cast %get3A_2014 : vector<1x1x16xf32> to vector<16xf32>
        %add3A_2016 = arith.addf %add3A_2007, %get3A_2015 : vector<16xf32>
        %add3A_2017 = arith.constant 45 : i32
        %add3A_2018 = arith.addi %mul3A_245, %add3A_2017 : i32
        %get3A_2019 = arith.constant 0 : i32
        %get3A_2020 = arith.index_cast %get3A_2019 : i32 to index
        %get3A_2021 = arith.index_cast %add3A_2018 : i32 to index
        %get3A_2022 = arith.constant 48 : index
        %get3A_2023 = tpu.vector_load %arg6[%get3A_2020, %get3A_2021, %get3A_2022] {strides = array<i32>} : memref<2x800x64xf32, #tpu.memory_space<vmem>>, vector<1x1x16xf32>,
        %get3A_2024 = vector.shape_cast %get3A_2023 : vector<1x1x16xf32> to vector<16xf32>
        %add3A_2025 = arith.addf %add3A_2016, %get3A_2024 : vector<16xf32>
        %add3A_2026 = arith.constant 46 : i32
        %add3A_2027 = arith.addi %mul3A_245, %add3A_2026 : i32
        %get3A_2028 = arith.constant 0 : i32
        %get3A_2029 = arith.index_cast %get3A_2028 : i32 to index
        %get3A_2030 = arith.index_cast %add3A_2027 : i32 to index
        %get3A_2031 = arith.constant 48 : index
        %get3A_2032 = tpu.vector_load %arg6[%get3A_2029, %get3A_2030, %get3A_2031] {strides = array<i32>} : memref<2x800x64xf32, #tpu.memory_space<vmem>>, vector<1x1x16xf32>,
        %get3A_2033 = vector.shape_cast %get3A_2032 : vector<1x1x16xf32> to vector<16xf32>
        %add3A_2034 = arith.addf %add3A_2025, %get3A_2033 : vector<16xf32>
        %add3A_2035 = arith.constant 47 : i32
        %add3A_2036 = arith.addi %mul3A_245, %add3A_2035 : i32
        %get3A_2037 = arith.constant 0 : i32
        %get3A_2038 = arith.index_cast %get3A_2037 : i32 to index
        %get3A_2039 = arith.index_cast %add3A_2036 : i32 to index
        %get3A_2040 = arith.constant 48 : index
        %get3A_2041 = tpu.vector_load %arg6[%get3A_2038, %get3A_2039, %get3A_2040] {strides = array<i32>} : memref<2x800x64xf32, #tpu.memory_space<vmem>>, vector<1x1x16xf32>,
        %get3A_2042 = vector.shape_cast %get3A_2041 : vector<1x1x16xf32> to vector<16xf32>
        %add3A_2043 = arith.addf %add3A_2034, %get3A_2042 : vector<16xf32>
        %add3A_2044 = arith.constant 48 : i32
        %add3A_2045 = arith.addi %mul3A_245, %add3A_2044 : i32
        %get3A_2046 = arith.constant 0 : i32
        %get3A_2047 = arith.index_cast %get3A_2046 : i32 to index
        %get3A_2048 = arith.index_cast %add3A_2045 : i32 to index
        %get3A_2049 = arith.constant 48 : index
        %get3A_2050 = tpu.vector_load %arg6[%get3A_2047, %get3A_2048, %get3A_2049] {strides = array<i32>} : memref<2x800x64xf32, #tpu.memory_space<vmem>>, vector<1x1x16xf32>,
        %get3A_2051 = vector.shape_cast %get3A_2050 : vector<1x1x16xf32> to vector<16xf32>
        %add3A_2052 = arith.addf %add3A_2043, %get3A_2051 : vector<16xf32>
        %add3A_2053 = arith.constant 49 : i32
        %add3A_2054 = arith.addi %mul3A_245, %add3A_2053 : i32
        %get3A_2055 = arith.constant 0 : i32
        %get3A_2056 = arith.index_cast %get3A_2055 : i32 to index
        %get3A_2057 = arith.index_cast %add3A_2054 : i32 to index
        %get3A_2058 = arith.constant 48 : index
        %get3A_2059 = tpu.vector_load %arg6[%get3A_2056, %get3A_2057, %get3A_2058] {strides = array<i32>} : memref<2x800x64xf32, #tpu.memory_space<vmem>>, vector<1x1x16xf32>,
        %get3A_2060 = vector.shape_cast %get3A_2059 : vector<1x1x16xf32> to vector<16xf32>
        %add3A_2061 = arith.addf %add3A_2052, %get3A_2060 : vector<16xf32>
        %mul3A_2062 = arith.constant 2.000000e-02 : f32
        %mul3A_2063 = vector.broadcast %mul3A_2062 : f32 to vector<16xf32>
        %mul3A_2064 = arith.mulf %add3A_2061, %mul3A_2063 : vector<16xf32>
        %swap3A_2065 = arith.constant 0 : i32
        %swap3A_2066 = arith.index_cast %swap3A_2065 : i32 to index
        %swap3A_2067 = arith.index_cast %scan3A_243 : i32 to index
        %swap3A_2068 = arith.constant 48 : index
        %swap3A_2069 = tpu.vector_load %arg7[%swap3A_2066, %swap3A_2067, %swap3A_2068] {strides = array<i32>} : memref<2x16x64xf32, #tpu.memory_space<vmem>>, vector<1x1x16xf32>,
        %swap3A_2070 = vector.shape_cast %swap3A_2069 : vector<1x1x16xf32> to vector<16xf32>
        %swap3A_2071 = vector.shape_cast %mul3A_2064 : vector<16xf32> to vector<1x1x16xf32>
        tpu.vector_store %arg7[%swap3A_2066, %swap3A_2067, %swap3A_2068], %swap3A_2071 {strides = array<i32>} : memref<2x16x64xf32, #tpu.memory_space<vmem>>, vector<1x1x16xf32>,
      }
      %scan3A_173 = arith.constant 16 : i32
      %mul3A_174 = arith.constant 16 : i32
      %mul3A_175 = arith.muli %add3A_144, %mul3A_174 : i32
      %add3A_176 = arith.addi %mul3A_2, %mul3A_175 : i32
      %dma_start3A_177 = arith.constant 0 : i32
      %dma_start3A_178 = arith.constant 0 : i32
      %dma_start3A_179 = arith.constant 0 : i32
      %dma_start3A_180 = tpu.memref_slice %arg7[%dma_start3A_177, %dma_start3A_178, %dma_start3A_179] : memref<2x16x64xf32, #tpu.memory_space<vmem>> -> memref<1x16x64xf32, #tpu.memory_space<vmem>>
      %dma_start3A_181 = tpu.memref_squeeze %dma_start3A_180 : memref<1x16x64xf32, #tpu.memory_space<vmem>> -> memref<16x64xf32, #tpu.memory_space<vmem>>
      %dma_start3A_182 = arith.constant 0 : i32
      %dma_start3A_183 = tpu.memref_slice %arg4[%add3A_176, %dma_start3A_182] : memref<16384x64xf32, #tpu.memory_space<hbm>> -> memref<16x64xf32, #tpu.memory_space<hbm>>
      %dma_start3A_184 = arith.constant 0 : i32
      %dma_start3A_185 = tpu.memref_slice %arg4[%add3A_176, %dma_start3A_184] : memref<16384x64xf32, #tpu.memory_space<hbm>> -> memref<16x64xf32, #tpu.memory_space<hbm>>
      %dma_start3A_186 = arith.constant 0 : i32
      %dma_start3A_187 = arith.constant 0 : i32
      %dma_start3A_188 = tpu.memref_slice %arg7[%dma_start3A_177, %dma_start3A_186, %dma_start3A_187] : memref<2x16x64xf32, #tpu.memory_space<vmem>> -> memref<1x16x64xf32, #tpu.memory_space<vmem>>
      %dma_start3A_189 = tpu.memref_squeeze %dma_start3A_188 : memref<1x16x64xf32, #tpu.memory_space<vmem>> -> memref<16x64xf32, #tpu.memory_space<vmem>>
      tpu.enqueue_dma source(%dma_start3A_189 : memref<16x64xf32, #tpu.memory_space<vmem>>) target(%dma_start3A_185 : memref<16x64xf32, #tpu.memory_space<hbm>>) target_semaphore(%arg10 : memref<!tpu.dma_semaphore, #tpu.memory_space<semaphore_mem>>)
      %mul3A_190 = arith.constant 2 : i32
      %mul3A_191 = arith.muli %mul3A_190, %scan3A_140 : i32
      %add3A_192 = arith.constant 1 : i32
      %add3A_193 = arith.addi %mul3A_191, %add3A_192 : i32
      %add3A_194 = arith.constant 1 : i32
      %add3A_195 = arith.addi %add3A_193, %add3A_194 : i32
      %lt3A_196 = arith.constant 32 : i32
      %lt3A_197 = arith.cmpi slt, %add3A_195, %lt3A_196 : i32
      %convert_element_type3A_198 = arith.extui %lt3A_197 : i1 to i32
      %cond3A_199 = arith.constant 0 : i32
      %cond3A_200 = arith.cmpi ne, %convert_element_type3A_198, %cond3A_199 : i32
      scf.if %cond3A_200 {
        %add3A_243 = arith.constant 1 : i32
        %add3A_244 = arith.addi %add3A_193, %add3A_243 : i32
        %dma_start3A_245 = arith.constant 0 : i32
        %dma_start3A_246 = arith.constant 0 : i32
        %dma_start3A_247 = arith.constant 0 : i32
        %dma_start3A_248 = arith.constant 0 : i32
        %dma_start3A_249 = tpu.memref_slice %arg6[%dma_start3A_246, %dma_start3A_247, %dma_start3A_248] : memref<2x800x64xf32, #tpu.memory_space<vmem>> -> memref<1x100x64xf32, #tpu.memory_space<vmem>>
        %dma_start3A_250 = tpu.memref_squeeze %dma_start3A_249 : memref<1x100x64xf32, #tpu.memory_space<vmem>> -> memref<100x64xf32, #tpu.memory_space<vmem>>
        %dma_start3A_251 = arith.constant 0 : i32
        %dma_start3A_252 = tpu.memref_slice %arg5[%add3A_244, %dma_start3A_245, %dma_start3A_251] : memref<32x8x100xi32, #tpu.memory_space<vmem>> -> memref<1x1x100xi32, #tpu.memory_space<vmem>>
        %dma_start3A_253 = tpu.memref_squeeze %dma_start3A_252 : memref<1x1x100xi32, #tpu.memory_space<vmem>> -> memref<100xi32, #tpu.memory_space<vmem>>
        %dma_start3A_254 = arith.constant 0 : i32
        %dma_start3A_255 = arith.constant 0 : i32
        %dma_start3A_256 = tpu.memref_slice %arg3[%dma_start3A_254, %dma_start3A_255] : memref<1000000x64xf32, #tpu.memory_space<hbm>> -> memref<1000000x64xf32, #tpu.memory_space<hbm>>
        tpu.enqueue_indirect_dma source(%dma_start3A_256 : memref<1000000x64xf32, #tpu.memory_space<hbm>>) target(%dma_start3A_250 : memref<100x64xf32, #tpu.memory_space<vmem>>) offsets(%dma_start3A_253 : memref<100xi32, #tpu.memory_space<vmem>>) semaphore(%arg8 : memref<!tpu.dma_semaphore, #tpu.memory_space<semaphore_mem>>)
        %dma_start3A_257 = arith.constant 1 : i32
        %dma_start3A_258 = arith.constant 0 : i32
        %dma_start3A_259 = arith.constant 100 : i32
        %dma_start3A_260 = arith.constant 0 : i32
        %dma_start3A_261 = tpu.memref_slice %arg6[%dma_start3A_258, %dma_start3A_259, %dma_start3A_260] : memref<2x800x64xf32, #tpu.memory_space<vmem>> -> memref<1x100x64xf32, #tpu.memory_space<vmem>>
        %dma_start3A_262 = tpu.memref_squeeze %dma_start3A_261 : memref<1x100x64xf32, #tpu.memory_space<vmem>> -> memref<100x64xf32, #tpu.memory_space<vmem>>
        %dma_start3A_263 = arith.constant 0 : i32
        %dma_start3A_264 = tpu.memref_slice %arg5[%add3A_244, %dma_start3A_257, %dma_start3A_263] : memref<32x8x100xi32, #tpu.memory_space<vmem>> -> memref<1x1x100xi32, #tpu.memory_space<vmem>>
        %dma_start3A_265 = tpu.memref_squeeze %dma_start3A_264 : memref<1x1x100xi32, #tpu.memory_space<vmem>> -> memref<100xi32, #tpu.memory_space<vmem>>
        %dma_start3A_266 = arith.constant 0 : i32
        %dma_start3A_267 = arith.constant 0 : i32
        %dma_start3A_268 = tpu.memref_slice %arg3[%dma_start3A_266, %dma_start3A_267] : memref<1000000x64xf32, #tpu.memory_space<hbm>> -> memref<1000000x64xf32, #tpu.memory_space<hbm>>
        tpu.enqueue_indirect_dma source(%dma_start3A_268 : memref<1000000x64xf32, #tpu.memory_space<hbm>>) target(%dma_start3A_262 : memref<100x64xf32, #tpu.memory_space<vmem>>) offsets(%dma_start3A_265 : memref<100xi32, #tpu.memory_space<vmem>>) semaphore(%arg8 : memref<!tpu.dma_semaphore, #tpu.memory_space<semaphore_mem>>)
        %dma_start3A_269 = arith.constant 2 : i32
        %dma_start3A_270 = arith.constant 0 : i32
        %dma_start3A_271 = arith.constant 200 : i32
        %dma_start3A_272 = arith.constant 0 : i32
        %dma_start3A_273 = tpu.memref_slice %arg6[%dma_start3A_270, %dma_start3A_271, %dma_start3A_272] : memref<2x800x64xf32, #tpu.memory_space<vmem>> -> memref<1x100x64xf32, #tpu.memory_space<vmem>>
        %dma_start3A_274 = tpu.memref_squeeze %dma_start3A_273 : memref<1x100x64xf32, #tpu.memory_space<vmem>> -> memref<100x64xf32, #tpu.memory_space<vmem>>
        %dma_start3A_275 = arith.constant 0 : i32
        %dma_start3A_276 = tpu.memref_slice %arg5[%add3A_244, %dma_start3A_269, %dma_start3A_275] : memref<32x8x100xi32, #tpu.memory_space<vmem>> -> memref<1x1x100xi32, #tpu.memory_space<vmem>>
        %dma_start3A_277 = tpu.memref_squeeze %dma_start3A_276 : memref<1x1x100xi32, #tpu.memory_space<vmem>> -> memref<100xi32, #tpu.memory_space<vmem>>
        %dma_start3A_278 = arith.constant 0 : i32
        %dma_start3A_279 = arith.constant 0 : i32
        %dma_start3A_280 = tpu.memref_slice %arg3[%dma_start3A_278, %dma_start3A_279] : memref<1000000x64xf32, #tpu.memory_space<hbm>> -> memref<1000000x64xf32, #tpu.memory_space<hbm>>
        tpu.enqueue_indirect_dma source(%dma_start3A_280 : memref<1000000x64xf32, #tpu.memory_space<hbm>>) target(%dma_start3A_274 : memref<100x64xf32, #tpu.memory_space<vmem>>) offsets(%dma_start3A_277 : memref<100xi32, #tpu.memory_space<vmem>>) semaphore(%arg8 : memref<!tpu.dma_semaphore, #tpu.memory_space<semaphore_mem>>)
        %dma_start3A_281 = arith.constant 3 : i32
        %dma_start3A_282 = arith.constant 0 : i32
        %dma_start3A_283 = arith.constant 300 : i32
        %dma_start3A_284 = arith.constant 0 : i32
        %dma_start3A_285 = tpu.memref_slice %arg6[%dma_start3A_282, %dma_start3A_283, %dma_start3A_284] : memref<2x800x64xf32, #tpu.memory_space<vmem>> -> memref<1x100x64xf32, #tpu.memory_space<vmem>>
        %dma_start3A_286 = tpu.memref_squeeze %dma_start3A_285 : memref<1x100x64xf32, #tpu.memory_space<vmem>> -> memref<100x64xf32, #tpu.memory_space<vmem>>
        %dma_start3A_287 = arith.constant 0 : i32
        %dma_start3A_288 = tpu.memref_slice %arg5[%add3A_244, %dma_start3A_281, %dma_start3A_287] : memref<32x8x100xi32, #tpu.memory_space<vmem>> -> memref<1x1x100xi32, #tpu.memory_space<vmem>>
        %dma_start3A_289 = tpu.memref_squeeze %dma_start3A_288 : memref<1x1x100xi32, #tpu.memory_space<vmem>> -> memref<100xi32, #tpu.memory_space<vmem>>
        %dma_start3A_290 = arith.constant 0 : i32
        %dma_start3A_291 = arith.constant 0 : i32
        %dma_start3A_292 = tpu.memref_slice %arg3[%dma_start3A_290, %dma_start3A_291] : memref<1000000x64xf32, #tpu.memory_space<hbm>> -> memref<1000000x64xf32, #tpu.memory_space<hbm>>
        tpu.enqueue_indirect_dma source(%dma_start3A_292 : memref<1000000x64xf32, #tpu.memory_space<hbm>>) target(%dma_start3A_286 : memref<100x64xf32, #tpu.memory_space<vmem>>) offsets(%dma_start3A_289 : memref<100xi32, #tpu.memory_space<vmem>>) semaphore(%arg8 : memref<!tpu.dma_semaphore, #tpu.memory_space<semaphore_mem>>)
        %dma_start3A_293 = arith.constant 4 : i32
        %dma_start3A_294 = arith.constant 0 : i32
        %dma_start3A_295 = arith.constant 400 : i32
        %dma_start3A_296 = arith.constant 0 : i32
        %dma_start3A_297 = tpu.memref_slice %arg6[%dma_start3A_294, %dma_start3A_295, %dma_start3A_296] : memref<2x800x64xf32, #tpu.memory_space<vmem>> -> memref<1x100x64xf32, #tpu.memory_space<vmem>>
        %dma_start3A_298 = tpu.memref_squeeze %dma_start3A_297 : memref<1x100x64xf32, #tpu.memory_space<vmem>> -> memref<100x64xf32, #tpu.memory_space<vmem>>
        %dma_start3A_299 = arith.constant 0 : i32
        %dma_start3A_300 = tpu.memref_slice %arg5[%add3A_244, %dma_start3A_293, %dma_start3A_299] : memref<32x8x100xi32, #tpu.memory_space<vmem>> -> memref<1x1x100xi32, #tpu.memory_space<vmem>>
        %dma_start3A_301 = tpu.memref_squeeze %dma_start3A_300 : memref<1x1x100xi32, #tpu.memory_space<vmem>> -> memref<100xi32, #tpu.memory_space<vmem>>
        %dma_start3A_302 = arith.constant 0 : i32
        %dma_start3A_303 = arith.constant 0 : i32
        %dma_start3A_304 = tpu.memref_slice %arg3[%dma_start3A_302, %dma_start3A_303] : memref<1000000x64xf32, #tpu.memory_space<hbm>> -> memref<1000000x64xf32, #tpu.memory_space<hbm>>
        tpu.enqueue_indirect_dma source(%dma_start3A_304 : memref<1000000x64xf32, #tpu.memory_space<hbm>>) target(%dma_start3A_298 : memref<100x64xf32, #tpu.memory_space<vmem>>) offsets(%dma_start3A_301 : memref<100xi32, #tpu.memory_space<vmem>>) semaphore(%arg8 : memref<!tpu.dma_semaphore, #tpu.memory_space<semaphore_mem>>)
        %dma_start3A_305 = arith.constant 5 : i32
        %dma_start3A_306 = arith.constant 0 : i32
        %dma_start3A_307 = arith.constant 500 : i32
        %dma_start3A_308 = arith.constant 0 : i32
        %dma_start3A_309 = tpu.memref_slice %arg6[%dma_start3A_306, %dma_start3A_307, %dma_start3A_308] : memref<2x800x64xf32, #tpu.memory_space<vmem>> -> memref<1x100x64xf32, #tpu.memory_space<vmem>>
        %dma_start3A_310 = tpu.memref_squeeze %dma_start3A_309 : memref<1x100x64xf32, #tpu.memory_space<vmem>> -> memref<100x64xf32, #tpu.memory_space<vmem>>
        %dma_start3A_311 = arith.constant 0 : i32
        %dma_start3A_312 = tpu.memref_slice %arg5[%add3A_244, %dma_start3A_305, %dma_start3A_311] : memref<32x8x100xi32, #tpu.memory_space<vmem>> -> memref<1x1x100xi32, #tpu.memory_space<vmem>>
        %dma_start3A_313 = tpu.memref_squeeze %dma_start3A_312 : memref<1x1x100xi32, #tpu.memory_space<vmem>> -> memref<100xi32, #tpu.memory_space<vmem>>
        %dma_start3A_314 = arith.constant 0 : i32
        %dma_start3A_315 = arith.constant 0 : i32
        %dma_start3A_316 = tpu.memref_slice %arg3[%dma_start3A_314, %dma_start3A_315] : memref<1000000x64xf32, #tpu.memory_space<hbm>> -> memref<1000000x64xf32, #tpu.memory_space<hbm>>
        tpu.enqueue_indirect_dma source(%dma_start3A_316 : memref<1000000x64xf32, #tpu.memory_space<hbm>>) target(%dma_start3A_310 : memref<100x64xf32, #tpu.memory_space<vmem>>) offsets(%dma_start3A_313 : memref<100xi32, #tpu.memory_space<vmem>>) semaphore(%arg8 : memref<!tpu.dma_semaphore, #tpu.memory_space<semaphore_mem>>)
        %dma_start3A_317 = arith.constant 6 : i32
        %dma_start3A_318 = arith.constant 0 : i32
        %dma_start3A_319 = arith.constant 600 : i32
        %dma_start3A_320 = arith.constant 0 : i32
        %dma_start3A_321 = tpu.memref_slice %arg6[%dma_start3A_318, %dma_start3A_319, %dma_start3A_320] : memref<2x800x64xf32, #tpu.memory_space<vmem>> -> memref<1x100x64xf32, #tpu.memory_space<vmem>>
        %dma_start3A_322 = tpu.memref_squeeze %dma_start3A_321 : memref<1x100x64xf32, #tpu.memory_space<vmem>> -> memref<100x64xf32, #tpu.memory_space<vmem>>
        %dma_start3A_323 = arith.constant 0 : i32
        %dma_start3A_324 = tpu.memref_slice %arg5[%add3A_244, %dma_start3A_317, %dma_start3A_323] : memref<32x8x100xi32, #tpu.memory_space<vmem>> -> memref<1x1x100xi32, #tpu.memory_space<vmem>>
        %dma_start3A_325 = tpu.memref_squeeze %dma_start3A_324 : memref<1x1x100xi32, #tpu.memory_space<vmem>> -> memref<100xi32, #tpu.memory_space<vmem>>
        %dma_start3A_326 = arith.constant 0 : i32
        %dma_start3A_327 = arith.constant 0 : i32
        %dma_start3A_328 = tpu.memref_slice %arg3[%dma_start3A_326, %dma_start3A_327] : memref<1000000x64xf32, #tpu.memory_space<hbm>> -> memref<1000000x64xf32, #tpu.memory_space<hbm>>
        tpu.enqueue_indirect_dma source(%dma_start3A_328 : memref<1000000x64xf32, #tpu.memory_space<hbm>>) target(%dma_start3A_322 : memref<100x64xf32, #tpu.memory_space<vmem>>) offsets(%dma_start3A_325 : memref<100xi32, #tpu.memory_space<vmem>>) semaphore(%arg8 : memref<!tpu.dma_semaphore, #tpu.memory_space<semaphore_mem>>)
        %dma_start3A_329 = arith.constant 7 : i32
        %dma_start3A_330 = arith.constant 0 : i32
        %dma_start3A_331 = arith.constant 700 : i32
        %dma_start3A_332 = arith.constant 0 : i32
        %dma_start3A_333 = tpu.memref_slice %arg6[%dma_start3A_330, %dma_start3A_331, %dma_start3A_332] : memref<2x800x64xf32, #tpu.memory_space<vmem>> -> memref<1x100x64xf32, #tpu.memory_space<vmem>>
        %dma_start3A_334 = tpu.memref_squeeze %dma_start3A_333 : memref<1x100x64xf32, #tpu.memory_space<vmem>> -> memref<100x64xf32, #tpu.memory_space<vmem>>
        %dma_start3A_335 = arith.constant 0 : i32
        %dma_start3A_336 = tpu.memref_slice %arg5[%add3A_244, %dma_start3A_329, %dma_start3A_335] : memref<32x8x100xi32, #tpu.memory_space<vmem>> -> memref<1x1x100xi32, #tpu.memory_space<vmem>>
        %dma_start3A_337 = tpu.memref_squeeze %dma_start3A_336 : memref<1x1x100xi32, #tpu.memory_space<vmem>> -> memref<100xi32, #tpu.memory_space<vmem>>
        %dma_start3A_338 = arith.constant 0 : i32
        %dma_start3A_339 = arith.constant 0 : i32
        %dma_start3A_340 = tpu.memref_slice %arg3[%dma_start3A_338, %dma_start3A_339] : memref<1000000x64xf32, #tpu.memory_space<hbm>> -> memref<1000000x64xf32, #tpu.memory_space<hbm>>
        tpu.enqueue_indirect_dma source(%dma_start3A_340 : memref<1000000x64xf32, #tpu.memory_space<hbm>>) target(%dma_start3A_334 : memref<100x64xf32, #tpu.memory_space<vmem>>) offsets(%dma_start3A_337 : memref<100xi32, #tpu.memory_space<vmem>>) semaphore(%arg8 : memref<!tpu.dma_semaphore, #tpu.memory_space<semaphore_mem>>)
      } else {
      }
      %dma_wait3A_201 = arith.constant 1 : i32
      %dma_wait3A_202 = arith.constant 0 : i32
      %dma_wait3A_203 = arith.constant 0 : i32
      %dma_wait3A_204 = tpu.memref_slice %arg6[%dma_wait3A_201, %dma_wait3A_202, %dma_wait3A_203] : memref<2x800x64xf32, #tpu.memory_space<vmem>> -> memref<1x800x64xf32, #tpu.memory_space<vmem>>
      %dma_wait3A_205 = tpu.memref_squeeze %dma_wait3A_204 : memref<1x800x64xf32, #tpu.memory_space<vmem>> -> memref<800x64xf32, #tpu.memory_space<vmem>>
      %dma_wait3A_206 = arith.constant 0 : i32
      %dma_wait3A_207 = arith.constant 0 : i32
      %dma_wait3A_208 = tpu.memref_slice %arg3[%dma_wait3A_206, %dma_wait3A_207] : memref<1000000x64xf32, #tpu.memory_space<hbm>> -> memref<800x64xf32, #tpu.memory_space<hbm>>
      %dma_wait3A_209 = arith.constant 0 : i32
      %dma_wait3A_210 = arith.constant 0 : i32
      %dma_wait3A_211 = tpu.memref_slice %arg6[%dma_wait3A_201, %dma_wait3A_209, %dma_wait3A_210] : memref<2x800x64xf32, #tpu.memory_space<vmem>> -> memref<1x800x64xf32, #tpu.memory_space<vmem>>
      %dma_wait3A_212 = tpu.memref_squeeze %dma_wait3A_211 : memref<1x800x64xf32, #tpu.memory_space<vmem>> -> memref<800x64xf32, #tpu.memory_space<vmem>>
      %dma_wait3A_213 = arith.constant 0 : i32
      %dma_wait3A_214 = arith.constant 0 : i32
      %dma_wait3A_215 = tpu.memref_slice %arg3[%dma_wait3A_213, %dma_wait3A_214] : memref<1000000x64xf32, #tpu.memory_space<hbm>> -> memref<800x64xf32, #tpu.memory_space<hbm>>
      tpu.wait_dma2 semaphore(%arg9 : memref<!tpu.dma_semaphore, #tpu.memory_space<semaphore_mem>>) src(%dma_wait3A_215 : memref<800x64xf32, #tpu.memory_space<hbm>>) dst(%dma_wait3A_212 : memref<800x64xf32, #tpu.memory_space<vmem>>)
      %ge3A_216 = arith.constant 2 : i32
      %ge3A_217 = arith.cmpi sge, %add3A_193, %ge3A_216 : i32
      %convert_element_type3A_218 = arith.extui %ge3A_217 : i1 to i32
      %cond3A_219 = arith.constant 0 : i32
      %cond3A_220 = arith.cmpi ne, %convert_element_type3A_218, %cond3A_219 : i32
      scf.if %cond3A_220 {
        %dma_wait3A_243 = arith.constant 1 : i32
        %dma_wait3A_244 = arith.constant 0 : i32
        %dma_wait3A_245 = arith.constant 0 : i32
        %dma_wait3A_246 = tpu.memref_slice %arg7[%dma_wait3A_243, %dma_wait3A_244, %dma_wait3A_245] : memref<2x16x64xf32, #tpu.memory_space<vmem>> -> memref<1x16x64xf32, #tpu.memory_space<vmem>>
        %dma_wait3A_247 = tpu.memref_squeeze %dma_wait3A_246 : memref<1x16x64xf32, #tpu.memory_space<vmem>> -> memref<16x64xf32, #tpu.memory_space<vmem>>
        %dma_wait3A_248 = arith.constant 0 : i32
        %dma_wait3A_249 = arith.constant 0 : i32
        %dma_wait3A_250 = tpu.memref_slice %arg4[%dma_wait3A_248, %dma_wait3A_249] : memref<16384x64xf32, #tpu.memory_space<hbm>> -> memref<16x64xf32, #tpu.memory_space<hbm>>
        %dma_wait3A_251 = arith.constant 0 : i32
        %dma_wait3A_252 = arith.constant 0 : i32
        %dma_wait3A_253 = tpu.memref_slice %arg4[%dma_wait3A_251, %dma_wait3A_252] : memref<16384x64xf32, #tpu.memory_space<hbm>> -> memref<16x64xf32, #tpu.memory_space<hbm>>
        %dma_wait3A_254 = arith.constant 0 : i32
        %dma_wait3A_255 = arith.constant 0 : i32
        %dma_wait3A_256 = tpu.memref_slice %arg7[%dma_wait3A_243, %dma_wait3A_254, %dma_wait3A_255] : memref<2x16x64xf32, #tpu.memory_space<vmem>> -> memref<1x16x64xf32, #tpu.memory_space<vmem>>
        %dma_wait3A_257 = tpu.memref_squeeze %dma_wait3A_256 : memref<1x16x64xf32, #tpu.memory_space<vmem>> -> memref<16x64xf32, #tpu.memory_space<vmem>>
        tpu.wait_dma2 semaphore(%arg11 : memref<!tpu.dma_semaphore, #tpu.memory_space<semaphore_mem>>) src(%dma_wait3A_257 : memref<16x64xf32, #tpu.memory_space<vmem>>) dst(%dma_wait3A_253 : memref<16x64xf32, #tpu.memory_space<hbm>>)
      } else {
      }
      %scan3A_221 = arith.constant 0 : i32
      %scan3A_222 = arith.constant 0 : i32
      %scan3A_223 = arith.constant 16 : i32
      %scan3A_224 = arith.addi %scan3A_222, %scan3A_223 : i32
      %scan3A_225 = arith.constant 1 : i32
      scf.for %scan3A_243 = %scan3A_222 to %scan3A_224 step %scan3A_225  : i32 {
        %mul3A_244 = arith.constant 50 : i32
        %mul3A_245 = arith.muli %scan3A_243, %mul3A_244 : i32
        %get3A = arith.constant 1 : i32
        %get3A_246 = arith.index_cast %get3A : i32 to index
        %get3A_247 = arith.index_cast %mul3A_245 : i32 to index
        %get3A_248 = arith.constant 0 : index
        %get3A_249 = tpu.vector_load %arg6[%get3A_246, %get3A_247, %get3A_248] {strides = array<i32>} : memref<2x800x64xf32, #tpu.memory_space<vmem>>, vector<1x1x16xf32>,
        %get3A_250 = vector.shape_cast %get3A_249 : vector<1x1x16xf32> to vector<16xf32>
        %add3A_251 = arith.constant 1 : i32
        %add3A_252 = arith.addi %mul3A_245, %add3A_251 : i32
        %get3A_253 = arith.constant 1 : i32
        %get3A_254 = arith.index_cast %get3A_253 : i32 to index
        %get3A_255 = arith.index_cast %add3A_252 : i32 to index
        %get3A_256 = arith.constant 0 : index
        %get3A_257 = tpu.vector_load %arg6[%get3A_254, %get3A_255, %get3A_256] {strides = array<i32>} : memref<2x800x64xf32, #tpu.memory_space<vmem>>, vector<1x1x16xf32>,
        %get3A_258 = vector.shape_cast %get3A_257 : vector<1x1x16xf32> to vector<16xf32>
        %add3A_259 = arith.addf %get3A_250, %get3A_258 : vector<16xf32>
        %add3A_260 = arith.constant 2 : i32
        %add3A_261 = arith.addi %mul3A_245, %add3A_260 : i32
        %get3A_262 = arith.constant 1 : i32
        %get3A_263 = arith.index_cast %get3A_262 : i32 to index
        %get3A_264 = arith.index_cast %add3A_261 : i32 to index
        %get3A_265 = arith.constant 0 : index
        %get3A_266 = tpu.vector_load %arg6[%get3A_263, %get3A_264, %get3A_265] {strides = array<i32>} : memref<2x800x64xf32, #tpu.memory_space<vmem>>, vector<1x1x16xf32>,
        %get3A_267 = vector.shape_cast %get3A_266 : vector<1x1x16xf32> to vector<16xf32>
        %add3A_268 = arith.addf %add3A_259, %get3A_267 : vector<16xf32>
        %add3A_269 = arith.constant 3 : i32
        %add3A_270 = arith.addi %mul3A_245, %add3A_269 : i32
        %get3A_271 = arith.constant 1 : i32
        %get3A_272 = arith.index_cast %get3A_271 : i32 to index
        %get3A_273 = arith.index_cast %add3A_270 : i32 to index
        %get3A_274 = arith.constant 0 : index
        %get3A_275 = tpu.vector_load %arg6[%get3A_272, %get3A_273, %get3A_274] {strides = array<i32>} : memref<2x800x64xf32, #tpu.memory_space<vmem>>, vector<1x1x16xf32>,
        %get3A_276 = vector.shape_cast %get3A_275 : vector<1x1x16xf32> to vector<16xf32>
        %add3A_277 = arith.addf %add3A_268, %get3A_276 : vector<16xf32>
        %add3A_278 = arith.constant 4 : i32
        %add3A_279 = arith.addi %mul3A_245, %add3A_278 : i32
        %get3A_280 = arith.constant 1 : i32
        %get3A_281 = arith.index_cast %get3A_280 : i32 to index
        %get3A_282 = arith.index_cast %add3A_279 : i32 to index
        %get3A_283 = arith.constant 0 : index
        %get3A_284 = tpu.vector_load %arg6[%get3A_281, %get3A_282, %get3A_283] {strides = array<i32>} : memref<2x800x64xf32, #tpu.memory_space<vmem>>, vector<1x1x16xf32>,
        %get3A_285 = vector.shape_cast %get3A_284 : vector<1x1x16xf32> to vector<16xf32>
        %add3A_286 = arith.addf %add3A_277, %get3A_285 : vector<16xf32>
        %add3A_287 = arith.constant 5 : i32
        %add3A_288 = arith.addi %mul3A_245, %add3A_287 : i32
        %get3A_289 = arith.constant 1 : i32
        %get3A_290 = arith.index_cast %get3A_289 : i32 to index
        %get3A_291 = arith.index_cast %add3A_288 : i32 to index
        %get3A_292 = arith.constant 0 : index
        %get3A_293 = tpu.vector_load %arg6[%get3A_290, %get3A_291, %get3A_292] {strides = array<i32>} : memref<2x800x64xf32, #tpu.memory_space<vmem>>, vector<1x1x16xf32>,
        %get3A_294 = vector.shape_cast %get3A_293 : vector<1x1x16xf32> to vector<16xf32>
        %add3A_295 = arith.addf %add3A_286, %get3A_294 : vector<16xf32>
        %add3A_296 = arith.constant 6 : i32
        %add3A_297 = arith.addi %mul3A_245, %add3A_296 : i32
        %get3A_298 = arith.constant 1 : i32
        %get3A_299 = arith.index_cast %get3A_298 : i32 to index
        %get3A_300 = arith.index_cast %add3A_297 : i32 to index
        %get3A_301 = arith.constant 0 : index
        %get3A_302 = tpu.vector_load %arg6[%get3A_299, %get3A_300, %get3A_301] {strides = array<i32>} : memref<2x800x64xf32, #tpu.memory_space<vmem>>, vector<1x1x16xf32>,
        %get3A_303 = vector.shape_cast %get3A_302 : vector<1x1x16xf32> to vector<16xf32>
        %add3A_304 = arith.addf %add3A_295, %get3A_303 : vector<16xf32>
        %add3A_305 = arith.constant 7 : i32
        %add3A_306 = arith.addi %mul3A_245, %add3A_305 : i32
        %get3A_307 = arith.constant 1 : i32
        %get3A_308 = arith.index_cast %get3A_307 : i32 to index
        %get3A_309 = arith.index_cast %add3A_306 : i32 to index
        %get3A_310 = arith.constant 0 : index
        %get3A_311 = tpu.vector_load %arg6[%get3A_308, %get3A_309, %get3A_310] {strides = array<i32>} : memref<2x800x64xf32, #tpu.memory_space<vmem>>, vector<1x1x16xf32>,
        %get3A_312 = vector.shape_cast %get3A_311 : vector<1x1x16xf32> to vector<16xf32>
        %add3A_313 = arith.addf %add3A_304, %get3A_312 : vector<16xf32>
        %add3A_314 = arith.constant 8 : i32
        %add3A_315 = arith.addi %mul3A_245, %add3A_314 : i32
        %get3A_316 = arith.constant 1 : i32
        %get3A_317 = arith.index_cast %get3A_316 : i32 to index
        %get3A_318 = arith.index_cast %add3A_315 : i32 to index
        %get3A_319 = arith.constant 0 : index
        %get3A_320 = tpu.vector_load %arg6[%get3A_317, %get3A_318, %get3A_319] {strides = array<i32>} : memref<2x800x64xf32, #tpu.memory_space<vmem>>, vector<1x1x16xf32>,
        %get3A_321 = vector.shape_cast %get3A_320 : vector<1x1x16xf32> to vector<16xf32>
        %add3A_322 = arith.addf %add3A_313, %get3A_321 : vector<16xf32>
        %add3A_323 = arith.constant 9 : i32
        %add3A_324 = arith.addi %mul3A_245, %add3A_323 : i32
        %get3A_325 = arith.constant 1 : i32
        %get3A_326 = arith.index_cast %get3A_325 : i32 to index
        %get3A_327 = arith.index_cast %add3A_324 : i32 to index
        %get3A_328 = arith.constant 0 : index
        %get3A_329 = tpu.vector_load %arg6[%get3A_326, %get3A_327, %get3A_328] {strides = array<i32>} : memref<2x800x64xf32, #tpu.memory_space<vmem>>, vector<1x1x16xf32>,
        %get3A_330 = vector.shape_cast %get3A_329 : vector<1x1x16xf32> to vector<16xf32>
        %add3A_331 = arith.addf %add3A_322, %get3A_330 : vector<16xf32>
        %add3A_332 = arith.constant 10 : i32
        %add3A_333 = arith.addi %mul3A_245, %add3A_332 : i32
        %get3A_334 = arith.constant 1 : i32
        %get3A_335 = arith.index_cast %get3A_334 : i32 to index
        %get3A_336 = arith.index_cast %add3A_333 : i32 to index
        %get3A_337 = arith.constant 0 : index
        %get3A_338 = tpu.vector_load %arg6[%get3A_335, %get3A_336, %get3A_337] {strides = array<i32>} : memref<2x800x64xf32, #tpu.memory_space<vmem>>, vector<1x1x16xf32>,
        %get3A_339 = vector.shape_cast %get3A_338 : vector<1x1x16xf32> to vector<16xf32>
        %add3A_340 = arith.addf %add3A_331, %get3A_339 : vector<16xf32>
        %add3A_341 = arith.constant 11 : i32
        %add3A_342 = arith.addi %mul3A_245, %add3A_341 : i32
        %get3A_343 = arith.constant 1 : i32
        %get3A_344 = arith.index_cast %get3A_343 : i32 to index
        %get3A_345 = arith.index_cast %add3A_342 : i32 to index
        %get3A_346 = arith.constant 0 : index
        %get3A_347 = tpu.vector_load %arg6[%get3A_344, %get3A_345, %get3A_346] {strides = array<i32>} : memref<2x800x64xf32, #tpu.memory_space<vmem>>, vector<1x1x16xf32>,
        %get3A_348 = vector.shape_cast %get3A_347 : vector<1x1x16xf32> to vector<16xf32>
        %add3A_349 = arith.addf %add3A_340, %get3A_348 : vector<16xf32>
        %add3A_350 = arith.constant 12 : i32
        %add3A_351 = arith.addi %mul3A_245, %add3A_350 : i32
        %get3A_352 = arith.constant 1 : i32
        %get3A_353 = arith.index_cast %get3A_352 : i32 to index
        %get3A_354 = arith.index_cast %add3A_351 : i32 to index
        %get3A_355 = arith.constant 0 : index
        %get3A_356 = tpu.vector_load %arg6[%get3A_353, %get3A_354, %get3A_355] {strides = array<i32>} : memref<2x800x64xf32, #tpu.memory_space<vmem>>, vector<1x1x16xf32>,
        %get3A_357 = vector.shape_cast %get3A_356 : vector<1x1x16xf32> to vector<16xf32>
        %add3A_358 = arith.addf %add3A_349, %get3A_357 : vector<16xf32>
        %add3A_359 = arith.constant 13 : i32
        %add3A_360 = arith.addi %mul3A_245, %add3A_359 : i32
        %get3A_361 = arith.constant 1 : i32
        %get3A_362 = arith.index_cast %get3A_361 : i32 to index
        %get3A_363 = arith.index_cast %add3A_360 : i32 to index
        %get3A_364 = arith.constant 0 : index
        %get3A_365 = tpu.vector_load %arg6[%get3A_362, %get3A_363, %get3A_364] {strides = array<i32>} : memref<2x800x64xf32, #tpu.memory_space<vmem>>, vector<1x1x16xf32>,
        %get3A_366 = vector.shape_cast %get3A_365 : vector<1x1x16xf32> to vector<16xf32>
        %add3A_367 = arith.addf %add3A_358, %get3A_366 : vector<16xf32>
        %add3A_368 = arith.constant 14 : i32
        %add3A_369 = arith.addi %mul3A_245, %add3A_368 : i32
        %get3A_370 = arith.constant 1 : i32
        %get3A_371 = arith.index_cast %get3A_370 : i32 to index
        %get3A_372 = arith.index_cast %add3A_369 : i32 to index
        %get3A_373 = arith.constant 0 : index
        %get3A_374 = tpu.vector_load %arg6[%get3A_371, %get3A_372, %get3A_373] {strides = array<i32>} : memref<2x800x64xf32, #tpu.memory_space<vmem>>, vector<1x1x16xf32>,
        %get3A_375 = vector.shape_cast %get3A_374 : vector<1x1x16xf32> to vector<16xf32>
        %add3A_376 = arith.addf %add3A_367, %get3A_375 : vector<16xf32>
        %add3A_377 = arith.constant 15 : i32
        %add3A_378 = arith.addi %mul3A_245, %add3A_377 : i32
        %get3A_379 = arith.constant 1 : i32
        %get3A_380 = arith.index_cast %get3A_379 : i32 to index
        %get3A_381 = arith.index_cast %add3A_378 : i32 to index
        %get3A_382 = arith.constant 0 : index
        %get3A_383 = tpu.vector_load %arg6[%get3A_380, %get3A_381, %get3A_382] {strides = array<i32>} : memref<2x800x64xf32, #tpu.memory_space<vmem>>, vector<1x1x16xf32>,
        %get3A_384 = vector.shape_cast %get3A_383 : vector<1x1x16xf32> to vector<16xf32>
        %add3A_385 = arith.addf %add3A_376, %get3A_384 : vector<16xf32>
        %add3A_386 = arith.constant 16 : i32
        %add3A_387 = arith.addi %mul3A_245, %add3A_386 : i32
        %get3A_388 = arith.constant 1 : i32
        %get3A_389 = arith.index_cast %get3A_388 : i32 to index
        %get3A_390 = arith.index_cast %add3A_387 : i32 to index
        %get3A_391 = arith.constant 0 : index
        %get3A_392 = tpu.vector_load %arg6[%get3A_389, %get3A_390, %get3A_391] {strides = array<i32>} : memref<2x800x64xf32, #tpu.memory_space<vmem>>, vector<1x1x16xf32>,
        %get3A_393 = vector.shape_cast %get3A_392 : vector<1x1x16xf32> to vector<16xf32>
        %add3A_394 = arith.addf %add3A_385, %get3A_393 : vector<16xf32>
        %add3A_395 = arith.constant 17 : i32
        %add3A_396 = arith.addi %mul3A_245, %add3A_395 : i32
        %get3A_397 = arith.constant 1 : i32
        %get3A_398 = arith.index_cast %get3A_397 : i32 to index
        %get3A_399 = arith.index_cast %add3A_396 : i32 to index
        %get3A_400 = arith.constant 0 : index
        %get3A_401 = tpu.vector_load %arg6[%get3A_398, %get3A_399, %get3A_400] {strides = array<i32>} : memref<2x800x64xf32, #tpu.memory_space<vmem>>, vector<1x1x16xf32>,
        %get3A_402 = vector.shape_cast %get3A_401 : vector<1x1x16xf32> to vector<16xf32>
        %add3A_403 = arith.addf %add3A_394, %get3A_402 : vector<16xf32>
        %add3A_404 = arith.constant 18 : i32
        %add3A_405 = arith.addi %mul3A_245, %add3A_404 : i32
        %get3A_406 = arith.constant 1 : i32
        %get3A_407 = arith.index_cast %get3A_406 : i32 to index
        %get3A_408 = arith.index_cast %add3A_405 : i32 to index
        %get3A_409 = arith.constant 0 : index
        %get3A_410 = tpu.vector_load %arg6[%get3A_407, %get3A_408, %get3A_409] {strides = array<i32>} : memref<2x800x64xf32, #tpu.memory_space<vmem>>, vector<1x1x16xf32>,
        %get3A_411 = vector.shape_cast %get3A_410 : vector<1x1x16xf32> to vector<16xf32>
        %add3A_412 = arith.addf %add3A_403, %get3A_411 : vector<16xf32>
        %add3A_413 = arith.constant 19 : i32
        %add3A_414 = arith.addi %mul3A_245, %add3A_413 : i32
        %get3A_415 = arith.constant 1 : i32
        %get3A_416 = arith.index_cast %get3A_415 : i32 to index
        %get3A_417 = arith.index_cast %add3A_414 : i32 to index
        %get3A_418 = arith.constant 0 : index
        %get3A_419 = tpu.vector_load %arg6[%get3A_416, %get3A_417, %get3A_418] {strides = array<i32>} : memref<2x800x64xf32, #tpu.memory_space<vmem>>, vector<1x1x16xf32>,
        %get3A_420 = vector.shape_cast %get3A_419 : vector<1x1x16xf32> to vector<16xf32>
        %add3A_421 = arith.addf %add3A_412, %get3A_420 : vector<16xf32>
        %add3A_422 = arith.constant 20 : i32
        %add3A_423 = arith.addi %mul3A_245, %add3A_422 : i32
        %get3A_424 = arith.constant 1 : i32
        %get3A_425 = arith.index_cast %get3A_424 : i32 to index
        %get3A_426 = arith.index_cast %add3A_423 : i32 to index
        %get3A_427 = arith.constant 0 : index
        %get3A_428 = tpu.vector_load %arg6[%get3A_425, %get3A_426, %get3A_427] {strides = array<i32>} : memref<2x800x64xf32, #tpu.memory_space<vmem>>, vector<1x1x16xf32>,
        %get3A_429 = vector.shape_cast %get3A_428 : vector<1x1x16xf32> to vector<16xf32>
        %add3A_430 = arith.addf %add3A_421, %get3A_429 : vector<16xf32>
        %add3A_431 = arith.constant 21 : i32
        %add3A_432 = arith.addi %mul3A_245, %add3A_431 : i32
        %get3A_433 = arith.constant 1 : i32
        %get3A_434 = arith.index_cast %get3A_433 : i32 to index
        %get3A_435 = arith.index_cast %add3A_432 : i32 to index
        %get3A_436 = arith.constant 0 : index
        %get3A_437 = tpu.vector_load %arg6[%get3A_434, %get3A_435, %get3A_436] {strides = array<i32>} : memref<2x800x64xf32, #tpu.memory_space<vmem>>, vector<1x1x16xf32>,
        %get3A_438 = vector.shape_cast %get3A_437 : vector<1x1x16xf32> to vector<16xf32>
        %add3A_439 = arith.addf %add3A_430, %get3A_438 : vector<16xf32>
        %add3A_440 = arith.constant 22 : i32
        %add3A_441 = arith.addi %mul3A_245, %add3A_440 : i32
        %get3A_442 = arith.constant 1 : i32
        %get3A_443 = arith.index_cast %get3A_442 : i32 to index
        %get3A_444 = arith.index_cast %add3A_441 : i32 to index
        %get3A_445 = arith.constant 0 : index
        %get3A_446 = tpu.vector_load %arg6[%get3A_443, %get3A_444, %get3A_445] {strides = array<i32>} : memref<2x800x64xf32, #tpu.memory_space<vmem>>, vector<1x1x16xf32>,
        %get3A_447 = vector.shape_cast %get3A_446 : vector<1x1x16xf32> to vector<16xf32>
        %add3A_448 = arith.addf %add3A_439, %get3A_447 : vector<16xf32>
        %add3A_449 = arith.constant 23 : i32
        %add3A_450 = arith.addi %mul3A_245, %add3A_449 : i32
        %get3A_451 = arith.constant 1 : i32
        %get3A_452 = arith.index_cast %get3A_451 : i32 to index
        %get3A_453 = arith.index_cast %add3A_450 : i32 to index
        %get3A_454 = arith.constant 0 : index
        %get3A_455 = tpu.vector_load %arg6[%get3A_452, %get3A_453, %get3A_454] {strides = array<i32>} : memref<2x800x64xf32, #tpu.memory_space<vmem>>, vector<1x1x16xf32>,
        %get3A_456 = vector.shape_cast %get3A_455 : vector<1x1x16xf32> to vector<16xf32>
        %add3A_457 = arith.addf %add3A_448, %get3A_456 : vector<16xf32>
        %add3A_458 = arith.constant 24 : i32
        %add3A_459 = arith.addi %mul3A_245, %add3A_458 : i32
        %get3A_460 = arith.constant 1 : i32
        %get3A_461 = arith.index_cast %get3A_460 : i32 to index
        %get3A_462 = arith.index_cast %add3A_459 : i32 to index
        %get3A_463 = arith.constant 0 : index
        %get3A_464 = tpu.vector_load %arg6[%get3A_461, %get3A_462, %get3A_463] {strides = array<i32>} : memref<2x800x64xf32, #tpu.memory_space<vmem>>, vector<1x1x16xf32>,
        %get3A_465 = vector.shape_cast %get3A_464 : vector<1x1x16xf32> to vector<16xf32>
        %add3A_466 = arith.addf %add3A_457, %get3A_465 : vector<16xf32>
        %add3A_467 = arith.constant 25 : i32
        %add3A_468 = arith.addi %mul3A_245, %add3A_467 : i32
        %get3A_469 = arith.constant 1 : i32
        %get3A_470 = arith.index_cast %get3A_469 : i32 to index
        %get3A_471 = arith.index_cast %add3A_468 : i32 to index
        %get3A_472 = arith.constant 0 : index
        %get3A_473 = tpu.vector_load %arg6[%get3A_470, %get3A_471, %get3A_472] {strides = array<i32>} : memref<2x800x64xf32, #tpu.memory_space<vmem>>, vector<1x1x16xf32>,
        %get3A_474 = vector.shape_cast %get3A_473 : vector<1x1x16xf32> to vector<16xf32>
        %add3A_475 = arith.addf %add3A_466, %get3A_474 : vector<16xf32>
        %add3A_476 = arith.constant 26 : i32
        %add3A_477 = arith.addi %mul3A_245, %add3A_476 : i32
        %get3A_478 = arith.constant 1 : i32
        %get3A_479 = arith.index_cast %get3A_478 : i32 to index
        %get3A_480 = arith.index_cast %add3A_477 : i32 to index
        %get3A_481 = arith.constant 0 : index
        %get3A_482 = tpu.vector_load %arg6[%get3A_479, %get3A_480, %get3A_481] {strides = array<i32>} : memref<2x800x64xf32, #tpu.memory_space<vmem>>, vector<1x1x16xf32>,
        %get3A_483 = vector.shape_cast %get3A_482 : vector<1x1x16xf32> to vector<16xf32>
        %add3A_484 = arith.addf %add3A_475, %get3A_483 : vector<16xf32>
        %add3A_485 = arith.constant 27 : i32
        %add3A_486 = arith.addi %mul3A_245, %add3A_485 : i32
        %get3A_487 = arith.constant 1 : i32
        %get3A_488 = arith.index_cast %get3A_487 : i32 to index
        %get3A_489 = arith.index_cast %add3A_486 : i32 to index
        %get3A_490 = arith.constant 0 : index
        %get3A_491 = tpu.vector_load %arg6[%get3A_488, %get3A_489, %get3A_490] {strides = array<i32>} : memref<2x800x64xf32, #tpu.memory_space<vmem>>, vector<1x1x16xf32>,
        %get3A_492 = vector.shape_cast %get3A_491 : vector<1x1x16xf32> to vector<16xf32>
        %add3A_493 = arith.addf %add3A_484, %get3A_492 : vector<16xf32>
        %add3A_494 = arith.constant 28 : i32
        %add3A_495 = arith.addi %mul3A_245, %add3A_494 : i32
        %get3A_496 = arith.constant 1 : i32
        %get3A_497 = arith.index_cast %get3A_496 : i32 to index
        %get3A_498 = arith.index_cast %add3A_495 : i32 to index
        %get3A_499 = arith.constant 0 : index
        %get3A_500 = tpu.vector_load %arg6[%get3A_497, %get3A_498, %get3A_499] {strides = array<i32>} : memref<2x800x64xf32, #tpu.memory_space<vmem>>, vector<1x1x16xf32>,
        %get3A_501 = vector.shape_cast %get3A_500 : vector<1x1x16xf32> to vector<16xf32>
        %add3A_502 = arith.addf %add3A_493, %get3A_501 : vector<16xf32>
        %add3A_503 = arith.constant 29 : i32
        %add3A_504 = arith.addi %mul3A_245, %add3A_503 : i32
        %get3A_505 = arith.constant 1 : i32
        %get3A_506 = arith.index_cast %get3A_505 : i32 to index
        %get3A_507 = arith.index_cast %add3A_504 : i32 to index
        %get3A_508 = arith.constant 0 : index
        %get3A_509 = tpu.vector_load %arg6[%get3A_506, %get3A_507, %get3A_508] {strides = array<i32>} : memref<2x800x64xf32, #tpu.memory_space<vmem>>, vector<1x1x16xf32>,
        %get3A_510 = vector.shape_cast %get3A_509 : vector<1x1x16xf32> to vector<16xf32>
        %add3A_511 = arith.addf %add3A_502, %get3A_510 : vector<16xf32>
        %add3A_512 = arith.constant 30 : i32
        %add3A_513 = arith.addi %mul3A_245, %add3A_512 : i32
        %get3A_514 = arith.constant 1 : i32
        %get3A_515 = arith.index_cast %get3A_514 : i32 to index
        %get3A_516 = arith.index_cast %add3A_513 : i32 to index
        %get3A_517 = arith.constant 0 : index
        %get3A_518 = tpu.vector_load %arg6[%get3A_515, %get3A_516, %get3A_517] {strides = array<i32>} : memref<2x800x64xf32, #tpu.memory_space<vmem>>, vector<1x1x16xf32>,
        %get3A_519 = vector.shape_cast %get3A_518 : vector<1x1x16xf32> to vector<16xf32>
        %add3A_520 = arith.addf %add3A_511, %get3A_519 : vector<16xf32>
        %add3A_521 = arith.constant 31 : i32
        %add3A_522 = arith.addi %mul3A_245, %add3A_521 : i32
        %get3A_523 = arith.constant 1 : i32
        %get3A_524 = arith.index_cast %get3A_523 : i32 to index
        %get3A_525 = arith.index_cast %add3A_522 : i32 to index
        %get3A_526 = arith.constant 0 : index
        %get3A_527 = tpu.vector_load %arg6[%get3A_524, %get3A_525, %get3A_526] {strides = array<i32>} : memref<2x800x64xf32, #tpu.memory_space<vmem>>, vector<1x1x16xf32>,
        %get3A_528 = vector.shape_cast %get3A_527 : vector<1x1x16xf32> to vector<16xf32>
        %add3A_529 = arith.addf %add3A_520, %get3A_528 : vector<16xf32>
        %add3A_530 = arith.constant 32 : i32
        %add3A_531 = arith.addi %mul3A_245, %add3A_530 : i32
        %get3A_532 = arith.constant 1 : i32
        %get3A_533 = arith.index_cast %get3A_532 : i32 to index
        %get3A_534 = arith.index_cast %add3A_531 : i32 to index
        %get3A_535 = arith.constant 0 : index
        %get3A_536 = tpu.vector_load %arg6[%get3A_533, %get3A_534, %get3A_535] {strides = array<i32>} : memref<2x800x64xf32, #tpu.memory_space<vmem>>, vector<1x1x16xf32>,
        %get3A_537 = vector.shape_cast %get3A_536 : vector<1x1x16xf32> to vector<16xf32>
        %add3A_538 = arith.addf %add3A_529, %get3A_537 : vector<16xf32>
        %add3A_539 = arith.constant 33 : i32
        %add3A_540 = arith.addi %mul3A_245, %add3A_539 : i32
        %get3A_541 = arith.constant 1 : i32
        %get3A_542 = arith.index_cast %get3A_541 : i32 to index
        %get3A_543 = arith.index_cast %add3A_540 : i32 to index
        %get3A_544 = arith.constant 0 : index
        %get3A_545 = tpu.vector_load %arg6[%get3A_542, %get3A_543, %get3A_544] {strides = array<i32>} : memref<2x800x64xf32, #tpu.memory_space<vmem>>, vector<1x1x16xf32>,
        %get3A_546 = vector.shape_cast %get3A_545 : vector<1x1x16xf32> to vector<16xf32>
        %add3A_547 = arith.addf %add3A_538, %get3A_546 : vector<16xf32>
        %add3A_548 = arith.constant 34 : i32
        %add3A_549 = arith.addi %mul3A_245, %add3A_548 : i32
        %get3A_550 = arith.constant 1 : i32
        %get3A_551 = arith.index_cast %get3A_550 : i32 to index
        %get3A_552 = arith.index_cast %add3A_549 : i32 to index
        %get3A_553 = arith.constant 0 : index
        %get3A_554 = tpu.vector_load %arg6[%get3A_551, %get3A_552, %get3A_553] {strides = array<i32>} : memref<2x800x64xf32, #tpu.memory_space<vmem>>, vector<1x1x16xf32>,
        %get3A_555 = vector.shape_cast %get3A_554 : vector<1x1x16xf32> to vector<16xf32>
        %add3A_556 = arith.addf %add3A_547, %get3A_555 : vector<16xf32>
        %add3A_557 = arith.constant 35 : i32
        %add3A_558 = arith.addi %mul3A_245, %add3A_557 : i32
        %get3A_559 = arith.constant 1 : i32
        %get3A_560 = arith.index_cast %get3A_559 : i32 to index
        %get3A_561 = arith.index_cast %add3A_558 : i32 to index
        %get3A_562 = arith.constant 0 : index
        %get3A_563 = tpu.vector_load %arg6[%get3A_560, %get3A_561, %get3A_562] {strides = array<i32>} : memref<2x800x64xf32, #tpu.memory_space<vmem>>, vector<1x1x16xf32>,
        %get3A_564 = vector.shape_cast %get3A_563 : vector<1x1x16xf32> to vector<16xf32>
        %add3A_565 = arith.addf %add3A_556, %get3A_564 : vector<16xf32>
        %add3A_566 = arith.constant 36 : i32
        %add3A_567 = arith.addi %mul3A_245, %add3A_566 : i32
        %get3A_568 = arith.constant 1 : i32
        %get3A_569 = arith.index_cast %get3A_568 : i32 to index
        %get3A_570 = arith.index_cast %add3A_567 : i32 to index
        %get3A_571 = arith.constant 0 : index
        %get3A_572 = tpu.vector_load %arg6[%get3A_569, %get3A_570, %get3A_571] {strides = array<i32>} : memref<2x800x64xf32, #tpu.memory_space<vmem>>, vector<1x1x16xf32>,
        %get3A_573 = vector.shape_cast %get3A_572 : vector<1x1x16xf32> to vector<16xf32>
        %add3A_574 = arith.addf %add3A_565, %get3A_573 : vector<16xf32>
        %add3A_575 = arith.constant 37 : i32
        %add3A_576 = arith.addi %mul3A_245, %add3A_575 : i32
        %get3A_577 = arith.constant 1 : i32
        %get3A_578 = arith.index_cast %get3A_577 : i32 to index
        %get3A_579 = arith.index_cast %add3A_576 : i32 to index
        %get3A_580 = arith.constant 0 : index
        %get3A_581 = tpu.vector_load %arg6[%get3A_578, %get3A_579, %get3A_580] {strides = array<i32>} : memref<2x800x64xf32, #tpu.memory_space<vmem>>, vector<1x1x16xf32>,
        %get3A_582 = vector.shape_cast %get3A_581 : vector<1x1x16xf32> to vector<16xf32>
        %add3A_583 = arith.addf %add3A_574, %get3A_582 : vector<16xf32>
        %add3A_584 = arith.constant 38 : i32
        %add3A_585 = arith.addi %mul3A_245, %add3A_584 : i32
        %get3A_586 = arith.constant 1 : i32
        %get3A_587 = arith.index_cast %get3A_586 : i32 to index
        %get3A_588 = arith.index_cast %add3A_585 : i32 to index
        %get3A_589 = arith.constant 0 : index
        %get3A_590 = tpu.vector_load %arg6[%get3A_587, %get3A_588, %get3A_589] {strides = array<i32>} : memref<2x800x64xf32, #tpu.memory_space<vmem>>, vector<1x1x16xf32>,
        %get3A_591 = vector.shape_cast %get3A_590 : vector<1x1x16xf32> to vector<16xf32>
        %add3A_592 = arith.addf %add3A_583, %get3A_591 : vector<16xf32>
        %add3A_593 = arith.constant 39 : i32
        %add3A_594 = arith.addi %mul3A_245, %add3A_593 : i32
        %get3A_595 = arith.constant 1 : i32
        %get3A_596 = arith.index_cast %get3A_595 : i32 to index
        %get3A_597 = arith.index_cast %add3A_594 : i32 to index
        %get3A_598 = arith.constant 0 : index
        %get3A_599 = tpu.vector_load %arg6[%get3A_596, %get3A_597, %get3A_598] {strides = array<i32>} : memref<2x800x64xf32, #tpu.memory_space<vmem>>, vector<1x1x16xf32>,
        %get3A_600 = vector.shape_cast %get3A_599 : vector<1x1x16xf32> to vector<16xf32>
        %add3A_601 = arith.addf %add3A_592, %get3A_600 : vector<16xf32>
        %add3A_602 = arith.constant 40 : i32
        %add3A_603 = arith.addi %mul3A_245, %add3A_602 : i32
        %get3A_604 = arith.constant 1 : i32
        %get3A_605 = arith.index_cast %get3A_604 : i32 to index
        %get3A_606 = arith.index_cast %add3A_603 : i32 to index
        %get3A_607 = arith.constant 0 : index
        %get3A_608 = tpu.vector_load %arg6[%get3A_605, %get3A_606, %get3A_607] {strides = array<i32>} : memref<2x800x64xf32, #tpu.memory_space<vmem>>, vector<1x1x16xf32>,
        %get3A_609 = vector.shape_cast %get3A_608 : vector<1x1x16xf32> to vector<16xf32>
        %add3A_610 = arith.addf %add3A_601, %get3A_609 : vector<16xf32>
        %add3A_611 = arith.constant 41 : i32
        %add3A_612 = arith.addi %mul3A_245, %add3A_611 : i32
        %get3A_613 = arith.constant 1 : i32
        %get3A_614 = arith.index_cast %get3A_613 : i32 to index
        %get3A_615 = arith.index_cast %add3A_612 : i32 to index
        %get3A_616 = arith.constant 0 : index
        %get3A_617 = tpu.vector_load %arg6[%get3A_614, %get3A_615, %get3A_616] {strides = array<i32>} : memref<2x800x64xf32, #tpu.memory_space<vmem>>, vector<1x1x16xf32>,
        %get3A_618 = vector.shape_cast %get3A_617 : vector<1x1x16xf32> to vector<16xf32>
        %add3A_619 = arith.addf %add3A_610, %get3A_618 : vector<16xf32>
        %add3A_620 = arith.constant 42 : i32
        %add3A_621 = arith.addi %mul3A_245, %add3A_620 : i32
        %get3A_622 = arith.constant 1 : i32
        %get3A_623 = arith.index_cast %get3A_622 : i32 to index
        %get3A_624 = arith.index_cast %add3A_621 : i32 to index
        %get3A_625 = arith.constant 0 : index
        %get3A_626 = tpu.vector_load %arg6[%get3A_623, %get3A_624, %get3A_625] {strides = array<i32>} : memref<2x800x64xf32, #tpu.memory_space<vmem>>, vector<1x1x16xf32>,
        %get3A_627 = vector.shape_cast %get3A_626 : vector<1x1x16xf32> to vector<16xf32>
        %add3A_628 = arith.addf %add3A_619, %get3A_627 : vector<16xf32>
        %add3A_629 = arith.constant 43 : i32
        %add3A_630 = arith.addi %mul3A_245, %add3A_629 : i32
        %get3A_631 = arith.constant 1 : i32
        %get3A_632 = arith.index_cast %get3A_631 : i32 to index
        %get3A_633 = arith.index_cast %add3A_630 : i32 to index
        %get3A_634 = arith.constant 0 : index
        %get3A_635 = tpu.vector_load %arg6[%get3A_632, %get3A_633, %get3A_634] {strides = array<i32>} : memref<2x800x64xf32, #tpu.memory_space<vmem>>, vector<1x1x16xf32>,
        %get3A_636 = vector.shape_cast %get3A_635 : vector<1x1x16xf32> to vector<16xf32>
        %add3A_637 = arith.addf %add3A_628, %get3A_636 : vector<16xf32>
        %add3A_638 = arith.constant 44 : i32
        %add3A_639 = arith.addi %mul3A_245, %add3A_638 : i32
        %get3A_640 = arith.constant 1 : i32
        %get3A_641 = arith.index_cast %get3A_640 : i32 to index
        %get3A_642 = arith.index_cast %add3A_639 : i32 to index
        %get3A_643 = arith.constant 0 : index
        %get3A_644 = tpu.vector_load %arg6[%get3A_641, %get3A_642, %get3A_643] {strides = array<i32>} : memref<2x800x64xf32, #tpu.memory_space<vmem>>, vector<1x1x16xf32>,
        %get3A_645 = vector.shape_cast %get3A_644 : vector<1x1x16xf32> to vector<16xf32>
        %add3A_646 = arith.addf %add3A_637, %get3A_645 : vector<16xf32>
        %add3A_647 = arith.constant 45 : i32
        %add3A_648 = arith.addi %mul3A_245, %add3A_647 : i32
        %get3A_649 = arith.constant 1 : i32
        %get3A_650 = arith.index_cast %get3A_649 : i32 to index
        %get3A_651 = arith.index_cast %add3A_648 : i32 to index
        %get3A_652 = arith.constant 0 : index
        %get3A_653 = tpu.vector_load %arg6[%get3A_650, %get3A_651, %get3A_652] {strides = array<i32>} : memref<2x800x64xf32, #tpu.memory_space<vmem>>, vector<1x1x16xf32>,
        %get3A_654 = vector.shape_cast %get3A_653 : vector<1x1x16xf32> to vector<16xf32>
        %add3A_655 = arith.addf %add3A_646, %get3A_654 : vector<16xf32>
        %add3A_656 = arith.constant 46 : i32
        %add3A_657 = arith.addi %mul3A_245, %add3A_656 : i32
        %get3A_658 = arith.constant 1 : i32
        %get3A_659 = arith.index_cast %get3A_658 : i32 to index
        %get3A_660 = arith.index_cast %add3A_657 : i32 to index
        %get3A_661 = arith.constant 0 : index
        %get3A_662 = tpu.vector_load %arg6[%get3A_659, %get3A_660, %get3A_661] {strides = array<i32>} : memref<2x800x64xf32, #tpu.memory_space<vmem>>, vector<1x1x16xf32>,
        %get3A_663 = vector.shape_cast %get3A_662 : vector<1x1x16xf32> to vector<16xf32>
        %add3A_664 = arith.addf %add3A_655, %get3A_663 : vector<16xf32>
        %add3A_665 = arith.constant 47 : i32
        %add3A_666 = arith.addi %mul3A_245, %add3A_665 : i32
        %get3A_667 = arith.constant 1 : i32
        %get3A_668 = arith.index_cast %get3A_667 : i32 to index
        %get3A_669 = arith.index_cast %add3A_666 : i32 to index
        %get3A_670 = arith.constant 0 : index
        %get3A_671 = tpu.vector_load %arg6[%get3A_668, %get3A_669, %get3A_670] {strides = array<i32>} : memref<2x800x64xf32, #tpu.memory_space<vmem>>, vector<1x1x16xf32>,
        %get3A_672 = vector.shape_cast %get3A_671 : vector<1x1x16xf32> to vector<16xf32>
        %add3A_673 = arith.addf %add3A_664, %get3A_672 : vector<16xf32>
        %add3A_674 = arith.constant 48 : i32
        %add3A_675 = arith.addi %mul3A_245, %add3A_674 : i32
        %get3A_676 = arith.constant 1 : i32
        %get3A_677 = arith.index_cast %get3A_676 : i32 to index
        %get3A_678 = arith.index_cast %add3A_675 : i32 to index
        %get3A_679 = arith.constant 0 : index
        %get3A_680 = tpu.vector_load %arg6[%get3A_677, %get3A_678, %get3A_679] {strides = array<i32>} : memref<2x800x64xf32, #tpu.memory_space<vmem>>, vector<1x1x16xf32>,
        %get3A_681 = vector.shape_cast %get3A_680 : vector<1x1x16xf32> to vector<16xf32>
        %add3A_682 = arith.addf %add3A_673, %get3A_681 : vector<16xf32>
        %add3A_683 = arith.constant 49 : i32
        %add3A_684 = arith.addi %mul3A_245, %add3A_683 : i32
        %get3A_685 = arith.constant 1 : i32
        %get3A_686 = arith.index_cast %get3A_685 : i32 to index
        %get3A_687 = arith.index_cast %add3A_684 : i32 to index
        %get3A_688 = arith.constant 0 : index
        %get3A_689 = tpu.vector_load %arg6[%get3A_686, %get3A_687, %get3A_688] {strides = array<i32>} : memref<2x800x64xf32, #tpu.memory_space<vmem>>, vector<1x1x16xf32>,
        %get3A_690 = vector.shape_cast %get3A_689 : vector<1x1x16xf32> to vector<16xf32>
        %add3A_691 = arith.addf %add3A_682, %get3A_690 : vector<16xf32>
        %mul3A_692 = arith.constant 2.000000e-02 : f32
        %mul3A_693 = vector.broadcast %mul3A_692 : f32 to vector<16xf32>
        %mul3A_694 = arith.mulf %add3A_691, %mul3A_693 : vector<16xf32>
        %swap3A = arith.constant 1 : i32
        %swap3A_695 = arith.index_cast %swap3A : i32 to index
        %swap3A_696 = arith.index_cast %scan3A_243 : i32 to index
        %swap3A_697 = arith.constant 0 : index
        %swap3A_698 = tpu.vector_load %arg7[%swap3A_695, %swap3A_696, %swap3A_697] {strides = array<i32>} : memref<2x16x64xf32, #tpu.memory_space<vmem>>, vector<1x1x16xf32>,
        %swap3A_699 = vector.shape_cast %swap3A_698 : vector<1x1x16xf32> to vector<16xf32>
        %swap3A_700 = vector.shape_cast %mul3A_694 : vector<16xf32> to vector<1x1x16xf32>
        tpu.vector_store %arg7[%swap3A_695, %swap3A_696, %swap3A_697], %swap3A_700 {strides = array<i32>} : memref<2x16x64xf32, #tpu.memory_space<vmem>>, vector<1x1x16xf32>,
        %get3A_701 = arith.constant 1 : i32
        %get3A_702 = arith.index_cast %get3A_701 : i32 to index
        %get3A_703 = arith.index_cast %mul3A_245 : i32 to index
        %get3A_704 = arith.constant 16 : index
        %get3A_705 = tpu.vector_load %arg6[%get3A_702, %get3A_703, %get3A_704] {strides = array<i32>} : memref<2x800x64xf32, #tpu.memory_space<vmem>>, vector<1x1x16xf32>,
        %get3A_706 = vector.shape_cast %get3A_705 : vector<1x1x16xf32> to vector<16xf32>
        %add3A_707 = arith.constant 1 : i32
        %add3A_708 = arith.addi %mul3A_245, %add3A_707 : i32
        %get3A_709 = arith.constant 1 : i32
        %get3A_710 = arith.index_cast %get3A_709 : i32 to index
        %get3A_711 = arith.index_cast %add3A_708 : i32 to index
        %get3A_712 = arith.constant 16 : index
        %get3A_713 = tpu.vector_load %arg6[%get3A_710, %get3A_711, %get3A_712] {strides = array<i32>} : memref<2x800x64xf32, #tpu.memory_space<vmem>>, vector<1x1x16xf32>,
        %get3A_714 = vector.shape_cast %get3A_713 : vector<1x1x16xf32> to vector<16xf32>
        %add3A_715 = arith.addf %get3A_706, %get3A_714 : vector<16xf32>
        %add3A_716 = arith.constant 2 : i32
        %add3A_717 = arith.addi %mul3A_245, %add3A_716 : i32
        %get3A_718 = arith.constant 1 : i32
        %get3A_719 = arith.index_cast %get3A_718 : i32 to index
        %get3A_720 = arith.index_cast %add3A_717 : i32 to index
        %get3A_721 = arith.constant 16 : index
        %get3A_722 = tpu.vector_load %arg6[%get3A_719, %get3A_720, %get3A_721] {strides = array<i32>} : memref<2x800x64xf32, #tpu.memory_space<vmem>>, vector<1x1x16xf32>,
        %get3A_723 = vector.shape_cast %get3A_722 : vector<1x1x16xf32> to vector<16xf32>
        %add3A_724 = arith.addf %add3A_715, %get3A_723 : vector<16xf32>
        %add3A_725 = arith.constant 3 : i32
        %add3A_726 = arith.addi %mul3A_245, %add3A_725 : i32
        %get3A_727 = arith.constant 1 : i32
        %get3A_728 = arith.index_cast %get3A_727 : i32 to index
        %get3A_729 = arith.index_cast %add3A_726 : i32 to index
        %get3A_730 = arith.constant 16 : index
        %get3A_731 = tpu.vector_load %arg6[%get3A_728, %get3A_729, %get3A_730] {strides = array<i32>} : memref<2x800x64xf32, #tpu.memory_space<vmem>>, vector<1x1x16xf32>,
        %get3A_732 = vector.shape_cast %get3A_731 : vector<1x1x16xf32> to vector<16xf32>
        %add3A_733 = arith.addf %add3A_724, %get3A_732 : vector<16xf32>
        %add3A_734 = arith.constant 4 : i32
        %add3A_735 = arith.addi %mul3A_245, %add3A_734 : i32
        %get3A_736 = arith.constant 1 : i32
        %get3A_737 = arith.index_cast %get3A_736 : i32 to index
        %get3A_738 = arith.index_cast %add3A_735 : i32 to index
        %get3A_739 = arith.constant 16 : index
        %get3A_740 = tpu.vector_load %arg6[%get3A_737, %get3A_738, %get3A_739] {strides = array<i32>} : memref<2x800x64xf32, #tpu.memory_space<vmem>>, vector<1x1x16xf32>,
        %get3A_741 = vector.shape_cast %get3A_740 : vector<1x1x16xf32> to vector<16xf32>
        %add3A_742 = arith.addf %add3A_733, %get3A_741 : vector<16xf32>
        %add3A_743 = arith.constant 5 : i32
        %add3A_744 = arith.addi %mul3A_245, %add3A_743 : i32
        %get3A_745 = arith.constant 1 : i32
        %get3A_746 = arith.index_cast %get3A_745 : i32 to index
        %get3A_747 = arith.index_cast %add3A_744 : i32 to index
        %get3A_748 = arith.constant 16 : index
        %get3A_749 = tpu.vector_load %arg6[%get3A_746, %get3A_747, %get3A_748] {strides = array<i32>} : memref<2x800x64xf32, #tpu.memory_space<vmem>>, vector<1x1x16xf32>,
        %get3A_750 = vector.shape_cast %get3A_749 : vector<1x1x16xf32> to vector<16xf32>
        %add3A_751 = arith.addf %add3A_742, %get3A_750 : vector<16xf32>
        %add3A_752 = arith.constant 6 : i32
        %add3A_753 = arith.addi %mul3A_245, %add3A_752 : i32
        %get3A_754 = arith.constant 1 : i32
        %get3A_755 = arith.index_cast %get3A_754 : i32 to index
        %get3A_756 = arith.index_cast %add3A_753 : i32 to index
        %get3A_757 = arith.constant 16 : index
        %get3A_758 = tpu.vector_load %arg6[%get3A_755, %get3A_756, %get3A_757] {strides = array<i32>} : memref<2x800x64xf32, #tpu.memory_space<vmem>>, vector<1x1x16xf32>,
        %get3A_759 = vector.shape_cast %get3A_758 : vector<1x1x16xf32> to vector<16xf32>
        %add3A_760 = arith.addf %add3A_751, %get3A_759 : vector<16xf32>
        %add3A_761 = arith.constant 7 : i32
        %add3A_762 = arith.addi %mul3A_245, %add3A_761 : i32
        %get3A_763 = arith.constant 1 : i32
        %get3A_764 = arith.index_cast %get3A_763 : i32 to index
        %get3A_765 = arith.index_cast %add3A_762 : i32 to index
        %get3A_766 = arith.constant 16 : index
        %get3A_767 = tpu.vector_load %arg6[%get3A_764, %get3A_765, %get3A_766] {strides = array<i32>} : memref<2x800x64xf32, #tpu.memory_space<vmem>>, vector<1x1x16xf32>,
        %get3A_768 = vector.shape_cast %get3A_767 : vector<1x1x16xf32> to vector<16xf32>
        %add3A_769 = arith.addf %add3A_760, %get3A_768 : vector<16xf32>
        %add3A_770 = arith.constant 8 : i32
        %add3A_771 = arith.addi %mul3A_245, %add3A_770 : i32
        %get3A_772 = arith.constant 1 : i32
        %get3A_773 = arith.index_cast %get3A_772 : i32 to index
        %get3A_774 = arith.index_cast %add3A_771 : i32 to index
        %get3A_775 = arith.constant 16 : index
        %get3A_776 = tpu.vector_load %arg6[%get3A_773, %get3A_774, %get3A_775] {strides = array<i32>} : memref<2x800x64xf32, #tpu.memory_space<vmem>>, vector<1x1x16xf32>,
        %get3A_777 = vector.shape_cast %get3A_776 : vector<1x1x16xf32> to vector<16xf32>
        %add3A_778 = arith.addf %add3A_769, %get3A_777 : vector<16xf32>
        %add3A_779 = arith.constant 9 : i32
        %add3A_780 = arith.addi %mul3A_245, %add3A_779 : i32
        %get3A_781 = arith.constant 1 : i32
        %get3A_782 = arith.index_cast %get3A_781 : i32 to index
        %get3A_783 = arith.index_cast %add3A_780 : i32 to index
        %get3A_784 = arith.constant 16 : index
        %get3A_785 = tpu.vector_load %arg6[%get3A_782, %get3A_783, %get3A_784] {strides = array<i32>} : memref<2x800x64xf32, #tpu.memory_space<vmem>>, vector<1x1x16xf32>,
        %get3A_786 = vector.shape_cast %get3A_785 : vector<1x1x16xf32> to vector<16xf32>
        %add3A_787 = arith.addf %add3A_778, %get3A_786 : vector<16xf32>
        %add3A_788 = arith.constant 10 : i32
        %add3A_789 = arith.addi %mul3A_245, %add3A_788 : i32
        %get3A_790 = arith.constant 1 : i32
        %get3A_791 = arith.index_cast %get3A_790 : i32 to index
        %get3A_792 = arith.index_cast %add3A_789 : i32 to index
        %get3A_793 = arith.constant 16 : index
        %get3A_794 = tpu.vector_load %arg6[%get3A_791, %get3A_792, %get3A_793] {strides = array<i32>} : memref<2x800x64xf32, #tpu.memory_space<vmem>>, vector<1x1x16xf32>,
        %get3A_795 = vector.shape_cast %get3A_794 : vector<1x1x16xf32> to vector<16xf32>
        %add3A_796 = arith.addf %add3A_787, %get3A_795 : vector<16xf32>
        %add3A_797 = arith.constant 11 : i32
        %add3A_798 = arith.addi %mul3A_245, %add3A_797 : i32
        %get3A_799 = arith.constant 1 : i32
        %get3A_800 = arith.index_cast %get3A_799 : i32 to index
        %get3A_801 = arith.index_cast %add3A_798 : i32 to index
        %get3A_802 = arith.constant 16 : index
        %get3A_803 = tpu.vector_load %arg6[%get3A_800, %get3A_801, %get3A_802] {strides = array<i32>} : memref<2x800x64xf32, #tpu.memory_space<vmem>>, vector<1x1x16xf32>,
        %get3A_804 = vector.shape_cast %get3A_803 : vector<1x1x16xf32> to vector<16xf32>
        %add3A_805 = arith.addf %add3A_796, %get3A_804 : vector<16xf32>
        %add3A_806 = arith.constant 12 : i32
        %add3A_807 = arith.addi %mul3A_245, %add3A_806 : i32
        %get3A_808 = arith.constant 1 : i32
        %get3A_809 = arith.index_cast %get3A_808 : i32 to index
        %get3A_810 = arith.index_cast %add3A_807 : i32 to index
        %get3A_811 = arith.constant 16 : index
        %get3A_812 = tpu.vector_load %arg6[%get3A_809, %get3A_810, %get3A_811] {strides = array<i32>} : memref<2x800x64xf32, #tpu.memory_space<vmem>>, vector<1x1x16xf32>,
        %get3A_813 = vector.shape_cast %get3A_812 : vector<1x1x16xf32> to vector<16xf32>
        %add3A_814 = arith.addf %add3A_805, %get3A_813 : vector<16xf32>
        %add3A_815 = arith.constant 13 : i32
        %add3A_816 = arith.addi %mul3A_245, %add3A_815 : i32
        %get3A_817 = arith.constant 1 : i32
        %get3A_818 = arith.index_cast %get3A_817 : i32 to index
        %get3A_819 = arith.index_cast %add3A_816 : i32 to index
        %get3A_820 = arith.constant 16 : index
        %get3A_821 = tpu.vector_load %arg6[%get3A_818, %get3A_819, %get3A_820] {strides = array<i32>} : memref<2x800x64xf32, #tpu.memory_space<vmem>>, vector<1x1x16xf32>,
        %get3A_822 = vector.shape_cast %get3A_821 : vector<1x1x16xf32> to vector<16xf32>
        %add3A_823 = arith.addf %add3A_814, %get3A_822 : vector<16xf32>
        %add3A_824 = arith.constant 14 : i32
        %add3A_825 = arith.addi %mul3A_245, %add3A_824 : i32
        %get3A_826 = arith.constant 1 : i32
        %get3A_827 = arith.index_cast %get3A_826 : i32 to index
        %get3A_828 = arith.index_cast %add3A_825 : i32 to index
        %get3A_829 = arith.constant 16 : index
        %get3A_830 = tpu.vector_load %arg6[%get3A_827, %get3A_828, %get3A_829] {strides = array<i32>} : memref<2x800x64xf32, #tpu.memory_space<vmem>>, vector<1x1x16xf32>,
        %get3A_831 = vector.shape_cast %get3A_830 : vector<1x1x16xf32> to vector<16xf32>
        %add3A_832 = arith.addf %add3A_823, %get3A_831 : vector<16xf32>
        %add3A_833 = arith.constant 15 : i32
        %add3A_834 = arith.addi %mul3A_245, %add3A_833 : i32
        %get3A_835 = arith.constant 1 : i32
        %get3A_836 = arith.index_cast %get3A_835 : i32 to index
        %get3A_837 = arith.index_cast %add3A_834 : i32 to index
        %get3A_838 = arith.constant 16 : index
        %get3A_839 = tpu.vector_load %arg6[%get3A_836, %get3A_837, %get3A_838] {strides = array<i32>} : memref<2x800x64xf32, #tpu.memory_space<vmem>>, vector<1x1x16xf32>,
        %get3A_840 = vector.shape_cast %get3A_839 : vector<1x1x16xf32> to vector<16xf32>
        %add3A_841 = arith.addf %add3A_832, %get3A_840 : vector<16xf32>
        %add3A_842 = arith.constant 16 : i32
        %add3A_843 = arith.addi %mul3A_245, %add3A_842 : i32
        %get3A_844 = arith.constant 1 : i32
        %get3A_845 = arith.index_cast %get3A_844 : i32 to index
        %get3A_846 = arith.index_cast %add3A_843 : i32 to index
        %get3A_847 = arith.constant 16 : index
        %get3A_848 = tpu.vector_load %arg6[%get3A_845, %get3A_846, %get3A_847] {strides = array<i32>} : memref<2x800x64xf32, #tpu.memory_space<vmem>>, vector<1x1x16xf32>,
        %get3A_849 = vector.shape_cast %get3A_848 : vector<1x1x16xf32> to vector<16xf32>
        %add3A_850 = arith.addf %add3A_841, %get3A_849 : vector<16xf32>
        %add3A_851 = arith.constant 17 : i32
        %add3A_852 = arith.addi %mul3A_245, %add3A_851 : i32
        %get3A_853 = arith.constant 1 : i32
        %get3A_854 = arith.index_cast %get3A_853 : i32 to index
        %get3A_855 = arith.index_cast %add3A_852 : i32 to index
        %get3A_856 = arith.constant 16 : index
        %get3A_857 = tpu.vector_load %arg6[%get3A_854, %get3A_855, %get3A_856] {strides = array<i32>} : memref<2x800x64xf32, #tpu.memory_space<vmem>>, vector<1x1x16xf32>,
        %get3A_858 = vector.shape_cast %get3A_857 : vector<1x1x16xf32> to vector<16xf32>
        %add3A_859 = arith.addf %add3A_850, %get3A_858 : vector<16xf32>
        %add3A_860 = arith.constant 18 : i32
        %add3A_861 = arith.addi %mul3A_245, %add3A_860 : i32
        %get3A_862 = arith.constant 1 : i32
        %get3A_863 = arith.index_cast %get3A_862 : i32 to index
        %get3A_864 = arith.index_cast %add3A_861 : i32 to index
        %get3A_865 = arith.constant 16 : index
        %get3A_866 = tpu.vector_load %arg6[%get3A_863, %get3A_864, %get3A_865] {strides = array<i32>} : memref<2x800x64xf32, #tpu.memory_space<vmem>>, vector<1x1x16xf32>,
        %get3A_867 = vector.shape_cast %get3A_866 : vector<1x1x16xf32> to vector<16xf32>
        %add3A_868 = arith.addf %add3A_859, %get3A_867 : vector<16xf32>
        %add3A_869 = arith.constant 19 : i32
        %add3A_870 = arith.addi %mul3A_245, %add3A_869 : i32
        %get3A_871 = arith.constant 1 : i32
        %get3A_872 = arith.index_cast %get3A_871 : i32 to index
        %get3A_873 = arith.index_cast %add3A_870 : i32 to index
        %get3A_874 = arith.constant 16 : index
        %get3A_875 = tpu.vector_load %arg6[%get3A_872, %get3A_873, %get3A_874] {strides = array<i32>} : memref<2x800x64xf32, #tpu.memory_space<vmem>>, vector<1x1x16xf32>,
        %get3A_876 = vector.shape_cast %get3A_875 : vector<1x1x16xf32> to vector<16xf32>
        %add3A_877 = arith.addf %add3A_868, %get3A_876 : vector<16xf32>
        %add3A_878 = arith.constant 20 : i32
        %add3A_879 = arith.addi %mul3A_245, %add3A_878 : i32
        %get3A_880 = arith.constant 1 : i32
        %get3A_881 = arith.index_cast %get3A_880 : i32 to index
        %get3A_882 = arith.index_cast %add3A_879 : i32 to index
        %get3A_883 = arith.constant 16 : index
        %get3A_884 = tpu.vector_load %arg6[%get3A_881, %get3A_882, %get3A_883] {strides = array<i32>} : memref<2x800x64xf32, #tpu.memory_space<vmem>>, vector<1x1x16xf32>,
        %get3A_885 = vector.shape_cast %get3A_884 : vector<1x1x16xf32> to vector<16xf32>
        %add3A_886 = arith.addf %add3A_877, %get3A_885 : vector<16xf32>
        %add3A_887 = arith.constant 21 : i32
        %add3A_888 = arith.addi %mul3A_245, %add3A_887 : i32
        %get3A_889 = arith.constant 1 : i32
        %get3A_890 = arith.index_cast %get3A_889 : i32 to index
        %get3A_891 = arith.index_cast %add3A_888 : i32 to index
        %get3A_892 = arith.constant 16 : index
        %get3A_893 = tpu.vector_load %arg6[%get3A_890, %get3A_891, %get3A_892] {strides = array<i32>} : memref<2x800x64xf32, #tpu.memory_space<vmem>>, vector<1x1x16xf32>,
        %get3A_894 = vector.shape_cast %get3A_893 : vector<1x1x16xf32> to vector<16xf32>
        %add3A_895 = arith.addf %add3A_886, %get3A_894 : vector<16xf32>
        %add3A_896 = arith.constant 22 : i32
        %add3A_897 = arith.addi %mul3A_245, %add3A_896 : i32
        %get3A_898 = arith.constant 1 : i32
        %get3A_899 = arith.index_cast %get3A_898 : i32 to index
        %get3A_900 = arith.index_cast %add3A_897 : i32 to index
        %get3A_901 = arith.constant 16 : index
        %get3A_902 = tpu.vector_load %arg6[%get3A_899, %get3A_900, %get3A_901] {strides = array<i32>} : memref<2x800x64xf32, #tpu.memory_space<vmem>>, vector<1x1x16xf32>,
        %get3A_903 = vector.shape_cast %get3A_902 : vector<1x1x16xf32> to vector<16xf32>
        %add3A_904 = arith.addf %add3A_895, %get3A_903 : vector<16xf32>
        %add3A_905 = arith.constant 23 : i32
        %add3A_906 = arith.addi %mul3A_245, %add3A_905 : i32
        %get3A_907 = arith.constant 1 : i32
        %get3A_908 = arith.index_cast %get3A_907 : i32 to index
        %get3A_909 = arith.index_cast %add3A_906 : i32 to index
        %get3A_910 = arith.constant 16 : index
        %get3A_911 = tpu.vector_load %arg6[%get3A_908, %get3A_909, %get3A_910] {strides = array<i32>} : memref<2x800x64xf32, #tpu.memory_space<vmem>>, vector<1x1x16xf32>,
        %get3A_912 = vector.shape_cast %get3A_911 : vector<1x1x16xf32> to vector<16xf32>
        %add3A_913 = arith.addf %add3A_904, %get3A_912 : vector<16xf32>
        %add3A_914 = arith.constant 24 : i32
        %add3A_915 = arith.addi %mul3A_245, %add3A_914 : i32
        %get3A_916 = arith.constant 1 : i32
        %get3A_917 = arith.index_cast %get3A_916 : i32 to index
        %get3A_918 = arith.index_cast %add3A_915 : i32 to index
        %get3A_919 = arith.constant 16 : index
        %get3A_920 = tpu.vector_load %arg6[%get3A_917, %get3A_918, %get3A_919] {strides = array<i32>} : memref<2x800x64xf32, #tpu.memory_space<vmem>>, vector<1x1x16xf32>,
        %get3A_921 = vector.shape_cast %get3A_920 : vector<1x1x16xf32> to vector<16xf32>
        %add3A_922 = arith.addf %add3A_913, %get3A_921 : vector<16xf32>
        %add3A_923 = arith.constant 25 : i32
        %add3A_924 = arith.addi %mul3A_245, %add3A_923 : i32
        %get3A_925 = arith.constant 1 : i32
        %get3A_926 = arith.index_cast %get3A_925 : i32 to index
        %get3A_927 = arith.index_cast %add3A_924 : i32 to index
        %get3A_928 = arith.constant 16 : index
        %get3A_929 = tpu.vector_load %arg6[%get3A_926, %get3A_927, %get3A_928] {strides = array<i32>} : memref<2x800x64xf32, #tpu.memory_space<vmem>>, vector<1x1x16xf32>,
        %get3A_930 = vector.shape_cast %get3A_929 : vector<1x1x16xf32> to vector<16xf32>
        %add3A_931 = arith.addf %add3A_922, %get3A_930 : vector<16xf32>
        %add3A_932 = arith.constant 26 : i32
        %add3A_933 = arith.addi %mul3A_245, %add3A_932 : i32
        %get3A_934 = arith.constant 1 : i32
        %get3A_935 = arith.index_cast %get3A_934 : i32 to index
        %get3A_936 = arith.index_cast %add3A_933 : i32 to index
        %get3A_937 = arith.constant 16 : index
        %get3A_938 = tpu.vector_load %arg6[%get3A_935, %get3A_936, %get3A_937] {strides = array<i32>} : memref<2x800x64xf32, #tpu.memory_space<vmem>>, vector<1x1x16xf32>,
        %get3A_939 = vector.shape_cast %get3A_938 : vector<1x1x16xf32> to vector<16xf32>
        %add3A_940 = arith.addf %add3A_931, %get3A_939 : vector<16xf32>
        %add3A_941 = arith.constant 27 : i32
        %add3A_942 = arith.addi %mul3A_245, %add3A_941 : i32
        %get3A_943 = arith.constant 1 : i32
        %get3A_944 = arith.index_cast %get3A_943 : i32 to index
        %get3A_945 = arith.index_cast %add3A_942 : i32 to index
        %get3A_946 = arith.constant 16 : index
        %get3A_947 = tpu.vector_load %arg6[%get3A_944, %get3A_945, %get3A_946] {strides = array<i32>} : memref<2x800x64xf32, #tpu.memory_space<vmem>>, vector<1x1x16xf32>,
        %get3A_948 = vector.shape_cast %get3A_947 : vector<1x1x16xf32> to vector<16xf32>
        %add3A_949 = arith.addf %add3A_940, %get3A_948 : vector<16xf32>
        %add3A_950 = arith.constant 28 : i32
        %add3A_951 = arith.addi %mul3A_245, %add3A_950 : i32
        %get3A_952 = arith.constant 1 : i32
        %get3A_953 = arith.index_cast %get3A_952 : i32 to index
        %get3A_954 = arith.index_cast %add3A_951 : i32 to index
        %get3A_955 = arith.constant 16 : index
        %get3A_956 = tpu.vector_load %arg6[%get3A_953, %get3A_954, %get3A_955] {strides = array<i32>} : memref<2x800x64xf32, #tpu.memory_space<vmem>>, vector<1x1x16xf32>,
        %get3A_957 = vector.shape_cast %get3A_956 : vector<1x1x16xf32> to vector<16xf32>
        %add3A_958 = arith.addf %add3A_949, %get3A_957 : vector<16xf32>
        %add3A_959 = arith.constant 29 : i32
        %add3A_960 = arith.addi %mul3A_245, %add3A_959 : i32
        %get3A_961 = arith.constant 1 : i32
        %get3A_962 = arith.index_cast %get3A_961 : i32 to index
        %get3A_963 = arith.index_cast %add3A_960 : i32 to index
        %get3A_964 = arith.constant 16 : index
        %get3A_965 = tpu.vector_load %arg6[%get3A_962, %get3A_963, %get3A_964] {strides = array<i32>} : memref<2x800x64xf32, #tpu.memory_space<vmem>>, vector<1x1x16xf32>,
        %get3A_966 = vector.shape_cast %get3A_965 : vector<1x1x16xf32> to vector<16xf32>
        %add3A_967 = arith.addf %add3A_958, %get3A_966 : vector<16xf32>
        %add3A_968 = arith.constant 30 : i32
        %add3A_969 = arith.addi %mul3A_245, %add3A_968 : i32
        %get3A_970 = arith.constant 1 : i32
        %get3A_971 = arith.index_cast %get3A_970 : i32 to index
        %get3A_972 = arith.index_cast %add3A_969 : i32 to index
        %get3A_973 = arith.constant 16 : index
        %get3A_974 = tpu.vector_load %arg6[%get3A_971, %get3A_972, %get3A_973] {strides = array<i32>} : memref<2x800x64xf32, #tpu.memory_space<vmem>>, vector<1x1x16xf32>,
        %get3A_975 = vector.shape_cast %get3A_974 : vector<1x1x16xf32> to vector<16xf32>
        %add3A_976 = arith.addf %add3A_967, %get3A_975 : vector<16xf32>
        %add3A_977 = arith.constant 31 : i32
        %add3A_978 = arith.addi %mul3A_245, %add3A_977 : i32
        %get3A_979 = arith.constant 1 : i32
        %get3A_980 = arith.index_cast %get3A_979 : i32 to index
        %get3A_981 = arith.index_cast %add3A_978 : i32 to index
        %get3A_982 = arith.constant 16 : index
        %get3A_983 = tpu.vector_load %arg6[%get3A_980, %get3A_981, %get3A_982] {strides = array<i32>} : memref<2x800x64xf32, #tpu.memory_space<vmem>>, vector<1x1x16xf32>,
        %get3A_984 = vector.shape_cast %get3A_983 : vector<1x1x16xf32> to vector<16xf32>
        %add3A_985 = arith.addf %add3A_976, %get3A_984 : vector<16xf32>
        %add3A_986 = arith.constant 32 : i32
        %add3A_987 = arith.addi %mul3A_245, %add3A_986 : i32
        %get3A_988 = arith.constant 1 : i32
        %get3A_989 = arith.index_cast %get3A_988 : i32 to index
        %get3A_990 = arith.index_cast %add3A_987 : i32 to index
        %get3A_991 = arith.constant 16 : index
        %get3A_992 = tpu.vector_load %arg6[%get3A_989, %get3A_990, %get3A_991] {strides = array<i32>} : memref<2x800x64xf32, #tpu.memory_space<vmem>>, vector<1x1x16xf32>,
        %get3A_993 = vector.shape_cast %get3A_992 : vector<1x1x16xf32> to vector<16xf32>
        %add3A_994 = arith.addf %add3A_985, %get3A_993 : vector<16xf32>
        %add3A_995 = arith.constant 33 : i32
        %add3A_996 = arith.addi %mul3A_245, %add3A_995 : i32
        %get3A_997 = arith.constant 1 : i32
        %get3A_998 = arith.index_cast %get3A_997 : i32 to index
        %get3A_999 = arith.index_cast %add3A_996 : i32 to index
        %get3A_1000 = arith.constant 16 : index
        %get3A_1001 = tpu.vector_load %arg6[%get3A_998, %get3A_999, %get3A_1000] {strides = array<i32>} : memref<2x800x64xf32, #tpu.memory_space<vmem>>, vector<1x1x16xf32>,
        %get3A_1002 = vector.shape_cast %get3A_1001 : vector<1x1x16xf32> to vector<16xf32>
        %add3A_1003 = arith.addf %add3A_994, %get3A_1002 : vector<16xf32>
        %add3A_1004 = arith.constant 34 : i32
        %add3A_1005 = arith.addi %mul3A_245, %add3A_1004 : i32
        %get3A_1006 = arith.constant 1 : i32
        %get3A_1007 = arith.index_cast %get3A_1006 : i32 to index
        %get3A_1008 = arith.index_cast %add3A_1005 : i32 to index
        %get3A_1009 = arith.constant 16 : index
        %get3A_1010 = tpu.vector_load %arg6[%get3A_1007, %get3A_1008, %get3A_1009] {strides = array<i32>} : memref<2x800x64xf32, #tpu.memory_space<vmem>>, vector<1x1x16xf32>,
        %get3A_1011 = vector.shape_cast %get3A_1010 : vector<1x1x16xf32> to vector<16xf32>
        %add3A_1012 = arith.addf %add3A_1003, %get3A_1011 : vector<16xf32>
        %add3A_1013 = arith.constant 35 : i32
        %add3A_1014 = arith.addi %mul3A_245, %add3A_1013 : i32
        %get3A_1015 = arith.constant 1 : i32
        %get3A_1016 = arith.index_cast %get3A_1015 : i32 to index
        %get3A_1017 = arith.index_cast %add3A_1014 : i32 to index
        %get3A_1018 = arith.constant 16 : index
        %get3A_1019 = tpu.vector_load %arg6[%get3A_1016, %get3A_1017, %get3A_1018] {strides = array<i32>} : memref<2x800x64xf32, #tpu.memory_space<vmem>>, vector<1x1x16xf32>,
        %get3A_1020 = vector.shape_cast %get3A_1019 : vector<1x1x16xf32> to vector<16xf32>
        %add3A_1021 = arith.addf %add3A_1012, %get3A_1020 : vector<16xf32>
        %add3A_1022 = arith.constant 36 : i32
        %add3A_1023 = arith.addi %mul3A_245, %add3A_1022 : i32
        %get3A_1024 = arith.constant 1 : i32
        %get3A_1025 = arith.index_cast %get3A_1024 : i32 to index
        %get3A_1026 = arith.index_cast %add3A_1023 : i32 to index
        %get3A_1027 = arith.constant 16 : index
        %get3A_1028 = tpu.vector_load %arg6[%get3A_1025, %get3A_1026, %get3A_1027] {strides = array<i32>} : memref<2x800x64xf32, #tpu.memory_space<vmem>>, vector<1x1x16xf32>,
        %get3A_1029 = vector.shape_cast %get3A_1028 : vector<1x1x16xf32> to vector<16xf32>
        %add3A_1030 = arith.addf %add3A_1021, %get3A_1029 : vector<16xf32>
        %add3A_1031 = arith.constant 37 : i32
        %add3A_1032 = arith.addi %mul3A_245, %add3A_1031 : i32
        %get3A_1033 = arith.constant 1 : i32
        %get3A_1034 = arith.index_cast %get3A_1033 : i32 to index
        %get3A_1035 = arith.index_cast %add3A_1032 : i32 to index
        %get3A_1036 = arith.constant 16 : index
        %get3A_1037 = tpu.vector_load %arg6[%get3A_1034, %get3A_1035, %get3A_1036] {strides = array<i32>} : memref<2x800x64xf32, #tpu.memory_space<vmem>>, vector<1x1x16xf32>,
        %get3A_1038 = vector.shape_cast %get3A_1037 : vector<1x1x16xf32> to vector<16xf32>
        %add3A_1039 = arith.addf %add3A_1030, %get3A_1038 : vector<16xf32>
        %add3A_1040 = arith.constant 38 : i32
        %add3A_1041 = arith.addi %mul3A_245, %add3A_1040 : i32
        %get3A_1042 = arith.constant 1 : i32
        %get3A_1043 = arith.index_cast %get3A_1042 : i32 to index
        %get3A_1044 = arith.index_cast %add3A_1041 : i32 to index
        %get3A_1045 = arith.constant 16 : index
        %get3A_1046 = tpu.vector_load %arg6[%get3A_1043, %get3A_1044, %get3A_1045] {strides = array<i32>} : memref<2x800x64xf32, #tpu.memory_space<vmem>>, vector<1x1x16xf32>,
        %get3A_1047 = vector.shape_cast %get3A_1046 : vector<1x1x16xf32> to vector<16xf32>
        %add3A_1048 = arith.addf %add3A_1039, %get3A_1047 : vector<16xf32>
        %add3A_1049 = arith.constant 39 : i32
        %add3A_1050 = arith.addi %mul3A_245, %add3A_1049 : i32
        %get3A_1051 = arith.constant 1 : i32
        %get3A_1052 = arith.index_cast %get3A_1051 : i32 to index
        %get3A_1053 = arith.index_cast %add3A_1050 : i32 to index
        %get3A_1054 = arith.constant 16 : index
        %get3A_1055 = tpu.vector_load %arg6[%get3A_1052, %get3A_1053, %get3A_1054] {strides = array<i32>} : memref<2x800x64xf32, #tpu.memory_space<vmem>>, vector<1x1x16xf32>,
        %get3A_1056 = vector.shape_cast %get3A_1055 : vector<1x1x16xf32> to vector<16xf32>
        %add3A_1057 = arith.addf %add3A_1048, %get3A_1056 : vector<16xf32>
        %add3A_1058 = arith.constant 40 : i32
        %add3A_1059 = arith.addi %mul3A_245, %add3A_1058 : i32
        %get3A_1060 = arith.constant 1 : i32
        %get3A_1061 = arith.index_cast %get3A_1060 : i32 to index
        %get3A_1062 = arith.index_cast %add3A_1059 : i32 to index
        %get3A_1063 = arith.constant 16 : index
        %get3A_1064 = tpu.vector_load %arg6[%get3A_1061, %get3A_1062, %get3A_1063] {strides = array<i32>} : memref<2x800x64xf32, #tpu.memory_space<vmem>>, vector<1x1x16xf32>,
        %get3A_1065 = vector.shape_cast %get3A_1064 : vector<1x1x16xf32> to vector<16xf32>
        %add3A_1066 = arith.addf %add3A_1057, %get3A_1065 : vector<16xf32>
        %add3A_1067 = arith.constant 41 : i32
        %add3A_1068 = arith.addi %mul3A_245, %add3A_1067 : i32
        %get3A_1069 = arith.constant 1 : i32
        %get3A_1070 = arith.index_cast %get3A_1069 : i32 to index
        %get3A_1071 = arith.index_cast %add3A_1068 : i32 to index
        %get3A_1072 = arith.constant 16 : index
        %get3A_1073 = tpu.vector_load %arg6[%get3A_1070, %get3A_1071, %get3A_1072] {strides = array<i32>} : memref<2x800x64xf32, #tpu.memory_space<vmem>>, vector<1x1x16xf32>,
        %get3A_1074 = vector.shape_cast %get3A_1073 : vector<1x1x16xf32> to vector<16xf32>
        %add3A_1075 = arith.addf %add3A_1066, %get3A_1074 : vector<16xf32>
        %add3A_1076 = arith.constant 42 : i32
        %add3A_1077 = arith.addi %mul3A_245, %add3A_1076 : i32
        %get3A_1078 = arith.constant 1 : i32
        %get3A_1079 = arith.index_cast %get3A_1078 : i32 to index
        %get3A_1080 = arith.index_cast %add3A_1077 : i32 to index
        %get3A_1081 = arith.constant 16 : index
        %get3A_1082 = tpu.vector_load %arg6[%get3A_1079, %get3A_1080, %get3A_1081] {strides = array<i32>} : memref<2x800x64xf32, #tpu.memory_space<vmem>>, vector<1x1x16xf32>,
        %get3A_1083 = vector.shape_cast %get3A_1082 : vector<1x1x16xf32> to vector<16xf32>
        %add3A_1084 = arith.addf %add3A_1075, %get3A_1083 : vector<16xf32>
        %add3A_1085 = arith.constant 43 : i32
        %add3A_1086 = arith.addi %mul3A_245, %add3A_1085 : i32
        %get3A_1087 = arith.constant 1 : i32
        %get3A_1088 = arith.index_cast %get3A_1087 : i32 to index
        %get3A_1089 = arith.index_cast %add3A_1086 : i32 to index
        %get3A_1090 = arith.constant 16 : index
        %get3A_1091 = tpu.vector_load %arg6[%get3A_1088, %get3A_1089, %get3A_1090] {strides = array<i32>} : memref<2x800x64xf32, #tpu.memory_space<vmem>>, vector<1x1x16xf32>,
        %get3A_1092 = vector.shape_cast %get3A_1091 : vector<1x1x16xf32> to vector<16xf32>
        %add3A_1093 = arith.addf %add3A_1084, %get3A_1092 : vector<16xf32>
        %add3A_1094 = arith.constant 44 : i32
        %add3A_1095 = arith.addi %mul3A_245, %add3A_1094 : i32
        %get3A_1096 = arith.constant 1 : i32
        %get3A_1097 = arith.index_cast %get3A_1096 : i32 to index
        %get3A_1098 = arith.index_cast %add3A_1095 : i32 to index
        %get3A_1099 = arith.constant 16 : index
        %get3A_1100 = tpu.vector_load %arg6[%get3A_1097, %get3A_1098, %get3A_1099] {strides = array<i32>} : memref<2x800x64xf32, #tpu.memory_space<vmem>>, vector<1x1x16xf32>,
        %get3A_1101 = vector.shape_cast %get3A_1100 : vector<1x1x16xf32> to vector<16xf32>
        %add3A_1102 = arith.addf %add3A_1093, %get3A_1101 : vector<16xf32>
        %add3A_1103 = arith.constant 45 : i32
        %add3A_1104 = arith.addi %mul3A_245, %add3A_1103 : i32
        %get3A_1105 = arith.constant 1 : i32
        %get3A_1106 = arith.index_cast %get3A_1105 : i32 to index
        %get3A_1107 = arith.index_cast %add3A_1104 : i32 to index
        %get3A_1108 = arith.constant 16 : index
        %get3A_1109 = tpu.vector_load %arg6[%get3A_1106, %get3A_1107, %get3A_1108] {strides = array<i32>} : memref<2x800x64xf32, #tpu.memory_space<vmem>>, vector<1x1x16xf32>,
        %get3A_1110 = vector.shape_cast %get3A_1109 : vector<1x1x16xf32> to vector<16xf32>
        %add3A_1111 = arith.addf %add3A_1102, %get3A_1110 : vector<16xf32>
        %add3A_1112 = arith.constant 46 : i32
        %add3A_1113 = arith.addi %mul3A_245, %add3A_1112 : i32
        %get3A_1114 = arith.constant 1 : i32
        %get3A_1115 = arith.index_cast %get3A_1114 : i32 to index
        %get3A_1116 = arith.index_cast %add3A_1113 : i32 to index
        %get3A_1117 = arith.constant 16 : index
        %get3A_1118 = tpu.vector_load %arg6[%get3A_1115, %get3A_1116, %get3A_1117] {strides = array<i32>} : memref<2x800x64xf32, #tpu.memory_space<vmem>>, vector<1x1x16xf32>,
        %get3A_1119 = vector.shape_cast %get3A_1118 : vector<1x1x16xf32> to vector<16xf32>
        %add3A_1120 = arith.addf %add3A_1111, %get3A_1119 : vector<16xf32>
        %add3A_1121 = arith.constant 47 : i32
        %add3A_1122 = arith.addi %mul3A_245, %add3A_1121 : i32
        %get3A_1123 = arith.constant 1 : i32
        %get3A_1124 = arith.index_cast %get3A_1123 : i32 to index
        %get3A_1125 = arith.index_cast %add3A_1122 : i32 to index
        %get3A_1126 = arith.constant 16 : index
        %get3A_1127 = tpu.vector_load %arg6[%get3A_1124, %get3A_1125, %get3A_1126] {strides = array<i32>} : memref<2x800x64xf32, #tpu.memory_space<vmem>>, vector<1x1x16xf32>,
        %get3A_1128 = vector.shape_cast %get3A_1127 : vector<1x1x16xf32> to vector<16xf32>
        %add3A_1129 = arith.addf %add3A_1120, %get3A_1128 : vector<16xf32>
        %add3A_1130 = arith.constant 48 : i32
        %add3A_1131 = arith.addi %mul3A_245, %add3A_1130 : i32
        %get3A_1132 = arith.constant 1 : i32
        %get3A_1133 = arith.index_cast %get3A_1132 : i32 to index
        %get3A_1134 = arith.index_cast %add3A_1131 : i32 to index
        %get3A_1135 = arith.constant 16 : index
        %get3A_1136 = tpu.vector_load %arg6[%get3A_1133, %get3A_1134, %get3A_1135] {strides = array<i32>} : memref<2x800x64xf32, #tpu.memory_space<vmem>>, vector<1x1x16xf32>,
        %get3A_1137 = vector.shape_cast %get3A_1136 : vector<1x1x16xf32> to vector<16xf32>
        %add3A_1138 = arith.addf %add3A_1129, %get3A_1137 : vector<16xf32>
        %add3A_1139 = arith.constant 49 : i32
        %add3A_1140 = arith.addi %mul3A_245, %add3A_1139 : i32
        %get3A_1141 = arith.constant 1 : i32
        %get3A_1142 = arith.index_cast %get3A_1141 : i32 to index
        %get3A_1143 = arith.index_cast %add3A_1140 : i32 to index
        %get3A_1144 = arith.constant 16 : index
        %get3A_1145 = tpu.vector_load %arg6[%get3A_1142, %get3A_1143, %get3A_1144] {strides = array<i32>} : memref<2x800x64xf32, #tpu.memory_space<vmem>>, vector<1x1x16xf32>,
        %get3A_1146 = vector.shape_cast %get3A_1145 : vector<1x1x16xf32> to vector<16xf32>
        %add3A_1147 = arith.addf %add3A_1138, %get3A_1146 : vector<16xf32>
        %mul3A_1148 = arith.constant 2.000000e-02 : f32
        %mul3A_1149 = vector.broadcast %mul3A_1148 : f32 to vector<16xf32>
        %mul3A_1150 = arith.mulf %add3A_1147, %mul3A_1149 : vector<16xf32>
        %swap3A_1151 = arith.constant 1 : i32
        %swap3A_1152 = arith.index_cast %swap3A_1151 : i32 to index
        %swap3A_1153 = arith.index_cast %scan3A_243 : i32 to index
        %swap3A_1154 = arith.constant 16 : index
        %swap3A_1155 = tpu.vector_load %arg7[%swap3A_1152, %swap3A_1153, %swap3A_1154] {strides = array<i32>} : memref<2x16x64xf32, #tpu.memory_space<vmem>>, vector<1x1x16xf32>,
        %swap3A_1156 = vector.shape_cast %swap3A_1155 : vector<1x1x16xf32> to vector<16xf32>
        %swap3A_1157 = vector.shape_cast %mul3A_1150 : vector<16xf32> to vector<1x1x16xf32>
        tpu.vector_store %arg7[%swap3A_1152, %swap3A_1153, %swap3A_1154], %swap3A_1157 {strides = array<i32>} : memref<2x16x64xf32, #tpu.memory_space<vmem>>, vector<1x1x16xf32>,
        %get3A_1158 = arith.constant 1 : i32
        %get3A_1159 = arith.index_cast %get3A_1158 : i32 to index
        %get3A_1160 = arith.index_cast %mul3A_245 : i32 to index
        %get3A_1161 = arith.constant 32 : index
        %get3A_1162 = tpu.vector_load %arg6[%get3A_1159, %get3A_1160, %get3A_1161] {strides = array<i32>} : memref<2x800x64xf32, #tpu.memory_space<vmem>>, vector<1x1x16xf32>,
        %get3A_1163 = vector.shape_cast %get3A_1162 : vector<1x1x16xf32> to vector<16xf32>
        %add3A_1164 = arith.constant 1 : i32
        %add3A_1165 = arith.addi %mul3A_245, %add3A_1164 : i32
        %get3A_1166 = arith.constant 1 : i32
        %get3A_1167 = arith.index_cast %get3A_1166 : i32 to index
        %get3A_1168 = arith.index_cast %add3A_1165 : i32 to index
        %get3A_1169 = arith.constant 32 : index
        %get3A_1170 = tpu.vector_load %arg6[%get3A_1167, %get3A_1168, %get3A_1169] {strides = array<i32>} : memref<2x800x64xf32, #tpu.memory_space<vmem>>, vector<1x1x16xf32>,
        %get3A_1171 = vector.shape_cast %get3A_1170 : vector<1x1x16xf32> to vector<16xf32>
        %add3A_1172 = arith.addf %get3A_1163, %get3A_1171 : vector<16xf32>
        %add3A_1173 = arith.constant 2 : i32
        %add3A_1174 = arith.addi %mul3A_245, %add3A_1173 : i32
        %get3A_1175 = arith.constant 1 : i32
        %get3A_1176 = arith.index_cast %get3A_1175 : i32 to index
        %get3A_1177 = arith.index_cast %add3A_1174 : i32 to index
        %get3A_1178 = arith.constant 32 : index
        %get3A_1179 = tpu.vector_load %arg6[%get3A_1176, %get3A_1177, %get3A_1178] {strides = array<i32>} : memref<2x800x64xf32, #tpu.memory_space<vmem>>, vector<1x1x16xf32>,
        %get3A_1180 = vector.shape_cast %get3A_1179 : vector<1x1x16xf32> to vector<16xf32>
        %add3A_1181 = arith.addf %add3A_1172, %get3A_1180 : vector<16xf32>
        %add3A_1182 = arith.constant 3 : i32
        %add3A_1183 = arith.addi %mul3A_245, %add3A_1182 : i32
        %get3A_1184 = arith.constant 1 : i32
        %get3A_1185 = arith.index_cast %get3A_1184 : i32 to index
        %get3A_1186 = arith.index_cast %add3A_1183 : i32 to index
        %get3A_1187 = arith.constant 32 : index
        %get3A_1188 = tpu.vector_load %arg6[%get3A_1185, %get3A_1186, %get3A_1187] {strides = array<i32>} : memref<2x800x64xf32, #tpu.memory_space<vmem>>, vector<1x1x16xf32>,
        %get3A_1189 = vector.shape_cast %get3A_1188 : vector<1x1x16xf32> to vector<16xf32>
        %add3A_1190 = arith.addf %add3A_1181, %get3A_1189 : vector<16xf32>
        %add3A_1191 = arith.constant 4 : i32
        %add3A_1192 = arith.addi %mul3A_245, %add3A_1191 : i32
        %get3A_1193 = arith.constant 1 : i32
        %get3A_1194 = arith.index_cast %get3A_1193 : i32 to index
        %get3A_1195 = arith.index_cast %add3A_1192 : i32 to index
        %get3A_1196 = arith.constant 32 : index
        %get3A_1197 = tpu.vector_load %arg6[%get3A_1194, %get3A_1195, %get3A_1196] {strides = array<i32>} : memref<2x800x64xf32, #tpu.memory_space<vmem>>, vector<1x1x16xf32>,
        %get3A_1198 = vector.shape_cast %get3A_1197 : vector<1x1x16xf32> to vector<16xf32>
        %add3A_1199 = arith.addf %add3A_1190, %get3A_1198 : vector<16xf32>
        %add3A_1200 = arith.constant 5 : i32
        %add3A_1201 = arith.addi %mul3A_245, %add3A_1200 : i32
        %get3A_1202 = arith.constant 1 : i32
        %get3A_1203 = arith.index_cast %get3A_1202 : i32 to index
        %get3A_1204 = arith.index_cast %add3A_1201 : i32 to index
        %get3A_1205 = arith.constant 32 : index
        %get3A_1206 = tpu.vector_load %arg6[%get3A_1203, %get3A_1204, %get3A_1205] {strides = array<i32>} : memref<2x800x64xf32, #tpu.memory_space<vmem>>, vector<1x1x16xf32>,
        %get3A_1207 = vector.shape_cast %get3A_1206 : vector<1x1x16xf32> to vector<16xf32>
        %add3A_1208 = arith.addf %add3A_1199, %get3A_1207 : vector<16xf32>
        %add3A_1209 = arith.constant 6 : i32
        %add3A_1210 = arith.addi %mul3A_245, %add3A_1209 : i32
        %get3A_1211 = arith.constant 1 : i32
        %get3A_1212 = arith.index_cast %get3A_1211 : i32 to index
        %get3A_1213 = arith.index_cast %add3A_1210 : i32 to index
        %get3A_1214 = arith.constant 32 : index
        %get3A_1215 = tpu.vector_load %arg6[%get3A_1212, %get3A_1213, %get3A_1214] {strides = array<i32>} : memref<2x800x64xf32, #tpu.memory_space<vmem>>, vector<1x1x16xf32>,
        %get3A_1216 = vector.shape_cast %get3A_1215 : vector<1x1x16xf32> to vector<16xf32>
        %add3A_1217 = arith.addf %add3A_1208, %get3A_1216 : vector<16xf32>
        %add3A_1218 = arith.constant 7 : i32
        %add3A_1219 = arith.addi %mul3A_245, %add3A_1218 : i32
        %get3A_1220 = arith.constant 1 : i32
        %get3A_1221 = arith.index_cast %get3A_1220 : i32 to index
        %get3A_1222 = arith.index_cast %add3A_1219 : i32 to index
        %get3A_1223 = arith.constant 32 : index
        %get3A_1224 = tpu.vector_load %arg6[%get3A_1221, %get3A_1222, %get3A_1223] {strides = array<i32>} : memref<2x800x64xf32, #tpu.memory_space<vmem>>, vector<1x1x16xf32>,
        %get3A_1225 = vector.shape_cast %get3A_1224 : vector<1x1x16xf32> to vector<16xf32>
        %add3A_1226 = arith.addf %add3A_1217, %get3A_1225 : vector<16xf32>
        %add3A_1227 = arith.constant 8 : i32
        %add3A_1228 = arith.addi %mul3A_245, %add3A_1227 : i32
        %get3A_1229 = arith.constant 1 : i32
        %get3A_1230 = arith.index_cast %get3A_1229 : i32 to index
        %get3A_1231 = arith.index_cast %add3A_1228 : i32 to index
        %get3A_1232 = arith.constant 32 : index
        %get3A_1233 = tpu.vector_load %arg6[%get3A_1230, %get3A_1231, %get3A_1232] {strides = array<i32>} : memref<2x800x64xf32, #tpu.memory_space<vmem>>, vector<1x1x16xf32>,
        %get3A_1234 = vector.shape_cast %get3A_1233 : vector<1x1x16xf32> to vector<16xf32>
        %add3A_1235 = arith.addf %add3A_1226, %get3A_1234 : vector<16xf32>
        %add3A_1236 = arith.constant 9 : i32
        %add3A_1237 = arith.addi %mul3A_245, %add3A_1236 : i32
        %get3A_1238 = arith.constant 1 : i32
        %get3A_1239 = arith.index_cast %get3A_1238 : i32 to index
        %get3A_1240 = arith.index_cast %add3A_1237 : i32 to index
        %get3A_1241 = arith.constant 32 : index
        %get3A_1242 = tpu.vector_load %arg6[%get3A_1239, %get3A_1240, %get3A_1241] {strides = array<i32>} : memref<2x800x64xf32, #tpu.memory_space<vmem>>, vector<1x1x16xf32>,
        %get3A_1243 = vector.shape_cast %get3A_1242 : vector<1x1x16xf32> to vector<16xf32>
        %add3A_1244 = arith.addf %add3A_1235, %get3A_1243 : vector<16xf32>
        %add3A_1245 = arith.constant 10 : i32
        %add3A_1246 = arith.addi %mul3A_245, %add3A_1245 : i32
        %get3A_1247 = arith.constant 1 : i32
        %get3A_1248 = arith.index_cast %get3A_1247 : i32 to index
        %get3A_1249 = arith.index_cast %add3A_1246 : i32 to index
        %get3A_1250 = arith.constant 32 : index
        %get3A_1251 = tpu.vector_load %arg6[%get3A_1248, %get3A_1249, %get3A_1250] {strides = array<i32>} : memref<2x800x64xf32, #tpu.memory_space<vmem>>, vector<1x1x16xf32>,
        %get3A_1252 = vector.shape_cast %get3A_1251 : vector<1x1x16xf32> to vector<16xf32>
        %add3A_1253 = arith.addf %add3A_1244, %get3A_1252 : vector<16xf32>
        %add3A_1254 = arith.constant 11 : i32
        %add3A_1255 = arith.addi %mul3A_245, %add3A_1254 : i32
        %get3A_1256 = arith.constant 1 : i32
        %get3A_1257 = arith.index_cast %get3A_1256 : i32 to index
        %get3A_1258 = arith.index_cast %add3A_1255 : i32 to index
        %get3A_1259 = arith.constant 32 : index
        %get3A_1260 = tpu.vector_load %arg6[%get3A_1257, %get3A_1258, %get3A_1259] {strides = array<i32>} : memref<2x800x64xf32, #tpu.memory_space<vmem>>, vector<1x1x16xf32>,
        %get3A_1261 = vector.shape_cast %get3A_1260 : vector<1x1x16xf32> to vector<16xf32>
        %add3A_1262 = arith.addf %add3A_1253, %get3A_1261 : vector<16xf32>
        %add3A_1263 = arith.constant 12 : i32
        %add3A_1264 = arith.addi %mul3A_245, %add3A_1263 : i32
        %get3A_1265 = arith.constant 1 : i32
        %get3A_1266 = arith.index_cast %get3A_1265 : i32 to index
        %get3A_1267 = arith.index_cast %add3A_1264 : i32 to index
        %get3A_1268 = arith.constant 32 : index
        %get3A_1269 = tpu.vector_load %arg6[%get3A_1266, %get3A_1267, %get3A_1268] {strides = array<i32>} : memref<2x800x64xf32, #tpu.memory_space<vmem>>, vector<1x1x16xf32>,
        %get3A_1270 = vector.shape_cast %get3A_1269 : vector<1x1x16xf32> to vector<16xf32>
        %add3A_1271 = arith.addf %add3A_1262, %get3A_1270 : vector<16xf32>
        %add3A_1272 = arith.constant 13 : i32
        %add3A_1273 = arith.addi %mul3A_245, %add3A_1272 : i32
        %get3A_1274 = arith.constant 1 : i32
        %get3A_1275 = arith.index_cast %get3A_1274 : i32 to index
        %get3A_1276 = arith.index_cast %add3A_1273 : i32 to index
        %get3A_1277 = arith.constant 32 : index
        %get3A_1278 = tpu.vector_load %arg6[%get3A_1275, %get3A_1276, %get3A_1277] {strides = array<i32>} : memref<2x800x64xf32, #tpu.memory_space<vmem>>, vector<1x1x16xf32>,
        %get3A_1279 = vector.shape_cast %get3A_1278 : vector<1x1x16xf32> to vector<16xf32>
        %add3A_1280 = arith.addf %add3A_1271, %get3A_1279 : vector<16xf32>
        %add3A_1281 = arith.constant 14 : i32
        %add3A_1282 = arith.addi %mul3A_245, %add3A_1281 : i32
        %get3A_1283 = arith.constant 1 : i32
        %get3A_1284 = arith.index_cast %get3A_1283 : i32 to index
        %get3A_1285 = arith.index_cast %add3A_1282 : i32 to index
        %get3A_1286 = arith.constant 32 : index
        %get3A_1287 = tpu.vector_load %arg6[%get3A_1284, %get3A_1285, %get3A_1286] {strides = array<i32>} : memref<2x800x64xf32, #tpu.memory_space<vmem>>, vector<1x1x16xf32>,
        %get3A_1288 = vector.shape_cast %get3A_1287 : vector<1x1x16xf32> to vector<16xf32>
        %add3A_1289 = arith.addf %add3A_1280, %get3A_1288 : vector<16xf32>
        %add3A_1290 = arith.constant 15 : i32
        %add3A_1291 = arith.addi %mul3A_245, %add3A_1290 : i32
        %get3A_1292 = arith.constant 1 : i32
        %get3A_1293 = arith.index_cast %get3A_1292 : i32 to index
        %get3A_1294 = arith.index_cast %add3A_1291 : i32 to index
        %get3A_1295 = arith.constant 32 : index
        %get3A_1296 = tpu.vector_load %arg6[%get3A_1293, %get3A_1294, %get3A_1295] {strides = array<i32>} : memref<2x800x64xf32, #tpu.memory_space<vmem>>, vector<1x1x16xf32>,
        %get3A_1297 = vector.shape_cast %get3A_1296 : vector<1x1x16xf32> to vector<16xf32>
        %add3A_1298 = arith.addf %add3A_1289, %get3A_1297 : vector<16xf32>
        %add3A_1299 = arith.constant 16 : i32
        %add3A_1300 = arith.addi %mul3A_245, %add3A_1299 : i32
        %get3A_1301 = arith.constant 1 : i32
        %get3A_1302 = arith.index_cast %get3A_1301 : i32 to index
        %get3A_1303 = arith.index_cast %add3A_1300 : i32 to index
        %get3A_1304 = arith.constant 32 : index
        %get3A_1305 = tpu.vector_load %arg6[%get3A_1302, %get3A_1303, %get3A_1304] {strides = array<i32>} : memref<2x800x64xf32, #tpu.memory_space<vmem>>, vector<1x1x16xf32>,
        %get3A_1306 = vector.shape_cast %get3A_1305 : vector<1x1x16xf32> to vector<16xf32>
        %add3A_1307 = arith.addf %add3A_1298, %get3A_1306 : vector<16xf32>
        %add3A_1308 = arith.constant 17 : i32
        %add3A_1309 = arith.addi %mul3A_245, %add3A_1308 : i32
        %get3A_1310 = arith.constant 1 : i32
        %get3A_1311 = arith.index_cast %get3A_1310 : i32 to index
        %get3A_1312 = arith.index_cast %add3A_1309 : i32 to index
        %get3A_1313 = arith.constant 32 : index
        %get3A_1314 = tpu.vector_load %arg6[%get3A_1311, %get3A_1312, %get3A_1313] {strides = array<i32>} : memref<2x800x64xf32, #tpu.memory_space<vmem>>, vector<1x1x16xf32>,
        %get3A_1315 = vector.shape_cast %get3A_1314 : vector<1x1x16xf32> to vector<16xf32>
        %add3A_1316 = arith.addf %add3A_1307, %get3A_1315 : vector<16xf32>
        %add3A_1317 = arith.constant 18 : i32
        %add3A_1318 = arith.addi %mul3A_245, %add3A_1317 : i32
        %get3A_1319 = arith.constant 1 : i32
        %get3A_1320 = arith.index_cast %get3A_1319 : i32 to index
        %get3A_1321 = arith.index_cast %add3A_1318 : i32 to index
        %get3A_1322 = arith.constant 32 : index
        %get3A_1323 = tpu.vector_load %arg6[%get3A_1320, %get3A_1321, %get3A_1322] {strides = array<i32>} : memref<2x800x64xf32, #tpu.memory_space<vmem>>, vector<1x1x16xf32>,
        %get3A_1324 = vector.shape_cast %get3A_1323 : vector<1x1x16xf32> to vector<16xf32>
        %add3A_1325 = arith.addf %add3A_1316, %get3A_1324 : vector<16xf32>
        %add3A_1326 = arith.constant 19 : i32
        %add3A_1327 = arith.addi %mul3A_245, %add3A_1326 : i32
        %get3A_1328 = arith.constant 1 : i32
        %get3A_1329 = arith.index_cast %get3A_1328 : i32 to index
        %get3A_1330 = arith.index_cast %add3A_1327 : i32 to index
        %get3A_1331 = arith.constant 32 : index
        %get3A_1332 = tpu.vector_load %arg6[%get3A_1329, %get3A_1330, %get3A_1331] {strides = array<i32>} : memref<2x800x64xf32, #tpu.memory_space<vmem>>, vector<1x1x16xf32>,
        %get3A_1333 = vector.shape_cast %get3A_1332 : vector<1x1x16xf32> to vector<16xf32>
        %add3A_1334 = arith.addf %add3A_1325, %get3A_1333 : vector<16xf32>
        %add3A_1335 = arith.constant 20 : i32
        %add3A_1336 = arith.addi %mul3A_245, %add3A_1335 : i32
        %get3A_1337 = arith.constant 1 : i32
        %get3A_1338 = arith.index_cast %get3A_1337 : i32 to index
        %get3A_1339 = arith.index_cast %add3A_1336 : i32 to index
        %get3A_1340 = arith.constant 32 : index
        %get3A_1341 = tpu.vector_load %arg6[%get3A_1338, %get3A_1339, %get3A_1340] {strides = array<i32>} : memref<2x800x64xf32, #tpu.memory_space<vmem>>, vector<1x1x16xf32>,
        %get3A_1342 = vector.shape_cast %get3A_1341 : vector<1x1x16xf32> to vector<16xf32>
        %add3A_1343 = arith.addf %add3A_1334, %get3A_1342 : vector<16xf32>
        %add3A_1344 = arith.constant 21 : i32
        %add3A_1345 = arith.addi %mul3A_245, %add3A_1344 : i32
        %get3A_1346 = arith.constant 1 : i32
        %get3A_1347 = arith.index_cast %get3A_1346 : i32 to index
        %get3A_1348 = arith.index_cast %add3A_1345 : i32 to index
        %get3A_1349 = arith.constant 32 : index
        %get3A_1350 = tpu.vector_load %arg6[%get3A_1347, %get3A_1348, %get3A_1349] {strides = array<i32>} : memref<2x800x64xf32, #tpu.memory_space<vmem>>, vector<1x1x16xf32>,
        %get3A_1351 = vector.shape_cast %get3A_1350 : vector<1x1x16xf32> to vector<16xf32>
        %add3A_1352 = arith.addf %add3A_1343, %get3A_1351 : vector<16xf32>
        %add3A_1353 = arith.constant 22 : i32
        %add3A_1354 = arith.addi %mul3A_245, %add3A_1353 : i32
        %get3A_1355 = arith.constant 1 : i32
        %get3A_1356 = arith.index_cast %get3A_1355 : i32 to index
        %get3A_1357 = arith.index_cast %add3A_1354 : i32 to index
        %get3A_1358 = arith.constant 32 : index
        %get3A_1359 = tpu.vector_load %arg6[%get3A_1356, %get3A_1357, %get3A_1358] {strides = array<i32>} : memref<2x800x64xf32, #tpu.memory_space<vmem>>, vector<1x1x16xf32>,
        %get3A_1360 = vector.shape_cast %get3A_1359 : vector<1x1x16xf32> to vector<16xf32>
        %add3A_1361 = arith.addf %add3A_1352, %get3A_1360 : vector<16xf32>
        %add3A_1362 = arith.constant 23 : i32
        %add3A_1363 = arith.addi %mul3A_245, %add3A_1362 : i32
        %get3A_1364 = arith.constant 1 : i32
        %get3A_1365 = arith.index_cast %get3A_1364 : i32 to index
        %get3A_1366 = arith.index_cast %add3A_1363 : i32 to index
        %get3A_1367 = arith.constant 32 : index
        %get3A_1368 = tpu.vector_load %arg6[%get3A_1365, %get3A_1366, %get3A_1367] {strides = array<i32>} : memref<2x800x64xf32, #tpu.memory_space<vmem>>, vector<1x1x16xf32>,
        %get3A_1369 = vector.shape_cast %get3A_1368 : vector<1x1x16xf32> to vector<16xf32>
        %add3A_1370 = arith.addf %add3A_1361, %get3A_1369 : vector<16xf32>
        %add3A_1371 = arith.constant 24 : i32
        %add3A_1372 = arith.addi %mul3A_245, %add3A_1371 : i32
        %get3A_1373 = arith.constant 1 : i32
        %get3A_1374 = arith.index_cast %get3A_1373 : i32 to index
        %get3A_1375 = arith.index_cast %add3A_1372 : i32 to index
        %get3A_1376 = arith.constant 32 : index
        %get3A_1377 = tpu.vector_load %arg6[%get3A_1374, %get3A_1375, %get3A_1376] {strides = array<i32>} : memref<2x800x64xf32, #tpu.memory_space<vmem>>, vector<1x1x16xf32>,
        %get3A_1378 = vector.shape_cast %get3A_1377 : vector<1x1x16xf32> to vector<16xf32>
        %add3A_1379 = arith.addf %add3A_1370, %get3A_1378 : vector<16xf32>
        %add3A_1380 = arith.constant 25 : i32
        %add3A_1381 = arith.addi %mul3A_245, %add3A_1380 : i32
        %get3A_1382 = arith.constant 1 : i32
        %get3A_1383 = arith.index_cast %get3A_1382 : i32 to index
        %get3A_1384 = arith.index_cast %add3A_1381 : i32 to index
        %get3A_1385 = arith.constant 32 : index
        %get3A_1386 = tpu.vector_load %arg6[%get3A_1383, %get3A_1384, %get3A_1385] {strides = array<i32>} : memref<2x800x64xf32, #tpu.memory_space<vmem>>, vector<1x1x16xf32>,
        %get3A_1387 = vector.shape_cast %get3A_1386 : vector<1x1x16xf32> to vector<16xf32>
        %add3A_1388 = arith.addf %add3A_1379, %get3A_1387 : vector<16xf32>
        %add3A_1389 = arith.constant 26 : i32
        %add3A_1390 = arith.addi %mul3A_245, %add3A_1389 : i32
        %get3A_1391 = arith.constant 1 : i32
        %get3A_1392 = arith.index_cast %get3A_1391 : i32 to index
        %get3A_1393 = arith.index_cast %add3A_1390 : i32 to index
        %get3A_1394 = arith.constant 32 : index
        %get3A_1395 = tpu.vector_load %arg6[%get3A_1392, %get3A_1393, %get3A_1394] {strides = array<i32>} : memref<2x800x64xf32, #tpu.memory_space<vmem>>, vector<1x1x16xf32>,
        %get3A_1396 = vector.shape_cast %get3A_1395 : vector<1x1x16xf32> to vector<16xf32>
        %add3A_1397 = arith.addf %add3A_1388, %get3A_1396 : vector<16xf32>
        %add3A_1398 = arith.constant 27 : i32
        %add3A_1399 = arith.addi %mul3A_245, %add3A_1398 : i32
        %get3A_1400 = arith.constant 1 : i32
        %get3A_1401 = arith.index_cast %get3A_1400 : i32 to index
        %get3A_1402 = arith.index_cast %add3A_1399 : i32 to index
        %get3A_1403 = arith.constant 32 : index
        %get3A_1404 = tpu.vector_load %arg6[%get3A_1401, %get3A_1402, %get3A_1403] {strides = array<i32>} : memref<2x800x64xf32, #tpu.memory_space<vmem>>, vector<1x1x16xf32>,
        %get3A_1405 = vector.shape_cast %get3A_1404 : vector<1x1x16xf32> to vector<16xf32>
        %add3A_1406 = arith.addf %add3A_1397, %get3A_1405 : vector<16xf32>
        %add3A_1407 = arith.constant 28 : i32
        %add3A_1408 = arith.addi %mul3A_245, %add3A_1407 : i32
        %get3A_1409 = arith.constant 1 : i32
        %get3A_1410 = arith.index_cast %get3A_1409 : i32 to index
        %get3A_1411 = arith.index_cast %add3A_1408 : i32 to index
        %get3A_1412 = arith.constant 32 : index
        %get3A_1413 = tpu.vector_load %arg6[%get3A_1410, %get3A_1411, %get3A_1412] {strides = array<i32>} : memref<2x800x64xf32, #tpu.memory_space<vmem>>, vector<1x1x16xf32>,
        %get3A_1414 = vector.shape_cast %get3A_1413 : vector<1x1x16xf32> to vector<16xf32>
        %add3A_1415 = arith.addf %add3A_1406, %get3A_1414 : vector<16xf32>
        %add3A_1416 = arith.constant 29 : i32
        %add3A_1417 = arith.addi %mul3A_245, %add3A_1416 : i32
        %get3A_1418 = arith.constant 1 : i32
        %get3A_1419 = arith.index_cast %get3A_1418 : i32 to index
        %get3A_1420 = arith.index_cast %add3A_1417 : i32 to index
        %get3A_1421 = arith.constant 32 : index
        %get3A_1422 = tpu.vector_load %arg6[%get3A_1419, %get3A_1420, %get3A_1421] {strides = array<i32>} : memref<2x800x64xf32, #tpu.memory_space<vmem>>, vector<1x1x16xf32>,
        %get3A_1423 = vector.shape_cast %get3A_1422 : vector<1x1x16xf32> to vector<16xf32>
        %add3A_1424 = arith.addf %add3A_1415, %get3A_1423 : vector<16xf32>
        %add3A_1425 = arith.constant 30 : i32
        %add3A_1426 = arith.addi %mul3A_245, %add3A_1425 : i32
        %get3A_1427 = arith.constant 1 : i32
        %get3A_1428 = arith.index_cast %get3A_1427 : i32 to index
        %get3A_1429 = arith.index_cast %add3A_1426 : i32 to index
        %get3A_1430 = arith.constant 32 : index
        %get3A_1431 = tpu.vector_load %arg6[%get3A_1428, %get3A_1429, %get3A_1430] {strides = array<i32>} : memref<2x800x64xf32, #tpu.memory_space<vmem>>, vector<1x1x16xf32>,
        %get3A_1432 = vector.shape_cast %get3A_1431 : vector<1x1x16xf32> to vector<16xf32>
        %add3A_1433 = arith.addf %add3A_1424, %get3A_1432 : vector<16xf32>
        %add3A_1434 = arith.constant 31 : i32
        %add3A_1435 = arith.addi %mul3A_245, %add3A_1434 : i32
        %get3A_1436 = arith.constant 1 : i32
        %get3A_1437 = arith.index_cast %get3A_1436 : i32 to index
        %get3A_1438 = arith.index_cast %add3A_1435 : i32 to index
        %get3A_1439 = arith.constant 32 : index
        %get3A_1440 = tpu.vector_load %arg6[%get3A_1437, %get3A_1438, %get3A_1439] {strides = array<i32>} : memref<2x800x64xf32, #tpu.memory_space<vmem>>, vector<1x1x16xf32>,
        %get3A_1441 = vector.shape_cast %get3A_1440 : vector<1x1x16xf32> to vector<16xf32>
        %add3A_1442 = arith.addf %add3A_1433, %get3A_1441 : vector<16xf32>
        %add3A_1443 = arith.constant 32 : i32
        %add3A_1444 = arith.addi %mul3A_245, %add3A_1443 : i32
        %get3A_1445 = arith.constant 1 : i32
        %get3A_1446 = arith.index_cast %get3A_1445 : i32 to index
        %get3A_1447 = arith.index_cast %add3A_1444 : i32 to index
        %get3A_1448 = arith.constant 32 : index
        %get3A_1449 = tpu.vector_load %arg6[%get3A_1446, %get3A_1447, %get3A_1448] {strides = array<i32>} : memref<2x800x64xf32, #tpu.memory_space<vmem>>, vector<1x1x16xf32>,
        %get3A_1450 = vector.shape_cast %get3A_1449 : vector<1x1x16xf32> to vector<16xf32>
        %add3A_1451 = arith.addf %add3A_1442, %get3A_1450 : vector<16xf32>
        %add3A_1452 = arith.constant 33 : i32
        %add3A_1453 = arith.addi %mul3A_245, %add3A_1452 : i32
        %get3A_1454 = arith.constant 1 : i32
        %get3A_1455 = arith.index_cast %get3A_1454 : i32 to index
        %get3A_1456 = arith.index_cast %add3A_1453 : i32 to index
        %get3A_1457 = arith.constant 32 : index
        %get3A_1458 = tpu.vector_load %arg6[%get3A_1455, %get3A_1456, %get3A_1457] {strides = array<i32>} : memref<2x800x64xf32, #tpu.memory_space<vmem>>, vector<1x1x16xf32>,
        %get3A_1459 = vector.shape_cast %get3A_1458 : vector<1x1x16xf32> to vector<16xf32>
        %add3A_1460 = arith.addf %add3A_1451, %get3A_1459 : vector<16xf32>
        %add3A_1461 = arith.constant 34 : i32
        %add3A_1462 = arith.addi %mul3A_245, %add3A_1461 : i32
        %get3A_1463 = arith.constant 1 : i32
        %get3A_1464 = arith.index_cast %get3A_1463 : i32 to index
        %get3A_1465 = arith.index_cast %add3A_1462 : i32 to index
        %get3A_1466 = arith.constant 32 : index
        %get3A_1467 = tpu.vector_load %arg6[%get3A_1464, %get3A_1465, %get3A_1466] {strides = array<i32>} : memref<2x800x64xf32, #tpu.memory_space<vmem>>, vector<1x1x16xf32>,
        %get3A_1468 = vector.shape_cast %get3A_1467 : vector<1x1x16xf32> to vector<16xf32>
        %add3A_1469 = arith.addf %add3A_1460, %get3A_1468 : vector<16xf32>
        %add3A_1470 = arith.constant 35 : i32
        %add3A_1471 = arith.addi %mul3A_245, %add3A_1470 : i32
        %get3A_1472 = arith.constant 1 : i32
        %get3A_1473 = arith.index_cast %get3A_1472 : i32 to index
        %get3A_1474 = arith.index_cast %add3A_1471 : i32 to index
        %get3A_1475 = arith.constant 32 : index
        %get3A_1476 = tpu.vector_load %arg6[%get3A_1473, %get3A_1474, %get3A_1475] {strides = array<i32>} : memref<2x800x64xf32, #tpu.memory_space<vmem>>, vector<1x1x16xf32>,
        %get3A_1477 = vector.shape_cast %get3A_1476 : vector<1x1x16xf32> to vector<16xf32>
        %add3A_1478 = arith.addf %add3A_1469, %get3A_1477 : vector<16xf32>
        %add3A_1479 = arith.constant 36 : i32
        %add3A_1480 = arith.addi %mul3A_245, %add3A_1479 : i32
        %get3A_1481 = arith.constant 1 : i32
        %get3A_1482 = arith.index_cast %get3A_1481 : i32 to index
        %get3A_1483 = arith.index_cast %add3A_1480 : i32 to index
        %get3A_1484 = arith.constant 32 : index
        %get3A_1485 = tpu.vector_load %arg6[%get3A_1482, %get3A_1483, %get3A_1484] {strides = array<i32>} : memref<2x800x64xf32, #tpu.memory_space<vmem>>, vector<1x1x16xf32>,
        %get3A_1486 = vector.shape_cast %get3A_1485 : vector<1x1x16xf32> to vector<16xf32>
        %add3A_1487 = arith.addf %add3A_1478, %get3A_1486 : vector<16xf32>
        %add3A_1488 = arith.constant 37 : i32
        %add3A_1489 = arith.addi %mul3A_245, %add3A_1488 : i32
        %get3A_1490 = arith.constant 1 : i32
        %get3A_1491 = arith.index_cast %get3A_1490 : i32 to index
        %get3A_1492 = arith.index_cast %add3A_1489 : i32 to index
        %get3A_1493 = arith.constant 32 : index
        %get3A_1494 = tpu.vector_load %arg6[%get3A_1491, %get3A_1492, %get3A_1493] {strides = array<i32>} : memref<2x800x64xf32, #tpu.memory_space<vmem>>, vector<1x1x16xf32>,
        %get3A_1495 = vector.shape_cast %get3A_1494 : vector<1x1x16xf32> to vector<16xf32>
        %add3A_1496 = arith.addf %add3A_1487, %get3A_1495 : vector<16xf32>
        %add3A_1497 = arith.constant 38 : i32
        %add3A_1498 = arith.addi %mul3A_245, %add3A_1497 : i32
        %get3A_1499 = arith.constant 1 : i32
        %get3A_1500 = arith.index_cast %get3A_1499 : i32 to index
        %get3A_1501 = arith.index_cast %add3A_1498 : i32 to index
        %get3A_1502 = arith.constant 32 : index
        %get3A_1503 = tpu.vector_load %arg6[%get3A_1500, %get3A_1501, %get3A_1502] {strides = array<i32>} : memref<2x800x64xf32, #tpu.memory_space<vmem>>, vector<1x1x16xf32>,
        %get3A_1504 = vector.shape_cast %get3A_1503 : vector<1x1x16xf32> to vector<16xf32>
        %add3A_1505 = arith.addf %add3A_1496, %get3A_1504 : vector<16xf32>
        %add3A_1506 = arith.constant 39 : i32
        %add3A_1507 = arith.addi %mul3A_245, %add3A_1506 : i32
        %get3A_1508 = arith.constant 1 : i32
        %get3A_1509 = arith.index_cast %get3A_1508 : i32 to index
        %get3A_1510 = arith.index_cast %add3A_1507 : i32 to index
        %get3A_1511 = arith.constant 32 : index
        %get3A_1512 = tpu.vector_load %arg6[%get3A_1509, %get3A_1510, %get3A_1511] {strides = array<i32>} : memref<2x800x64xf32, #tpu.memory_space<vmem>>, vector<1x1x16xf32>,
        %get3A_1513 = vector.shape_cast %get3A_1512 : vector<1x1x16xf32> to vector<16xf32>
        %add3A_1514 = arith.addf %add3A_1505, %get3A_1513 : vector<16xf32>
        %add3A_1515 = arith.constant 40 : i32
        %add3A_1516 = arith.addi %mul3A_245, %add3A_1515 : i32
        %get3A_1517 = arith.constant 1 : i32
        %get3A_1518 = arith.index_cast %get3A_1517 : i32 to index
        %get3A_1519 = arith.index_cast %add3A_1516 : i32 to index
        %get3A_1520 = arith.constant 32 : index
        %get3A_1521 = tpu.vector_load %arg6[%get3A_1518, %get3A_1519, %get3A_1520] {strides = array<i32>} : memref<2x800x64xf32, #tpu.memory_space<vmem>>, vector<1x1x16xf32>,
        %get3A_1522 = vector.shape_cast %get3A_1521 : vector<1x1x16xf32> to vector<16xf32>
        %add3A_1523 = arith.addf %add3A_1514, %get3A_1522 : vector<16xf32>
        %add3A_1524 = arith.constant 41 : i32
        %add3A_1525 = arith.addi %mul3A_245, %add3A_1524 : i32
        %get3A_1526 = arith.constant 1 : i32
        %get3A_1527 = arith.index_cast %get3A_1526 : i32 to index
        %get3A_1528 = arith.index_cast %add3A_1525 : i32 to index
        %get3A_1529 = arith.constant 32 : index
        %get3A_1530 = tpu.vector_load %arg6[%get3A_1527, %get3A_1528, %get3A_1529] {strides = array<i32>} : memref<2x800x64xf32, #tpu.memory_space<vmem>>, vector<1x1x16xf32>,
        %get3A_1531 = vector.shape_cast %get3A_1530 : vector<1x1x16xf32> to vector<16xf32>
        %add3A_1532 = arith.addf %add3A_1523, %get3A_1531 : vector<16xf32>
        %add3A_1533 = arith.constant 42 : i32
        %add3A_1534 = arith.addi %mul3A_245, %add3A_1533 : i32
        %get3A_1535 = arith.constant 1 : i32
        %get3A_1536 = arith.index_cast %get3A_1535 : i32 to index
        %get3A_1537 = arith.index_cast %add3A_1534 : i32 to index
        %get3A_1538 = arith.constant 32 : index
        %get3A_1539 = tpu.vector_load %arg6[%get3A_1536, %get3A_1537, %get3A_1538] {strides = array<i32>} : memref<2x800x64xf32, #tpu.memory_space<vmem>>, vector<1x1x16xf32>,
        %get3A_1540 = vector.shape_cast %get3A_1539 : vector<1x1x16xf32> to vector<16xf32>
        %add3A_1541 = arith.addf %add3A_1532, %get3A_1540 : vector<16xf32>
        %add3A_1542 = arith.constant 43 : i32
        %add3A_1543 = arith.addi %mul3A_245, %add3A_1542 : i32
        %get3A_1544 = arith.constant 1 : i32
        %get3A_1545 = arith.index_cast %get3A_1544 : i32 to index
        %get3A_1546 = arith.index_cast %add3A_1543 : i32 to index
        %get3A_1547 = arith.constant 32 : index
        %get3A_1548 = tpu.vector_load %arg6[%get3A_1545, %get3A_1546, %get3A_1547] {strides = array<i32>} : memref<2x800x64xf32, #tpu.memory_space<vmem>>, vector<1x1x16xf32>,
        %get3A_1549 = vector.shape_cast %get3A_1548 : vector<1x1x16xf32> to vector<16xf32>
        %add3A_1550 = arith.addf %add3A_1541, %get3A_1549 : vector<16xf32>
        %add3A_1551 = arith.constant 44 : i32
        %add3A_1552 = arith.addi %mul3A_245, %add3A_1551 : i32
        %get3A_1553 = arith.constant 1 : i32
        %get3A_1554 = arith.index_cast %get3A_1553 : i32 to index
        %get3A_1555 = arith.index_cast %add3A_1552 : i32 to index
        %get3A_1556 = arith.constant 32 : index
        %get3A_1557 = tpu.vector_load %arg6[%get3A_1554, %get3A_1555, %get3A_1556] {strides = array<i32>} : memref<2x800x64xf32, #tpu.memory_space<vmem>>, vector<1x1x16xf32>,
        %get3A_1558 = vector.shape_cast %get3A_1557 : vector<1x1x16xf32> to vector<16xf32>
        %add3A_1559 = arith.addf %add3A_1550, %get3A_1558 : vector<16xf32>
        %add3A_1560 = arith.constant 45 : i32
        %add3A_1561 = arith.addi %mul3A_245, %add3A_1560 : i32
        %get3A_1562 = arith.constant 1 : i32
        %get3A_1563 = arith.index_cast %get3A_1562 : i32 to index
        %get3A_1564 = arith.index_cast %add3A_1561 : i32 to index
        %get3A_1565 = arith.constant 32 : index
        %get3A_1566 = tpu.vector_load %arg6[%get3A_1563, %get3A_1564, %get3A_1565] {strides = array<i32>} : memref<2x800x64xf32, #tpu.memory_space<vmem>>, vector<1x1x16xf32>,
        %get3A_1567 = vector.shape_cast %get3A_1566 : vector<1x1x16xf32> to vector<16xf32>
        %add3A_1568 = arith.addf %add3A_1559, %get3A_1567 : vector<16xf32>
        %add3A_1569 = arith.constant 46 : i32
        %add3A_1570 = arith.addi %mul3A_245, %add3A_1569 : i32
        %get3A_1571 = arith.constant 1 : i32
        %get3A_1572 = arith.index_cast %get3A_1571 : i32 to index
        %get3A_1573 = arith.index_cast %add3A_1570 : i32 to index
        %get3A_1574 = arith.constant 32 : index
        %get3A_1575 = tpu.vector_load %arg6[%get3A_1572, %get3A_1573, %get3A_1574] {strides = array<i32>} : memref<2x800x64xf32, #tpu.memory_space<vmem>>, vector<1x1x16xf32>,
        %get3A_1576 = vector.shape_cast %get3A_1575 : vector<1x1x16xf32> to vector<16xf32>
        %add3A_1577 = arith.addf %add3A_1568, %get3A_1576 : vector<16xf32>
        %add3A_1578 = arith.constant 47 : i32
        %add3A_1579 = arith.addi %mul3A_245, %add3A_1578 : i32
        %get3A_1580 = arith.constant 1 : i32
        %get3A_1581 = arith.index_cast %get3A_1580 : i32 to index
        %get3A_1582 = arith.index_cast %add3A_1579 : i32 to index
        %get3A_1583 = arith.constant 32 : index
        %get3A_1584 = tpu.vector_load %arg6[%get3A_1581, %get3A_1582, %get3A_1583] {strides = array<i32>} : memref<2x800x64xf32, #tpu.memory_space<vmem>>, vector<1x1x16xf32>,
        %get3A_1585 = vector.shape_cast %get3A_1584 : vector<1x1x16xf32> to vector<16xf32>
        %add3A_1586 = arith.addf %add3A_1577, %get3A_1585 : vector<16xf32>
        %add3A_1587 = arith.constant 48 : i32
        %add3A_1588 = arith.addi %mul3A_245, %add3A_1587 : i32
        %get3A_1589 = arith.constant 1 : i32
        %get3A_1590 = arith.index_cast %get3A_1589 : i32 to index
        %get3A_1591 = arith.index_cast %add3A_1588 : i32 to index
        %get3A_1592 = arith.constant 32 : index
        %get3A_1593 = tpu.vector_load %arg6[%get3A_1590, %get3A_1591, %get3A_1592] {strides = array<i32>} : memref<2x800x64xf32, #tpu.memory_space<vmem>>, vector<1x1x16xf32>,
        %get3A_1594 = vector.shape_cast %get3A_1593 : vector<1x1x16xf32> to vector<16xf32>
        %add3A_1595 = arith.addf %add3A_1586, %get3A_1594 : vector<16xf32>
        %add3A_1596 = arith.constant 49 : i32
        %add3A_1597 = arith.addi %mul3A_245, %add3A_1596 : i32
        %get3A_1598 = arith.constant 1 : i32
        %get3A_1599 = arith.index_cast %get3A_1598 : i32 to index
        %get3A_1600 = arith.index_cast %add3A_1597 : i32 to index
        %get3A_1601 = arith.constant 32 : index
        %get3A_1602 = tpu.vector_load %arg6[%get3A_1599, %get3A_1600, %get3A_1601] {strides = array<i32>} : memref<2x800x64xf32, #tpu.memory_space<vmem>>, vector<1x1x16xf32>,
        %get3A_1603 = vector.shape_cast %get3A_1602 : vector<1x1x16xf32> to vector<16xf32>
        %add3A_1604 = arith.addf %add3A_1595, %get3A_1603 : vector<16xf32>
        %mul3A_1605 = arith.constant 2.000000e-02 : f32
        %mul3A_1606 = vector.broadcast %mul3A_1605 : f32 to vector<16xf32>
        %mul3A_1607 = arith.mulf %add3A_1604, %mul3A_1606 : vector<16xf32>
        %swap3A_1608 = arith.constant 1 : i32
        %swap3A_1609 = arith.index_cast %swap3A_1608 : i32 to index
        %swap3A_1610 = arith.index_cast %scan3A_243 : i32 to index
        %swap3A_1611 = arith.constant 32 : index
        %swap3A_1612 = tpu.vector_load %arg7[%swap3A_1609, %swap3A_1610, %swap3A_1611] {strides = array<i32>} : memref<2x16x64xf32, #tpu.memory_space<vmem>>, vector<1x1x16xf32>,
        %swap3A_1613 = vector.shape_cast %swap3A_1612 : vector<1x1x16xf32> to vector<16xf32>
        %swap3A_1614 = vector.shape_cast %mul3A_1607 : vector<16xf32> to vector<1x1x16xf32>
        tpu.vector_store %arg7[%swap3A_1609, %swap3A_1610, %swap3A_1611], %swap3A_1614 {strides = array<i32>} : memref<2x16x64xf32, #tpu.memory_space<vmem>>, vector<1x1x16xf32>,
        %get3A_1615 = arith.constant 1 : i32
        %get3A_1616 = arith.index_cast %get3A_1615 : i32 to index
        %get3A_1617 = arith.index_cast %mul3A_245 : i32 to index
        %get3A_1618 = arith.constant 48 : index
        %get3A_1619 = tpu.vector_load %arg6[%get3A_1616, %get3A_1617, %get3A_1618] {strides = array<i32>} : memref<2x800x64xf32, #tpu.memory_space<vmem>>, vector<1x1x16xf32>,
        %get3A_1620 = vector.shape_cast %get3A_1619 : vector<1x1x16xf32> to vector<16xf32>
        %add3A_1621 = arith.constant 1 : i32
        %add3A_1622 = arith.addi %mul3A_245, %add3A_1621 : i32
        %get3A_1623 = arith.constant 1 : i32
        %get3A_1624 = arith.index_cast %get3A_1623 : i32 to index
        %get3A_1625 = arith.index_cast %add3A_1622 : i32 to index
        %get3A_1626 = arith.constant 48 : index
        %get3A_1627 = tpu.vector_load %arg6[%get3A_1624, %get3A_1625, %get3A_1626] {strides = array<i32>} : memref<2x800x64xf32, #tpu.memory_space<vmem>>, vector<1x1x16xf32>,
        %get3A_1628 = vector.shape_cast %get3A_1627 : vector<1x1x16xf32> to vector<16xf32>
        %add3A_1629 = arith.addf %get3A_1620, %get3A_1628 : vector<16xf32>
        %add3A_1630 = arith.constant 2 : i32
        %add3A_1631 = arith.addi %mul3A_245, %add3A_1630 : i32
        %get3A_1632 = arith.constant 1 : i32
        %get3A_1633 = arith.index_cast %get3A_1632 : i32 to index
        %get3A_1634 = arith.index_cast %add3A_1631 : i32 to index
        %get3A_1635 = arith.constant 48 : index
        %get3A_1636 = tpu.vector_load %arg6[%get3A_1633, %get3A_1634, %get3A_1635] {strides = array<i32>} : memref<2x800x64xf32, #tpu.memory_space<vmem>>, vector<1x1x16xf32>,
        %get3A_1637 = vector.shape_cast %get3A_1636 : vector<1x1x16xf32> to vector<16xf32>
        %add3A_1638 = arith.addf %add3A_1629, %get3A_1637 : vector<16xf32>
        %add3A_1639 = arith.constant 3 : i32
        %add3A_1640 = arith.addi %mul3A_245, %add3A_1639 : i32
        %get3A_1641 = arith.constant 1 : i32
        %get3A_1642 = arith.index_cast %get3A_1641 : i32 to index
        %get3A_1643 = arith.index_cast %add3A_1640 : i32 to index
        %get3A_1644 = arith.constant 48 : index
        %get3A_1645 = tpu.vector_load %arg6[%get3A_1642, %get3A_1643, %get3A_1644] {strides = array<i32>} : memref<2x800x64xf32, #tpu.memory_space<vmem>>, vector<1x1x16xf32>,
        %get3A_1646 = vector.shape_cast %get3A_1645 : vector<1x1x16xf32> to vector<16xf32>
        %add3A_1647 = arith.addf %add3A_1638, %get3A_1646 : vector<16xf32>
        %add3A_1648 = arith.constant 4 : i32
        %add3A_1649 = arith.addi %mul3A_245, %add3A_1648 : i32
        %get3A_1650 = arith.constant 1 : i32
        %get3A_1651 = arith.index_cast %get3A_1650 : i32 to index
        %get3A_1652 = arith.index_cast %add3A_1649 : i32 to index
        %get3A_1653 = arith.constant 48 : index
        %get3A_1654 = tpu.vector_load %arg6[%get3A_1651, %get3A_1652, %get3A_1653] {strides = array<i32>} : memref<2x800x64xf32, #tpu.memory_space<vmem>>, vector<1x1x16xf32>,
        %get3A_1655 = vector.shape_cast %get3A_1654 : vector<1x1x16xf32> to vector<16xf32>
        %add3A_1656 = arith.addf %add3A_1647, %get3A_1655 : vector<16xf32>
        %add3A_1657 = arith.constant 5 : i32
        %add3A_1658 = arith.addi %mul3A_245, %add3A_1657 : i32
        %get3A_1659 = arith.constant 1 : i32
        %get3A_1660 = arith.index_cast %get3A_1659 : i32 to index
        %get3A_1661 = arith.index_cast %add3A_1658 : i32 to index
        %get3A_1662 = arith.constant 48 : index
        %get3A_1663 = tpu.vector_load %arg6[%get3A_1660, %get3A_1661, %get3A_1662] {strides = array<i32>} : memref<2x800x64xf32, #tpu.memory_space<vmem>>, vector<1x1x16xf32>,
        %get3A_1664 = vector.shape_cast %get3A_1663 : vector<1x1x16xf32> to vector<16xf32>
        %add3A_1665 = arith.addf %add3A_1656, %get3A_1664 : vector<16xf32>
        %add3A_1666 = arith.constant 6 : i32
        %add3A_1667 = arith.addi %mul3A_245, %add3A_1666 : i32
        %get3A_1668 = arith.constant 1 : i32
        %get3A_1669 = arith.index_cast %get3A_1668 : i32 to index
        %get3A_1670 = arith.index_cast %add3A_1667 : i32 to index
        %get3A_1671 = arith.constant 48 : index
        %get3A_1672 = tpu.vector_load %arg6[%get3A_1669, %get3A_1670, %get3A_1671] {strides = array<i32>} : memref<2x800x64xf32, #tpu.memory_space<vmem>>, vector<1x1x16xf32>,
        %get3A_1673 = vector.shape_cast %get3A_1672 : vector<1x1x16xf32> to vector<16xf32>
        %add3A_1674 = arith.addf %add3A_1665, %get3A_1673 : vector<16xf32>
        %add3A_1675 = arith.constant 7 : i32
        %add3A_1676 = arith.addi %mul3A_245, %add3A_1675 : i32
        %get3A_1677 = arith.constant 1 : i32
        %get3A_1678 = arith.index_cast %get3A_1677 : i32 to index
        %get3A_1679 = arith.index_cast %add3A_1676 : i32 to index
        %get3A_1680 = arith.constant 48 : index
        %get3A_1681 = tpu.vector_load %arg6[%get3A_1678, %get3A_1679, %get3A_1680] {strides = array<i32>} : memref<2x800x64xf32, #tpu.memory_space<vmem>>, vector<1x1x16xf32>,
        %get3A_1682 = vector.shape_cast %get3A_1681 : vector<1x1x16xf32> to vector<16xf32>
        %add3A_1683 = arith.addf %add3A_1674, %get3A_1682 : vector<16xf32>
        %add3A_1684 = arith.constant 8 : i32
        %add3A_1685 = arith.addi %mul3A_245, %add3A_1684 : i32
        %get3A_1686 = arith.constant 1 : i32
        %get3A_1687 = arith.index_cast %get3A_1686 : i32 to index
        %get3A_1688 = arith.index_cast %add3A_1685 : i32 to index
        %get3A_1689 = arith.constant 48 : index
        %get3A_1690 = tpu.vector_load %arg6[%get3A_1687, %get3A_1688, %get3A_1689] {strides = array<i32>} : memref<2x800x64xf32, #tpu.memory_space<vmem>>, vector<1x1x16xf32>,
        %get3A_1691 = vector.shape_cast %get3A_1690 : vector<1x1x16xf32> to vector<16xf32>
        %add3A_1692 = arith.addf %add3A_1683, %get3A_1691 : vector<16xf32>
        %add3A_1693 = arith.constant 9 : i32
        %add3A_1694 = arith.addi %mul3A_245, %add3A_1693 : i32
        %get3A_1695 = arith.constant 1 : i32
        %get3A_1696 = arith.index_cast %get3A_1695 : i32 to index
        %get3A_1697 = arith.index_cast %add3A_1694 : i32 to index
        %get3A_1698 = arith.constant 48 : index
        %get3A_1699 = tpu.vector_load %arg6[%get3A_1696, %get3A_1697, %get3A_1698] {strides = array<i32>} : memref<2x800x64xf32, #tpu.memory_space<vmem>>, vector<1x1x16xf32>,
        %get3A_1700 = vector.shape_cast %get3A_1699 : vector<1x1x16xf32> to vector<16xf32>
        %add3A_1701 = arith.addf %add3A_1692, %get3A_1700 : vector<16xf32>
        %add3A_1702 = arith.constant 10 : i32
        %add3A_1703 = arith.addi %mul3A_245, %add3A_1702 : i32
        %get3A_1704 = arith.constant 1 : i32
        %get3A_1705 = arith.index_cast %get3A_1704 : i32 to index
        %get3A_1706 = arith.index_cast %add3A_1703 : i32 to index
        %get3A_1707 = arith.constant 48 : index
        %get3A_1708 = tpu.vector_load %arg6[%get3A_1705, %get3A_1706, %get3A_1707] {strides = array<i32>} : memref<2x800x64xf32, #tpu.memory_space<vmem>>, vector<1x1x16xf32>,
        %get3A_1709 = vector.shape_cast %get3A_1708 : vector<1x1x16xf32> to vector<16xf32>
        %add3A_1710 = arith.addf %add3A_1701, %get3A_1709 : vector<16xf32>
        %add3A_1711 = arith.constant 11 : i32
        %add3A_1712 = arith.addi %mul3A_245, %add3A_1711 : i32
        %get3A_1713 = arith.constant 1 : i32
        %get3A_1714 = arith.index_cast %get3A_1713 : i32 to index
        %get3A_1715 = arith.index_cast %add3A_1712 : i32 to index
        %get3A_1716 = arith.constant 48 : index
        %get3A_1717 = tpu.vector_load %arg6[%get3A_1714, %get3A_1715, %get3A_1716] {strides = array<i32>} : memref<2x800x64xf32, #tpu.memory_space<vmem>>, vector<1x1x16xf32>,
        %get3A_1718 = vector.shape_cast %get3A_1717 : vector<1x1x16xf32> to vector<16xf32>
        %add3A_1719 = arith.addf %add3A_1710, %get3A_1718 : vector<16xf32>
        %add3A_1720 = arith.constant 12 : i32
        %add3A_1721 = arith.addi %mul3A_245, %add3A_1720 : i32
        %get3A_1722 = arith.constant 1 : i32
        %get3A_1723 = arith.index_cast %get3A_1722 : i32 to index
        %get3A_1724 = arith.index_cast %add3A_1721 : i32 to index
        %get3A_1725 = arith.constant 48 : index
        %get3A_1726 = tpu.vector_load %arg6[%get3A_1723, %get3A_1724, %get3A_1725] {strides = array<i32>} : memref<2x800x64xf32, #tpu.memory_space<vmem>>, vector<1x1x16xf32>,
        %get3A_1727 = vector.shape_cast %get3A_1726 : vector<1x1x16xf32> to vector<16xf32>
        %add3A_1728 = arith.addf %add3A_1719, %get3A_1727 : vector<16xf32>
        %add3A_1729 = arith.constant 13 : i32
        %add3A_1730 = arith.addi %mul3A_245, %add3A_1729 : i32
        %get3A_1731 = arith.constant 1 : i32
        %get3A_1732 = arith.index_cast %get3A_1731 : i32 to index
        %get3A_1733 = arith.index_cast %add3A_1730 : i32 to index
        %get3A_1734 = arith.constant 48 : index
        %get3A_1735 = tpu.vector_load %arg6[%get3A_1732, %get3A_1733, %get3A_1734] {strides = array<i32>} : memref<2x800x64xf32, #tpu.memory_space<vmem>>, vector<1x1x16xf32>,
        %get3A_1736 = vector.shape_cast %get3A_1735 : vector<1x1x16xf32> to vector<16xf32>
        %add3A_1737 = arith.addf %add3A_1728, %get3A_1736 : vector<16xf32>
        %add3A_1738 = arith.constant 14 : i32
        %add3A_1739 = arith.addi %mul3A_245, %add3A_1738 : i32
        %get3A_1740 = arith.constant 1 : i32
        %get3A_1741 = arith.index_cast %get3A_1740 : i32 to index
        %get3A_1742 = arith.index_cast %add3A_1739 : i32 to index
        %get3A_1743 = arith.constant 48 : index
        %get3A_1744 = tpu.vector_load %arg6[%get3A_1741, %get3A_1742, %get3A_1743] {strides = array<i32>} : memref<2x800x64xf32, #tpu.memory_space<vmem>>, vector<1x1x16xf32>,
        %get3A_1745 = vector.shape_cast %get3A_1744 : vector<1x1x16xf32> to vector<16xf32>
        %add3A_1746 = arith.addf %add3A_1737, %get3A_1745 : vector<16xf32>
        %add3A_1747 = arith.constant 15 : i32
        %add3A_1748 = arith.addi %mul3A_245, %add3A_1747 : i32
        %get3A_1749 = arith.constant 1 : i32
        %get3A_1750 = arith.index_cast %get3A_1749 : i32 to index
        %get3A_1751 = arith.index_cast %add3A_1748 : i32 to index
        %get3A_1752 = arith.constant 48 : index
        %get3A_1753 = tpu.vector_load %arg6[%get3A_1750, %get3A_1751, %get3A_1752] {strides = array<i32>} : memref<2x800x64xf32, #tpu.memory_space<vmem>>, vector<1x1x16xf32>,
        %get3A_1754 = vector.shape_cast %get3A_1753 : vector<1x1x16xf32> to vector<16xf32>
        %add3A_1755 = arith.addf %add3A_1746, %get3A_1754 : vector<16xf32>
        %add3A_1756 = arith.constant 16 : i32
        %add3A_1757 = arith.addi %mul3A_245, %add3A_1756 : i32
        %get3A_1758 = arith.constant 1 : i32
        %get3A_1759 = arith.index_cast %get3A_1758 : i32 to index
        %get3A_1760 = arith.index_cast %add3A_1757 : i32 to index
        %get3A_1761 = arith.constant 48 : index
        %get3A_1762 = tpu.vector_load %arg6[%get3A_1759, %get3A_1760, %get3A_1761] {strides = array<i32>} : memref<2x800x64xf32, #tpu.memory_space<vmem>>, vector<1x1x16xf32>,
        %get3A_1763 = vector.shape_cast %get3A_1762 : vector<1x1x16xf32> to vector<16xf32>
        %add3A_1764 = arith.addf %add3A_1755, %get3A_1763 : vector<16xf32>
        %add3A_1765 = arith.constant 17 : i32
        %add3A_1766 = arith.addi %mul3A_245, %add3A_1765 : i32
        %get3A_1767 = arith.constant 1 : i32
        %get3A_1768 = arith.index_cast %get3A_1767 : i32 to index
        %get3A_1769 = arith.index_cast %add3A_1766 : i32 to index
        %get3A_1770 = arith.constant 48 : index
        %get3A_1771 = tpu.vector_load %arg6[%get3A_1768, %get3A_1769, %get3A_1770] {strides = array<i32>} : memref<2x800x64xf32, #tpu.memory_space<vmem>>, vector<1x1x16xf32>,
        %get3A_1772 = vector.shape_cast %get3A_1771 : vector<1x1x16xf32> to vector<16xf32>
        %add3A_1773 = arith.addf %add3A_1764, %get3A_1772 : vector<16xf32>
        %add3A_1774 = arith.constant 18 : i32
        %add3A_1775 = arith.addi %mul3A_245, %add3A_1774 : i32
        %get3A_1776 = arith.constant 1 : i32
        %get3A_1777 = arith.index_cast %get3A_1776 : i32 to index
        %get3A_1778 = arith.index_cast %add3A_1775 : i32 to index
        %get3A_1779 = arith.constant 48 : index
        %get3A_1780 = tpu.vector_load %arg6[%get3A_1777, %get3A_1778, %get3A_1779] {strides = array<i32>} : memref<2x800x64xf32, #tpu.memory_space<vmem>>, vector<1x1x16xf32>,
        %get3A_1781 = vector.shape_cast %get3A_1780 : vector<1x1x16xf32> to vector<16xf32>
        %add3A_1782 = arith.addf %add3A_1773, %get3A_1781 : vector<16xf32>
        %add3A_1783 = arith.constant 19 : i32
        %add3A_1784 = arith.addi %mul3A_245, %add3A_1783 : i32
        %get3A_1785 = arith.constant 1 : i32
        %get3A_1786 = arith.index_cast %get3A_1785 : i32 to index
        %get3A_1787 = arith.index_cast %add3A_1784 : i32 to index
        %get3A_1788 = arith.constant 48 : index
        %get3A_1789 = tpu.vector_load %arg6[%get3A_1786, %get3A_1787, %get3A_1788] {strides = array<i32>} : memref<2x800x64xf32, #tpu.memory_space<vmem>>, vector<1x1x16xf32>,
        %get3A_1790 = vector.shape_cast %get3A_1789 : vector<1x1x16xf32> to vector<16xf32>
        %add3A_1791 = arith.addf %add3A_1782, %get3A_1790 : vector<16xf32>
        %add3A_1792 = arith.constant 20 : i32
        %add3A_1793 = arith.addi %mul3A_245, %add3A_1792 : i32
        %get3A_1794 = arith.constant 1 : i32
        %get3A_1795 = arith.index_cast %get3A_1794 : i32 to index
        %get3A_1796 = arith.index_cast %add3A_1793 : i32 to index
        %get3A_1797 = arith.constant 48 : index
        %get3A_1798 = tpu.vector_load %arg6[%get3A_1795, %get3A_1796, %get3A_1797] {strides = array<i32>} : memref<2x800x64xf32, #tpu.memory_space<vmem>>, vector<1x1x16xf32>,
        %get3A_1799 = vector.shape_cast %get3A_1798 : vector<1x1x16xf32> to vector<16xf32>
        %add3A_1800 = arith.addf %add3A_1791, %get3A_1799 : vector<16xf32>
        %add3A_1801 = arith.constant 21 : i32
        %add3A_1802 = arith.addi %mul3A_245, %add3A_1801 : i32
        %get3A_1803 = arith.constant 1 : i32
        %get3A_1804 = arith.index_cast %get3A_1803 : i32 to index
        %get3A_1805 = arith.index_cast %add3A_1802 : i32 to index
        %get3A_1806 = arith.constant 48 : index
        %get3A_1807 = tpu.vector_load %arg6[%get3A_1804, %get3A_1805, %get3A_1806] {strides = array<i32>} : memref<2x800x64xf32, #tpu.memory_space<vmem>>, vector<1x1x16xf32>,
        %get3A_1808 = vector.shape_cast %get3A_1807 : vector<1x1x16xf32> to vector<16xf32>
        %add3A_1809 = arith.addf %add3A_1800, %get3A_1808 : vector<16xf32>
        %add3A_1810 = arith.constant 22 : i32
        %add3A_1811 = arith.addi %mul3A_245, %add3A_1810 : i32
        %get3A_1812 = arith.constant 1 : i32
        %get3A_1813 = arith.index_cast %get3A_1812 : i32 to index
        %get3A_1814 = arith.index_cast %add3A_1811 : i32 to index
        %get3A_1815 = arith.constant 48 : index
        %get3A_1816 = tpu.vector_load %arg6[%get3A_1813, %get3A_1814, %get3A_1815] {strides = array<i32>} : memref<2x800x64xf32, #tpu.memory_space<vmem>>, vector<1x1x16xf32>,
        %get3A_1817 = vector.shape_cast %get3A_1816 : vector<1x1x16xf32> to vector<16xf32>
        %add3A_1818 = arith.addf %add3A_1809, %get3A_1817 : vector<16xf32>
        %add3A_1819 = arith.constant 23 : i32
        %add3A_1820 = arith.addi %mul3A_245, %add3A_1819 : i32
        %get3A_1821 = arith.constant 1 : i32
        %get3A_1822 = arith.index_cast %get3A_1821 : i32 to index
        %get3A_1823 = arith.index_cast %add3A_1820 : i32 to index
        %get3A_1824 = arith.constant 48 : index
        %get3A_1825 = tpu.vector_load %arg6[%get3A_1822, %get3A_1823, %get3A_1824] {strides = array<i32>} : memref<2x800x64xf32, #tpu.memory_space<vmem>>, vector<1x1x16xf32>,
        %get3A_1826 = vector.shape_cast %get3A_1825 : vector<1x1x16xf32> to vector<16xf32>
        %add3A_1827 = arith.addf %add3A_1818, %get3A_1826 : vector<16xf32>
        %add3A_1828 = arith.constant 24 : i32
        %add3A_1829 = arith.addi %mul3A_245, %add3A_1828 : i32
        %get3A_1830 = arith.constant 1 : i32
        %get3A_1831 = arith.index_cast %get3A_1830 : i32 to index
        %get3A_1832 = arith.index_cast %add3A_1829 : i32 to index
        %get3A_1833 = arith.constant 48 : index
        %get3A_1834 = tpu.vector_load %arg6[%get3A_1831, %get3A_1832, %get3A_1833] {strides = array<i32>} : memref<2x800x64xf32, #tpu.memory_space<vmem>>, vector<1x1x16xf32>,
        %get3A_1835 = vector.shape_cast %get3A_1834 : vector<1x1x16xf32> to vector<16xf32>
        %add3A_1836 = arith.addf %add3A_1827, %get3A_1835 : vector<16xf32>
        %add3A_1837 = arith.constant 25 : i32
        %add3A_1838 = arith.addi %mul3A_245, %add3A_1837 : i32
        %get3A_1839 = arith.constant 1 : i32
        %get3A_1840 = arith.index_cast %get3A_1839 : i32 to index
        %get3A_1841 = arith.index_cast %add3A_1838 : i32 to index
        %get3A_1842 = arith.constant 48 : index
        %get3A_1843 = tpu.vector_load %arg6[%get3A_1840, %get3A_1841, %get3A_1842] {strides = array<i32>} : memref<2x800x64xf32, #tpu.memory_space<vmem>>, vector<1x1x16xf32>,
        %get3A_1844 = vector.shape_cast %get3A_1843 : vector<1x1x16xf32> to vector<16xf32>
        %add3A_1845 = arith.addf %add3A_1836, %get3A_1844 : vector<16xf32>
        %add3A_1846 = arith.constant 26 : i32
        %add3A_1847 = arith.addi %mul3A_245, %add3A_1846 : i32
        %get3A_1848 = arith.constant 1 : i32
        %get3A_1849 = arith.index_cast %get3A_1848 : i32 to index
        %get3A_1850 = arith.index_cast %add3A_1847 : i32 to index
        %get3A_1851 = arith.constant 48 : index
        %get3A_1852 = tpu.vector_load %arg6[%get3A_1849, %get3A_1850, %get3A_1851] {strides = array<i32>} : memref<2x800x64xf32, #tpu.memory_space<vmem>>, vector<1x1x16xf32>,
        %get3A_1853 = vector.shape_cast %get3A_1852 : vector<1x1x16xf32> to vector<16xf32>
        %add3A_1854 = arith.addf %add3A_1845, %get3A_1853 : vector<16xf32>
        %add3A_1855 = arith.constant 27 : i32
        %add3A_1856 = arith.addi %mul3A_245, %add3A_1855 : i32
        %get3A_1857 = arith.constant 1 : i32
        %get3A_1858 = arith.index_cast %get3A_1857 : i32 to index
        %get3A_1859 = arith.index_cast %add3A_1856 : i32 to index
        %get3A_1860 = arith.constant 48 : index
        %get3A_1861 = tpu.vector_load %arg6[%get3A_1858, %get3A_1859, %get3A_1860] {strides = array<i32>} : memref<2x800x64xf32, #tpu.memory_space<vmem>>, vector<1x1x16xf32>,
        %get3A_1862 = vector.shape_cast %get3A_1861 : vector<1x1x16xf32> to vector<16xf32>
        %add3A_1863 = arith.addf %add3A_1854, %get3A_1862 : vector<16xf32>
        %add3A_1864 = arith.constant 28 : i32
        %add3A_1865 = arith.addi %mul3A_245, %add3A_1864 : i32
        %get3A_1866 = arith.constant 1 : i32
        %get3A_1867 = arith.index_cast %get3A_1866 : i32 to index
        %get3A_1868 = arith.index_cast %add3A_1865 : i32 to index
        %get3A_1869 = arith.constant 48 : index
        %get3A_1870 = tpu.vector_load %arg6[%get3A_1867, %get3A_1868, %get3A_1869] {strides = array<i32>} : memref<2x800x64xf32, #tpu.memory_space<vmem>>, vector<1x1x16xf32>,
        %get3A_1871 = vector.shape_cast %get3A_1870 : vector<1x1x16xf32> to vector<16xf32>
        %add3A_1872 = arith.addf %add3A_1863, %get3A_1871 : vector<16xf32>
        %add3A_1873 = arith.constant 29 : i32
        %add3A_1874 = arith.addi %mul3A_245, %add3A_1873 : i32
        %get3A_1875 = arith.constant 1 : i32
        %get3A_1876 = arith.index_cast %get3A_1875 : i32 to index
        %get3A_1877 = arith.index_cast %add3A_1874 : i32 to index
        %get3A_1878 = arith.constant 48 : index
        %get3A_1879 = tpu.vector_load %arg6[%get3A_1876, %get3A_1877, %get3A_1878] {strides = array<i32>} : memref<2x800x64xf32, #tpu.memory_space<vmem>>, vector<1x1x16xf32>,
        %get3A_1880 = vector.shape_cast %get3A_1879 : vector<1x1x16xf32> to vector<16xf32>
        %add3A_1881 = arith.addf %add3A_1872, %get3A_1880 : vector<16xf32>
        %add3A_1882 = arith.constant 30 : i32
        %add3A_1883 = arith.addi %mul3A_245, %add3A_1882 : i32
        %get3A_1884 = arith.constant 1 : i32
        %get3A_1885 = arith.index_cast %get3A_1884 : i32 to index
        %get3A_1886 = arith.index_cast %add3A_1883 : i32 to index
        %get3A_1887 = arith.constant 48 : index
        %get3A_1888 = tpu.vector_load %arg6[%get3A_1885, %get3A_1886, %get3A_1887] {strides = array<i32>} : memref<2x800x64xf32, #tpu.memory_space<vmem>>, vector<1x1x16xf32>,
        %get3A_1889 = vector.shape_cast %get3A_1888 : vector<1x1x16xf32> to vector<16xf32>
        %add3A_1890 = arith.addf %add3A_1881, %get3A_1889 : vector<16xf32>
        %add3A_1891 = arith.constant 31 : i32
        %add3A_1892 = arith.addi %mul3A_245, %add3A_1891 : i32
        %get3A_1893 = arith.constant 1 : i32
        %get3A_1894 = arith.index_cast %get3A_1893 : i32 to index
        %get3A_1895 = arith.index_cast %add3A_1892 : i32 to index
        %get3A_1896 = arith.constant 48 : index
        %get3A_1897 = tpu.vector_load %arg6[%get3A_1894, %get3A_1895, %get3A_1896] {strides = array<i32>} : memref<2x800x64xf32, #tpu.memory_space<vmem>>, vector<1x1x16xf32>,
        %get3A_1898 = vector.shape_cast %get3A_1897 : vector<1x1x16xf32> to vector<16xf32>
        %add3A_1899 = arith.addf %add3A_1890, %get3A_1898 : vector<16xf32>
        %add3A_1900 = arith.constant 32 : i32
        %add3A_1901 = arith.addi %mul3A_245, %add3A_1900 : i32
        %get3A_1902 = arith.constant 1 : i32
        %get3A_1903 = arith.index_cast %get3A_1902 : i32 to index
        %get3A_1904 = arith.index_cast %add3A_1901 : i32 to index
        %get3A_1905 = arith.constant 48 : index
        %get3A_1906 = tpu.vector_load %arg6[%get3A_1903, %get3A_1904, %get3A_1905] {strides = array<i32>} : memref<2x800x64xf32, #tpu.memory_space<vmem>>, vector<1x1x16xf32>,
        %get3A_1907 = vector.shape_cast %get3A_1906 : vector<1x1x16xf32> to vector<16xf32>
        %add3A_1908 = arith.addf %add3A_1899, %get3A_1907 : vector<16xf32>
        %add3A_1909 = arith.constant 33 : i32
        %add3A_1910 = arith.addi %mul3A_245, %add3A_1909 : i32
        %get3A_1911 = arith.constant 1 : i32
        %get3A_1912 = arith.index_cast %get3A_1911 : i32 to index
        %get3A_1913 = arith.index_cast %add3A_1910 : i32 to index
        %get3A_1914 = arith.constant 48 : index
        %get3A_1915 = tpu.vector_load %arg6[%get3A_1912, %get3A_1913, %get3A_1914] {strides = array<i32>} : memref<2x800x64xf32, #tpu.memory_space<vmem>>, vector<1x1x16xf32>,
        %get3A_1916 = vector.shape_cast %get3A_1915 : vector<1x1x16xf32> to vector<16xf32>
        %add3A_1917 = arith.addf %add3A_1908, %get3A_1916 : vector<16xf32>
        %add3A_1918 = arith.constant 34 : i32
        %add3A_1919 = arith.addi %mul3A_245, %add3A_1918 : i32
        %get3A_1920 = arith.constant 1 : i32
        %get3A_1921 = arith.index_cast %get3A_1920 : i32 to index
        %get3A_1922 = arith.index_cast %add3A_1919 : i32 to index
        %get3A_1923 = arith.constant 48 : index
        %get3A_1924 = tpu.vector_load %arg6[%get3A_1921, %get3A_1922, %get3A_1923] {strides = array<i32>} : memref<2x800x64xf32, #tpu.memory_space<vmem>>, vector<1x1x16xf32>,
        %get3A_1925 = vector.shape_cast %get3A_1924 : vector<1x1x16xf32> to vector<16xf32>
        %add3A_1926 = arith.addf %add3A_1917, %get3A_1925 : vector<16xf32>
        %add3A_1927 = arith.constant 35 : i32
        %add3A_1928 = arith.addi %mul3A_245, %add3A_1927 : i32
        %get3A_1929 = arith.constant 1 : i32
        %get3A_1930 = arith.index_cast %get3A_1929 : i32 to index
        %get3A_1931 = arith.index_cast %add3A_1928 : i32 to index
        %get3A_1932 = arith.constant 48 : index
        %get3A_1933 = tpu.vector_load %arg6[%get3A_1930, %get3A_1931, %get3A_1932] {strides = array<i32>} : memref<2x800x64xf32, #tpu.memory_space<vmem>>, vector<1x1x16xf32>,
        %get3A_1934 = vector.shape_cast %get3A_1933 : vector<1x1x16xf32> to vector<16xf32>
        %add3A_1935 = arith.addf %add3A_1926, %get3A_1934 : vector<16xf32>
        %add3A_1936 = arith.constant 36 : i32
        %add3A_1937 = arith.addi %mul3A_245, %add3A_1936 : i32
        %get3A_1938 = arith.constant 1 : i32
        %get3A_1939 = arith.index_cast %get3A_1938 : i32 to index
        %get3A_1940 = arith.index_cast %add3A_1937 : i32 to index
        %get3A_1941 = arith.constant 48 : index
        %get3A_1942 = tpu.vector_load %arg6[%get3A_1939, %get3A_1940, %get3A_1941] {strides = array<i32>} : memref<2x800x64xf32, #tpu.memory_space<vmem>>, vector<1x1x16xf32>,
        %get3A_1943 = vector.shape_cast %get3A_1942 : vector<1x1x16xf32> to vector<16xf32>
        %add3A_1944 = arith.addf %add3A_1935, %get3A_1943 : vector<16xf32>
        %add3A_1945 = arith.constant 37 : i32
        %add3A_1946 = arith.addi %mul3A_245, %add3A_1945 : i32
        %get3A_1947 = arith.constant 1 : i32
        %get3A_1948 = arith.index_cast %get3A_1947 : i32 to index
        %get3A_1949 = arith.index_cast %add3A_1946 : i32 to index
        %get3A_1950 = arith.constant 48 : index
        %get3A_1951 = tpu.vector_load %arg6[%get3A_1948, %get3A_1949, %get3A_1950] {strides = array<i32>} : memref<2x800x64xf32, #tpu.memory_space<vmem>>, vector<1x1x16xf32>,
        %get3A_1952 = vector.shape_cast %get3A_1951 : vector<1x1x16xf32> to vector<16xf32>
        %add3A_1953 = arith.addf %add3A_1944, %get3A_1952 : vector<16xf32>
        %add3A_1954 = arith.constant 38 : i32
        %add3A_1955 = arith.addi %mul3A_245, %add3A_1954 : i32
        %get3A_1956 = arith.constant 1 : i32
        %get3A_1957 = arith.index_cast %get3A_1956 : i32 to index
        %get3A_1958 = arith.index_cast %add3A_1955 : i32 to index
        %get3A_1959 = arith.constant 48 : index
        %get3A_1960 = tpu.vector_load %arg6[%get3A_1957, %get3A_1958, %get3A_1959] {strides = array<i32>} : memref<2x800x64xf32, #tpu.memory_space<vmem>>, vector<1x1x16xf32>,
        %get3A_1961 = vector.shape_cast %get3A_1960 : vector<1x1x16xf32> to vector<16xf32>
        %add3A_1962 = arith.addf %add3A_1953, %get3A_1961 : vector<16xf32>
        %add3A_1963 = arith.constant 39 : i32
        %add3A_1964 = arith.addi %mul3A_245, %add3A_1963 : i32
        %get3A_1965 = arith.constant 1 : i32
        %get3A_1966 = arith.index_cast %get3A_1965 : i32 to index
        %get3A_1967 = arith.index_cast %add3A_1964 : i32 to index
        %get3A_1968 = arith.constant 48 : index
        %get3A_1969 = tpu.vector_load %arg6[%get3A_1966, %get3A_1967, %get3A_1968] {strides = array<i32>} : memref<2x800x64xf32, #tpu.memory_space<vmem>>, vector<1x1x16xf32>,
        %get3A_1970 = vector.shape_cast %get3A_1969 : vector<1x1x16xf32> to vector<16xf32>
        %add3A_1971 = arith.addf %add3A_1962, %get3A_1970 : vector<16xf32>
        %add3A_1972 = arith.constant 40 : i32
        %add3A_1973 = arith.addi %mul3A_245, %add3A_1972 : i32
        %get3A_1974 = arith.constant 1 : i32
        %get3A_1975 = arith.index_cast %get3A_1974 : i32 to index
        %get3A_1976 = arith.index_cast %add3A_1973 : i32 to index
        %get3A_1977 = arith.constant 48 : index
        %get3A_1978 = tpu.vector_load %arg6[%get3A_1975, %get3A_1976, %get3A_1977] {strides = array<i32>} : memref<2x800x64xf32, #tpu.memory_space<vmem>>, vector<1x1x16xf32>,
        %get3A_1979 = vector.shape_cast %get3A_1978 : vector<1x1x16xf32> to vector<16xf32>
        %add3A_1980 = arith.addf %add3A_1971, %get3A_1979 : vector<16xf32>
        %add3A_1981 = arith.constant 41 : i32
        %add3A_1982 = arith.addi %mul3A_245, %add3A_1981 : i32
        %get3A_1983 = arith.constant 1 : i32
        %get3A_1984 = arith.index_cast %get3A_1983 : i32 to index
        %get3A_1985 = arith.index_cast %add3A_1982 : i32 to index
        %get3A_1986 = arith.constant 48 : index
        %get3A_1987 = tpu.vector_load %arg6[%get3A_1984, %get3A_1985, %get3A_1986] {strides = array<i32>} : memref<2x800x64xf32, #tpu.memory_space<vmem>>, vector<1x1x16xf32>,
        %get3A_1988 = vector.shape_cast %get3A_1987 : vector<1x1x16xf32> to vector<16xf32>
        %add3A_1989 = arith.addf %add3A_1980, %get3A_1988 : vector<16xf32>
        %add3A_1990 = arith.constant 42 : i32
        %add3A_1991 = arith.addi %mul3A_245, %add3A_1990 : i32
        %get3A_1992 = arith.constant 1 : i32
        %get3A_1993 = arith.index_cast %get3A_1992 : i32 to index
        %get3A_1994 = arith.index_cast %add3A_1991 : i32 to index
        %get3A_1995 = arith.constant 48 : index
        %get3A_1996 = tpu.vector_load %arg6[%get3A_1993, %get3A_1994, %get3A_1995] {strides = array<i32>} : memref<2x800x64xf32, #tpu.memory_space<vmem>>, vector<1x1x16xf32>,
        %get3A_1997 = vector.shape_cast %get3A_1996 : vector<1x1x16xf32> to vector<16xf32>
        %add3A_1998 = arith.addf %add3A_1989, %get3A_1997 : vector<16xf32>
        %add3A_1999 = arith.constant 43 : i32
        %add3A_2000 = arith.addi %mul3A_245, %add3A_1999 : i32
        %get3A_2001 = arith.constant 1 : i32
        %get3A_2002 = arith.index_cast %get3A_2001 : i32 to index
        %get3A_2003 = arith.index_cast %add3A_2000 : i32 to index
        %get3A_2004 = arith.constant 48 : index
        %get3A_2005 = tpu.vector_load %arg6[%get3A_2002, %get3A_2003, %get3A_2004] {strides = array<i32>} : memref<2x800x64xf32, #tpu.memory_space<vmem>>, vector<1x1x16xf32>,
        %get3A_2006 = vector.shape_cast %get3A_2005 : vector<1x1x16xf32> to vector<16xf32>
        %add3A_2007 = arith.addf %add3A_1998, %get3A_2006 : vector<16xf32>
        %add3A_2008 = arith.constant 44 : i32
        %add3A_2009 = arith.addi %mul3A_245, %add3A_2008 : i32
        %get3A_2010 = arith.constant 1 : i32
        %get3A_2011 = arith.index_cast %get3A_2010 : i32 to index
        %get3A_2012 = arith.index_cast %add3A_2009 : i32 to index
        %get3A_2013 = arith.constant 48 : index
        %get3A_2014 = tpu.vector_load %arg6[%get3A_2011, %get3A_2012, %get3A_2013] {strides = array<i32>} : memref<2x800x64xf32, #tpu.memory_space<vmem>>, vector<1x1x16xf32>,
        %get3A_2015 = vector.shape_cast %get3A_2014 : vector<1x1x16xf32> to vector<16xf32>
        %add3A_2016 = arith.addf %add3A_2007, %get3A_2015 : vector<16xf32>
        %add3A_2017 = arith.constant 45 : i32
        %add3A_2018 = arith.addi %mul3A_245, %add3A_2017 : i32
        %get3A_2019 = arith.constant 1 : i32
        %get3A_2020 = arith.index_cast %get3A_2019 : i32 to index
        %get3A_2021 = arith.index_cast %add3A_2018 : i32 to index
        %get3A_2022 = arith.constant 48 : index
        %get3A_2023 = tpu.vector_load %arg6[%get3A_2020, %get3A_2021, %get3A_2022] {strides = array<i32>} : memref<2x800x64xf32, #tpu.memory_space<vmem>>, vector<1x1x16xf32>,
        %get3A_2024 = vector.shape_cast %get3A_2023 : vector<1x1x16xf32> to vector<16xf32>
        %add3A_2025 = arith.addf %add3A_2016, %get3A_2024 : vector<16xf32>
        %add3A_2026 = arith.constant 46 : i32
        %add3A_2027 = arith.addi %mul3A_245, %add3A_2026 : i32
        %get3A_2028 = arith.constant 1 : i32
        %get3A_2029 = arith.index_cast %get3A_2028 : i32 to index
        %get3A_2030 = arith.index_cast %add3A_2027 : i32 to index
        %get3A_2031 = arith.constant 48 : index
        %get3A_2032 = tpu.vector_load %arg6[%get3A_2029, %get3A_2030, %get3A_2031] {strides = array<i32>} : memref<2x800x64xf32, #tpu.memory_space<vmem>>, vector<1x1x16xf32>,
        %get3A_2033 = vector.shape_cast %get3A_2032 : vector<1x1x16xf32> to vector<16xf32>
        %add3A_2034 = arith.addf %add3A_2025, %get3A_2033 : vector<16xf32>
        %add3A_2035 = arith.constant 47 : i32
        %add3A_2036 = arith.addi %mul3A_245, %add3A_2035 : i32
        %get3A_2037 = arith.constant 1 : i32
        %get3A_2038 = arith.index_cast %get3A_2037 : i32 to index
        %get3A_2039 = arith.index_cast %add3A_2036 : i32 to index
        %get3A_2040 = arith.constant 48 : index
        %get3A_2041 = tpu.vector_load %arg6[%get3A_2038, %get3A_2039, %get3A_2040] {strides = array<i32>} : memref<2x800x64xf32, #tpu.memory_space<vmem>>, vector<1x1x16xf32>,
        %get3A_2042 = vector.shape_cast %get3A_2041 : vector<1x1x16xf32> to vector<16xf32>
        %add3A_2043 = arith.addf %add3A_2034, %get3A_2042 : vector<16xf32>
        %add3A_2044 = arith.constant 48 : i32
        %add3A_2045 = arith.addi %mul3A_245, %add3A_2044 : i32
        %get3A_2046 = arith.constant 1 : i32
        %get3A_2047 = arith.index_cast %get3A_2046 : i32 to index
        %get3A_2048 = arith.index_cast %add3A_2045 : i32 to index
        %get3A_2049 = arith.constant 48 : index
        %get3A_2050 = tpu.vector_load %arg6[%get3A_2047, %get3A_2048, %get3A_2049] {strides = array<i32>} : memref<2x800x64xf32, #tpu.memory_space<vmem>>, vector<1x1x16xf32>,
        %get3A_2051 = vector.shape_cast %get3A_2050 : vector<1x1x16xf32> to vector<16xf32>
        %add3A_2052 = arith.addf %add3A_2043, %get3A_2051 : vector<16xf32>
        %add3A_2053 = arith.constant 49 : i32
        %add3A_2054 = arith.addi %mul3A_245, %add3A_2053 : i32
        %get3A_2055 = arith.constant 1 : i32
        %get3A_2056 = arith.index_cast %get3A_2055 : i32 to index
        %get3A_2057 = arith.index_cast %add3A_2054 : i32 to index
        %get3A_2058 = arith.constant 48 : index
        %get3A_2059 = tpu.vector_load %arg6[%get3A_2056, %get3A_2057, %get3A_2058] {strides = array<i32>} : memref<2x800x64xf32, #tpu.memory_space<vmem>>, vector<1x1x16xf32>,
        %get3A_2060 = vector.shape_cast %get3A_2059 : vector<1x1x16xf32> to vector<16xf32>
        %add3A_2061 = arith.addf %add3A_2052, %get3A_2060 : vector<16xf32>
        %mul3A_2062 = arith.constant 2.000000e-02 : f32
        %mul3A_2063 = vector.broadcast %mul3A_2062 : f32 to vector<16xf32>
        %mul3A_2064 = arith.mulf %add3A_2061, %mul3A_2063 : vector<16xf32>
        %swap3A_2065 = arith.constant 1 : i32
        %swap3A_2066 = arith.index_cast %swap3A_2065 : i32 to index
        %swap3A_2067 = arith.index_cast %scan3A_243 : i32 to index
        %swap3A_2068 = arith.constant 48 : index
        %swap3A_2069 = tpu.vector_load %arg7[%swap3A_2066, %swap3A_2067, %swap3A_2068] {strides = array<i32>} : memref<2x16x64xf32, #tpu.memory_space<vmem>>, vector<1x1x16xf32>,
        %swap3A_2070 = vector.shape_cast %swap3A_2069 : vector<1x1x16xf32> to vector<16xf32>
        %swap3A_2071 = vector.shape_cast %mul3A_2064 : vector<16xf32> to vector<1x1x16xf32>
        tpu.vector_store %arg7[%swap3A_2066, %swap3A_2067, %swap3A_2068], %swap3A_2071 {strides = array<i32>} : memref<2x16x64xf32, #tpu.memory_space<vmem>>, vector<1x1x16xf32>,
      }
      %scan3A_226 = arith.constant 16 : i32
      %mul3A_227 = arith.constant 16 : i32
      %mul3A_228 = arith.muli %add3A_193, %mul3A_227 : i32
      %add3A_229 = arith.addi %mul3A_2, %mul3A_228 : i32
      %dma_start3A_230 = arith.constant 1 : i32
      %dma_start3A_231 = arith.constant 0 : i32
      %dma_start3A_232 = arith.constant 0 : i32
      %dma_start3A_233 = tpu.memref_slice %arg7[%dma_start3A_230, %dma_start3A_231, %dma_start3A_232] : memref<2x16x64xf32, #tpu.memory_space<vmem>> -> memref<1x16x64xf32, #tpu.memory_space<vmem>>
      %dma_start3A_234 = tpu.memref_squeeze %dma_start3A_233 : memref<1x16x64xf32, #tpu.memory_space<vmem>> -> memref<16x64xf32, #tpu.memory_space<vmem>>
      %dma_start3A_235 = arith.constant 0 : i32
      %dma_start3A_236 = tpu.memref_slice %arg4[%add3A_229, %dma_start3A_235] : memref<16384x64xf32, #tpu.memory_space<hbm>> -> memref<16x64xf32, #tpu.memory_space<hbm>>
      %dma_start3A_237 = arith.constant 0 : i32
      %dma_start3A_238 = tpu.memref_slice %arg4[%add3A_229, %dma_start3A_237] : memref<16384x64xf32, #tpu.memory_space<hbm>> -> memref<16x64xf32, #tpu.memory_space<hbm>>
      %dma_start3A_239 = arith.constant 0 : i32
      %dma_start3A_240 = arith.constant 0 : i32
      %dma_start3A_241 = tpu.memref_slice %arg7[%dma_start3A_230, %dma_start3A_239, %dma_start3A_240] : memref<2x16x64xf32, #tpu.memory_space<vmem>> -> memref<1x16x64xf32, #tpu.memory_space<vmem>>
      %dma_start3A_242 = tpu.memref_squeeze %dma_start3A_241 : memref<1x16x64xf32, #tpu.memory_space<vmem>> -> memref<16x64xf32, #tpu.memory_space<vmem>>
      tpu.enqueue_dma source(%dma_start3A_242 : memref<16x64xf32, #tpu.memory_space<vmem>>) target(%dma_start3A_238 : memref<16x64xf32, #tpu.memory_space<hbm>>) target_semaphore(%arg11 : memref<!tpu.dma_semaphore, #tpu.memory_space<semaphore_mem>>)
    }
    %scan3A_110 = arith.constant 16 : i32
    %dma_wait3A = arith.constant 0 : i32
    %dma_wait3A_111 = arith.constant 0 : i32
    %dma_wait3A_112 = arith.constant 0 : i32
    %dma_wait3A_113 = tpu.memref_slice %arg7[%dma_wait3A, %dma_wait3A_111, %dma_wait3A_112] : memref<2x16x64xf32, #tpu.memory_space<vmem>> -> memref<1x16x64xf32, #tpu.memory_space<vmem>>
    %dma_wait3A_114 = tpu.memref_squeeze %dma_wait3A_113 : memref<1x16x64xf32, #tpu.memory_space<vmem>> -> memref<16x64xf32, #tpu.memory_space<vmem>>
    %dma_wait3A_115 = arith.constant 0 : i32
    %dma_wait3A_116 = arith.constant 0 : i32
    %dma_wait3A_117 = tpu.memref_slice %arg4[%dma_wait3A_115, %dma_wait3A_116] : memref<16384x64xf32, #tpu.memory_space<hbm>> -> memref<16x64xf32, #tpu.memory_space<hbm>>
    %dma_wait3A_118 = arith.constant 0 : i32
    %dma_wait3A_119 = arith.constant 0 : i32
    %dma_wait3A_120 = tpu.memref_slice %arg4[%dma_wait3A_118, %dma_wait3A_119] : memref<16384x64xf32, #tpu.memory_space<hbm>> -> memref<16x64xf32, #tpu.memory_space<hbm>>
    %dma_wait3A_121 = arith.constant 0 : i32
    %dma_wait3A_122 = arith.constant 0 : i32
    %dma_wait3A_123 = tpu.memref_slice %arg7[%dma_wait3A, %dma_wait3A_121, %dma_wait3A_122] : memref<2x16x64xf32, #tpu.memory_space<vmem>> -> memref<1x16x64xf32, #tpu.memory_space<vmem>>
    %dma_wait3A_124 = tpu.memref_squeeze %dma_wait3A_123 : memref<1x16x64xf32, #tpu.memory_space<vmem>> -> memref<16x64xf32, #tpu.memory_space<vmem>>
    tpu.wait_dma2 semaphore(%arg10 : memref<!tpu.dma_semaphore, #tpu.memory_space<semaphore_mem>>) src(%dma_wait3A_124 : memref<16x64xf32, #tpu.memory_space<vmem>>) dst(%dma_wait3A_120 : memref<16x64xf32, #tpu.memory_space<hbm>>)
    %dma_wait3A_125 = arith.constant 1 : i32
    %dma_wait3A_126 = arith.constant 0 : i32
    %dma_wait3A_127 = arith.constant 0 : i32
    %dma_wait3A_128 = tpu.memref_slice %arg7[%dma_wait3A_125, %dma_wait3A_126, %dma_wait3A_127] : memref<2x16x64xf32, #tpu.memory_space<vmem>> -> memref<1x16x64xf32, #tpu.memory_space<vmem>>
    %dma_wait3A_129 = tpu.memref_squeeze %dma_wait3A_128 : memref<1x16x64xf32, #tpu.memory_space<vmem>> -> memref<16x64xf32, #tpu.memory_space<vmem>>
    %dma_wait3A_130 = arith.constant 0 : i32
    %dma_wait3A_131 = arith.constant 0 : i32
    %dma_wait3A_132 = tpu.memref_slice %arg4[%dma_wait3A_130, %dma_wait3A_131] : memref<16384x64xf32, #tpu.memory_space<hbm>> -> memref<16x64xf32, #tpu.memory_space<hbm>>
    %dma_wait3A_133 = arith.constant 0 : i32
    %dma_wait3A_134 = arith.constant 0 : i32
    %dma_wait3A_135 = tpu.memref_slice %arg4[%dma_wait3A_133, %dma_wait3A_134] : memref<16384x64xf32, #tpu.memory_space<hbm>> -> memref<16x64xf32, #tpu.memory_space<hbm>>
    %dma_wait3A_136 = arith.constant 0 : i32
    %dma_wait3A_137 = arith.constant 0 : i32
    %dma_wait3A_138 = tpu.memref_slice %arg7[%dma_wait3A_125, %dma_wait3A_136, %dma_wait3A_137] : memref<2x16x64xf32, #tpu.memory_space<vmem>> -> memref<1x16x64xf32, #tpu.memory_space<vmem>>
    %dma_wait3A_139 = tpu.memref_squeeze %dma_wait3A_138 : memref<1x16x64xf32, #tpu.memory_space<vmem>> -> memref<16x64xf32, #tpu.memory_space<vmem>>
    tpu.wait_dma2 semaphore(%arg11 : memref<!tpu.dma_semaphore, #tpu.memory_space<semaphore_mem>>) src(%dma_wait3A_139 : memref<16x64xf32, #tpu.memory_space<vmem>>) dst(%dma_wait3A_135 : memref<16x64xf32, #tpu.memory_space<hbm>>)
    return
  }
}

</mosaic_0001>

<sc_bundles>
// kernel: kernel.3.cloned.1.call-start
scs
__scs_entry_jumppad:
0x0: {  	(pc) =	sbr.rel $0x88, $3  }
0x1: {  	(tag) =	ssettag $0x0;
	lr =	simm.s32 $0x1  }
0x2: {  	[smem:$0x3F9F] =	sst lr;
	_ =	strace $0xD0000000  }
0x3: {  	_ = 	snop  }
0x4: {  	_ = 	snop  }
0x5: {  	_ = 	snop  }
0x6: {  	_ = 	snop  }
0x7: {  	_ = 	snop  }
__scs_overlays_trampoline_lowered:
0x8: {  	[smem:$0x3FAE] =	sst s0  }
0x9: {  	[smem:$0x3FAF] =	sst s1  }
0xa: {  	[smem:$0x3FB0] =	sst s2  }
0xb: {  	[smem:$0x3FB1] =	sst s3  }
0xc: {  	[smem:$0x3FB2] =	sst s4  }
0xd: {  	[smem:$0x3FB3] =	sst s5  }
0xe: {  	[smem:$0x3FB4] =	sst s6  }
0xf: {  	[smem:$0x3FB5] =	sst s7  }
0x10: {  	[smem:$0x3FB6] =	sst s8  }
0x11: {  	[smem:$0x3FB7] =	sst s9;
	s0 =	simm.s32 @!p0 $0x0  }
0x12: {  	s1 =	sld [smem:$0x3F9D];
	s0 =	simm.s32 @p0 $0x1  }
0x13: {  	[smem:$0x3FB8] =	sst s0;
	s0 =	simm.s32 @!p1 $0x0  }
0x14: {  	s2 =	sld [smem:$0x3F9C];
	s0 =	simm.s32 @p1 $0x1  }
0x15: {  	[smem:$0x3FB9] =	sst s0;
	s0 =	simm.s32 @!p2 $0x0  }
0x16: {  	s3 =	sld [smem:$0x3FDB];
	s0 =	simm.s32 @p2 $0x1  }
0x17: {  	s4 =	simm.s32 $0x1BF5;
	[smem:$0x3FBB] =	sst s0  }
0x18: {  	s0 =	sld [smem:$0x3F9E];
	_ =	swait.ge [sflag:s4], $0x0  }
0x19: {  	s7 =	sld [smem:$0x3F9F]  }
0x1a: {  	s8 =	sadd.s32 $0xFFFFE003, lr  }
0x1b: {  	s9 =	sadd.s32 $0xFFFFFEF7, lr;
	s5 =	simm.s32 $0xFFFFFFFF;
	p2 =	slt.u32 s8, $0xFFFFF086  }
0x1c: {  	p1 =	slt.u32 s9, $0xF7A;
	s5 =	simm.s32 @!p2 $0x0  }
0x1d: {  	s5 =	simm.s32 @p1 $0x1;
	p0 =	seq.s32 s7, s2  }
0x1e: {  	s7 =	smul.u32 @!p0 $0xF7A, s2;
	p2 =	seq.s32 @!p0 s5, $0x0  }
0x1f: {  	s9 =	smul.u32 $0xF7A, s1;
	s8 =	simm.s32 @!p0 $0x1BF5;
	p2 =	por !p2, p0  }
0x20: {  	[sflag:s8] =	ssyncset.s32 @!p0 $0xFFFFF086;
	s6 =	sadd.s32 @!p0 s3, s7;
	s7 =	simm.s32 @!p0 $0x108  }
0x21: {  	s3 =	sadd.s32 s3, s9;
	s6 =	sadd.s32 @!p0 $0x88, s6;
	s7 =	simm.s32 @p2 $0x1082  }
0x22: {  	[simem:s7], [sflag:s8] =	dma.local @!p0 [hbm:s6], $0xF7A  }
0x23: {  	s9 =	sor.u32 $0xD0000000, s2;
	s6 =	simm.s32 $0x108;
	_ =	swait.ge @!p0 [sflag:s8], $0x0  }
0x24: {  	s3 =	sadd.s32 $0x88, s3;
	s6 =	simm.s32 @!p1 $0x1082;
	[sflag:s4] =	ssyncset.s32 $0xFFFFF086  }
0x25: {  	[simem:s6], [sflag:s4] =	dma.local [hbm:s3], $0xF7A  }
0x26: {  	[smem:$0x3F9F] =	sst s1;
	(tag) =	ssettag s2;
	_ =	strace s9  }
0x27: {  	s1 =	sld [smem:$0x3FAF]  }
0x28: {  	s2 =	sld [smem:$0x3FB0]  }
0x29: {  	s4 =	sld [smem:$0x3FB2]  }
0x2a: {  	p0 =	seq.s32 s5, $0x0;
	s5 =	sld [smem:$0x3FB3]  }
0x2b: {  	s6 =	sld [smem:$0x3FB4]  }
0x2c: {  	s7 =	sld [smem:$0x3FB5]  }
0x2d: {  	s3 =	simm.s32 $0x108;
	s8 =	sld [smem:$0x3FB6]  }
0x2e: {  	s3 =	simm.s32 @!p0 $0x1082;
	s9 =	sld [smem:$0x3FB7]  }
0x2f: {  	lr =	sadd.s32 s0, s3;
	s0 =	sld [smem:$0x3FAE]  }
0x30: {  	s3 =	sld [smem:$0x3FB1]  }
0x31: {  	[smem:$0x3FBA] =	sst s10  }
0x32: {  	s10 =	sld [smem:$0x3FB8];
	_ =	sdelay $0x3  }
0x33: {  	p0 =	seq.s32 s10, $0x1;
	s10 =	sld [smem:$0x3FBA];
	_ =	sdelay $0x3  }
0x34: {  	[smem:$0x3FBA] =	sst s10  }
0x35: {  	s10 =	sld [smem:$0x3FB9];
	_ =	sdelay $0x3  }
0x36: {  	p1 =	seq.s32 s10, $0x1;
	s10 =	sld [smem:$0x3FBA];
	_ =	sdelay $0x3  }
0x37: {  	[smem:$0x3FBA] =	sst s10  }
0x38: {  	s10 =	sld [smem:$0x3FBB]  }
0x39: {  	_ = 	snop;
	(pc) =	sbr.ind lr, $3  }
0x3a: {  	_ = 	snop  }
0x3b: {  	_ = 	snop  }
0x3c: {  	p2 =	seq.s32 s10, $0x1;
	s10 =	sld [smem:$0x3FBA]  }
0x3d: {  	_ =	shalt  }
0x3e: {  	_ =	shalt  }
0x3f: {  	_ =	shalt  }
0x40: {  	_ =	shalt  }
0x41: {  	_ =	shalt  }
0x42: {  	_ =	shalt  }
0x43: {  	_ =	shalt  }
0x44: {  	_ =	shalt  }
0x45: {  	_ =	shalt  }
0x46: {  	_ =	shalt  }
0x47: {  	_ =	shalt  }
0x48: {  	_ =	shalt  }
0x49: {  	_ =	shalt  }
0x4a: {  	_ =	shalt  }
0x4b: {  	_ =	shalt  }
0x4c: {  	_ =	shalt  }
0x4d: {  	_ =	shalt  }
0x4e: {  	_ =	shalt  }
0x4f: {  	_ =	shalt  }
0x50: {  	_ =	shalt  }
0x51: {  	_ =	shalt  }
0x52: {  	_ =	shalt  }
0x53: {  	_ =	shalt  }
0x54: {  	_ =	shalt  }
0x55: {  	_ =	shalt  }
0x56: {  	_ =	shalt  }
0x57: {  	_ =	shalt  }
0x58: {  	_ =	shalt  }
0x59: {  	_ =	shalt  }
0x5a: {  	_ =	shalt  }
0x5b: {  	_ =	shalt  }
0x5c: {  	_ =	shalt  }
0x5d: {  	_ =	shalt  }
0x5e: {  	_ =	shalt  }
0x5f: {  	_ =	shalt  }
0x60: {  	_ =	shalt  }
0x61: {  	_ =	shalt  }
0x62: {  	_ =	shalt  }
0x63: {  	_ =	shalt  }
0x64: {  	_ =	shalt  }
0x65: {  	_ =	shalt  }
0x66: {  	_ =	shalt  }
0x67: {  	_ =	shalt  }
0x68: {  	_ =	shalt  }
0x69: {  	_ =	shalt  }
0x6a: {  	_ =	shalt  }
0x6b: {  	_ =	shalt  }
0x6c: {  	_ =	shalt  }
0x6d: {  	_ =	shalt  }
0x6e: {  	_ =	shalt  }
0x6f: {  	_ =	shalt  }
0x70: {  	_ =	shalt  }
0x71: {  	_ =	shalt  }
0x72: {  	_ =	shalt  }
0x73: {  	_ =	shalt  }
0x74: {  	_ =	shalt  }
0x75: {  	_ =	shalt  }
0x76: {  	_ =	shalt  }
0x77: {  	_ =	shalt  }
0x78: {  	_ =	shalt  }
0x79: {  	_ =	shalt  }
0x7a: {  	_ =	shalt  }
0x7b: {  	_ =	shalt  }
0x7c: {  	_ =	shalt  }
0x7d: {  	_ =	shalt  }
0x7e: {  	_ =	shalt  }
0x7f: {  	_ =	shalt  }
0x80: {  	_ =	shalt  }
0x81: {  	_ =	shalt  }
0x82: {  	_ =	shalt  }
0x83: {  	_ =	shalt  }
0x84: {  	_ =	shalt  }
0x85: {  	_ =	shalt  }
0x86: {  	_ =	shalt  }
0x87: {  	_ =	shalt  }
.Lfunc_end0:
.L_simem_size_0:
called_computation_lowered:
.L_overlay_start_0:
0x88: {  	s2 =	sld [smem:$0x3FD9]  }
0x89: {  	s3 =	sld [smem:$0x3FFE];
	_ =	sdelay $0x1  }
0x8a: {  	s1 =	srdreg.scid  }
0x8b: {  	s0 =	sand.u32 $0x1, s1  }
0x8c: {  	s17 =	sshll.u32 s0, $0xA;
	s2 =	sadd.s32 s3, s2  }
0x8d: {  	s2 =	sadd.s32 s2, s17  }
0x8e: {  	[smem:$0x3FC6] =	sst s2  }
0x8f: {  	_ = 	snop  }
0x90: {  	s2 =	sld [smem:$0x3FD0];
	(tm) =	ssettm $0x1  }
0x91: {  	s18 =	sld [smem:$0x3FFB];
	_ =	sdelay $0x3  }
0x92: {  	_ =	strace s18  }
0x93: {  	s3 =	sld [smem:$0x3FFC];
	_ =	sdelay $0x3  }
0x94: {  	_ =	strace s3  }
0x95: {  	s3 =	sld [smem:$0x3FFD];
	_ =	sdelay $0x3  }
0x96: {  	_ =	strace s3  }
0x97: {  	_ =	strace $0x8FFFFFFF  }
0x98: {  	s19 =	sld [smem:$0x3FDB];
	_ =	sdelay $0x1  }
0x99: {  	s4 =	simm.s32 $_scs_section_size  }
0x9a: {  	s5 =	simm.s32 $_size__tile_overlayer_lowered;
	s6 =	simm.s32 $_tile_overlayer_lowered  }
0x9b: {  	s22 =	simm.s32 $0x1BFF;
	s21 =	sshll.u32 s6, $0x1;
	s3 =	sadd.s32 s4, s19  }
0x9c: {  	s7 =	simm.s32 $0x0;
	s20 =	sshll.u32 s5, $0x1;
	s5 =	sadd.s32 s21, s3  }
0x9d: {  	[timem:s7], [sflag:s22] =	dma.local [hbm:s5], s20  }
0x9e: {  	_ =	swait.ge [sflag:s22], s20  }
0x9f: {  	s4 =	ssub.s32 $0x0, s20;
	[sflag:s22] =	ssyncset.done $0x0  }
0xa0: {  	[sflag:s22] =	ssyncadd.s32 s4;
	_ =	sdelay $0x1  }
0xa1: {  	s23 =	simm.s32 $0x1B8B  }
0xa2: {  	_ =	swait.ge [sflag:s23], $0x1  }
0xa3: {  	[sflag:s23] =	ssyncset.done $0x0  }
0xa4: {  	s25 =	simm.s32 $0x1B8E;
	s24 =	sld [smem:$0x3FFE];
	[sflag:s23] =	ssyncadd.s32 $0xFFFFFFFF  }
0xa5: {  	s26 =	simm.s32 $execute0_lowered;
	[smem:$0x3FD2] =	sst s25  }
0xa6: {  	s5 =	sshll.u32 s26, $0x1;
	_ =	strace $0x80000046;
	[dreg:$0x1] =	wrdreg $0xFFFFFFFF  }
0xa7: {  	s28 =	simm.s32 $_size_execute0_lowered;
	s3 =	sadd.s32 s3, s5;
	[dreg:$0x0] =	wrdreg $0x0  }
0xa8: {  	s5 =	sshll.u32 s28, $0x1;
	[dreg:$0x2] =	wrdreg s3  }
0xa9: {  	[dreg:$0x3] =	wrdreg s5  }
0xaa: {  	[dreg:$0x4] =	wrdreg $0xC0  }
0xab: {  	_ =	task [dreg:s7], $0x5FFFF  }
0xac: {  	[dreg:$0x1] =	wrdreg $0xFFFFFFFF  }
0xad: {  	[dreg:$0x0] =	wrdreg $0x60  }
0xae: {  	[dreg:$0x2] =	wrdreg s24  }
0xaf: {  	[dreg:$0x3] =	wrdreg s2  }
0xb0: {  	[dreg:$0x4] =	wrdreg $0x9  }
0xb1: {  	_ =	task.clear_ibuf [dreg:s7], $0x5FFFF;
	_ =	strace $0x90000046  }
0xb2: {  	s29 =	simm.s32 $0x9;
	_ =	strace $0x80000048  }
0xb3: {  	_ =	swait.ge [sflag:s29], $0x1  }
0xb4: {  	[sflag:s29] =	ssyncadd.s32 $0xFFFFFFFF  }
0xb5: {  	_ =	strace $0x90000048  }
0xb6: {  	_ =	sfence  }
0xb7: {  	s30 =	sld [smem:$0x0];
	_ =	sdelay $0x2  }
0xb8: {  	s31 =	sshll.u32 s1, $0xD;
	s1 =	sshrl.u32 s1, $0x2  }
0xb9: {  	s3 =	sand.u32 $0x4000, s31;
	s1 =	sadd.s32 s1, s30  }
0xba: {  	s0 =	sor.u32 s3, s0;
	s1 =	sshll.u32 s1, $0x11  }
0xbb: {  	s0 =	sor.u32 s1, s0  }
0xbc: {  	s0 =	sadd.s32 $0x8F2B, s0  }
0xbd: {  	[sflag:s0] =	ssyncadd.remote.s32 $0x1  }
0xbe: {  	_ =	sfence.sel $0xFFFF  }
0xbf: {  	[dreg:$0x0] =	wrdreg $0xFFFFFFFF;
	(pc) =	sbr.abs _section_cstart, $3  }
0xc0: {  	[dreg:$0x1] =	wrdreg $0xFFFFFFFF  }
0xc1: {  	_ =	task.clear_ibuf [dreg:s7], $0x2FFFF;
	_ =	strace $0x9FFFFFFF  }
0xc2: {  	(tm) =	ssettm $0x7FFFFFFF  }
0xc3: {  	_ =	shalt  }
tec
execute0_lowered:
.L_overlay_start_1:
0x0: {  	(tag) =	ssettag $0x1  }
0x1: {  	s0 =	srdreg.scid  }
0x2: {  	s2 =	stileid.u32;
	s1 =	rddreg [dreg:$0x0]  }
0x3: {  	s4 =	rddreg [dreg:$0x1];
	s8 =	simm.s32 $0x64;
	s9 =	simm.s32 $0x6800  }
0x4: {  	s11 =	simm.s32 $0x8100;
	s13 =	simm.s32 $0x9A00;
	s15 =	simm.s32 $0xB300  }
0x5: {  	s17 =	simm.s32 $0xCC00;
	s19 =	simm.s32 $0xE500;
	s21 =	simm.s32 $0xFE00  }
0x6: {  	s23 =	simm.s32 $0x11700;
	s24 =	simm.s32 $0x13000;
	s28 =	simm.s32 $0x17B00  }
0x7: {  	s29 =	simm.s32 $0x19400;
	s30 =	simm.s32 $0x1AD00;
	s31 =	simm.s32 $0x1C600  }
0x8: {  	s10 =	simm.s32 $0x1F800;
	s12 =	simm.s32 $0x2;
	s14 =	simm.s32 $0x4  }
0x9: {  	s16 =	simm.s32 $0x1FC00;
	s0 =	sand.u32 $0x1, s0;
	s2 =	sshll.u32 s2, $0x1  }
0xa: {  	s5 =	sor.u32 s0, s2;
	s2 =	simm.s32 $0x0;
	s0 =	ssub.s32 $0x2, s0  }
0xb: {  	s3 =	smul.u32 $0xD00, s5;
	[smem:$0x7FF] =	sst s2;
	s25 =	sshrl.u32 s0, $0x1  }
0xc: {  	s5 =	sshll.u32 s5, $0xC;
	_ =	strace $0x80000047;
	s0 =	ssub.s32 s0, s25  }
0xd: {  	s5 =	sadd.s32 s4, s5;
	s25 =	simm.s32 $0x14900;
	s6 =	sadd.s32 s3, s1  }
0xe: {  	s3 =	sadd.s32 $0xF42A00, s1;
	s0 =	smax.u32 s0, $0x1;
	s1 =	simm.s32 $0x1DF00  }
0xf: {  	s26 =	sadd.s32 $0x600, s6;
	[dreg:$0x4] =	wrdreg s0;
	s0 =	simm.s32 $0x1  }
0x10: {  	s6 =	simm.s32 $0x0;
	[dreg:$0x3] =	wrdreg s26;
	s26 =	simm.s32 $0x16200  }
.LBB2_1:
0x11: {  	[dreg:$0x5] =	wrdreg s6  }
0x12: {  	s4 =	rddreg [dreg:$0x3];
	s18 =	simm.s32 $0x5  }
0x13: {  	[tilespmem:s2], [sflag:$0x5] =	stream.linear.gather [hbm4b:s4+s2], $0x6800, $0x38;
	v63 =	vld [tilespmem:$0x0]  }
0x14: {  	_ =	swait.ge [sflag:s18], $0x6800  }
0x15: {  	[sflag:s18] =	ssyncset.done $0x0  }
0x16: {  	[sflag:s18] =	ssyncadd.s32 $0xFFFF9800  }
0x17: {  	[tilespmem:s9], [sflag:$0x1] =	stream.indirect.gather [hbm4b:s3+s8], $0x40, s2, s8, $0xb8;
	v63 =	vld [tilespmem:$0x0]  }
0x18: {  	s20 =	simm.s32 $0x68  }
0x19: {  	[tilespmem:s11], [sflag:$0x1] =	stream.indirect.gather [hbm4b:s3+s8], $0x40, s20, s8, $0xb8;
	v63 =	vld [tilespmem:$0x0]  }
0x1a: {  	s22 =	simm.s32 $0xD0  }
0x1b: {  	[tilespmem:s13], [sflag:$0x1] =	stream.indirect.gather [hbm4b:s3+s8], $0x40, s22, s8, $0xb8;
	v63 =	vld [tilespmem:$0x0]  }
0x1c: {  	s6 =	simm.s32 $0x138  }
0x1d: {  	[tilespmem:s15], [sflag:$0x1] =	stream.indirect.gather [hbm4b:s3+s8], $0x40, s6, s8, $0xb8;
	v63 =	vld [tilespmem:$0x0]  }
0x1e: {  	s7 =	simm.s32 $0x1A0  }
0x1f: {  	[tilespmem:s17], [sflag:$0x1] =	stream.indirect.gather [hbm4b:s3+s8], $0x40, s7, s8, $0xb8;
	v63 =	vld [tilespmem:$0x0]  }
0x20: {  	s18 =	simm.s32 $0x208  }
0x21: {  	[tilespmem:s19], [sflag:$0x1] =	stream.indirect.gather [hbm4b:s3+s8], $0x40, s18, s8, $0xb8;
	v63 =	vld [tilespmem:$0x0]  }
0x22: {  	s20 =	simm.s32 $0x270  }
0x23: {  	[tilespmem:s21], [sflag:$0x1] =	stream.indirect.gather [hbm4b:s3+s8], $0x40, s20, s8, $0xb8;
	v63 =	vld [tilespmem:$0x0]  }
0x24: {  	s22 =	simm.s32 $0x2D8  }
0x25: {  	[tilespmem:s23], [sflag:$0x1] =	stream.indirect.gather [hbm4b:s3+s8], $0x40, s22, s8, $0xb8;
	v63 =	vld [tilespmem:$0x0]  }
0x26: {  	s22 =	simm.s32 $0x0  }
.LBB2_2:
0x27: {  	s4 =	sshllo.u32 s22, $0x1  }
0x28: {  	s6 =	smul.u32 $0xD00, s4;
	_ =	sdelay $0x1  }
0x29: {  	s6 =	sshra.s32 s6, $0x2  }
0x2a: {  	[tilespmem:s24], [sflag:$0x2] =	stream.indirect.gather [hbm4b:s3+s8], $0x40, s6, s8, $0xb8;
	v63 =	vld [tilespmem:$0x0]  }
0x2b: {  	s7 =	sadd.s32 $0x68, s6  }
0x2c: {  	[tilespmem:s25], [sflag:$0x2] =	stream.indirect.gather [hbm4b:s3+s8], $0x40, s7, s8, $0xb8;
	v63 =	vld [tilespmem:$0x0]  }
0x2d: {  	s20 =	sadd.s32 $0xD0, s6  }
0x2e: {  	[tilespmem:s26], [sflag:$0x2] =	stream.indirect.gather [hbm4b:s3+s8], $0x40, s20, s8, $0xb8;
	v63 =	vld [tilespmem:$0x0]  }
0x2f: {  	s18 =	sadd.s32 $0x138, s6  }
0x30: {  	[tilespmem:s28], [sflag:$0x2] =	stream.indirect.gather [hbm4b:s3+s8], $0x40, s18, s8, $0xb8;
	v63 =	vld [tilespmem:$0x0]  }
0x31: {  	s20 =	sadd.s32 $0x1A0, s6  }
0x32: {  	[tilespmem:s29], [sflag:$0x2] =	stream.indirect.gather [hbm4b:s3+s8], $0x40, s20, s8, $0xb8;
	v63 =	vld [tilespmem:$0x0]  }
0x33: {  	s18 =	sadd.s32 $0x208, s6  }
0x34: {  	[tilespmem:s30], [sflag:$0x2] =	stream.indirect.gather [hbm4b:s3+s8], $0x40, s18, s8, $0xb8;
	v63 =	vld [tilespmem:$0x0]  }
0x35: {  	s20 =	sadd.s32 $0x270, s6  }
0x36: {  	[tilespmem:s31], [sflag:$0x2] =	stream.indirect.gather [hbm4b:s3+s8], $0x40, s20, s8, $0xb8;
	v63 =	vld [tilespmem:$0x0]  }
0x37: {  	s6 =	sadd.s32 $0x2D8, s6  }
0x38: {  	[tilespmem:s1], [sflag:$0x2] =	stream.indirect.gather [hbm4b:s3+s8], $0x40, s6, s8, $0xb8;
	v63 =	vld [tilespmem:$0x0]  }
0x39: {  	_ =	swait.ge [sflag:s0], $0xC800  }
0x3a: {  	p0 =	seq.s32 s22, $0x0;
	[sflag:s0] =	ssyncset.done $0x0  }
0x3b: {  	s18 =	simm.s32 $0x0;
	s6 =	simm.s32 @!p0 $0x3;
	[sflag:s0] =	ssyncadd.s32 $0xFFFF3800  }
0x3c: {  	s7 =	smul.u32 $0x3200, s18;
	_ =	swait.ge @!p0 [sflag:s6], $0x400  }
0x3d: {  	[sflag:s6] =	ssyncset.done @!p0 $0x0  }
0x3e: {  	s18 =	sshra.s32 s7, $0x2;
	[sflag:s6] =	ssyncadd.s32 @!p0 $0xFFFFFC00  }
0x3f: {  	v0 =	vld [tilespmem:s18+$0x6800]  }
0x40: {  	v1 =	vld [tilespmem:s18+$0x6840];
	_ =	sdelay $0x1  }
0x41: {  	v2 =	vld [tilespmem:s18+$0x6880];
	_ =	sdelay $0x1  }
0x42: {  	v3 =	vld [tilespmem:s18+$0x68C0]  }
0x43: {  	v0 =	vadd.f32 v1, v0  }
0x44: {  	v1 =	vld [tilespmem:s18+$0x6900]  }
0x45: {  	v0 =	vadd.f32 v2, v0  }
0x46: {  	v2 =	vld [tilespmem:s18+$0x6940]  }
0x47: {  	v0 =	vadd.f32 v3, v0  }
0x48: {  	v3 =	vld [tilespmem:s18+$0x6980]  }
0x49: {  	v0 =	vadd.f32 v1, v0  }
0x4a: {  	v1 =	vld [tilespmem:s18+$0x69C0]  }
0x4b: {  	v0 =	vadd.f32 v2, v0  }
0x4c: {  	v2 =	vld [tilespmem:s18+$0x6A00]  }
0x4d: {  	v0 =	vadd.f32 v3, v0  }
0x4e: {  	v3 =	vld [tilespmem:s18+$0x6A40]  }
0x4f: {  	v0 =	vadd.f32 v1, v0  }
0x50: {  	v1 =	vld [tilespmem:s18+$0x6A80]  }
0x51: {  	v0 =	vadd.f32 v2, v0  }
0x52: {  	v2 =	vld [tilespmem:s18+$0x6AC0]  }
0x53: {  	v0 =	vadd.f32 v3, v0  }
0x54: {  	v3 =	vld [tilespmem:s18+$0x6B00]  }
0x55: {  	v0 =	vadd.f32 v1, v0  }
0x56: {  	v1 =	vld [tilespmem:s18+$0x6B40]  }
0x57: {  	v0 =	vadd.f32 v2, v0  }
0x58: {  	v2 =	vld [tilespmem:s18+$0x6B80]  }
0x59: {  	v0 =	vadd.f32 v3, v0  }
0x5a: {  	v3 =	vld [tilespmem:s18+$0x6BC0]  }
0x5b: {  	v0 =	vadd.f32 v1, v0  }
0x5c: {  	v1 =	vld [tilespmem:s18+$0x6C00]  }
0x5d: {  	v0 =	vadd.f32 v2, v0  }
0x5e: {  	v2 =	vld [tilespmem:s18+$0x6C40]  }
0x5f: {  	v0 =	vadd.f32 v3, v0  }
0x60: {  	v3 =	vld [tilespmem:s18+$0x6C80]  }
0x61: {  	v0 =	vadd.f32 v1, v0  }
0x62: {  	v1 =	vld [tilespmem:s18+$0x6CC0]  }
0x63: {  	v0 =	vadd.f32 v2, v0  }
0x64: {  	v2 =	vld [tilespmem:s18+$0x6D00]  }
0x65: {  	v0 =	vadd.f32 v3, v0  }
0x66: {  	v3 =	vld [tilespmem:s18+$0x6D40]  }
0x67: {  	v0 =	vadd.f32 v1, v0  }
0x68: {  	v1 =	vld [tilespmem:s18+$0x6D80]  }
0x69: {  	v0 =	vadd.f32 v2, v0  }
0x6a: {  	v2 =	vld [tilespmem:s18+$0x6DC0]  }
0x6b: {  	v0 =	vadd.f32 v3, v0  }
0x6c: {  	v3 =	vld [tilespmem:s18+$0x6E00]  }
0x6d: {  	v0 =	vadd.f32 v1, v0  }
0x6e: {  	v1 =	vld [tilespmem:s18+$0x6E40]  }
0x6f: {  	v0 =	vadd.f32 v2, v0  }
0x70: {  	v2 =	vld [tilespmem:s18+$0x6E80]  }
0x71: {  	v0 =	vadd.f32 v3, v0  }
0x72: {  	v3 =	vld [tilespmem:s18+$0x6EC0]  }
0x73: {  	v0 =	vadd.f32 v1, v0  }
0x74: {  	v1 =	vld [tilespmem:s18+$0x6F00]  }
0x75: {  	v0 =	vadd.f32 v2, v0  }
0x76: {  	v2 =	vld [tilespmem:s18+$0x6F40]  }
0x77: {  	v0 =	vadd.f32 v3, v0  }
0x78: {  	v3 =	vld [tilespmem:s18+$0x6F80]  }
0x79: {  	v0 =	vadd.f32 v1, v0  }
0x7a: {  	v1 =	vld [tilespmem:s18+$0x6FC0]  }
0x7b: {  	v0 =	vadd.f32 v2, v0  }
0x7c: {  	v2 =	vld [tilespmem:s18+$0x7000]  }
0x7d: {  	v0 =	vadd.f32 v3, v0  }
0x7e: {  	v3 =	vld [tilespmem:s18+$0x7040]  }
0x7f: {  	v0 =	vadd.f32 v1, v0  }
0x80: {  	v1 =	vld [tilespmem:s18+$0x7080]  }
0x81: {  	v0 =	vadd.f32 v2, v0  }
0x82: {  	v2 =	vld [tilespmem:s18+$0x70C0]  }
0x83: {  	v0 =	vadd.f32 v3, v0  }
0x84: {  	v3 =	vld [tilespmem:s18+$0x7100]  }
0x85: {  	v0 =	vadd.f32 v1, v0  }
0x86: {  	v1 =	vld [tilespmem:s18+$0x7140]  }
0x87: {  	v0 =	vadd.f32 v2, v0  }
0x88: {  	v2 =	vld [tilespmem:s18+$0x7180]  }
0x89: {  	v0 =	vadd.f32 v3, v0  }
0x8a: {  	v3 =	vld [tilespmem:s18+$0x71C0]  }
0x8b: {  	v0 =	vadd.f32 v1, v0  }
0x8c: {  	v1 =	vld [tilespmem:s18+$0x7200]  }
0x8d: {  	v0 =	vadd.f32 v2, v0  }
0x8e: {  	v2 =	vld [tilespmem:s18+$0x7240]  }
0x8f: {  	v0 =	vadd.f32 v3, v0  }
0x90: {  	v3 =	vld [tilespmem:s18+$0x7280]  }
0x91: {  	v0 =	vadd.f32 v1, v0  }
0x92: {  	v1 =	vld [tilespmem:s18+$0x72C0]  }
0x93: {  	v0 =	vadd.f32 v2, v0  }
0x94: {  	v2 =	vld [tilespmem:s18+$0x7300]  }
0x95: {  	v0 =	vadd.f32 v3, v0  }
0x96: {  	v3 =	vld [tilespmem:s18+$0x7340]  }
0x97: {  	v0 =	vadd.f32 v1, v0  }
0x98: {  	v1 =	vld [tilespmem:s18+$0x7380]  }
0x99: {  	v0 =	vadd.f32 v2, v0  }
0x9a: {  	v2 =	vld [tilespmem:s18+$0x73C0]  }
0x9b: {  	v0 =	vadd.f32 v3, v0  }
0x9c: {  	v3 =	vld [tilespmem:s18+$0x7400]  }
0x9d: {  	v0 =	vadd.f32 v1, v0  }
0x9e: {  	v1 =	vld [tilespmem:s18+$0x7440]  }
0x9f: {  	v0 =	vadd.f32 v2, v0;
	_ =	sdelay $0x1  }
0xa0: {  	v0 =	vadd.f32 v3, v0;
	_ =	sdelay $0x1  }
0xa1: {  	v0 =	vadd.f32 v1, v0;
	_ =	sdelay $0x1  }
0xa2: {  	s20 =	simm.s32 $0x0;
	v0 =	vmul.f32 $1.999999960e-02, v0  }
0xa3: {  	s6 =	sand.u32 $0x3FFFFFC0, s20  }
0xa4: {  	[tilespmem:s6+$0x1F800] =	vst v0  }
0xa5: {  	v0 =	vld [tilespmem:s18+$0x6810]  }
0xa6: {  	v1 =	vld [tilespmem:s18+$0x6850];
	_ =	sdelay $0x1  }
0xa7: {  	v2 =	vld [tilespmem:s18+$0x6890];
	_ =	sdelay $0x1  }
0xa8: {  	v3 =	vld [tilespmem:s18+$0x68D0]  }
0xa9: {  	v0 =	vadd.f32 v1, v0  }
0xaa: {  	v1 =	vld [tilespmem:s18+$0x6910]  }
0xab: {  	v0 =	vadd.f32 v2, v0  }
0xac: {  	v2 =	vld [tilespmem:s18+$0x6950]  }
0xad: {  	v0 =	vadd.f32 v3, v0  }
0xae: {  	v3 =	vld [tilespmem:s18+$0x6990]  }
0xaf: {  	v0 =	vadd.f32 v1, v0  }
0xb0: {  	v1 =	vld [tilespmem:s18+$0x69D0]  }
0xb1: {  	v0 =	vadd.f32 v2, v0  }
0xb2: {  	v2 =	vld [tilespmem:s18+$0x6A10]  }
0xb3: {  	v0 =	vadd.f32 v3, v0  }
0xb4: {  	v3 =	vld [tilespmem:s18+$0x6A50]  }
0xb5: {  	v0 =	vadd.f32 v1, v0  }
0xb6: {  	v1 =	vld [tilespmem:s18+$0x6A90]  }
0xb7: {  	v0 =	vadd.f32 v2, v0  }
0xb8: {  	v2 =	vld [tilespmem:s18+$0x6AD0]  }
0xb9: {  	v0 =	vadd.f32 v3, v0  }
0xba: {  	v3 =	vld [tilespmem:s18+$0x6B10]  }
0xbb: {  	v0 =	vadd.f32 v1, v0  }
0xbc: {  	v1 =	vld [tilespmem:s18+$0x6B50]  }
0xbd: {  	v0 =	vadd.f32 v2, v0  }
0xbe: {  	v2 =	vld [tilespmem:s18+$0x6B90]  }
0xbf: {  	v0 =	vadd.f32 v3, v0  }
0xc0: {  	v3 =	vld [tilespmem:s18+$0x6BD0]  }
0xc1: {  	v0 =	vadd.f32 v1, v0  }
0xc2: {  	v1 =	vld [tilespmem:s18+$0x6C10]  }
0xc3: {  	v0 =	vadd.f32 v2, v0  }
0xc4: {  	v2 =	vld [tilespmem:s18+$0x6C50]  }
0xc5: {  	v0 =	vadd.f32 v3, v0  }
0xc6: {  	v3 =	vld [tilespmem:s18+$0x6C90]  }
0xc7: {  	v0 =	vadd.f32 v1, v0  }
0xc8: {  	v1 =	vld [tilespmem:s18+$0x6CD0]  }
0xc9: {  	v0 =	vadd.f32 v2, v0  }
0xca: {  	v2 =	vld [tilespmem:s18+$0x6D10]  }
0xcb: {  	v0 =	vadd.f32 v3, v0  }
0xcc: {  	v3 =	vld [tilespmem:s18+$0x6D50]  }
0xcd: {  	v0 =	vadd.f32 v1, v0  }
0xce: {  	v1 =	vld [tilespmem:s18+$0x6D90]  }
0xcf: {  	v0 =	vadd.f32 v2, v0  }
0xd0: {  	v2 =	vld [tilespmem:s18+$0x6DD0]  }
0xd1: {  	v0 =	vadd.f32 v3, v0  }
0xd2: {  	v3 =	vld [tilespmem:s18+$0x6E10]  }
0xd3: {  	v0 =	vadd.f32 v1, v0  }
0xd4: {  	v1 =	vld [tilespmem:s18+$0x6E50]  }
0xd5: {  	v0 =	vadd.f32 v2, v0  }
0xd6: {  	v2 =	vld [tilespmem:s18+$0x6E90]  }
0xd7: {  	v0 =	vadd.f32 v3, v0  }
0xd8: {  	v3 =	vld [tilespmem:s18+$0x6ED0]  }
0xd9: {  	v0 =	vadd.f32 v1, v0  }
0xda: {  	v1 =	vld [tilespmem:s18+$0x6F10]  }
0xdb: {  	v0 =	vadd.f32 v2, v0  }
0xdc: {  	v2 =	vld [tilespmem:s18+$0x6F50]  }
0xdd: {  	v0 =	vadd.f32 v3, v0  }
0xde: {  	v3 =	vld [tilespmem:s18+$0x6F90]  }
0xdf: {  	v0 =	vadd.f32 v1, v0  }
0xe0: {  	v1 =	vld [tilespmem:s18+$0x6FD0]  }
0xe1: {  	v0 =	vadd.f32 v2, v0  }
0xe2: {  	v2 =	vld [tilespmem:s18+$0x7010]  }
0xe3: {  	v0 =	vadd.f32 v3, v0  }
0xe4: {  	v3 =	vld [tilespmem:s18+$0x7050]  }
0xe5: {  	v0 =	vadd.f32 v1, v0  }
0xe6: {  	v1 =	vld [tilespmem:s18+$0x7090]  }
0xe7: {  	v0 =	vadd.f32 v2, v0  }
0xe8: {  	v2 =	vld [tilespmem:s18+$0x70D0]  }
0xe9: {  	v0 =	vadd.f32 v3, v0  }
0xea: {  	v3 =	vld [tilespmem:s18+$0x7110]  }
0xeb: {  	v0 =	vadd.f32 v1, v0  }
0xec: {  	v1 =	vld [tilespmem:s18+$0x7150]  }
0xed: {  	v0 =	vadd.f32 v2, v0  }
0xee: {  	v2 =	vld [tilespmem:s18+$0x7190]  }
0xef: {  	v0 =	vadd.f32 v3, v0  }
0xf0: {  	v3 =	vld [tilespmem:s18+$0x71D0]  }
0xf1: {  	v0 =	vadd.f32 v1, v0  }
0xf2: {  	v1 =	vld [tilespmem:s18+$0x7210]  }
0xf3: {  	v0 =	vadd.f32 v2, v0  }
0xf4: {  	v2 =	vld [tilespmem:s18+$0x7250]  }
0xf5: {  	v0 =	vadd.f32 v3, v0  }
0xf6: {  	v3 =	vld [tilespmem:s18+$0x7290]  }
0xf7: {  	v0 =	vadd.f32 v1, v0  }
0xf8: {  	v1 =	vld [tilespmem:s18+$0x72D0]  }
0xf9: {  	v0 =	vadd.f32 v2, v0  }
0xfa: {  	v2 =	vld [tilespmem:s18+$0x7310]  }
0xfb: {  	v0 =	vadd.f32 v3, v0  }
0xfc: {  	v3 =	vld [tilespmem:s18+$0x7350]  }
0xfd: {  	v0 =	vadd.f32 v1, v0  }
0xfe: {  	v1 =	vld [tilespmem:s18+$0x7390]  }
0xff: {  	v0 =	vadd.f32 v2, v0  }
0x100: {  	v2 =	vld [tilespmem:s18+$0x73D0]  }
0x101: {  	v0 =	vadd.f32 v3, v0  }
0x102: {  	v3 =	vld [tilespmem:s18+$0x7410]  }
0x103: {  	v0 =	vadd.f32 v1, v0  }
0x104: {  	v1 =	vld [tilespmem:s18+$0x7450]  }
0x105: {  	v0 =	vadd.f32 v2, v0;
	_ =	sdelay $0x1  }
0x106: {  	v0 =	vadd.f32 v3, v0;
	_ =	sdelay $0x1  }
0x107: {  	v0 =	vadd.f32 v1, v0;
	_ =	sdelay $0x1  }
0x108: {  	v0 =	vmul.f32 $1.999999960e-02, v0;
	_ =	sdelay $0x1  }
0x109: {  	[tilespmem:s6+$0x1F810] =	vst v0  }
0x10a: {  	v0 =	vld [tilespmem:s18+$0x6820]  }
0x10b: {  	v1 =	vld [tilespmem:s18+$0x6860];
	_ =	sdelay $0x1  }
0x10c: {  	v2 =	vld [tilespmem:s18+$0x68A0];
	_ =	sdelay $0x1  }
0x10d: {  	v3 =	vld [tilespmem:s18+$0x68E0]  }
0x10e: {  	v0 =	vadd.f32 v1, v0  }
0x10f: {  	v1 =	vld [tilespmem:s18+$0x6920]  }
0x110: {  	v0 =	vadd.f32 v2, v0  }
0x111: {  	v2 =	vld [tilespmem:s18+$0x6960]  }
0x112: {  	v0 =	vadd.f32 v3, v0  }
0x113: {  	v3 =	vld [tilespmem:s18+$0x69A0]  }
0x114: {  	v0 =	vadd.f32 v1, v0  }
0x115: {  	v1 =	vld [tilespmem:s18+$0x69E0]  }
0x116: {  	v0 =	vadd.f32 v2, v0  }
0x117: {  	v2 =	vld [tilespmem:s18+$0x6A20]  }
0x118: {  	v0 =	vadd.f32 v3, v0  }
0x119: {  	v3 =	vld [tilespmem:s18+$0x6A60]  }
0x11a: {  	v0 =	vadd.f32 v1, v0  }
0x11b: {  	v1 =	vld [tilespmem:s18+$0x6AA0]  }
0x11c: {  	v0 =	vadd.f32 v2, v0  }
0x11d: {  	v2 =	vld [tilespmem:s18+$0x6AE0]  }
0x11e: {  	v0 =	vadd.f32 v3, v0  }
0x11f: {  	v3 =	vld [tilespmem:s18+$0x6B20]  }
0x120: {  	v0 =	vadd.f32 v1, v0  }
0x121: {  	v1 =	vld [tilespmem:s18+$0x6B60]  }
0x122: {  	v0 =	vadd.f32 v2, v0  }
0x123: {  	v2 =	vld [tilespmem:s18+$0x6BA0]  }
0x124: {  	v0 =	vadd.f32 v3, v0  }
0x125: {  	v3 =	vld [tilespmem:s18+$0x6BE0]  }
0x126: {  	v0 =	vadd.f32 v1, v0  }
0x127: {  	v1 =	vld [tilespmem:s18+$0x6C20]  }
0x128: {  	v0 =	vadd.f32 v2, v0  }
0x129: {  	v2 =	vld [tilespmem:s18+$0x6C60]  }
0x12a: {  	v0 =	vadd.f32 v3, v0  }
0x12b: {  	v3 =	vld [tilespmem:s18+$0x6CA0]  }
0x12c: {  	v0 =	vadd.f32 v1, v0  }
0x12d: {  	v1 =	vld [tilespmem:s18+$0x6CE0]  }
0x12e: {  	v0 =	vadd.f32 v2, v0  }
0x12f: {  	v2 =	vld [tilespmem:s18+$0x6D20]  }
0x130: {  	v0 =	vadd.f32 v3, v0  }
0x131: {  	v3 =	vld [tilespmem:s18+$0x6D60]  }
0x132: {  	v0 =	vadd.f32 v1, v0  }
0x133: {  	v1 =	vld [tilespmem:s18+$0x6DA0]  }
0x134: {  	v0 =	vadd.f32 v2, v0  }
0x135: {  	v2 =	vld [tilespmem:s18+$0x6DE0]  }
0x136: {  	v0 =	vadd.f32 v3, v0  }
0x137: {  	v3 =	vld [tilespmem:s18+$0x6E20]  }
0x138: {  	v0 =	vadd.f32 v1, v0  }
0x139: {  	v1 =	vld [tilespmem:s18+$0x6E60]  }
0x13a: {  	v0 =	vadd.f32 v2, v0  }
0x13b: {  	v2 =	vld [tilespmem:s18+$0x6EA0]  }
0x13c: {  	v0 =	vadd.f32 v3, v0  }
0x13d: {  	v3 =	vld [tilespmem:s18+$0x6EE0]  }
0x13e: {  	v0 =	vadd.f32 v1, v0  }
0x13f: {  	v1 =	vld [tilespmem:s18+$0x6F20]  }
0x140: {  	v0 =	vadd.f32 v2, v0  }
0x141: {  	v2 =	vld [tilespmem:s18+$0x6F60]  }
0x142: {  	v0 =	vadd.f32 v3, v0  }
0x143: {  	v3 =	vld [tilespmem:s18+$0x6FA0]  }
0x144: {  	v0 =	vadd.f32 v1, v0  }
0x145: {  	v1 =	vld [tilespmem:s18+$0x6FE0]  }
0x146: {  	v0 =	vadd.f32 v2, v0  }
0x147: {  	v2 =	vld [tilespmem:s18+$0x7020]  }
0x148: {  	v0 =	vadd.f32 v3, v0  }
0x149: {  	v3 =	vld [tilespmem:s18+$0x7060]  }
0x14a: {  	v0 =	vadd.f32 v1, v0  }
0x14b: {  	v1 =	vld [tilespmem:s18+$0x70A0]  }
0x14c: {  	v0 =	vadd.f32 v2, v0  }
0x14d: {  	v2 =	vld [tilespmem:s18+$0x70E0]  }
0x14e: {  	v0 =	vadd.f32 v3, v0  }
0x14f: {  	v3 =	vld [tilespmem:s18+$0x7120]  }
0x150: {  	v0 =	vadd.f32 v1, v0  }
0x151: {  	v1 =	vld [tilespmem:s18+$0x7160]  }
0x152: {  	v0 =	vadd.f32 v2, v0  }
0x153: {  	v2 =	vld [tilespmem:s18+$0x71A0]  }
0x154: {  	v0 =	vadd.f32 v3, v0  }
0x155: {  	v3 =	vld [tilespmem:s18+$0x71E0]  }
0x156: {  	v0 =	vadd.f32 v1, v0  }
0x157: {  	v1 =	vld [tilespmem:s18+$0x7220]  }
0x158: {  	v0 =	vadd.f32 v2, v0  }
0x159: {  	v2 =	vld [tilespmem:s18+$0x7260]  }
0x15a: {  	v0 =	vadd.f32 v3, v0  }
0x15b: {  	v3 =	vld [tilespmem:s18+$0x72A0]  }
0x15c: {  	v0 =	vadd.f32 v1, v0  }
0x15d: {  	v1 =	vld [tilespmem:s18+$0x72E0]  }
0x15e: {  	v0 =	vadd.f32 v2, v0  }
0x15f: {  	v2 =	vld [tilespmem:s18+$0x7320]  }
0x160: {  	v0 =	vadd.f32 v3, v0  }
0x161: {  	v3 =	vld [tilespmem:s18+$0x7360]  }
0x162: {  	v0 =	vadd.f32 v1, v0  }
0x163: {  	v1 =	vld [tilespmem:s18+$0x73A0]  }
0x164: {  	v0 =	vadd.f32 v2, v0  }
0x165: {  	v2 =	vld [tilespmem:s18+$0x73E0]  }
0x166: {  	v0 =	vadd.f32 v3, v0  }
0x167: {  	v3 =	vld [tilespmem:s18+$0x7420]  }
0x168: {  	v0 =	vadd.f32 v1, v0  }
0x169: {  	v1 =	vld [tilespmem:s18+$0x7460]  }
0x16a: {  	v0 =	vadd.f32 v2, v0;
	_ =	sdelay $0x1  }
0x16b: {  	v0 =	vadd.f32 v3, v0;
	_ =	sdelay $0x1  }
0x16c: {  	v0 =	vadd.f32 v1, v0;
	_ =	sdelay $0x1  }
0x16d: {  	v0 =	vmul.f32 $1.999999960e-02, v0;
	_ =	sdelay $0x1  }
0x16e: {  	[tilespmem:s6+$0x1F820] =	vst v0  }
0x16f: {  	v0 =	vld [tilespmem:s18+$0x6830]  }
0x170: {  	v1 =	vld [tilespmem:s18+$0x6870];
	_ =	sdelay $0x1  }
0x171: {  	v2 =	vld [tilespmem:s18+$0x68B0];
	_ =	sdelay $0x1  }
0x172: {  	v3 =	vld [tilespmem:s18+$0x68F0]  }
0x173: {  	v0 =	vadd.f32 v1, v0  }
0x174: {  	v1 =	vld [tilespmem:s18+$0x6930]  }
0x175: {  	v0 =	vadd.f32 v2, v0  }
0x176: {  	v2 =	vld [tilespmem:s18+$0x6970]  }
0x177: {  	v0 =	vadd.f32 v3, v0  }
0x178: {  	v3 =	vld [tilespmem:s18+$0x69B0]  }
0x179: {  	v0 =	vadd.f32 v1, v0  }
0x17a: {  	v1 =	vld [tilespmem:s18+$0x69F0]  }
0x17b: {  	v0 =	vadd.f32 v2, v0  }
0x17c: {  	v2 =	vld [tilespmem:s18+$0x6A30]  }
0x17d: {  	v0 =	vadd.f32 v3, v0  }
0x17e: {  	v3 =	vld [tilespmem:s18+$0x6A70]  }
0x17f: {  	v0 =	vadd.f32 v1, v0  }
0x180: {  	v1 =	vld [tilespmem:s18+$0x6AB0]  }
0x181: {  	v0 =	vadd.f32 v2, v0  }
0x182: {  	v2 =	vld [tilespmem:s18+$0x6AF0]  }
0x183: {  	v0 =	vadd.f32 v3, v0  }
0x184: {  	v3 =	vld [tilespmem:s18+$0x6B30]  }
0x185: {  	v0 =	vadd.f32 v1, v0  }
0x186: {  	v1 =	vld [tilespmem:s18+$0x6B70]  }
0x187: {  	v0 =	vadd.f32 v2, v0  }
0x188: {  	v2 =	vld [tilespmem:s18+$0x6BB0]  }
0x189: {  	v0 =	vadd.f32 v3, v0  }
0x18a: {  	v3 =	vld [tilespmem:s18+$0x6BF0]  }
0x18b: {  	v0 =	vadd.f32 v1, v0  }
0x18c: {  	v1 =	vld [tilespmem:s18+$0x6C30]  }
0x18d: {  	v0 =	vadd.f32 v2, v0  }
0x18e: {  	v2 =	vld [tilespmem:s18+$0x6C70]  }
0x18f: {  	v0 =	vadd.f32 v3, v0  }
0x190: {  	v3 =	vld [tilespmem:s18+$0x6CB0]  }
0x191: {  	v0 =	vadd.f32 v1, v0  }
0x192: {  	v1 =	vld [tilespmem:s18+$0x6CF0]  }
0x193: {  	v0 =	vadd.f32 v2, v0  }
0x194: {  	v2 =	vld [tilespmem:s18+$0x6D30]  }
0x195: {  	v0 =	vadd.f32 v3, v0  }
0x196: {  	v3 =	vld [tilespmem:s18+$0x6D70]  }
0x197: {  	v0 =	vadd.f32 v1, v0  }
0x198: {  	v1 =	vld [tilespmem:s18+$0x6DB0]  }
0x199: {  	v0 =	vadd.f32 v2, v0  }
0x19a: {  	v2 =	vld [tilespmem:s18+$0x6DF0]  }
0x19b: {  	v0 =	vadd.f32 v3, v0  }
0x19c: {  	v3 =	vld [tilespmem:s18+$0x6E30]  }
0x19d: {  	v0 =	vadd.f32 v1, v0  }
0x19e: {  	v1 =	vld [tilespmem:s18+$0x6E70]  }
0x19f: {  	v0 =	vadd.f32 v2, v0  }
0x1a0: {  	v2 =	vld [tilespmem:s18+$0x6EB0]  }
0x1a1: {  	v0 =	vadd.f32 v3, v0  }
0x1a2: {  	v3 =	vld [tilespmem:s18+$0x6EF0]  }
0x1a3: {  	v0 =	vadd.f32 v1, v0  }
0x1a4: {  	v1 =	vld [tilespmem:s18+$0x6F30]  }
0x1a5: {  	v0 =	vadd.f32 v2, v0  }
0x1a6: {  	v2 =	vld [tilespmem:s18+$0x6F70]  }
0x1a7: {  	v0 =	vadd.f32 v3, v0  }
0x1a8: {  	v3 =	vld [tilespmem:s18+$0x6FB0]  }
0x1a9: {  	v0 =	vadd.f32 v1, v0  }
0x1aa: {  	v1 =	vld [tilespmem:s18+$0x6FF0]  }
0x1ab: {  	v0 =	vadd.f32 v2, v0  }
0x1ac: {  	v2 =	vld [tilespmem:s18+$0x7030]  }
0x1ad: {  	v0 =	vadd.f32 v3, v0  }
0x1ae: {  	v3 =	vld [tilespmem:s18+$0x7070]  }
0x1af: {  	v0 =	vadd.f32 v1, v0  }
0x1b0: {  	v1 =	vld [tilespmem:s18+$0x70B0]  }
0x1b1: {  	v0 =	vadd.f32 v2, v0  }
0x1b2: {  	v2 =	vld [tilespmem:s18+$0x70F0]  }
0x1b3: {  	v0 =	vadd.f32 v3, v0  }
0x1b4: {  	v3 =	vld [tilespmem:s18+$0x7130]  }
0x1b5: {  	v0 =	vadd.f32 v1, v0  }
0x1b6: {  	v1 =	vld [tilespmem:s18+$0x7170]  }
0x1b7: {  	v0 =	vadd.f32 v2, v0  }
0x1b8: {  	v2 =	vld [tilespmem:s18+$0x71B0]  }
0x1b9: {  	v0 =	vadd.f32 v3, v0  }
0x1ba: {  	v3 =	vld [tilespmem:s18+$0x71F0]  }
0x1bb: {  	v0 =	vadd.f32 v1, v0  }
0x1bc: {  	v1 =	vld [tilespmem:s18+$0x7230]  }
0x1bd: {  	v0 =	vadd.f32 v2, v0  }
0x1be: {  	v2 =	vld [tilespmem:s18+$0x7270]  }
0x1bf: {  	v0 =	vadd.f32 v3, v0  }
0x1c0: {  	v3 =	vld [tilespmem:s18+$0x72B0]  }
0x1c1: {  	v0 =	vadd.f32 v1, v0  }
0x1c2: {  	v1 =	vld [tilespmem:s18+$0x72F0]  }
0x1c3: {  	v0 =	vadd.f32 v2, v0  }
0x1c4: {  	v2 =	vld [tilespmem:s18+$0x7330]  }
0x1c5: {  	v0 =	vadd.f32 v3, v0  }
0x1c6: {  	v3 =	vld [tilespmem:s18+$0x7370]  }
0x1c7: {  	v0 =	vadd.f32 v1, v0  }
0x1c8: {  	v1 =	vld [tilespmem:s18+$0x73B0]  }
0x1c9: {  	v0 =	vadd.f32 v2, v0  }
0x1ca: {  	v2 =	vld [tilespmem:s18+$0x73F0]  }
0x1cb: {  	v0 =	vadd.f32 v3, v0;
	_ =	sdelay $0x1  }
0x1cc: {  	v3 =	vld [tilespmem:s18+$0x7430];
	v0 =	vadd.f32 v1, v0;
	_ =	sdelay $0x1  }
0x1cd: {  	v1 =	vadd.f32 v2, v0;
	v0 =	vld [tilespmem:s18+$0x7470];
	_ =	sdelay $0x2  }
0x1ce: {  	s7 =	simm.s32 $0x1;
	v1 =	vadd.f32 v3, v1  }
.LBB2_3:
0x1cf: {  	p1 =	sne.s32 s7, $0xF;
	s20 =	smov.u32 s7;
	s7 =	sadd.s32 $0x1, s7  }
0x1d0: {  	v0 =	vadd.f32 v0, v1  }
0x1d1: {  	s18 =	smul.u32 $0x3200, s20  }
0x1d2: {  	v0 =	vmul.f32 $1.999999960e-02, v0  }
0x1d3: {  	s18 =	sshra.s32 s18, $0x2  }
0x1d4: {  	[tilespmem:s6+$0x1F830] =	vst v0  }
0x1d5: {  	v0 =	vld [tilespmem:s18+$0x6800]  }
0x1d6: {  	v1 =	vld [tilespmem:s18+$0x6840];
	_ =	sdelay $0x1  }
0x1d7: {  	v2 =	vld [tilespmem:s18+$0x6880];
	_ =	sdelay $0x1  }
0x1d8: {  	v3 =	vld [tilespmem:s18+$0x68C0]  }
0x1d9: {  	v0 =	vadd.f32 v1, v0  }
0x1da: {  	v1 =	vld [tilespmem:s18+$0x6900]  }
0x1db: {  	v0 =	vadd.f32 v2, v0  }
0x1dc: {  	v2 =	vld [tilespmem:s18+$0x6940]  }
0x1dd: {  	v0 =	vadd.f32 v3, v0  }
0x1de: {  	v3 =	vld [tilespmem:s18+$0x6980]  }
0x1df: {  	v0 =	vadd.f32 v1, v0  }
0x1e0: {  	v1 =	vld [tilespmem:s18+$0x69C0]  }
0x1e1: {  	v0 =	vadd.f32 v2, v0  }
0x1e2: {  	v2 =	vld [tilespmem:s18+$0x6A00]  }
0x1e3: {  	v0 =	vadd.f32 v3, v0  }
0x1e4: {  	v3 =	vld [tilespmem:s18+$0x6A40]  }
0x1e5: {  	v0 =	vadd.f32 v1, v0  }
0x1e6: {  	v1 =	vld [tilespmem:s18+$0x6A80]  }
0x1e7: {  	v0 =	vadd.f32 v2, v0  }
0x1e8: {  	v2 =	vld [tilespmem:s18+$0x6AC0]  }
0x1e9: {  	v0 =	vadd.f32 v3, v0  }
0x1ea: {  	v3 =	vld [tilespmem:s18+$0x6B00]  }
0x1eb: {  	v0 =	vadd.f32 v1, v0  }
0x1ec: {  	v1 =	vld [tilespmem:s18+$0x6B40]  }
0x1ed: {  	v0 =	vadd.f32 v2, v0  }
0x1ee: {  	v2 =	vld [tilespmem:s18+$0x6B80]  }
0x1ef: {  	v0 =	vadd.f32 v3, v0  }
0x1f0: {  	v3 =	vld [tilespmem:s18+$0x6BC0]  }
0x1f1: {  	v0 =	vadd.f32 v1, v0  }
0x1f2: {  	v1 =	vld [tilespmem:s18+$0x6C00]  }
0x1f3: {  	v0 =	vadd.f32 v2, v0  }
0x1f4: {  	v2 =	vld [tilespmem:s18+$0x6C40]  }
0x1f5: {  	v0 =	vadd.f32 v3, v0  }
0x1f6: {  	v3 =	vld [tilespmem:s18+$0x6C80]  }
0x1f7: {  	v0 =	vadd.f32 v1, v0  }
0x1f8: {  	v1 =	vld [tilespmem:s18+$0x6CC0]  }
0x1f9: {  	v0 =	vadd.f32 v2, v0  }
0x1fa: {  	v2 =	vld [tilespmem:s18+$0x6D00]  }
0x1fb: {  	v0 =	vadd.f32 v3, v0  }
0x1fc: {  	v3 =	vld [tilespmem:s18+$0x6D40]  }
0x1fd: {  	v0 =	vadd.f32 v1, v0  }
0x1fe: {  	v1 =	vld [tilespmem:s18+$0x6D80]  }
0x1ff: {  	v0 =	vadd.f32 v2, v0  }
0x200: {  	v2 =	vld [tilespmem:s18+$0x6DC0]  }
0x201: {  	v0 =	vadd.f32 v3, v0  }
0x202: {  	v3 =	vld [tilespmem:s18+$0x6E00]  }
0x203: {  	v0 =	vadd.f32 v1, v0  }
0x204: {  	v1 =	vld [tilespmem:s18+$0x6E40]  }
0x205: {  	v0 =	vadd.f32 v2, v0  }
0x206: {  	v2 =	vld [tilespmem:s18+$0x6E80]  }
0x207: {  	v0 =	vadd.f32 v3, v0  }
0x208: {  	v3 =	vld [tilespmem:s18+$0x6EC0]  }
0x209: {  	v0 =	vadd.f32 v1, v0  }
0x20a: {  	v1 =	vld [tilespmem:s18+$0x6F00]  }
0x20b: {  	v0 =	vadd.f32 v2, v0  }
0x20c: {  	v2 =	vld [tilespmem:s18+$0x6F40]  }
0x20d: {  	v0 =	vadd.f32 v3, v0  }
0x20e: {  	v3 =	vld [tilespmem:s18+$0x6F80]  }
0x20f: {  	v0 =	vadd.f32 v1, v0  }
0x210: {  	v1 =	vld [tilespmem:s18+$0x6FC0]  }
0x211: {  	v0 =	vadd.f32 v2, v0  }
0x212: {  	v2 =	vld [tilespmem:s18+$0x7000]  }
0x213: {  	v0 =	vadd.f32 v3, v0  }
0x214: {  	v3 =	vld [tilespmem:s18+$0x7040]  }
0x215: {  	v0 =	vadd.f32 v1, v0  }
0x216: {  	v1 =	vld [tilespmem:s18+$0x7080]  }
0x217: {  	v0 =	vadd.f32 v2, v0  }
0x218: {  	v2 =	vld [tilespmem:s18+$0x70C0]  }
0x219: {  	v0 =	vadd.f32 v3, v0  }
0x21a: {  	v3 =	vld [tilespmem:s18+$0x7100]  }
0x21b: {  	v0 =	vadd.f32 v1, v0  }
0x21c: {  	v1 =	vld [tilespmem:s18+$0x7140]  }
0x21d: {  	v0 =	vadd.f32 v2, v0  }
0x21e: {  	v2 =	vld [tilespmem:s18+$0x7180]  }
0x21f: {  	v0 =	vadd.f32 v3, v0  }
0x220: {  	v3 =	vld [tilespmem:s18+$0x71C0]  }
0x221: {  	v0 =	vadd.f32 v1, v0  }
0x222: {  	v1 =	vld [tilespmem:s18+$0x7200]  }
0x223: {  	v0 =	vadd.f32 v2, v0  }
0x224: {  	v2 =	vld [tilespmem:s18+$0x7240]  }
0x225: {  	v0 =	vadd.f32 v3, v0  }
0x226: {  	v3 =	vld [tilespmem:s18+$0x7280]  }
0x227: {  	v0 =	vadd.f32 v1, v0  }
0x228: {  	v1 =	vld [tilespmem:s18+$0x72C0]  }
0x229: {  	v0 =	vadd.f32 v2, v0  }
0x22a: {  	v2 =	vld [tilespmem:s18+$0x7300]  }
0x22b: {  	v0 =	vadd.f32 v3, v0  }
0x22c: {  	v3 =	vld [tilespmem:s18+$0x7340]  }
0x22d: {  	v0 =	vadd.f32 v1, v0  }
0x22e: {  	v1 =	vld [tilespmem:s18+$0x7380]  }
0x22f: {  	v0 =	vadd.f32 v2, v0  }
0x230: {  	v2 =	vld [tilespmem:s18+$0x73C0]  }
0x231: {  	v0 =	vadd.f32 v3, v0  }
0x232: {  	v3 =	vld [tilespmem:s18+$0x7400]  }
0x233: {  	v0 =	vadd.f32 v1, v0  }
0x234: {  	v1 =	vld [tilespmem:s18+$0x7440]  }
0x235: {  	v0 =	vadd.f32 v2, v0;
	_ =	sdelay $0x1  }
0x236: {  	v0 =	vadd.f32 v3, v0;
	_ =	sdelay $0x1  }
0x237: {  	v0 =	vadd.f32 v1, v0;
	_ =	sdelay $0x1  }
0x238: {  	s6 =	sshll.u32 s20, $0x6;
	v0 =	vmul.f32 $1.999999960e-02, v0  }
0x239: {  	s6 =	sand.u32 $0x3FFFFFC0, s6  }
0x23a: {  	[tilespmem:s6+$0x1F800] =	vst v0  }
0x23b: {  	v0 =	vld [tilespmem:s18+$0x6810]  }
0x23c: {  	v1 =	vld [tilespmem:s18+$0x6850];
	_ =	sdelay $0x1  }
0x23d: {  	v2 =	vld [tilespmem:s18+$0x6890];
	_ =	sdelay $0x1  }
0x23e: {  	v3 =	vld [tilespmem:s18+$0x68D0]  }
0x23f: {  	v0 =	vadd.f32 v1, v0  }
0x240: {  	v1 =	vld [tilespmem:s18+$0x6910]  }
0x241: {  	v0 =	vadd.f32 v2, v0  }
0x242: {  	v2 =	vld [tilespmem:s18+$0x6950]  }
0x243: {  	v0 =	vadd.f32 v3, v0  }
0x244: {  	v3 =	vld [tilespmem:s18+$0x6990]  }
0x245: {  	v0 =	vadd.f32 v1, v0  }
0x246: {  	v1 =	vld [tilespmem:s18+$0x69D0]  }
0x247: {  	v0 =	vadd.f32 v2, v0  }
0x248: {  	v2 =	vld [tilespmem:s18+$0x6A10]  }
0x249: {  	v0 =	vadd.f32 v3, v0  }
0x24a: {  	v3 =	vld [tilespmem:s18+$0x6A50]  }
0x24b: {  	v0 =	vadd.f32 v1, v0  }
0x24c: {  	v1 =	vld [tilespmem:s18+$0x6A90]  }
0x24d: {  	v0 =	vadd.f32 v2, v0  }
0x24e: {  	v2 =	vld [tilespmem:s18+$0x6AD0]  }
0x24f: {  	v0 =	vadd.f32 v3, v0  }
0x250: {  	v3 =	vld [tilespmem:s18+$0x6B10]  }
0x251: {  	v0 =	vadd.f32 v1, v0  }
0x252: {  	v1 =	vld [tilespmem:s18+$0x6B50]  }
0x253: {  	v0 =	vadd.f32 v2, v0  }
0x254: {  	v2 =	vld [tilespmem:s18+$0x6B90]  }
0x255: {  	v0 =	vadd.f32 v3, v0  }
0x256: {  	v3 =	vld [tilespmem:s18+$0x6BD0]  }
0x257: {  	v0 =	vadd.f32 v1, v0  }
0x258: {  	v1 =	vld [tilespmem:s18+$0x6C10]  }
0x259: {  	v0 =	vadd.f32 v2, v0  }
0x25a: {  	v2 =	vld [tilespmem:s18+$0x6C50]  }
0x25b: {  	v0 =	vadd.f32 v3, v0  }
0x25c: {  	v3 =	vld [tilespmem:s18+$0x6C90]  }
0x25d: {  	v0 =	vadd.f32 v1, v0  }
0x25e: {  	v1 =	vld [tilespmem:s18+$0x6CD0]  }
0x25f: {  	v0 =	vadd.f32 v2, v0  }
0x260: {  	v2 =	vld [tilespmem:s18+$0x6D10]  }
0x261: {  	v0 =	vadd.f32 v3, v0  }
0x262: {  	v3 =	vld [tilespmem:s18+$0x6D50]  }
0x263: {  	v0 =	vadd.f32 v1, v0  }
0x264: {  	v1 =	vld [tilespmem:s18+$0x6D90]  }
0x265: {  	v0 =	vadd.f32 v2, v0  }
0x266: {  	v2 =	vld [tilespmem:s18+$0x6DD0]  }
0x267: {  	v0 =	vadd.f32 v3, v0  }
0x268: {  	v3 =	vld [tilespmem:s18+$0x6E10]  }
0x269: {  	v0 =	vadd.f32 v1, v0  }
0x26a: {  	v1 =	vld [tilespmem:s18+$0x6E50]  }
0x26b: {  	v0 =	vadd.f32 v2, v0  }
0x26c: {  	v2 =	vld [tilespmem:s18+$0x6E90]  }
0x26d: {  	v0 =	vadd.f32 v3, v0  }
0x26e: {  	v3 =	vld [tilespmem:s18+$0x6ED0]  }
0x26f: {  	v0 =	vadd.f32 v1, v0  }
0x270: {  	v1 =	vld [tilespmem:s18+$0x6F10]  }
0x271: {  	v0 =	vadd.f32 v2, v0  }
0x272: {  	v2 =	vld [tilespmem:s18+$0x6F50]  }
0x273: {  	v0 =	vadd.f32 v3, v0  }
0x274: {  	v3 =	vld [tilespmem:s18+$0x6F90]  }
0x275: {  	v0 =	vadd.f32 v1, v0  }
0x276: {  	v1 =	vld [tilespmem:s18+$0x6FD0]  }
0x277: {  	v0 =	vadd.f32 v2, v0  }
0x278: {  	v2 =	vld [tilespmem:s18+$0x7010]  }
0x279: {  	v0 =	vadd.f32 v3, v0  }
0x27a: {  	v3 =	vld [tilespmem:s18+$0x7050]  }
0x27b: {  	v0 =	vadd.f32 v1, v0  }
0x27c: {  	v1 =	vld [tilespmem:s18+$0x7090]  }
0x27d: {  	v0 =	vadd.f32 v2, v0  }
0x27e: {  	v2 =	vld [tilespmem:s18+$0x70D0]  }
0x27f: {  	v0 =	vadd.f32 v3, v0  }
0x280: {  	v3 =	vld [tilespmem:s18+$0x7110]  }
0x281: {  	v0 =	vadd.f32 v1, v0  }
0x282: {  	v1 =	vld [tilespmem:s18+$0x7150]  }
0x283: {  	v0 =	vadd.f32 v2, v0  }
0x284: {  	v2 =	vld [tilespmem:s18+$0x7190]  }
0x285: {  	v0 =	vadd.f32 v3, v0  }
0x286: {  	v3 =	vld [tilespmem:s18+$0x71D0]  }
0x287: {  	v0 =	vadd.f32 v1, v0  }
0x288: {  	v1 =	vld [tilespmem:s18+$0x7210]  }
0x289: {  	v0 =	vadd.f32 v2, v0  }
0x28a: {  	v2 =	vld [tilespmem:s18+$0x7250]  }
0x28b: {  	v0 =	vadd.f32 v3, v0  }
0x28c: {  	v3 =	vld [tilespmem:s18+$0x7290]  }
0x28d: {  	v0 =	vadd.f32 v1, v0  }
0x28e: {  	v1 =	vld [tilespmem:s18+$0x72D0]  }
0x28f: {  	v0 =	vadd.f32 v2, v0  }
0x290: {  	v2 =	vld [tilespmem:s18+$0x7310]  }
0x291: {  	v0 =	vadd.f32 v3, v0  }
0x292: {  	v3 =	vld [tilespmem:s18+$0x7350]  }
0x293: {  	v0 =	vadd.f32 v1, v0  }
0x294: {  	v1 =	vld [tilespmem:s18+$0x7390]  }
0x295: {  	v0 =	vadd.f32 v2, v0  }
0x296: {  	v2 =	vld [tilespmem:s18+$0x73D0]  }
0x297: {  	v0 =	vadd.f32 v3, v0  }
0x298: {  	v3 =	vld [tilespmem:s18+$0x7410]  }
0x299: {  	v0 =	vadd.f32 v1, v0  }
0x29a: {  	v1 =	vld [tilespmem:s18+$0x7450]  }
0x29b: {  	v0 =	vadd.f32 v2, v0;
	_ =	sdelay $0x1  }
0x29c: {  	v0 =	vadd.f32 v3, v0;
	_ =	sdelay $0x1  }
0x29d: {  	v0 =	vadd.f32 v1, v0;
	_ =	sdelay $0x1  }
0x29e: {  	v0 =	vmul.f32 $1.999999960e-02, v0;
	_ =	sdelay $0x1  }
0x29f: {  	[tilespmem:s6+$0x1F810] =	vst v0  }
0x2a0: {  	v0 =	vld [tilespmem:s18+$0x6820]  }
0x2a1: {  	v1 =	vld [tilespmem:s18+$0x6860];
	_ =	sdelay $0x1  }
0x2a2: {  	v2 =	vld [tilespmem:s18+$0x68A0];
	_ =	sdelay $0x1  }
0x2a3: {  	v3 =	vld [tilespmem:s18+$0x68E0]  }
0x2a4: {  	v0 =	vadd.f32 v1, v0  }
0x2a5: {  	v1 =	vld [tilespmem:s18+$0x6920]  }
0x2a6: {  	v0 =	vadd.f32 v2, v0  }
0x2a7: {  	v2 =	vld [tilespmem:s18+$0x6960]  }
0x2a8: {  	v0 =	vadd.f32 v3, v0  }
0x2a9: {  	v3 =	vld [tilespmem:s18+$0x69A0]  }
0x2aa: {  	v0 =	vadd.f32 v1, v0  }
0x2ab: {  	v1 =	vld [tilespmem:s18+$0x69E0]  }
0x2ac: {  	v0 =	vadd.f32 v2, v0  }
0x2ad: {  	v2 =	vld [tilespmem:s18+$0x6A20]  }
0x2ae: {  	v0 =	vadd.f32 v3, v0  }
0x2af: {  	v3 =	vld [tilespmem:s18+$0x6A60]  }
0x2b0: {  	v0 =	vadd.f32 v1, v0  }
0x2b1: {  	v1 =	vld [tilespmem:s18+$0x6AA0]  }
0x2b2: {  	v0 =	vadd.f32 v2, v0  }
0x2b3: {  	v2 =	vld [tilespmem:s18+$0x6AE0]  }
0x2b4: {  	v0 =	vadd.f32 v3, v0  }
0x2b5: {  	v3 =	vld [tilespmem:s18+$0x6B20]  }
0x2b6: {  	v0 =	vadd.f32 v1, v0  }
0x2b7: {  	v1 =	vld [tilespmem:s18+$0x6B60]  }
0x2b8: {  	v0 =	vadd.f32 v2, v0  }
0x2b9: {  	v2 =	vld [tilespmem:s18+$0x6BA0]  }
0x2ba: {  	v0 =	vadd.f32 v3, v0  }
0x2bb: {  	v3 =	vld [tilespmem:s18+$0x6BE0]  }
0x2bc: {  	v0 =	vadd.f32 v1, v0  }
0x2bd: {  	v1 =	vld [tilespmem:s18+$0x6C20]  }
0x2be: {  	v0 =	vadd.f32 v2, v0  }
0x2bf: {  	v2 =	vld [tilespmem:s18+$0x6C60]  }
0x2c0: {  	v0 =	vadd.f32 v3, v0  }
0x2c1: {  	v3 =	vld [tilespmem:s18+$0x6CA0]  }
0x2c2: {  	v0 =	vadd.f32 v1, v0  }
0x2c3: {  	v1 =	vld [tilespmem:s18+$0x6CE0]  }
0x2c4: {  	v0 =	vadd.f32 v2, v0  }
0x2c5: {  	v2 =	vld [tilespmem:s18+$0x6D20]  }
0x2c6: {  	v0 =	vadd.f32 v3, v0  }
0x2c7: {  	v3 =	vld [tilespmem:s18+$0x6D60]  }
0x2c8: {  	v0 =	vadd.f32 v1, v0  }
0x2c9: {  	v1 =	vld [tilespmem:s18+$0x6DA0]  }
0x2ca: {  	v0 =	vadd.f32 v2, v0  }
0x2cb: {  	v2 =	vld [tilespmem:s18+$0x6DE0]  }
0x2cc: {  	v0 =	vadd.f32 v3, v0  }
0x2cd: {  	v3 =	vld [tilespmem:s18+$0x6E20]  }
0x2ce: {  	v0 =	vadd.f32 v1, v0  }
0x2cf: {  	v1 =	vld [tilespmem:s18+$0x6E60]  }
0x2d0: {  	v0 =	vadd.f32 v2, v0  }
0x2d1: {  	v2 =	vld [tilespmem:s18+$0x6EA0]  }
0x2d2: {  	v0 =	vadd.f32 v3, v0  }
0x2d3: {  	v3 =	vld [tilespmem:s18+$0x6EE0]  }
0x2d4: {  	v0 =	vadd.f32 v1, v0  }
0x2d5: {  	v1 =	vld [tilespmem:s18+$0x6F20]  }
0x2d6: {  	v0 =	vadd.f32 v2, v0  }
0x2d7: {  	v2 =	vld [tilespmem:s18+$0x6F60]  }
0x2d8: {  	v0 =	vadd.f32 v3, v0  }
0x2d9: {  	v3 =	vld [tilespmem:s18+$0x6FA0]  }
0x2da: {  	v0 =	vadd.f32 v1, v0  }
0x2db: {  	v1 =	vld [tilespmem:s18+$0x6FE0]  }
0x2dc: {  	v0 =	vadd.f32 v2, v0  }
0x2dd: {  	v2 =	vld [tilespmem:s18+$0x7020]  }
0x2de: {  	v0 =	vadd.f32 v3, v0  }
0x2df: {  	v3 =	vld [tilespmem:s18+$0x7060]  }
0x2e0: {  	v0 =	vadd.f32 v1, v0  }
0x2e1: {  	v1 =	vld [tilespmem:s18+$0x70A0]  }
0x2e2: {  	v0 =	vadd.f32 v2, v0  }
0x2e3: {  	v2 =	vld [tilespmem:s18+$0x70E0]  }
0x2e4: {  	v0 =	vadd.f32 v3, v0  }
0x2e5: {  	v3 =	vld [tilespmem:s18+$0x7120]  }
0x2e6: {  	v0 =	vadd.f32 v1, v0  }
0x2e7: {  	v1 =	vld [tilespmem:s18+$0x7160]  }
0x2e8: {  	v0 =	vadd.f32 v2, v0  }
0x2e9: {  	v2 =	vld [tilespmem:s18+$0x71A0]  }
0x2ea: {  	v0 =	vadd.f32 v3, v0  }
0x2eb: {  	v3 =	vld [tilespmem:s18+$0x71E0]  }
0x2ec: {  	v0 =	vadd.f32 v1, v0  }
0x2ed: {  	v1 =	vld [tilespmem:s18+$0x7220]  }
0x2ee: {  	v0 =	vadd.f32 v2, v0  }
0x2ef: {  	v2 =	vld [tilespmem:s18+$0x7260]  }
0x2f0: {  	v0 =	vadd.f32 v3, v0  }
0x2f1: {  	v3 =	vld [tilespmem:s18+$0x72A0]  }
0x2f2: {  	v0 =	vadd.f32 v1, v0  }
0x2f3: {  	v1 =	vld [tilespmem:s18+$0x72E0]  }
0x2f4: {  	v0 =	vadd.f32 v2, v0  }
0x2f5: {  	v2 =	vld [tilespmem:s18+$0x7320]  }
0x2f6: {  	v0 =	vadd.f32 v3, v0  }
0x2f7: {  	v3 =	vld [tilespmem:s18+$0x7360]  }
0x2f8: {  	v0 =	vadd.f32 v1, v0  }
0x2f9: {  	v1 =	vld [tilespmem:s18+$0x73A0]  }
0x2fa: {  	v0 =	vadd.f32 v2, v0  }
0x2fb: {  	v2 =	vld [tilespmem:s18+$0x73E0]  }
0x2fc: {  	v0 =	vadd.f32 v3, v0  }
0x2fd: {  	v3 =	vld [tilespmem:s18+$0x7420]  }
0x2fe: {  	v0 =	vadd.f32 v1, v0  }
0x2ff: {  	v1 =	vld [tilespmem:s18+$0x7460]  }
0x300: {  	v0 =	vadd.f32 v2, v0;
	_ =	sdelay $0x1  }
0x301: {  	v0 =	vadd.f32 v3, v0;
	_ =	sdelay $0x1  }
0x302: {  	v0 =	vadd.f32 v1, v0;
	_ =	sdelay $0x1  }
0x303: {  	v0 =	vmul.f32 $1.999999960e-02, v0;
	_ =	sdelay $0x1  }
0x304: {  	[tilespmem:s6+$0x1F820] =	vst v0  }
0x305: {  	v0 =	vld [tilespmem:s18+$0x6830]  }
0x306: {  	v1 =	vld [tilespmem:s18+$0x6870]  }
0x307: {  	v2 =	vld [tilespmem:s18+$0x68B0]  }
0x308: {  	v3 =	vld [tilespmem:s18+$0x68F0]  }
0x309: {  	v4 =	vld [tilespmem:s18+$0x6930]  }
0x30a: {  	v5 =	vld [tilespmem:s18+$0x6970]  }
0x30b: {  	v0 =	vadd.f32 v1, v0;
	v1 =	vld [tilespmem:s18+$0x69B0]  }
0x30c: {  	v6 =	vld [tilespmem:s18+$0x69F0]  }
0x30d: {  	v0 =	vadd.f32 v2, v0;
	v2 =	vld [tilespmem:s18+$0x6A30]  }
0x30e: {  	v7 =	vld [tilespmem:s18+$0x6A70]  }
0x30f: {  	v0 =	vadd.f32 v3, v0;
	v3 =	vld [tilespmem:s18+$0x6AB0]  }
0x310: {  	v8 =	vld [tilespmem:s18+$0x6AF0]  }
0x311: {  	v0 =	vadd.f32 v4, v0;
	v4 =	vld [tilespmem:s18+$0x6B30]  }
0x312: {  	v9 =	vld [tilespmem:s18+$0x6B70]  }
0x313: {  	v0 =	vadd.f32 v5, v0;
	v5 =	vld [tilespmem:s18+$0x6BB0]  }
0x314: {  	v10 =	vld [tilespmem:s18+$0x6BF0]  }
0x315: {  	v0 =	vadd.f32 v1, v0;
	v1 =	vld [tilespmem:s18+$0x6C30]  }
0x316: {  	v11 =	vld [tilespmem:s18+$0x6C70]  }
0x317: {  	v0 =	vadd.f32 v6, v0;
	v6 =	vld [tilespmem:s18+$0x6CB0]  }
0x318: {  	v12 =	vld [tilespmem:s18+$0x6CF0]  }
0x319: {  	v0 =	vadd.f32 v2, v0;
	v2 =	vld [tilespmem:s18+$0x6D30]  }
0x31a: {  	v13 =	vld [tilespmem:s18+$0x6D70]  }
0x31b: {  	v0 =	vadd.f32 v7, v0;
	v7 =	vld [tilespmem:s18+$0x6DB0]  }
0x31c: {  	v14 =	vld [tilespmem:s18+$0x6DF0]  }
0x31d: {  	v0 =	vadd.f32 v3, v0;
	v3 =	vld [tilespmem:s18+$0x6E30]  }
0x31e: {  	v15 =	vld [tilespmem:s18+$0x6E70]  }
0x31f: {  	v0 =	vadd.f32 v8, v0;
	v8 =	vld [tilespmem:s18+$0x6EB0]  }
0x320: {  	v16 =	vld [tilespmem:s18+$0x6EF0]  }
0x321: {  	v0 =	vadd.f32 v4, v0;
	v4 =	vld [tilespmem:s18+$0x6F30]  }
0x322: {  	v17 =	vld [tilespmem:s18+$0x6F70]  }
0x323: {  	v0 =	vadd.f32 v9, v0;
	v9 =	vld [tilespmem:s18+$0x6FB0]  }
0x324: {  	v18 =	vld [tilespmem:s18+$0x6FF0]  }
0x325: {  	v0 =	vadd.f32 v5, v0;
	v5 =	vld [tilespmem:s18+$0x7030]  }
0x326: {  	v19 =	vld [tilespmem:s18+$0x7070]  }
0x327: {  	v0 =	vadd.f32 v10, v0;
	v10 =	vld [tilespmem:s18+$0x70B0]  }
0x328: {  	v20 =	vld [tilespmem:s18+$0x70F0]  }
0x329: {  	v0 =	vadd.f32 v1, v0;
	v1 =	vld [tilespmem:s18+$0x7130]  }
0x32a: {  	v21 =	vld [tilespmem:s18+$0x7170]  }
0x32b: {  	v0 =	vadd.f32 v11, v0;
	v11 =	vld [tilespmem:s18+$0x71B0]  }
0x32c: {  	v22 =	vld [tilespmem:s18+$0x71F0]  }
0x32d: {  	v0 =	vadd.f32 v6, v0;
	v6 =	vld [tilespmem:s18+$0x7230]  }
0x32e: {  	v23 =	vld [tilespmem:s18+$0x7270]  }
0x32f: {  	v0 =	vadd.f32 v12, v0;
	v12 =	vld [tilespmem:s18+$0x72B0]  }
0x330: {  	v24 =	vld [tilespmem:s18+$0x72F0]  }
0x331: {  	v0 =	vadd.f32 v2, v0;
	v2 =	vld [tilespmem:s18+$0x7330]  }
0x332: {  	v25 =	vld [tilespmem:s18+$0x7370]  }
0x333: {  	v0 =	vadd.f32 v13, v0;
	v13 =	vld [tilespmem:s18+$0x73B0]  }
0x334: {  	v26 =	vld [tilespmem:s18+$0x73F0]  }
0x335: {  	v7 =	vadd.f32 v7, v0;
	v27 =	vld [tilespmem:s18+$0x7430]  }
0x336: {  	v0 =	vld [tilespmem:s18+$0x7470]  }
0x337: {  	v7 =	vadd.f32 v14, v7;
	_ =	sdelay $0x1  }
0x338: {  	v3 =	vadd.f32 v3, v7;
	_ =	sdelay $0x1  }
0x339: {  	v3 =	vadd.f32 v15, v3;
	_ =	sdelay $0x1  }
0x33a: {  	v3 =	vadd.f32 v8, v3;
	_ =	sdelay $0x1  }
0x33b: {  	v3 =	vadd.f32 v16, v3;
	_ =	sdelay $0x1  }
0x33c: {  	v3 =	vadd.f32 v4, v3;
	_ =	sdelay $0x1  }
0x33d: {  	v3 =	vadd.f32 v17, v3;
	_ =	sdelay $0x1  }
0x33e: {  	v3 =	vadd.f32 v9, v3;
	_ =	sdelay $0x1  }
0x33f: {  	v3 =	vadd.f32 v18, v3;
	_ =	sdelay $0x1  }
0x340: {  	v3 =	vadd.f32 v5, v3;
	_ =	sdelay $0x1  }
0x341: {  	v3 =	vadd.f32 v19, v3;
	_ =	sdelay $0x1  }
0x342: {  	v3 =	vadd.f32 v10, v3;
	_ =	sdelay $0x1  }
0x343: {  	v3 =	vadd.f32 v20, v3;
	_ =	sdelay $0x1  }
0x344: {  	v1 =	vadd.f32 v1, v3;
	_ =	sdelay $0x1  }
0x345: {  	v1 =	vadd.f32 v21, v1;
	_ =	sdelay $0x1  }
0x346: {  	v1 =	vadd.f32 v11, v1;
	_ =	sdelay $0x1  }
0x347: {  	v1 =	vadd.f32 v22, v1;
	_ =	sdelay $0x1  }
0x348: {  	v1 =	vadd.f32 v6, v1;
	_ =	sdelay $0x1  }
0x349: {  	v1 =	vadd.f32 v23, v1;
	_ =	sdelay $0x1  }
0x34a: {  	v1 =	vadd.f32 v12, v1;
	_ =	sdelay $0x1  }
0x34b: {  	v1 =	vadd.f32 v24, v1;
	_ =	sdelay $0x1  }
0x34c: {  	v1 =	vadd.f32 v2, v1;
	_ =	sdelay $0x1  }
0x34d: {  	v1 =	vadd.f32 v25, v1;
	_ =	sdelay $0x1  }
.Ltmp0:
0x34e: {  	v1 =	vadd.f32 v13, v1;
	(pc) =	sbr.rel @p1 .LBB2_3-.Ltmp0, $3  }
0x34f: {  	_ = 	snop  }
0x350: {  	v1 =	vadd.f32 v26, v1;
	_ =	sdelay $0x1  }
0x351: {  	v1 =	vadd.f32 v27, v1  }
0x352: {  	_ = 	snop  }
0x353: {  	p1 =	sne.s32 s22, $0xF;
	v0 =	vadd.f32 v0, v1  }
.Ltmp1:
0x354: {  	_ = 	snop;
	(pc) =	sbr.rel @p1 .LBB2_6-.Ltmp1, $4  }
0x355: {  	v0 =	vmul.f32 $1.999999960e-02, v0  }
0x356: {  	s7 =	sshll.u32 s22, $0x8  }
0x357: {  	s20 =	sadd.s32 s7, s5;
	[tilespmem:s6+$0x1F830] =	vst v0  }
0x358: {  	[hbm4b:s20+s2] =	stream.linear.scatter [tilespmem:s10], [sflag:$0x3], $0x400, $0x38;
	v63 =	vld [tilespmem:$0x0]  }
.Ltmp2:
0x359: {  	(pc) =	sbr.rel .LBB2_7-.Ltmp2, $4  }
0x35a: {  	_ = 	snop  }
0x35b: {  	_ =	swait.ge [sflag:s12], $0xC800  }
0x35c: {  	[sflag:s12] =	ssyncset.done $0x0  }
0x35d: {  	[sflag:s12] =	ssyncadd.s32 $0xFFFF3800  }
.LBB2_6:
0x35e: {  	s6 =	smul.u32 $0x1A00, s22;
	_ =	sdelay $0x1  }
0x35f: {  	s6 =	sshra.s32 s6, $0x2  }
0x360: {  	s7 =	sadd.s32 $0x680, s6  }
0x361: {  	[tilespmem:s9], [sflag:$0x1] =	stream.indirect.gather [hbm4b:s3+s8], $0x40, s7, s8, $0xb8;
	v63 =	vld [tilespmem:$0x0]  }
0x362: {  	s18 =	sadd.s32 $0x6E8, s6  }
0x363: {  	[tilespmem:s11], [sflag:$0x1] =	stream.indirect.gather [hbm4b:s3+s8], $0x40, s18, s8, $0xb8;
	v63 =	vld [tilespmem:$0x0]  }
0x364: {  	s20 =	sadd.s32 $0x750, s6  }
0x365: {  	[tilespmem:s13], [sflag:$0x1] =	stream.indirect.gather [hbm4b:s3+s8], $0x40, s20, s8, $0xb8;
	v63 =	vld [tilespmem:$0x0]  }
0x366: {  	s18 =	sadd.s32 $0x7B8, s6  }
0x367: {  	[tilespmem:s15], [sflag:$0x1] =	stream.indirect.gather [hbm4b:s3+s8], $0x40, s18, s8, $0xb8;
	v63 =	vld [tilespmem:$0x0]  }
0x368: {  	s20 =	sadd.s32 $0x820, s6  }
0x369: {  	[tilespmem:s17], [sflag:$0x1] =	stream.indirect.gather [hbm4b:s3+s8], $0x40, s20, s8, $0xb8;
	v63 =	vld [tilespmem:$0x0]  }
0x36a: {  	s18 =	sadd.s32 $0x888, s6  }
0x36b: {  	[tilespmem:s19], [sflag:$0x1] =	stream.indirect.gather [hbm4b:s3+s8], $0x40, s18, s8, $0xb8;
	v63 =	vld [tilespmem:$0x0]  }
0x36c: {  	s20 =	sadd.s32 $0x8F0, s6  }
0x36d: {  	[tilespmem:s21], [sflag:$0x1] =	stream.indirect.gather [hbm4b:s3+s8], $0x40, s20, s8, $0xb8;
	v63 =	vld [tilespmem:$0x0]  }
.Ltmp3:
0x36e: {  	s6 =	sadd.s32 $0x958, s6;
	(pc) =	sbr.rel @p0 .LBB2_8-.Ltmp3, $4  }
0x36f: {  	[tilespmem:s23], [sflag:$0x1] =	stream.indirect.gather [hbm4b:s3+s8], $0x40, s6, s8, $0xb8;
	v63 =	vld [tilespmem:$0x0]  }
0x370: {  	_ =	swait.ge [sflag:s12], $0xC800  }
0x371: {  	[sflag:s12] =	ssyncset.done $0x0  }
0x372: {  	[sflag:s12] =	ssyncadd.s32 $0xFFFF3800  }
.LBB2_7:
0x373: {  	_ =	swait.ge [sflag:s14], $0x400  }
0x374: {  	[sflag:s14] =	ssyncset.done $0x0  }
0x375: {  	[sflag:s14] =	ssyncadd.s32 $0xFFFFFC00  }
.LBB2_8:
0x376: {  	s6 =	simm.s32 $0x0  }
0x377: {  	s6 =	smul.u32 $0x3200, s6;
	_ =	sdelay $0x1  }
0x378: {  	s18 =	sshra.s32 s6, $0x2  }
0x379: {  	v0 =	vld [tilespmem:s18+$0x13000]  }
0x37a: {  	v1 =	vld [tilespmem:s18+$0x13040];
	_ =	sdelay $0x1  }
0x37b: {  	v2 =	vld [tilespmem:s18+$0x13080];
	_ =	sdelay $0x1  }
0x37c: {  	v3 =	vld [tilespmem:s18+$0x130C0]  }
0x37d: {  	v0 =	vadd.f32 v1, v0  }
0x37e: {  	v1 =	vld [tilespmem:s18+$0x13100]  }
0x37f: {  	v0 =	vadd.f32 v2, v0  }
0x380: {  	v2 =	vld [tilespmem:s18+$0x13140]  }
0x381: {  	v0 =	vadd.f32 v3, v0  }
0x382: {  	v3 =	vld [tilespmem:s18+$0x13180]  }
0x383: {  	v0 =	vadd.f32 v1, v0  }
0x384: {  	v1 =	vld [tilespmem:s18+$0x131C0]  }
0x385: {  	v0 =	vadd.f32 v2, v0  }
0x386: {  	v2 =	vld [tilespmem:s18+$0x13200]  }
0x387: {  	v0 =	vadd.f32 v3, v0  }
0x388: {  	v3 =	vld [tilespmem:s18+$0x13240]  }
0x389: {  	v0 =	vadd.f32 v1, v0  }
0x38a: {  	v1 =	vld [tilespmem:s18+$0x13280]  }
0x38b: {  	v0 =	vadd.f32 v2, v0  }
0x38c: {  	v2 =	vld [tilespmem:s18+$0x132C0]  }
0x38d: {  	v0 =	vadd.f32 v3, v0  }
0x38e: {  	v3 =	vld [tilespmem:s18+$0x13300]  }
0x38f: {  	v0 =	vadd.f32 v1, v0  }
0x390: {  	v1 =	vld [tilespmem:s18+$0x13340]  }
0x391: {  	v0 =	vadd.f32 v2, v0  }
0x392: {  	v2 =	vld [tilespmem:s18+$0x13380]  }
0x393: {  	v0 =	vadd.f32 v3, v0  }
0x394: {  	v3 =	vld [tilespmem:s18+$0x133C0]  }
0x395: {  	v0 =	vadd.f32 v1, v0  }
0x396: {  	v1 =	vld [tilespmem:s18+$0x13400]  }
0x397: {  	v0 =	vadd.f32 v2, v0  }
0x398: {  	v2 =	vld [tilespmem:s18+$0x13440]  }
0x399: {  	v0 =	vadd.f32 v3, v0  }
0x39a: {  	v3 =	vld [tilespmem:s18+$0x13480]  }
0x39b: {  	v0 =	vadd.f32 v1, v0  }
0x39c: {  	v1 =	vld [tilespmem:s18+$0x134C0]  }
0x39d: {  	v0 =	vadd.f32 v2, v0  }
0x39e: {  	v2 =	vld [tilespmem:s18+$0x13500]  }
0x39f: {  	v0 =	vadd.f32 v3, v0  }
0x3a0: {  	v3 =	vld [tilespmem:s18+$0x13540]  }
0x3a1: {  	v0 =	vadd.f32 v1, v0  }
0x3a2: {  	v1 =	vld [tilespmem:s18+$0x13580]  }
0x3a3: {  	v0 =	vadd.f32 v2, v0  }
0x3a4: {  	v2 =	vld [tilespmem:s18+$0x135C0]  }
0x3a5: {  	v0 =	vadd.f32 v3, v0  }
0x3a6: {  	v3 =	vld [tilespmem:s18+$0x13600]  }
0x3a7: {  	v0 =	vadd.f32 v1, v0  }
0x3a8: {  	v1 =	vld [tilespmem:s18+$0x13640]  }
0x3a9: {  	v0 =	vadd.f32 v2, v0  }
0x3aa: {  	v2 =	vld [tilespmem:s18+$0x13680]  }
0x3ab: {  	v0 =	vadd.f32 v3, v0  }
0x3ac: {  	v3 =	vld [tilespmem:s18+$0x136C0]  }
0x3ad: {  	v0 =	vadd.f32 v1, v0  }
0x3ae: {  	v1 =	vld [tilespmem:s18+$0x13700]  }
0x3af: {  	v0 =	vadd.f32 v2, v0  }
0x3b0: {  	v2 =	vld [tilespmem:s18+$0x13740]  }
0x3b1: {  	v0 =	vadd.f32 v3, v0  }
0x3b2: {  	v3 =	vld [tilespmem:s18+$0x13780]  }
0x3b3: {  	v0 =	vadd.f32 v1, v0  }
0x3b4: {  	v1 =	vld [tilespmem:s18+$0x137C0]  }
0x3b5: {  	v0 =	vadd.f32 v2, v0  }
0x3b6: {  	v2 =	vld [tilespmem:s18+$0x13800]  }
0x3b7: {  	v0 =	vadd.f32 v3, v0  }
0x3b8: {  	v3 =	vld [tilespmem:s18+$0x13840]  }
0x3b9: {  	v0 =	vadd.f32 v1, v0  }
0x3ba: {  	v1 =	vld [tilespmem:s18+$0x13880]  }
0x3bb: {  	v0 =	vadd.f32 v2, v0  }
0x3bc: {  	v2 =	vld [tilespmem:s18+$0x138C0]  }
0x3bd: {  	v0 =	vadd.f32 v3, v0  }
0x3be: {  	v3 =	vld [tilespmem:s18+$0x13900]  }
0x3bf: {  	v0 =	vadd.f32 v1, v0  }
0x3c0: {  	v1 =	vld [tilespmem:s18+$0x13940]  }
0x3c1: {  	v0 =	vadd.f32 v2, v0  }
0x3c2: {  	v2 =	vld [tilespmem:s18+$0x13980]  }
0x3c3: {  	v0 =	vadd.f32 v3, v0  }
0x3c4: {  	v3 =	vld [tilespmem:s18+$0x139C0]  }
0x3c5: {  	v0 =	vadd.f32 v1, v0  }
0x3c6: {  	v1 =	vld [tilespmem:s18+$0x13A00]  }
0x3c7: {  	v0 =	vadd.f32 v2, v0  }
0x3c8: {  	v2 =	vld [tilespmem:s18+$0x13A40]  }
0x3c9: {  	v0 =	vadd.f32 v3, v0  }
0x3ca: {  	v3 =	vld [tilespmem:s18+$0x13A80]  }
0x3cb: {  	v0 =	vadd.f32 v1, v0  }
0x3cc: {  	v1 =	vld [tilespmem:s18+$0x13AC0]  }
0x3cd: {  	v0 =	vadd.f32 v2, v0  }
0x3ce: {  	v2 =	vld [tilespmem:s18+$0x13B00]  }
0x3cf: {  	v0 =	vadd.f32 v3, v0  }
0x3d0: {  	v3 =	vld [tilespmem:s18+$0x13B40]  }
0x3d1: {  	v0 =	vadd.f32 v1, v0  }
0x3d2: {  	v1 =	vld [tilespmem:s18+$0x13B80]  }
0x3d3: {  	v0 =	vadd.f32 v2, v0  }
0x3d4: {  	v2 =	vld [tilespmem:s18+$0x13BC0]  }
0x3d5: {  	v0 =	vadd.f32 v3, v0  }
0x3d6: {  	v3 =	vld [tilespmem:s18+$0x13C00]  }
0x3d7: {  	v0 =	vadd.f32 v1, v0  }
0x3d8: {  	v1 =	vld [tilespmem:s18+$0x13C40]  }
0x3d9: {  	v0 =	vadd.f32 v2, v0;
	_ =	sdelay $0x1  }
0x3da: {  	v0 =	vadd.f32 v3, v0;
	_ =	sdelay $0x1  }
0x3db: {  	v0 =	vadd.f32 v1, v0;
	_ =	sdelay $0x1  }
0x3dc: {  	s20 =	simm.s32 $0x0;
	v0 =	vmul.f32 $1.999999960e-02, v0  }
0x3dd: {  	s6 =	sand.u32 $0x3FFFFFC0, s20  }
0x3de: {  	[tilespmem:s6+$0x1FC00] =	vst v0  }
0x3df: {  	v0 =	vld [tilespmem:s18+$0x13010]  }
0x3e0: {  	v1 =	vld [tilespmem:s18+$0x13050];
	_ =	sdelay $0x1  }
0x3e1: {  	v2 =	vld [tilespmem:s18+$0x13090];
	_ =	sdelay $0x1  }
0x3e2: {  	v3 =	vld [tilespmem:s18+$0x130D0]  }
0x3e3: {  	v0 =	vadd.f32 v1, v0  }
0x3e4: {  	v1 =	vld [tilespmem:s18+$0x13110]  }
0x3e5: {  	v0 =	vadd.f32 v2, v0  }
0x3e6: {  	v2 =	vld [tilespmem:s18+$0x13150]  }
0x3e7: {  	v0 =	vadd.f32 v3, v0  }
0x3e8: {  	v3 =	vld [tilespmem:s18+$0x13190]  }
0x3e9: {  	v0 =	vadd.f32 v1, v0  }
0x3ea: {  	v1 =	vld [tilespmem:s18+$0x131D0]  }
0x3eb: {  	v0 =	vadd.f32 v2, v0  }
0x3ec: {  	v2 =	vld [tilespmem:s18+$0x13210]  }
0x3ed: {  	v0 =	vadd.f32 v3, v0  }
0x3ee: {  	v3 =	vld [tilespmem:s18+$0x13250]  }
0x3ef: {  	v0 =	vadd.f32 v1, v0  }
0x3f0: {  	v1 =	vld [tilespmem:s18+$0x13290]  }
0x3f1: {  	v0 =	vadd.f32 v2, v0  }
0x3f2: {  	v2 =	vld [tilespmem:s18+$0x132D0]  }
0x3f3: {  	v0 =	vadd.f32 v3, v0  }
0x3f4: {  	v3 =	vld [tilespmem:s18+$0x13310]  }
0x3f5: {  	v0 =	vadd.f32 v1, v0  }
0x3f6: {  	v1 =	vld [tilespmem:s18+$0x13350]  }
0x3f7: {  	v0 =	vadd.f32 v2, v0  }
0x3f8: {  	v2 =	vld [tilespmem:s18+$0x13390]  }
0x3f9: {  	v0 =	vadd.f32 v3, v0  }
0x3fa: {  	v3 =	vld [tilespmem:s18+$0x133D0]  }
0x3fb: {  	v0 =	vadd.f32 v1, v0  }
0x3fc: {  	v1 =	vld [tilespmem:s18+$0x13410]  }
0x3fd: {  	v0 =	vadd.f32 v2, v0  }
0x3fe: {  	v2 =	vld [tilespmem:s18+$0x13450]  }
0x3ff: {  	v0 =	vadd.f32 v3, v0  }
0x400: {  	v3 =	vld [tilespmem:s18+$0x13490]  }
0x401: {  	v0 =	vadd.f32 v1, v0  }
0x402: {  	v1 =	vld [tilespmem:s18+$0x134D0]  }
0x403: {  	v0 =	vadd.f32 v2, v0  }
0x404: {  	v2 =	vld [tilespmem:s18+$0x13510]  }
0x405: {  	v0 =	vadd.f32 v3, v0  }
0x406: {  	v3 =	vld [tilespmem:s18+$0x13550]  }
0x407: {  	v0 =	vadd.f32 v1, v0  }
0x408: {  	v1 =	vld [tilespmem:s18+$0x13590]  }
0x409: {  	v0 =	vadd.f32 v2, v0  }
0x40a: {  	v2 =	vld [tilespmem:s18+$0x135D0]  }
0x40b: {  	v0 =	vadd.f32 v3, v0  }
0x40c: {  	v3 =	vld [tilespmem:s18+$0x13610]  }
0x40d: {  	v0 =	vadd.f32 v1, v0  }
0x40e: {  	v1 =	vld [tilespmem:s18+$0x13650]  }
0x40f: {  	v0 =	vadd.f32 v2, v0  }
0x410: {  	v2 =	vld [tilespmem:s18+$0x13690]  }
0x411: {  	v0 =	vadd.f32 v3, v0  }
0x412: {  	v3 =	vld [tilespmem:s18+$0x136D0]  }
0x413: {  	v0 =	vadd.f32 v1, v0  }
0x414: {  	v1 =	vld [tilespmem:s18+$0x13710]  }
0x415: {  	v0 =	vadd.f32 v2, v0  }
0x416: {  	v2 =	vld [tilespmem:s18+$0x13750]  }
0x417: {  	v0 =	vadd.f32 v3, v0  }
0x418: {  	v3 =	vld [tilespmem:s18+$0x13790]  }
0x419: {  	v0 =	vadd.f32 v1, v0  }
0x41a: {  	v1 =	vld [tilespmem:s18+$0x137D0]  }
0x41b: {  	v0 =	vadd.f32 v2, v0  }
0x41c: {  	v2 =	vld [tilespmem:s18+$0x13810]  }
0x41d: {  	v0 =	vadd.f32 v3, v0  }
0x41e: {  	v3 =	vld [tilespmem:s18+$0x13850]  }
0x41f: {  	v0 =	vadd.f32 v1, v0  }
0x420: {  	v1 =	vld [tilespmem:s18+$0x13890]  }
0x421: {  	v0 =	vadd.f32 v2, v0  }
0x422: {  	v2 =	vld [tilespmem:s18+$0x138D0]  }
0x423: {  	v0 =	vadd.f32 v3, v0  }
0x424: {  	v3 =	vld [tilespmem:s18+$0x13910]  }
0x425: {  	v0 =	vadd.f32 v1, v0  }
0x426: {  	v1 =	vld [tilespmem:s18+$0x13950]  }
0x427: {  	v0 =	vadd.f32 v2, v0  }
0x428: {  	v2 =	vld [tilespmem:s18+$0x13990]  }
0x429: {  	v0 =	vadd.f32 v3, v0  }
0x42a: {  	v3 =	vld [tilespmem:s18+$0x139D0]  }
0x42b: {  	v0 =	vadd.f32 v1, v0  }
0x42c: {  	v1 =	vld [tilespmem:s18+$0x13A10]  }
0x42d: {  	v0 =	vadd.f32 v2, v0  }
0x42e: {  	v2 =	vld [tilespmem:s18+$0x13A50]  }
0x42f: {  	v0 =	vadd.f32 v3, v0  }
0x430: {  	v3 =	vld [tilespmem:s18+$0x13A90]  }
0x431: {  	v0 =	vadd.f32 v1, v0  }
0x432: {  	v1 =	vld [tilespmem:s18+$0x13AD0]  }
0x433: {  	v0 =	vadd.f32 v2, v0  }
0x434: {  	v2 =	vld [tilespmem:s18+$0x13B10]  }
0x435: {  	v0 =	vadd.f32 v3, v0  }
0x436: {  	v3 =	vld [tilespmem:s18+$0x13B50]  }
0x437: {  	v0 =	vadd.f32 v1, v0  }
0x438: {  	v1 =	vld [tilespmem:s18+$0x13B90]  }
0x439: {  	v0 =	vadd.f32 v2, v0  }
0x43a: {  	v2 =	vld [tilespmem:s18+$0x13BD0]  }
0x43b: {  	v0 =	vadd.f32 v3, v0  }
0x43c: {  	v3 =	vld [tilespmem:s18+$0x13C10]  }
0x43d: {  	v0 =	vadd.f32 v1, v0  }
0x43e: {  	v1 =	vld [tilespmem:s18+$0x13C50]  }
0x43f: {  	v0 =	vadd.f32 v2, v0;
	_ =	sdelay $0x1  }
0x440: {  	v0 =	vadd.f32 v3, v0;
	_ =	sdelay $0x1  }
0x441: {  	v0 =	vadd.f32 v1, v0;
	_ =	sdelay $0x1  }
0x442: {  	v0 =	vmul.f32 $1.999999960e-02, v0;
	_ =	sdelay $0x1  }
0x443: {  	[tilespmem:s6+$0x1FC10] =	vst v0  }
0x444: {  	v0 =	vld [tilespmem:s18+$0x13020]  }
0x445: {  	v1 =	vld [tilespmem:s18+$0x13060];
	_ =	sdelay $0x1  }
0x446: {  	v2 =	vld [tilespmem:s18+$0x130A0];
	_ =	sdelay $0x1  }
0x447: {  	v3 =	vld [tilespmem:s18+$0x130E0]  }
0x448: {  	v0 =	vadd.f32 v1, v0  }
0x449: {  	v1 =	vld [tilespmem:s18+$0x13120]  }
0x44a: {  	v0 =	vadd.f32 v2, v0  }
0x44b: {  	v2 =	vld [tilespmem:s18+$0x13160]  }
0x44c: {  	v0 =	vadd.f32 v3, v0  }
0x44d: {  	v3 =	vld [tilespmem:s18+$0x131A0]  }
0x44e: {  	v0 =	vadd.f32 v1, v0  }
0x44f: {  	v1 =	vld [tilespmem:s18+$0x131E0]  }
0x450: {  	v0 =	vadd.f32 v2, v0  }
0x451: {  	v2 =	vld [tilespmem:s18+$0x13220]  }
0x452: {  	v0 =	vadd.f32 v3, v0  }
0x453: {  	v3 =	vld [tilespmem:s18+$0x13260]  }
0x454: {  	v0 =	vadd.f32 v1, v0  }
0x455: {  	v1 =	vld [tilespmem:s18+$0x132A0]  }
0x456: {  	v0 =	vadd.f32 v2, v0  }
0x457: {  	v2 =	vld [tilespmem:s18+$0x132E0]  }
0x458: {  	v0 =	vadd.f32 v3, v0  }
0x459: {  	v3 =	vld [tilespmem:s18+$0x13320]  }
0x45a: {  	v0 =	vadd.f32 v1, v0  }
0x45b: {  	v1 =	vld [tilespmem:s18+$0x13360]  }
0x45c: {  	v0 =	vadd.f32 v2, v0  }
0x45d: {  	v2 =	vld [tilespmem:s18+$0x133A0]  }
0x45e: {  	v0 =	vadd.f32 v3, v0  }
0x45f: {  	v3 =	vld [tilespmem:s18+$0x133E0]  }
0x460: {  	v0 =	vadd.f32 v1, v0  }
0x461: {  	v1 =	vld [tilespmem:s18+$0x13420]  }
0x462: {  	v0 =	vadd.f32 v2, v0  }
0x463: {  	v2 =	vld [tilespmem:s18+$0x13460]  }
0x464: {  	v0 =	vadd.f32 v3, v0  }
0x465: {  	v3 =	vld [tilespmem:s18+$0x134A0]  }
0x466: {  	v0 =	vadd.f32 v1, v0  }
0x467: {  	v1 =	vld [tilespmem:s18+$0x134E0]  }
0x468: {  	v0 =	vadd.f32 v2, v0  }
0x469: {  	v2 =	vld [tilespmem:s18+$0x13520]  }
0x46a: {  	v0 =	vadd.f32 v3, v0  }
0x46b: {  	v3 =	vld [tilespmem:s18+$0x13560]  }
0x46c: {  	v0 =	vadd.f32 v1, v0  }
0x46d: {  	v1 =	vld [tilespmem:s18+$0x135A0]  }
0x46e: {  	v0 =	vadd.f32 v2, v0  }
0x46f: {  	v2 =	vld [tilespmem:s18+$0x135E0]  }
0x470: {  	v0 =	vadd.f32 v3, v0  }
0x471: {  	v3 =	vld [tilespmem:s18+$0x13620]  }
0x472: {  	v0 =	vadd.f32 v1, v0  }
0x473: {  	v1 =	vld [tilespmem:s18+$0x13660]  }
0x474: {  	v0 =	vadd.f32 v2, v0  }
0x475: {  	v2 =	vld [tilespmem:s18+$0x136A0]  }
0x476: {  	v0 =	vadd.f32 v3, v0  }
0x477: {  	v3 =	vld [tilespmem:s18+$0x136E0]  }
0x478: {  	v0 =	vadd.f32 v1, v0  }
0x479: {  	v1 =	vld [tilespmem:s18+$0x13720]  }
0x47a: {  	v0 =	vadd.f32 v2, v0  }
0x47b: {  	v2 =	vld [tilespmem:s18+$0x13760]  }
0x47c: {  	v0 =	vadd.f32 v3, v0  }
0x47d: {  	v3 =	vld [tilespmem:s18+$0x137A0]  }
0x47e: {  	v0 =	vadd.f32 v1, v0  }
0x47f: {  	v1 =	vld [tilespmem:s18+$0x137E0]  }
0x480: {  	v0 =	vadd.f32 v2, v0  }
0x481: {  	v2 =	vld [tilespmem:s18+$0x13820]  }
0x482: {  	v0 =	vadd.f32 v3, v0  }
0x483: {  	v3 =	vld [tilespmem:s18+$0x13860]  }
0x484: {  	v0 =	vadd.f32 v1, v0  }
0x485: {  	v1 =	vld [tilespmem:s18+$0x138A0]  }
0x486: {  	v0 =	vadd.f32 v2, v0  }
0x487: {  	v2 =	vld [tilespmem:s18+$0x138E0]  }
0x488: {  	v0 =	vadd.f32 v3, v0  }
0x489: {  	v3 =	vld [tilespmem:s18+$0x13920]  }
0x48a: {  	v0 =	vadd.f32 v1, v0  }
0x48b: {  	v1 =	vld [tilespmem:s18+$0x13960]  }
0x48c: {  	v0 =	vadd.f32 v2, v0  }
0x48d: {  	v2 =	vld [tilespmem:s18+$0x139A0]  }
0x48e: {  	v0 =	vadd.f32 v3, v0  }
0x48f: {  	v3 =	vld [tilespmem:s18+$0x139E0]  }
0x490: {  	v0 =	vadd.f32 v1, v0  }
0x491: {  	v1 =	vld [tilespmem:s18+$0x13A20]  }
0x492: {  	v0 =	vadd.f32 v2, v0  }
0x493: {  	v2 =	vld [tilespmem:s18+$0x13A60]  }
0x494: {  	v0 =	vadd.f32 v3, v0  }
0x495: {  	v3 =	vld [tilespmem:s18+$0x13AA0]  }
0x496: {  	v0 =	vadd.f32 v1, v0  }
0x497: {  	v1 =	vld [tilespmem:s18+$0x13AE0]  }
0x498: {  	v0 =	vadd.f32 v2, v0  }
0x499: {  	v2 =	vld [tilespmem:s18+$0x13B20]  }
0x49a: {  	v0 =	vadd.f32 v3, v0  }
0x49b: {  	v3 =	vld [tilespmem:s18+$0x13B60]  }
0x49c: {  	v0 =	vadd.f32 v1, v0  }
0x49d: {  	v1 =	vld [tilespmem:s18+$0x13BA0]  }
0x49e: {  	v0 =	vadd.f32 v2, v0  }
0x49f: {  	v2 =	vld [tilespmem:s18+$0x13BE0]  }
0x4a0: {  	v0 =	vadd.f32 v3, v0  }
0x4a1: {  	v3 =	vld [tilespmem:s18+$0x13C20]  }
0x4a2: {  	v0 =	vadd.f32 v1, v0  }
0x4a3: {  	v1 =	vld [tilespmem:s18+$0x13C60]  }
0x4a4: {  	v0 =	vadd.f32 v2, v0;
	_ =	sdelay $0x1  }
0x4a5: {  	v0 =	vadd.f32 v3, v0;
	_ =	sdelay $0x1  }
0x4a6: {  	v0 =	vadd.f32 v1, v0;
	_ =	sdelay $0x1  }
0x4a7: {  	v0 =	vmul.f32 $1.999999960e-02, v0;
	_ =	sdelay $0x1  }
0x4a8: {  	[tilespmem:s6+$0x1FC20] =	vst v0  }
0x4a9: {  	v0 =	vld [tilespmem:s18+$0x13030]  }
0x4aa: {  	v1 =	vld [tilespmem:s18+$0x13070];
	_ =	sdelay $0x1  }
0x4ab: {  	v2 =	vld [tilespmem:s18+$0x130B0];
	_ =	sdelay $0x1  }
0x4ac: {  	v3 =	vld [tilespmem:s18+$0x130F0]  }
0x4ad: {  	v0 =	vadd.f32 v1, v0  }
0x4ae: {  	v1 =	vld [tilespmem:s18+$0x13130]  }
0x4af: {  	v0 =	vadd.f32 v2, v0  }
0x4b0: {  	v2 =	vld [tilespmem:s18+$0x13170]  }
0x4b1: {  	v0 =	vadd.f32 v3, v0  }
0x4b2: {  	v3 =	vld [tilespmem:s18+$0x131B0]  }
0x4b3: {  	v0 =	vadd.f32 v1, v0  }
0x4b4: {  	v1 =	vld [tilespmem:s18+$0x131F0]  }
0x4b5: {  	v0 =	vadd.f32 v2, v0  }
0x4b6: {  	v2 =	vld [tilespmem:s18+$0x13230]  }
0x4b7: {  	v0 =	vadd.f32 v3, v0  }
0x4b8: {  	v3 =	vld [tilespmem:s18+$0x13270]  }
0x4b9: {  	v0 =	vadd.f32 v1, v0  }
0x4ba: {  	v1 =	vld [tilespmem:s18+$0x132B0]  }
0x4bb: {  	v0 =	vadd.f32 v2, v0  }
0x4bc: {  	v2 =	vld [tilespmem:s18+$0x132F0]  }
0x4bd: {  	v0 =	vadd.f32 v3, v0  }
0x4be: {  	v3 =	vld [tilespmem:s18+$0x13330]  }
0x4bf: {  	v0 =	vadd.f32 v1, v0  }
0x4c0: {  	v1 =	vld [tilespmem:s18+$0x13370]  }
0x4c1: {  	v0 =	vadd.f32 v2, v0  }
0x4c2: {  	v2 =	vld [tilespmem:s18+$0x133B0]  }
0x4c3: {  	v0 =	vadd.f32 v3, v0  }
0x4c4: {  	v3 =	vld [tilespmem:s18+$0x133F0]  }
0x4c5: {  	v0 =	vadd.f32 v1, v0  }
0x4c6: {  	v1 =	vld [tilespmem:s18+$0x13430]  }
0x4c7: {  	v0 =	vadd.f32 v2, v0  }
0x4c8: {  	v2 =	vld [tilespmem:s18+$0x13470]  }
0x4c9: {  	v0 =	vadd.f32 v3, v0  }
0x4ca: {  	v3 =	vld [tilespmem:s18+$0x134B0]  }
0x4cb: {  	v0 =	vadd.f32 v1, v0  }
0x4cc: {  	v1 =	vld [tilespmem:s18+$0x134F0]  }
0x4cd: {  	v0 =	vadd.f32 v2, v0  }
0x4ce: {  	v2 =	vld [tilespmem:s18+$0x13530]  }
0x4cf: {  	v0 =	vadd.f32 v3, v0  }
0x4d0: {  	v3 =	vld [tilespmem:s18+$0x13570]  }
0x4d1: {  	v0 =	vadd.f32 v1, v0  }
0x4d2: {  	v1 =	vld [tilespmem:s18+$0x135B0]  }
0x4d3: {  	v0 =	vadd.f32 v2, v0  }
0x4d4: {  	v2 =	vld [tilespmem:s18+$0x135F0]  }
0x4d5: {  	v0 =	vadd.f32 v3, v0  }
0x4d6: {  	v3 =	vld [tilespmem:s18+$0x13630]  }
0x4d7: {  	v0 =	vadd.f32 v1, v0  }
0x4d8: {  	v1 =	vld [tilespmem:s18+$0x13670]  }
0x4d9: {  	v0 =	vadd.f32 v2, v0  }
0x4da: {  	v2 =	vld [tilespmem:s18+$0x136B0]  }
0x4db: {  	v0 =	vadd.f32 v3, v0  }
0x4dc: {  	v3 =	vld [tilespmem:s18+$0x136F0]  }
0x4dd: {  	v0 =	vadd.f32 v1, v0  }
0x4de: {  	v1 =	vld [tilespmem:s18+$0x13730]  }
0x4df: {  	v0 =	vadd.f32 v2, v0  }
0x4e0: {  	v2 =	vld [tilespmem:s18+$0x13770]  }
0x4e1: {  	v0 =	vadd.f32 v3, v0  }
0x4e2: {  	v3 =	vld [tilespmem:s18+$0x137B0]  }
0x4e3: {  	v0 =	vadd.f32 v1, v0  }
0x4e4: {  	v1 =	vld [tilespmem:s18+$0x137F0]  }
0x4e5: {  	v0 =	vadd.f32 v2, v0  }
0x4e6: {  	v2 =	vld [tilespmem:s18+$0x13830]  }
0x4e7: {  	v0 =	vadd.f32 v3, v0  }
0x4e8: {  	v3 =	vld [tilespmem:s18+$0x13870]  }
0x4e9: {  	v0 =	vadd.f32 v1, v0  }
0x4ea: {  	v1 =	vld [tilespmem:s18+$0x138B0]  }
0x4eb: {  	v0 =	vadd.f32 v2, v0  }
0x4ec: {  	v2 =	vld [tilespmem:s18+$0x138F0]  }
0x4ed: {  	v0 =	vadd.f32 v3, v0  }
0x4ee: {  	v3 =	vld [tilespmem:s18+$0x13930]  }
0x4ef: {  	v0 =	vadd.f32 v1, v0  }
0x4f0: {  	v1 =	vld [tilespmem:s18+$0x13970]  }
0x4f1: {  	v0 =	vadd.f32 v2, v0  }
0x4f2: {  	v2 =	vld [tilespmem:s18+$0x139B0]  }
0x4f3: {  	v0 =	vadd.f32 v3, v0  }
0x4f4: {  	v3 =	vld [tilespmem:s18+$0x139F0]  }
0x4f5: {  	v0 =	vadd.f32 v1, v0  }
0x4f6: {  	v1 =	vld [tilespmem:s18+$0x13A30]  }
0x4f7: {  	v0 =	vadd.f32 v2, v0  }
0x4f8: {  	v2 =	vld [tilespmem:s18+$0x13A70]  }
0x4f9: {  	v0 =	vadd.f32 v3, v0  }
0x4fa: {  	v3 =	vld [tilespmem:s18+$0x13AB0]  }
0x4fb: {  	v0 =	vadd.f32 v1, v0  }
0x4fc: {  	v1 =	vld [tilespmem:s18+$0x13AF0]  }
0x4fd: {  	v0 =	vadd.f32 v2, v0  }
0x4fe: {  	v2 =	vld [tilespmem:s18+$0x13B30]  }
0x4ff: {  	v0 =	vadd.f32 v3, v0  }
0x500: {  	v3 =	vld [tilespmem:s18+$0x13B70]  }
0x501: {  	v0 =	vadd.f32 v1, v0  }
0x502: {  	v1 =	vld [tilespmem:s18+$0x13BB0]  }
0x503: {  	v0 =	vadd.f32 v2, v0  }
0x504: {  	v2 =	vld [tilespmem:s18+$0x13BF0]  }
0x505: {  	v0 =	vadd.f32 v3, v0;
	_ =	sdelay $0x1  }
0x506: {  	v3 =	vld [tilespmem:s18+$0x13C30];
	v0 =	vadd.f32 v1, v0;
	_ =	sdelay $0x1  }
0x507: {  	v1 =	vadd.f32 v2, v0;
	v0 =	vld [tilespmem:s18+$0x13C70];
	_ =	sdelay $0x2  }
0x508: {  	s7 =	simm.s32 $0x1;
	v1 =	vadd.f32 v3, v1  }
.LBB2_9:
0x509: {  	p0 =	sne.s32 s7, $0xF;
	s20 =	smov.u32 s7;
	s7 =	sadd.s32 $0x1, s7  }
0x50a: {  	v0 =	vadd.f32 v0, v1  }
0x50b: {  	s18 =	smul.u32 $0x3200, s20  }
0x50c: {  	v0 =	vmul.f32 $1.999999960e-02, v0  }
0x50d: {  	s18 =	sshra.s32 s18, $0x2  }
0x50e: {  	[tilespmem:s6+$0x1FC30] =	vst v0  }
0x50f: {  	v0 =	vld [tilespmem:s18+$0x13000]  }
0x510: {  	v1 =	vld [tilespmem:s18+$0x13040];
	_ =	sdelay $0x1  }
0x511: {  	v2 =	vld [tilespmem:s18+$0x13080];
	_ =	sdelay $0x1  }
0x512: {  	v3 =	vld [tilespmem:s18+$0x130C0]  }
0x513: {  	v0 =	vadd.f32 v1, v0  }
0x514: {  	v1 =	vld [tilespmem:s18+$0x13100]  }
0x515: {  	v0 =	vadd.f32 v2, v0  }
0x516: {  	v2 =	vld [tilespmem:s18+$0x13140]  }
0x517: {  	v0 =	vadd.f32 v3, v0  }
0x518: {  	v3 =	vld [tilespmem:s18+$0x13180]  }
0x519: {  	v0 =	vadd.f32 v1, v0  }
0x51a: {  	v1 =	vld [tilespmem:s18+$0x131C0]  }
0x51b: {  	v0 =	vadd.f32 v2, v0  }
0x51c: {  	v2 =	vld [tilespmem:s18+$0x13200]  }
0x51d: {  	v0 =	vadd.f32 v3, v0  }
0x51e: {  	v3 =	vld [tilespmem:s18+$0x13240]  }
0x51f: {  	v0 =	vadd.f32 v1, v0  }
0x520: {  	v1 =	vld [tilespmem:s18+$0x13280]  }
0x521: {  	v0 =	vadd.f32 v2, v0  }
0x522: {  	v2 =	vld [tilespmem:s18+$0x132C0]  }
0x523: {  	v0 =	vadd.f32 v3, v0  }
0x524: {  	v3 =	vld [tilespmem:s18+$0x13300]  }
0x525: {  	v0 =	vadd.f32 v1, v0  }
0x526: {  	v1 =	vld [tilespmem:s18+$0x13340]  }
0x527: {  	v0 =	vadd.f32 v2, v0  }
0x528: {  	v2 =	vld [tilespmem:s18+$0x13380]  }
0x529: {  	v0 =	vadd.f32 v3, v0  }
0x52a: {  	v3 =	vld [tilespmem:s18+$0x133C0]  }
0x52b: {  	v0 =	vadd.f32 v1, v0  }
0x52c: {  	v1 =	vld [tilespmem:s18+$0x13400]  }
0x52d: {  	v0 =	vadd.f32 v2, v0  }
0x52e: {  	v2 =	vld [tilespmem:s18+$0x13440]  }
0x52f: {  	v0 =	vadd.f32 v3, v0  }
0x530: {  	v3 =	vld [tilespmem:s18+$0x13480]  }
0x531: {  	v0 =	vadd.f32 v1, v0  }
0x532: {  	v1 =	vld [tilespmem:s18+$0x134C0]  }
0x533: {  	v0 =	vadd.f32 v2, v0  }
0x534: {  	v2 =	vld [tilespmem:s18+$0x13500]  }
0x535: {  	v0 =	vadd.f32 v3, v0  }
0x536: {  	v3 =	vld [tilespmem:s18+$0x13540]  }
0x537: {  	v0 =	vadd.f32 v1, v0  }
0x538: {  	v1 =	vld [tilespmem:s18+$0x13580]  }
0x539: {  	v0 =	vadd.f32 v2, v0  }
0x53a: {  	v2 =	vld [tilespmem:s18+$0x135C0]  }
0x53b: {  	v0 =	vadd.f32 v3, v0  }
0x53c: {  	v3 =	vld [tilespmem:s18+$0x13600]  }
0x53d: {  	v0 =	vadd.f32 v1, v0  }
0x53e: {  	v1 =	vld [tilespmem:s18+$0x13640]  }
0x53f: {  	v0 =	vadd.f32 v2, v0  }
0x540: {  	v2 =	vld [tilespmem:s18+$0x13680]  }
0x541: {  	v0 =	vadd.f32 v3, v0  }
0x542: {  	v3 =	vld [tilespmem:s18+$0x136C0]  }
0x543: {  	v0 =	vadd.f32 v1, v0  }
0x544: {  	v1 =	vld [tilespmem:s18+$0x13700]  }
0x545: {  	v0 =	vadd.f32 v2, v0  }
0x546: {  	v2 =	vld [tilespmem:s18+$0x13740]  }
0x547: {  	v0 =	vadd.f32 v3, v0  }
0x548: {  	v3 =	vld [tilespmem:s18+$0x13780]  }
0x549: {  	v0 =	vadd.f32 v1, v0  }
0x54a: {  	v1 =	vld [tilespmem:s18+$0x137C0]  }
0x54b: {  	v0 =	vadd.f32 v2, v0  }
0x54c: {  	v2 =	vld [tilespmem:s18+$0x13800]  }
0x54d: {  	v0 =	vadd.f32 v3, v0  }
0x54e: {  	v3 =	vld [tilespmem:s18+$0x13840]  }
0x54f: {  	v0 =	vadd.f32 v1, v0  }
0x550: {  	v1 =	vld [tilespmem:s18+$0x13880]  }
0x551: {  	v0 =	vadd.f32 v2, v0  }
0x552: {  	v2 =	vld [tilespmem:s18+$0x138C0]  }
0x553: {  	v0 =	vadd.f32 v3, v0  }
0x554: {  	v3 =	vld [tilespmem:s18+$0x13900]  }
0x555: {  	v0 =	vadd.f32 v1, v0  }
0x556: {  	v1 =	vld [tilespmem:s18+$0x13940]  }
0x557: {  	v0 =	vadd.f32 v2, v0  }
0x558: {  	v2 =	vld [tilespmem:s18+$0x13980]  }
0x559: {  	v0 =	vadd.f32 v3, v0  }
0x55a: {  	v3 =	vld [tilespmem:s18+$0x139C0]  }
0x55b: {  	v0 =	vadd.f32 v1, v0  }
0x55c: {  	v1 =	vld [tilespmem:s18+$0x13A00]  }
0x55d: {  	v0 =	vadd.f32 v2, v0  }
0x55e: {  	v2 =	vld [tilespmem:s18+$0x13A40]  }
0x55f: {  	v0 =	vadd.f32 v3, v0  }
0x560: {  	v3 =	vld [tilespmem:s18+$0x13A80]  }
0x561: {  	v0 =	vadd.f32 v1, v0  }
0x562: {  	v1 =	vld [tilespmem:s18+$0x13AC0]  }
0x563: {  	v0 =	vadd.f32 v2, v0  }
0x564: {  	v2 =	vld [tilespmem:s18+$0x13B00]  }
0x565: {  	v0 =	vadd.f32 v3, v0  }
0x566: {  	v3 =	vld [tilespmem:s18+$0x13B40]  }
0x567: {  	v0 =	vadd.f32 v1, v0  }
0x568: {  	v1 =	vld [tilespmem:s18+$0x13B80]  }
0x569: {  	v0 =	vadd.f32 v2, v0  }
0x56a: {  	v2 =	vld [tilespmem:s18+$0x13BC0]  }
0x56b: {  	v0 =	vadd.f32 v3, v0  }
0x56c: {  	v3 =	vld [tilespmem:s18+$0x13C00]  }
0x56d: {  	v0 =	vadd.f32 v1, v0  }
0x56e: {  	v1 =	vld [tilespmem:s18+$0x13C40]  }
0x56f: {  	v0 =	vadd.f32 v2, v0;
	_ =	sdelay $0x1  }
0x570: {  	v0 =	vadd.f32 v3, v0;
	_ =	sdelay $0x1  }
0x571: {  	v0 =	vadd.f32 v1, v0;
	_ =	sdelay $0x1  }
0x572: {  	s6 =	sshll.u32 s20, $0x6;
	v0 =	vmul.f32 $1.999999960e-02, v0  }
0x573: {  	s6 =	sand.u32 $0x3FFFFFC0, s6  }
0x574: {  	[tilespmem:s6+$0x1FC00] =	vst v0  }
0x575: {  	v0 =	vld [tilespmem:s18+$0x13010]  }
0x576: {  	v1 =	vld [tilespmem:s18+$0x13050];
	_ =	sdelay $0x1  }
0x577: {  	v2 =	vld [tilespmem:s18+$0x13090];
	_ =	sdelay $0x1  }
0x578: {  	v3 =	vld [tilespmem:s18+$0x130D0]  }
0x579: {  	v0 =	vadd.f32 v1, v0  }
0x57a: {  	v1 =	vld [tilespmem:s18+$0x13110]  }
0x57b: {  	v0 =	vadd.f32 v2, v0  }
0x57c: {  	v2 =	vld [tilespmem:s18+$0x13150]  }
0x57d: {  	v0 =	vadd.f32 v3, v0  }
0x57e: {  	v3 =	vld [tilespmem:s18+$0x13190]  }
0x57f: {  	v0 =	vadd.f32 v1, v0  }
0x580: {  	v1 =	vld [tilespmem:s18+$0x131D0]  }
0x581: {  	v0 =	vadd.f32 v2, v0  }
0x582: {  	v2 =	vld [tilespmem:s18+$0x13210]  }
0x583: {  	v0 =	vadd.f32 v3, v0  }
0x584: {  	v3 =	vld [tilespmem:s18+$0x13250]  }
0x585: {  	v0 =	vadd.f32 v1, v0  }
0x586: {  	v1 =	vld [tilespmem:s18+$0x13290]  }
0x587: {  	v0 =	vadd.f32 v2, v0  }
0x588: {  	v2 =	vld [tilespmem:s18+$0x132D0]  }
0x589: {  	v0 =	vadd.f32 v3, v0  }
0x58a: {  	v3 =	vld [tilespmem:s18+$0x13310]  }
0x58b: {  	v0 =	vadd.f32 v1, v0  }
0x58c: {  	v1 =	vld [tilespmem:s18+$0x13350]  }
0x58d: {  	v0 =	vadd.f32 v2, v0  }
0x58e: {  	v2 =	vld [tilespmem:s18+$0x13390]  }
0x58f: {  	v0 =	vadd.f32 v3, v0  }
0x590: {  	v3 =	vld [tilespmem:s18+$0x133D0]  }
0x591: {  	v0 =	vadd.f32 v1, v0  }
0x592: {  	v1 =	vld [tilespmem:s18+$0x13410]  }
0x593: {  	v0 =	vadd.f32 v2, v0  }
0x594: {  	v2 =	vld [tilespmem:s18+$0x13450]  }
0x595: {  	v0 =	vadd.f32 v3, v0  }
0x596: {  	v3 =	vld [tilespmem:s18+$0x13490]  }
0x597: {  	v0 =	vadd.f32 v1, v0  }
0x598: {  	v1 =	vld [tilespmem:s18+$0x134D0]  }
0x599: {  	v0 =	vadd.f32 v2, v0  }
0x59a: {  	v2 =	vld [tilespmem:s18+$0x13510]  }
0x59b: {  	v0 =	vadd.f32 v3, v0  }
0x59c: {  	v3 =	vld [tilespmem:s18+$0x13550]  }
0x59d: {  	v0 =	vadd.f32 v1, v0  }
0x59e: {  	v1 =	vld [tilespmem:s18+$0x13590]  }
0x59f: {  	v0 =	vadd.f32 v2, v0  }
0x5a0: {  	v2 =	vld [tilespmem:s18+$0x135D0]  }
0x5a1: {  	v0 =	vadd.f32 v3, v0  }
0x5a2: {  	v3 =	vld [tilespmem:s18+$0x13610]  }
0x5a3: {  	v0 =	vadd.f32 v1, v0  }
0x5a4: {  	v1 =	vld [tilespmem:s18+$0x13650]  }
0x5a5: {  	v0 =	vadd.f32 v2, v0  }
0x5a6: {  	v2 =	vld [tilespmem:s18+$0x13690]  }
0x5a7: {  	v0 =	vadd.f32 v3, v0  }
0x5a8: {  	v3 =	vld [tilespmem:s18+$0x136D0]  }
0x5a9: {  	v0 =	vadd.f32 v1, v0  }
0x5aa: {  	v1 =	vld [tilespmem:s18+$0x13710]  }
0x5ab: {  	v0 =	vadd.f32 v2, v0  }
0x5ac: {  	v2 =	vld [tilespmem:s18+$0x13750]  }
0x5ad: {  	v0 =	vadd.f32 v3, v0  }
0x5ae: {  	v3 =	vld [tilespmem:s18+$0x13790]  }
0x5af: {  	v0 =	vadd.f32 v1, v0  }
0x5b0: {  	v1 =	vld [tilespmem:s18+$0x137D0]  }
0x5b1: {  	v0 =	vadd.f32 v2, v0  }
0x5b2: {  	v2 =	vld [tilespmem:s18+$0x13810]  }
0x5b3: {  	v0 =	vadd.f32 v3, v0  }
0x5b4: {  	v3 =	vld [tilespmem:s18+$0x13850]  }
0x5b5: {  	v0 =	vadd.f32 v1, v0  }
0x5b6: {  	v1 =	vld [tilespmem:s18+$0x13890]  }
0x5b7: {  	v0 =	vadd.f32 v2, v0  }
0x5b8: {  	v2 =	vld [tilespmem:s18+$0x138D0]  }
0x5b9: {  	v0 =	vadd.f32 v3, v0  }
0x5ba: {  	v3 =	vld [tilespmem:s18+$0x13910]  }
0x5bb: {  	v0 =	vadd.f32 v1, v0  }
0x5bc: {  	v1 =	vld [tilespmem:s18+$0x13950]  }
0x5bd: {  	v0 =	vadd.f32 v2, v0  }
0x5be: {  	v2 =	vld [tilespmem:s18+$0x13990]  }
0x5bf: {  	v0 =	vadd.f32 v3, v0  }
0x5c0: {  	v3 =	vld [tilespmem:s18+$0x139D0]  }
0x5c1: {  	v0 =	vadd.f32 v1, v0  }
0x5c2: {  	v1 =	vld [tilespmem:s18+$0x13A10]  }
0x5c3: {  	v0 =	vadd.f32 v2, v0  }
0x5c4: {  	v2 =	vld [tilespmem:s18+$0x13A50]  }
0x5c5: {  	v0 =	vadd.f32 v3, v0  }
0x5c6: {  	v3 =	vld [tilespmem:s18+$0x13A90]  }
0x5c7: {  	v0 =	vadd.f32 v1, v0  }
0x5c8: {  	v1 =	vld [tilespmem:s18+$0x13AD0]  }
0x5c9: {  	v0 =	vadd.f32 v2, v0  }
0x5ca: {  	v2 =	vld [tilespmem:s18+$0x13B10]  }
0x5cb: {  	v0 =	vadd.f32 v3, v0  }
0x5cc: {  	v3 =	vld [tilespmem:s18+$0x13B50]  }
0x5cd: {  	v0 =	vadd.f32 v1, v0  }
0x5ce: {  	v1 =	vld [tilespmem:s18+$0x13B90]  }
0x5cf: {  	v0 =	vadd.f32 v2, v0  }
0x5d0: {  	v2 =	vld [tilespmem:s18+$0x13BD0]  }
0x5d1: {  	v0 =	vadd.f32 v3, v0  }
0x5d2: {  	v3 =	vld [tilespmem:s18+$0x13C10]  }
0x5d3: {  	v0 =	vadd.f32 v1, v0  }
0x5d4: {  	v1 =	vld [tilespmem:s18+$0x13C50]  }
0x5d5: {  	v0 =	vadd.f32 v2, v0;
	_ =	sdelay $0x1  }
0x5d6: {  	v0 =	vadd.f32 v3, v0;
	_ =	sdelay $0x1  }
0x5d7: {  	v0 =	vadd.f32 v1, v0;
	_ =	sdelay $0x1  }
0x5d8: {  	v0 =	vmul.f32 $1.999999960e-02, v0;
	_ =	sdelay $0x1  }
0x5d9: {  	[tilespmem:s6+$0x1FC10] =	vst v0  }
0x5da: {  	v0 =	vld [tilespmem:s18+$0x13020]  }
0x5db: {  	v1 =	vld [tilespmem:s18+$0x13060];
	_ =	sdelay $0x1  }
0x5dc: {  	v2 =	vld [tilespmem:s18+$0x130A0];
	_ =	sdelay $0x1  }
0x5dd: {  	v3 =	vld [tilespmem:s18+$0x130E0]  }
0x5de: {  	v0 =	vadd.f32 v1, v0  }
0x5df: {  	v1 =	vld [tilespmem:s18+$0x13120]  }
0x5e0: {  	v0 =	vadd.f32 v2, v0  }
0x5e1: {  	v2 =	vld [tilespmem:s18+$0x13160]  }
0x5e2: {  	v0 =	vadd.f32 v3, v0  }
0x5e3: {  	v3 =	vld [tilespmem:s18+$0x131A0]  }
0x5e4: {  	v0 =	vadd.f32 v1, v0  }
0x5e5: {  	v1 =	vld [tilespmem:s18+$0x131E0]  }
0x5e6: {  	v0 =	vadd.f32 v2, v0  }
0x5e7: {  	v2 =	vld [tilespmem:s18+$0x13220]  }
0x5e8: {  	v0 =	vadd.f32 v3, v0  }
0x5e9: {  	v3 =	vld [tilespmem:s18+$0x13260]  }
0x5ea: {  	v0 =	vadd.f32 v1, v0  }
0x5eb: {  	v1 =	vld [tilespmem:s18+$0x132A0]  }
0x5ec: {  	v0 =	vadd.f32 v2, v0  }
0x5ed: {  	v2 =	vld [tilespmem:s18+$0x132E0]  }
0x5ee: {  	v0 =	vadd.f32 v3, v0  }
0x5ef: {  	v3 =	vld [tilespmem:s18+$0x13320]  }
0x5f0: {  	v0 =	vadd.f32 v1, v0  }
0x5f1: {  	v1 =	vld [tilespmem:s18+$0x13360]  }
0x5f2: {  	v0 =	vadd.f32 v2, v0  }
0x5f3: {  	v2 =	vld [tilespmem:s18+$0x133A0]  }
0x5f4: {  	v0 =	vadd.f32 v3, v0  }
0x5f5: {  	v3 =	vld [tilespmem:s18+$0x133E0]  }
0x5f6: {  	v0 =	vadd.f32 v1, v0  }
0x5f7: {  	v1 =	vld [tilespmem:s18+$0x13420]  }
0x5f8: {  	v0 =	vadd.f32 v2, v0  }
0x5f9: {  	v2 =	vld [tilespmem:s18+$0x13460]  }
0x5fa: {  	v0 =	vadd.f32 v3, v0  }
0x5fb: {  	v3 =	vld [tilespmem:s18+$0x134A0]  }
0x5fc: {  	v0 =	vadd.f32 v1, v0  }
0x5fd: {  	v1 =	vld [tilespmem:s18+$0x134E0]  }
0x5fe: {  	v0 =	vadd.f32 v2, v0  }
0x5ff: {  	v2 =	vld [tilespmem:s18+$0x13520]  }
0x600: {  	v0 =	vadd.f32 v3, v0  }
0x601: {  	v3 =	vld [tilespmem:s18+$0x13560]  }
0x602: {  	v0 =	vadd.f32 v1, v0  }
0x603: {  	v1 =	vld [tilespmem:s18+$0x135A0]  }
0x604: {  	v0 =	vadd.f32 v2, v0  }
0x605: {  	v2 =	vld [tilespmem:s18+$0x135E0]  }
0x606: {  	v0 =	vadd.f32 v3, v0  }
0x607: {  	v3 =	vld [tilespmem:s18+$0x13620]  }
0x608: {  	v0 =	vadd.f32 v1, v0  }
0x609: {  	v1 =	vld [tilespmem:s18+$0x13660]  }
0x60a: {  	v0 =	vadd.f32 v2, v0  }
0x60b: {  	v2 =	vld [tilespmem:s18+$0x136A0]  }
0x60c: {  	v0 =	vadd.f32 v3, v0  }
0x60d: {  	v3 =	vld [tilespmem:s18+$0x136E0]  }
0x60e: {  	v0 =	vadd.f32 v1, v0  }
0x60f: {  	v1 =	vld [tilespmem:s18+$0x13720]  }
0x610: {  	v0 =	vadd.f32 v2, v0  }
0x611: {  	v2 =	vld [tilespmem:s18+$0x13760]  }
0x612: {  	v0 =	vadd.f32 v3, v0  }
0x613: {  	v3 =	vld [tilespmem:s18+$0x137A0]  }
0x614: {  	v0 =	vadd.f32 v1, v0  }
0x615: {  	v1 =	vld [tilespmem:s18+$0x137E0]  }
0x616: {  	v0 =	vadd.f32 v2, v0  }
0x617: {  	v2 =	vld [tilespmem:s18+$0x13820]  }
0x618: {  	v0 =	vadd.f32 v3, v0  }
0x619: {  	v3 =	vld [tilespmem:s18+$0x13860]  }
0x61a: {  	v0 =	vadd.f32 v1, v0  }
0x61b: {  	v1 =	vld [tilespmem:s18+$0x138A0]  }
0x61c: {  	v0 =	vadd.f32 v2, v0  }
0x61d: {  	v2 =	vld [tilespmem:s18+$0x138E0]  }
0x61e: {  	v0 =	vadd.f32 v3, v0  }
0x61f: {  	v3 =	vld [tilespmem:s18+$0x13920]  }
0x620: {  	v0 =	vadd.f32 v1, v0  }
0x621: {  	v1 =	vld [tilespmem:s18+$0x13960]  }
0x622: {  	v0 =	vadd.f32 v2, v0  }
0x623: {  	v2 =	vld [tilespmem:s18+$0x139A0]  }
0x624: {  	v0 =	vadd.f32 v3, v0  }
0x625: {  	v3 =	vld [tilespmem:s18+$0x139E0]  }
0x626: {  	v0 =	vadd.f32 v1, v0  }
0x627: {  	v1 =	vld [tilespmem:s18+$0x13A20]  }
0x628: {  	v0 =	vadd.f32 v2, v0  }
0x629: {  	v2 =	vld [tilespmem:s18+$0x13A60]  }
0x62a: {  	v0 =	vadd.f32 v3, v0  }
0x62b: {  	v3 =	vld [tilespmem:s18+$0x13AA0]  }
0x62c: {  	v0 =	vadd.f32 v1, v0  }
0x62d: {  	v1 =	vld [tilespmem:s18+$0x13AE0]  }
0x62e: {  	v0 =	vadd.f32 v2, v0  }
0x62f: {  	v2 =	vld [tilespmem:s18+$0x13B20]  }
0x630: {  	v0 =	vadd.f32 v3, v0  }
0x631: {  	v3 =	vld [tilespmem:s18+$0x13B60]  }
0x632: {  	v0 =	vadd.f32 v1, v0  }
0x633: {  	v1 =	vld [tilespmem:s18+$0x13BA0]  }
0x634: {  	v0 =	vadd.f32 v2, v0  }
0x635: {  	v2 =	vld [tilespmem:s18+$0x13BE0]  }
0x636: {  	v0 =	vadd.f32 v3, v0  }
0x637: {  	v3 =	vld [tilespmem:s18+$0x13C20]  }
0x638: {  	v0 =	vadd.f32 v1, v0  }
0x639: {  	v1 =	vld [tilespmem:s18+$0x13C60]  }
0x63a: {  	v0 =	vadd.f32 v2, v0;
	_ =	sdelay $0x1  }
0x63b: {  	v0 =	vadd.f32 v3, v0;
	_ =	sdelay $0x1  }
0x63c: {  	v0 =	vadd.f32 v1, v0;
	_ =	sdelay $0x1  }
0x63d: {  	v0 =	vmul.f32 $1.999999960e-02, v0;
	_ =	sdelay $0x1  }
0x63e: {  	[tilespmem:s6+$0x1FC20] =	vst v0  }
0x63f: {  	v0 =	vld [tilespmem:s18+$0x13030]  }
0x640: {  	v1 =	vld [tilespmem:s18+$0x13070]  }
0x641: {  	v2 =	vld [tilespmem:s18+$0x130B0]  }
0x642: {  	v3 =	vld [tilespmem:s18+$0x130F0]  }
0x643: {  	v4 =	vld [tilespmem:s18+$0x13130]  }
0x644: {  	v5 =	vld [tilespmem:s18+$0x13170]  }
0x645: {  	v0 =	vadd.f32 v1, v0;
	v1 =	vld [tilespmem:s18+$0x131B0]  }
0x646: {  	v6 =	vld [tilespmem:s18+$0x131F0]  }
0x647: {  	v0 =	vadd.f32 v2, v0;
	v2 =	vld [tilespmem:s18+$0x13230]  }
0x648: {  	v7 =	vld [tilespmem:s18+$0x13270]  }
0x649: {  	v0 =	vadd.f32 v3, v0;
	v3 =	vld [tilespmem:s18+$0x132B0]  }
0x64a: {  	v8 =	vld [tilespmem:s18+$0x132F0]  }
0x64b: {  	v0 =	vadd.f32 v4, v0;
	v4 =	vld [tilespmem:s18+$0x13330]  }
0x64c: {  	v9 =	vld [tilespmem:s18+$0x13370]  }
0x64d: {  	v0 =	vadd.f32 v5, v0;
	v5 =	vld [tilespmem:s18+$0x133B0]  }
0x64e: {  	v10 =	vld [tilespmem:s18+$0x133F0]  }
0x64f: {  	v0 =	vadd.f32 v1, v0;
	v1 =	vld [tilespmem:s18+$0x13430]  }
0x650: {  	v11 =	vld [tilespmem:s18+$0x13470]  }
0x651: {  	v0 =	vadd.f32 v6, v0;
	v6 =	vld [tilespmem:s18+$0x134B0]  }
0x652: {  	v12 =	vld [tilespmem:s18+$0x134F0]  }
0x653: {  	v0 =	vadd.f32 v2, v0;
	v2 =	vld [tilespmem:s18+$0x13530]  }
0x654: {  	v13 =	vld [tilespmem:s18+$0x13570]  }
0x655: {  	v0 =	vadd.f32 v7, v0;
	v7 =	vld [tilespmem:s18+$0x135B0]  }
0x656: {  	v14 =	vld [tilespmem:s18+$0x135F0]  }
0x657: {  	v0 =	vadd.f32 v3, v0;
	v3 =	vld [tilespmem:s18+$0x13630]  }
0x658: {  	v15 =	vld [tilespmem:s18+$0x13670]  }
0x659: {  	v0 =	vadd.f32 v8, v0;
	v8 =	vld [tilespmem:s18+$0x136B0]  }
0x65a: {  	v16 =	vld [tilespmem:s18+$0x136F0]  }
0x65b: {  	v0 =	vadd.f32 v4, v0;
	v4 =	vld [tilespmem:s18+$0x13730]  }
0x65c: {  	v17 =	vld [tilespmem:s18+$0x13770]  }
0x65d: {  	v0 =	vadd.f32 v9, v0;
	v9 =	vld [tilespmem:s18+$0x137B0]  }
0x65e: {  	v18 =	vld [tilespmem:s18+$0x137F0]  }
0x65f: {  	v0 =	vadd.f32 v5, v0;
	v5 =	vld [tilespmem:s18+$0x13830]  }
0x660: {  	v19 =	vld [tilespmem:s18+$0x13870]  }
0x661: {  	v0 =	vadd.f32 v10, v0;
	v10 =	vld [tilespmem:s18+$0x138B0]  }
0x662: {  	v20 =	vld [tilespmem:s18+$0x138F0]  }
0x663: {  	v0 =	vadd.f32 v1, v0;
	v1 =	vld [tilespmem:s18+$0x13930]  }
0x664: {  	v21 =	vld [tilespmem:s18+$0x13970]  }
0x665: {  	v0 =	vadd.f32 v11, v0;
	v11 =	vld [tilespmem:s18+$0x139B0]  }
0x666: {  	v22 =	vld [tilespmem:s18+$0x139F0]  }
0x667: {  	v0 =	vadd.f32 v6, v0;
	v6 =	vld [tilespmem:s18+$0x13A30]  }
0x668: {  	v23 =	vld [tilespmem:s18+$0x13A70]  }
0x669: {  	v0 =	vadd.f32 v12, v0;
	v12 =	vld [tilespmem:s18+$0x13AB0]  }
0x66a: {  	v24 =	vld [tilespmem:s18+$0x13AF0]  }
0x66b: {  	v0 =	vadd.f32 v2, v0;
	v2 =	vld [tilespmem:s18+$0x13B30]  }
0x66c: {  	v25 =	vld [tilespmem:s18+$0x13B70]  }
0x66d: {  	v0 =	vadd.f32 v13, v0;
	v13 =	vld [tilespmem:s18+$0x13BB0]  }
0x66e: {  	v26 =	vld [tilespmem:s18+$0x13BF0]  }
0x66f: {  	v7 =	vadd.f32 v7, v0;
	v27 =	vld [tilespmem:s18+$0x13C30]  }
0x670: {  	v0 =	vld [tilespmem:s18+$0x13C70]  }
0x671: {  	v7 =	vadd.f32 v14, v7;
	_ =	sdelay $0x1  }
0x672: {  	v3 =	vadd.f32 v3, v7;
	_ =	sdelay $0x1  }
0x673: {  	v3 =	vadd.f32 v15, v3;
	_ =	sdelay $0x1  }
0x674: {  	v3 =	vadd.f32 v8, v3;
	_ =	sdelay $0x1  }
0x675: {  	v3 =	vadd.f32 v16, v3;
	_ =	sdelay $0x1  }
0x676: {  	v3 =	vadd.f32 v4, v3;
	_ =	sdelay $0x1  }
0x677: {  	v3 =	vadd.f32 v17, v3;
	_ =	sdelay $0x1  }
0x678: {  	v3 =	vadd.f32 v9, v3;
	_ =	sdelay $0x1  }
0x679: {  	v3 =	vadd.f32 v18, v3;
	_ =	sdelay $0x1  }
0x67a: {  	v3 =	vadd.f32 v5, v3;
	_ =	sdelay $0x1  }
0x67b: {  	v3 =	vadd.f32 v19, v3;
	_ =	sdelay $0x1  }
0x67c: {  	v3 =	vadd.f32 v10, v3;
	_ =	sdelay $0x1  }
0x67d: {  	v3 =	vadd.f32 v20, v3;
	_ =	sdelay $0x1  }
0x67e: {  	v1 =	vadd.f32 v1, v3;
	_ =	sdelay $0x1  }
0x67f: {  	v1 =	vadd.f32 v21, v1;
	_ =	sdelay $0x1  }
0x680: {  	v1 =	vadd.f32 v11, v1;
	_ =	sdelay $0x1  }
0x681: {  	v1 =	vadd.f32 v22, v1;
	_ =	sdelay $0x1  }
0x682: {  	v1 =	vadd.f32 v6, v1;
	_ =	sdelay $0x1  }
0x683: {  	v1 =	vadd.f32 v23, v1;
	_ =	sdelay $0x1  }
0x684: {  	v1 =	vadd.f32 v12, v1;
	_ =	sdelay $0x1  }
0x685: {  	v1 =	vadd.f32 v24, v1;
	_ =	sdelay $0x1  }
0x686: {  	v1 =	vadd.f32 v2, v1;
	_ =	sdelay $0x1  }
0x687: {  	v1 =	vadd.f32 v25, v1;
	_ =	sdelay $0x1  }
.Ltmp4:
0x688: {  	v1 =	vadd.f32 v13, v1;
	(pc) =	sbr.rel @p0 .LBB2_9-.Ltmp4, $3  }
0x689: {  	_ = 	snop  }
0x68a: {  	v1 =	vadd.f32 v26, v1;
	_ =	sdelay $0x1  }
0x68b: {  	v1 =	vadd.f32 v27, v1  }
0x68c: {  	s22 =	sadd.s32 $0x1, s22  }
0x68d: {  	v0 =	vadd.f32 v0, v1;
	p0 =	sne.s32 s22, $0x10  }
.Ltmp5:
0x68e: {  	_ = 	snop;
	(pc) =	sbr.rel @p0 .LBB2_2-.Ltmp5, $4  }
0x68f: {  	v0 =	vmul.f32 $1.999999960e-02, v0  }
0x690: {  	s4 =	sshll.u32 s4, $0x7  }
0x691: {  	s4 =	sadd.s32 s4, s5;
	[tilespmem:s6+$0x1FC30] =	vst v0  }
0x692: {  	[hbm4b:s4+s2] =	stream.linear.scatter [tilespmem:s16], [sflag:$0x4], $0x400, $0x38;
	v63 =	vld [tilespmem:$0x0]  }
0x693: {  	s4 =	simm.s32 $0x3  }
0x694: {  	_ =	swait.ge [sflag:s4], $0x400  }
0x695: {  	[sflag:s4] =	ssyncset.done $0x0  }
0x696: {  	[sflag:s4] =	ssyncadd.s32 $0xFFFFFC00  }
0x697: {  	_ =	swait.ge [sflag:s14], $0x400  }
0x698: {  	s6 =	rddreg [dreg:$0x5]  }
0x699: {  	s22 =	rddreg [dreg:$0x4];
	s6 =	sadd.s32 $0x1, s6  }
0x69a: {  	p0 =	sne.s32 s6, s22  }
.Ltmp6:
0x69b: {  	_ = 	snop;
	(pc) =	sbr.rel @p0 .LBB2_1-.Ltmp6, $3  }
0x69c: {  	_ =	sdelay $0x1  }
0x69d: {  	[sflag:s14] =	ssyncset.done $0x0  }
0x69e: {  	[sflag:s14] =	ssyncadd.s32 $0xFFFFFC00  }
0x69f: {  	_ =	sfence.sel $0x180000  }
0x6a0: {  	[bflag:$0x0] =	sbarrier.arrive $0xFFFF  }
0x6a1: {  	_ =	strace $0x90000047  }
0x6a2: {  	s0 =	stileid.u32;
	[bflag:$0x2] =	sbarrier.arrive $0xFFFF  }
0x6a3: {  	p0 =	sne.s32 s0, $0x0;
	s0 =	rddreg [dreg:$0x2]  }
0x6a4: {  	s0 =	sadd.s32 @!p0 $0x100000, s0  }
0x6a5: {  	[sflag:s0] =	ssyncadd.tile.s32 @!p0 $0x1;
	_ =	shalt  }
.Lfunc_end2:
_tile_overlayer_lowered:
.L_overlay_start_2:
0x6a6: {  	(tag) =	ssettag $0x2  }
0x6a7: {  	s0 =	rddreg [dreg:$0x0];
	s2 =	stileid.u32  }
0x6a8: {  	s1 =	rddreg [dreg:$0x1];
	p0 =	sne.s32 s2, $0x0  }
0x6a9: {  	s3 =	rddreg [dreg:$0x2];
	[bflag:$0x3] =	sbarrier.arrive $0xFFFF;
	s2 =	simm.s32 @!p0 $0x1C05  }
0x6aa: {  	[timem:s3], [sflag:s2] =	dma.local @!p0 [hbm:s0], s1  }
0x6ab: {  	s0 =	simm.s32 @!p0 $0x5  }
0x6ac: {  	_ =	swait.ge @!p0 [sflag:s0], s1  }
0x6ad: {  	s1 =	ssub.s32 @!p0 $0x0, s1;
	[sflag:s0] =	ssyncset.done @!p0 $0x0  }
0x6ae: {  	[sflag:s0] =	ssyncadd.s32 @!p0 s1  }
0x6af: {  	[bflag:$0x3] =	sbarrier.arrive $0xFFFF  }
0x6b0: {  	_ =	shalt  }

</sc_bundles>
